<compile_context>
chip_gen: v7x
topology: tpu7x:2x2x1
jax: 0.10.2.dev20260603
libtpu: 0.0.44.dev20260713+nightly
codegen_flags: <defaults>
</compile_context>

<pallas_src>
import dataclasses
import functools

import jax
import jax.numpy as jnp
from jax import lax
from jax.experimental import pallas as pl
from jax.experimental.pallas import tpu as pltpu
from jax.experimental.pallas import tpu_sc as plsc

N = 10000
E = 320000
D_IN = 128
D_OUT = 128
DROPOUT = 0.1

NC = 2
NS = 16
NW = NC * NS
KW = 128
BLK_W = 8
BLK_E = KW * BLK_W
TBLK = 10
E3 = NW * TBLK * BLK_E
NBLK = E3 // BLK_E
NPAD = 10112
RPT = NPAD // NS


def _matmul_body(f_ref, m_ref, w_ref, o_ref):
    x = f_ref[...] * m_ref[...]
    o_ref[...] = jnp.dot(x, w_ref[...], preferred_element_type=jnp.float32)


def _tc_transform(features, maskf, W):
    BM = 1000
    return pl.pallas_call(
        _matmul_body,
        grid=(N // BM,),
        in_specs=[
            pl.BlockSpec((BM, D_IN), lambda i: (i, 0)),
            pl.BlockSpec((BM, D_IN), lambda i: (i, 0)),
            pl.BlockSpec((D_IN, D_OUT), lambda i: (0, 0)),
        ],
        out_specs=pl.BlockSpec((BM, D_OUT), lambda i: (i, 0)),
        out_shape=jax.ShapeDtypeStruct((N, D_OUT), jnp.float32),
    )(features, maskf, W)


def _finalize_body(p0_ref, p1_ref, b_ref, o_ref):
    s = p0_ref[...] + p1_ref[...] + b_ref[...]
    o_ref[...] = jnp.maximum(s[0], 0.0)


def _tc_finalize(partials, b):
    BM = 1000
    return pl.pallas_call(
        _finalize_body,
        grid=(N // BM,),
        in_specs=[
            pl.BlockSpec((1, BM, D_OUT), lambda i: (0, i, 0)),
            pl.BlockSpec((1, BM, D_OUT), lambda i: (1, i, 0)),
            pl.BlockSpec((1, D_OUT), lambda i: (0, 0)),
        ],
        out_specs=pl.BlockSpec((BM, D_OUT), lambda i: (i, 0)),
        out_shape=jax.ShapeDtypeStruct((N, D_OUT), jnp.float32),
    )(partials, partials, b.reshape(1, D_OUT))


def _sc_aggregate(x, comb, zeros):
    mesh = plsc.VectorSubcoreMesh(core_axis_name="c", subcore_axis_name="s")
    cp = pltpu.CompilerParams()
    if "needs_layout_passes" in pltpu.CompilerParams.__dataclass_fields__:
        cp = dataclasses.replace(cp, needs_layout_passes=False)

    @functools.partial(
        pl.kernel,
        out_type=jax.ShapeDtypeStruct((NC, NPAD, D_OUT), jnp.float32),
        mesh=mesh,
        compiler_params=cp,
        scratch_types=[
            pltpu.VMEM_SHARED((NPAD, D_OUT), jnp.float32),
            pltpu.VMEM((2, 3 * BLK_W, KW), jnp.int32),
            pltpu.VMEM((KW, D_OUT), jnp.float32),
            pltpu.VMEM((KW, D_OUT), jnp.float32),
            pltpu.SemaphoreType.DMA,
            pltpu.SemaphoreType.DMA,
            pltpu.SemaphoreType.DMA,
            pltpu.SemaphoreType.DMA,
            pltpu.SemaphoreType.DMA,
        ],
    )
    def agg(x_hbm, comb_hbm, z_hbm, out_hbm,
            acc, cb3, r0, r1, sg0, sg1, ss0, ss1, sz):
        c = lax.axis_index("c")
        s = lax.axis_index("s")
        wid = c * NS + s
        base_blk = wid * TBLK

        rbufs = (r0, r1)
        gsems = (sg0, sg1)
        ssems = (ss0, ss1)

        def wait_gather(rbuf, sem):
            pltpu.make_async_copy(x_hbm.at[pl.ds(0, KW)], rbuf, sem).wait()

        def wait_scatter(rbuf, sem):
            pltpu.make_async_copy(rbuf, acc.at[pl.ds(0, KW)], sem).wait()

        def win(w, p, first_guard):
            pb = (w >> 3) & 1
            wr = w & 7
            if first_guard is None:
                wait_scatter(rbufs[1 - p], ssems[1 - p])
            else:
                @pl.when(first_guard)
                def _():
                    wait_scatter(rbufs[1 - p], ssems[1 - p])
            if p == 0:
                @pl.when(wr == 0)
                def _():
                    nblk = lax.min(base_blk + (w >> 3) + 1,
                                   base_blk + TBLK - 1)
                    pltpu.sync_copy(comb_hbm.at[nblk], cb3.at[1 - pb])
            wn = w + 1
            pltpu.async_copy(x_hbm.at[cb3.at[(wn >> 3) & 1, 8 + (wn & 7)]],
                             rbufs[1 - p], gsems[1 - p])
            wait_gather(rbufs[p], gsems[p])

            @pl.loop(0, KW // 16)
            def _grp(g):
                a16 = plsc.bitcast(cb3[pb, 16 + wr, pl.ds(g * 16, 16)],
                                   jnp.float32)
                for i in range(16):
                    a = a16[i]
                    for j in range(D_OUT // 16):
                        sl = (g * 16 + i, pl.ds(j * 16, 16))
                        rbufs[p][sl] = rbufs[p][sl] * a

            pltpu.async_copy(rbufs[p], acc.at[cb3.at[pb, wr]],
                             ssems[p], add=True)

        zcopy = pltpu.async_copy(z_hbm, acc.at[pl.ds(s * RPT, RPT)], sz)
        pltpu.sync_copy(comb_hbm.at[base_blk], cb3.at[0])
        pltpu.async_copy(x_hbm.at[cb3.at[0, 8]], r0, sg0)
        zcopy.wait()
        plsc.subcore_barrier()

        @pl.loop(0, TBLK * BLK_W // 2)
        def _t(t):
            win(2 * t, 0, t > 0)
            win(2 * t + 1, 1, None)

        wait_gather(r0, sg0)
        wait_scatter(r1, ss1)
        plsc.subcore_barrier()
        pltpu.sync_copy(acc.at[pl.ds(s * RPT, RPT)],
                        out_hbm.at[c, pl.ds(s * RPT, RPT)])

    return agg(x, comb, zeros)


def _pack_edges(edge_index, adj_values):
    pad = E3 - E
    pad_dst = N + (jnp.arange(pad, dtype=jnp.int32) % (NPAD - N))
    pad_src = jnp.arange(pad, dtype=jnp.int32) % N
    dst = jnp.concatenate([edge_index[0], pad_dst]).reshape(NBLK, BLK_W, KW)
    src = jnp.concatenate([edge_index[1], pad_src]).reshape(NBLK, BLK_W, KW)
    adj_bits = lax.bitcast_convert_type(adj_values, jnp.int32)
    adj_p = jnp.concatenate(
        [adj_bits, jnp.zeros((pad,), jnp.int32)]).reshape(NBLK, BLK_W, KW)
    return jnp.concatenate([dst, src, adj_p], axis=1)


@jax.jit
def kernel(features, edge_index, adj_values, W, b):
    keep = 1.0 - DROPOUT
    mask = jax.random.bernoulli(jax.random.key(42), keep, features.shape)
    maskf = jnp.where(mask, jnp.float32(1.0 / keep), jnp.float32(0.0))
    x = _tc_transform(features, maskf, W)
    comb = _pack_edges(edge_index, adj_values)
    zeros = jnp.zeros((RPT, D_OUT), jnp.float32)
    partials = _sc_aggregate(x, comb, zeros)
    return _tc_finalize(partials, b)

# --- scband reference (transcript-rebuilt; emitter-appended) ---
"""Pipeline reference for scband-graph-convolution-26053271617787 (READ-ONLY COPY).

The authoritative reference and input builder live on the scoring server;
editing this copy changes nothing except your own understanding.
"""

import jax, jax.numpy as jnp
import numpy as np

N = 10000
E = 320000
D_IN = 128
D_OUT = 128
DROPOUT = 0.1


def setup_inputs(seed: int = 0) -> dict:
    key = jax.random.key(seed)
    k1, k2, k3, k4 = jax.random.split(key, 4)
    features = jax.random.normal(k1, (N, D_IN), dtype=jnp.float32)
    edge_index = jax.random.randint(k2, (2, E), 0, N, dtype=jnp.int32)
    adj_values = jax.random.uniform(k3, (E,), dtype=jnp.float32)
    # Glorot-uniform-equivalent scale for W
    limit = np.sqrt(6.0 / (D_IN + D_OUT))
    W = jax.random.uniform(k4, (D_IN, D_OUT), dtype=jnp.float32, minval=-limit, maxval=limit)
    b = jnp.zeros((D_OUT,), dtype=jnp.float32)
    return {"features": features, "edge_index": edge_index, "adj_values": adj_values, "W": W, "b": b}


def reference(features, edge_index, adj_values, W, b):
    # dense path: dropout -> matmul with W
    keep = 1.0 - DROPOUT
    mask = jax.random.bernoulli(jax.random.key(42), keep, features.shape)
    x = jnp.where(mask, features / keep, 0.0)
    x = x @ W
    # sparse adj @ x  (adj stored as COO: edge_index[0]=row/dst, edge_index[1]=col/src)
    dst = edge_index[0]
    src = edge_index[1]
    msgs = adj_values[:, None] * jnp.take(x, src, axis=0)
    agg = jax.ops.segment_sum(msgs, dst, num_segments=N)
    return jax.nn.relu(agg + b)

if __name__ == "__main__":
    import jax
    _d = setup_inputs()
    print(jax.jit(kernel)(*tuple(_d.values())))

</pallas_src>

<mosaic_0001>
#map = affine_map<(d0, d1) -> (0, 0)>
#map1 = affine_map<(d0, d1) -> (0, 0, 0)>
module attributes {stable_mosaic.version = 14 : i64} {
  func.func @agg(%arg0: i32, %arg1: i32, %arg2: memref<10000x128xf32, #tpu.memory_space<hbm>>, %arg3: memref<320x24x128xi32, #tpu.memory_space<hbm>>, %arg4: memref<632x128xf32, #tpu.memory_space<hbm>>, %arg5: memref<2x10112x128xf32, #tpu.memory_space<hbm>>, %arg6: memref<10112x128xf32, #tpu.memory_space<vmem_shared>>, %arg7: memref<2x24x128xi32, #tpu.memory_space<vmem>>, %arg8: memref<128x128xf32, #tpu.memory_space<vmem>>, %arg9: memref<128x128xf32, #tpu.memory_space<vmem>>, %arg10: memref<!tpu.dma_semaphore, #tpu.memory_space<semaphore_mem>>, %arg11: memref<!tpu.dma_semaphore, #tpu.memory_space<semaphore_mem>>, %arg12: memref<!tpu.dma_semaphore, #tpu.memory_space<semaphore_mem>>, %arg13: memref<!tpu.dma_semaphore, #tpu.memory_space<semaphore_mem>>, %arg14: memref<!tpu.dma_semaphore, #tpu.memory_space<semaphore_mem>>) attributes {dimension_semantics = [#tpu.dimension_semantics<core_parallel>, #tpu.dimension_semantics<subcore_parallel>], iteration_bounds = array<i64: 2, 16>, scalar_prefetch = 0 : i64, scratch_operands = 9 : i64, tpu.core_type = #tpu.core_type<sc_vector_subcore>, window_params = [{transform_indices = #map}, {transform_indices = #map1}, {transform_indices = #map}, {transform_indices = #map1}]} {
    %mul3A = arith.constant 16 : i32
    %mul3A_0 = arith.muli %arg0, %mul3A : i32
    %add3A = arith.addi %mul3A_0, %arg1 : i32
    %mul3A_1 = arith.constant 10 : i32
    %mul3A_2 = arith.muli %add3A, %mul3A_1 : i32
    %mul3A_3 = arith.constant 632 : i32
    %mul3A_4 = arith.muli %arg1, %mul3A_3 : i32
    %dma_start3A = arith.constant 0 : i32
    %dma_start3A_5 = tpu.memref_slice %arg6[%mul3A_4, %dma_start3A] : memref<10112x128xf32, #tpu.memory_space<vmem_shared>> -> memref<632x128xf32, #tpu.memory_space<vmem_shared>>
    tpu.enqueue_dma source(%arg4 : memref<632x128xf32, #tpu.memory_space<hbm>>) target(%dma_start3A_5 : memref<632x128xf32, #tpu.memory_space<vmem_shared>>) target_semaphore(%arg14 : memref<!tpu.dma_semaphore, #tpu.memory_space<semaphore_mem>>)
    %run_scoped3A = arith.constant 0 : i32
    "tpu.region"() ({
      %run_scoped3A_36 = tpu.sem_alloc : memref<!tpu.dma_semaphore, #tpu.memory_space<semaphore_mem>>
      %dma_start3A_37 = arith.constant 0 : i32
      %dma_start3A_38 = arith.constant 0 : i32
      %dma_start3A_39 = tpu.memref_slice %arg7[%run_scoped3A, %dma_start3A_37, %dma_start3A_38] : memref<2x24x128xi32, #tpu.memory_space<vmem>> -> memref<1x24x128xi32, #tpu.memory_space<vmem>>
      %dma_start3A_40 = tpu.memref_squeeze %dma_start3A_39 : memref<1x24x128xi32, #tpu.memory_space<vmem>> -> memref<24x128xi32, #tpu.memory_space<vmem>>
      %dma_start3A_41 = arith.constant 0 : i32
      %dma_start3A_42 = arith.constant 0 : i32
      %dma_start3A_43 = tpu.memref_slice %arg3[%mul3A_2, %dma_start3A_41, %dma_start3A_42] : memref<320x24x128xi32, #tpu.memory_space<hbm>> -> memref<1x24x128xi32, #tpu.memory_space<hbm>>
      %dma_start3A_44 = tpu.memref_squeeze %dma_start3A_43 : memref<1x24x128xi32, #tpu.memory_space<hbm>> -> memref<24x128xi32, #tpu.memory_space<hbm>>
      %dma_start3A_45 = arith.constant 0 : i32
      %dma_start3A_46 = arith.constant 0 : i32
      %dma_start3A_47 = tpu.memref_slice %arg7[%run_scoped3A, %dma_start3A_45, %dma_start3A_46] : memref<2x24x128xi32, #tpu.memory_space<vmem>> -> memref<1x24x128xi32, #tpu.memory_space<vmem>>
      %dma_start3A_48 = tpu.memref_squeeze %dma_start3A_47 : memref<1x24x128xi32, #tpu.memory_space<vmem>> -> memref<24x128xi32, #tpu.memory_space<vmem>>
      %dma_start3A_49 = arith.constant 0 : i32
      %dma_start3A_50 = arith.constant 0 : i32
      %dma_start3A_51 = tpu.memref_slice %arg3[%mul3A_2, %dma_start3A_49, %dma_start3A_50] : memref<320x24x128xi32, #tpu.memory_space<hbm>> -> memref<1x24x128xi32, #tpu.memory_space<hbm>>
      %dma_start3A_52 = tpu.memref_squeeze %dma_start3A_51 : memref<1x24x128xi32, #tpu.memory_space<hbm>> -> memref<24x128xi32, #tpu.memory_space<hbm>>
      tpu.enqueue_dma source(%dma_start3A_52 : memref<24x128xi32, #tpu.memory_space<hbm>>) target(%dma_start3A_48 : memref<24x128xi32, #tpu.memory_space<vmem>>) target_semaphore(%run_scoped3A_36 : memref<!tpu.dma_semaphore, #tpu.memory_space<semaphore_mem>>)
      %dma_wait3A_53 = arith.constant 0 : i32
      %dma_wait3A_54 = arith.constant 0 : i32
      %dma_wait3A_55 = tpu.memref_slice %arg7[%run_scoped3A, %dma_wait3A_53, %dma_wait3A_54] : memref<2x24x128xi32, #tpu.memory_space<vmem>> -> memref<1x24x128xi32, #tpu.memory_space<vmem>>
      %dma_wait3A_56 = tpu.memref_squeeze %dma_wait3A_55 : memref<1x24x128xi32, #tpu.memory_space<vmem>> -> memref<24x128xi32, #tpu.memory_space<vmem>>
      %dma_wait3A_57 = arith.constant 0 : i32
      %dma_wait3A_58 = arith.constant 0 : i32
      %dma_wait3A_59 = tpu.memref_slice %arg3[%mul3A_2, %dma_wait3A_57, %dma_wait3A_58] : memref<320x24x128xi32, #tpu.memory_space<hbm>> -> memref<1x24x128xi32, #tpu.memory_space<hbm>>
      %dma_wait3A_60 = tpu.memref_squeeze %dma_wait3A_59 : memref<1x24x128xi32, #tpu.memory_space<hbm>> -> memref<24x128xi32, #tpu.memory_space<hbm>>
      %dma_wait3A_61 = arith.constant 0 : i32
      %dma_wait3A_62 = arith.constant 0 : i32
      %dma_wait3A_63 = tpu.memref_slice %arg7[%run_scoped3A, %dma_wait3A_61, %dma_wait3A_62] : memref<2x24x128xi32, #tpu.memory_space<vmem>> -> memref<1x24x128xi32, #tpu.memory_space<vmem>>
      %dma_wait3A_64 = tpu.memref_squeeze %dma_wait3A_63 : memref<1x24x128xi32, #tpu.memory_space<vmem>> -> memref<24x128xi32, #tpu.memory_space<vmem>>
      %dma_wait3A_65 = arith.constant 0 : i32
      %dma_wait3A_66 = arith.constant 0 : i32
      %dma_wait3A_67 = tpu.memref_slice %arg3[%mul3A_2, %dma_wait3A_65, %dma_wait3A_66] : memref<320x24x128xi32, #tpu.memory_space<hbm>> -> memref<1x24x128xi32, #tpu.memory_space<hbm>>
      %dma_wait3A_68 = tpu.memref_squeeze %dma_wait3A_67 : memref<1x24x128xi32, #tpu.memory_space<hbm>> -> memref<24x128xi32, #tpu.memory_space<hbm>>
      tpu.wait_dma2 semaphore(%run_scoped3A_36 : memref<!tpu.dma_semaphore, #tpu.memory_space<semaphore_mem>>) src(%dma_wait3A_68 : memref<24x128xi32, #tpu.memory_space<hbm>>) dst(%dma_wait3A_64 : memref<24x128xi32, #tpu.memory_space<vmem>>)
      tpu.yield
    }) : () -> ()
    %dma_start3A_6 = arith.constant 0 : i32
    %dma_start3A_7 = arith.constant 8 : i32
    %dma_start3A_8 = arith.constant 0 : i32
    %dma_start3A_9 = tpu.memref_slice %arg7[%dma_start3A_6, %dma_start3A_7, %dma_start3A_8] : memref<2x24x128xi32, #tpu.memory_space<vmem>> -> memref<1x1x128xi32, #tpu.memory_space<vmem>>
    %dma_start3A_10 = tpu.memref_squeeze %dma_start3A_9 : memref<1x1x128xi32, #tpu.memory_space<vmem>> -> memref<128xi32, #tpu.memory_space<vmem>>
    %dma_start3A_11 = arith.constant 0 : i32
    %dma_start3A_12 = arith.constant 0 : i32
    %dma_start3A_13 = tpu.memref_slice %arg2[%dma_start3A_11, %dma_start3A_12] : memref<10000x128xf32, #tpu.memory_space<hbm>> -> memref<10000x128xf32, #tpu.memory_space<hbm>>
    tpu.enqueue_indirect_dma source(%dma_start3A_13 : memref<10000x128xf32, #tpu.memory_space<hbm>>) target(%arg8 : memref<128x128xf32, #tpu.memory_space<vmem>>) offsets(%dma_start3A_10 : memref<128xi32, #tpu.memory_space<vmem>>) semaphore(%arg10 : memref<!tpu.dma_semaphore, #tpu.memory_space<semaphore_mem>>)
    %dma_wait3A = arith.constant 0 : i32
    %dma_wait3A_14 = tpu.memref_slice %arg6[%mul3A_4, %dma_wait3A] : memref<10112x128xf32, #tpu.memory_space<vmem_shared>> -> memref<632x128xf32, #tpu.memory_space<vmem_shared>>
    tpu.wait_dma2 semaphore(%arg14 : memref<!tpu.dma_semaphore, #tpu.memory_space<semaphore_mem>>) src(%arg4 : memref<632x128xf32, #tpu.memory_space<hbm>>) dst(%dma_wait3A_14 : memref<632x128xf32, #tpu.memory_space<vmem_shared>>)
    %barrier3A = arith.constant 0 : index
    tpu.barrier barrier_id(%barrier3A)
    %scan3A = arith.constant 0 : i32
    %scan3A_15 = arith.constant 40 : i32
    %scan3A_16 = arith.addi %scan3A, %scan3A_15 : i32
    %scan3A_17 = arith.constant 1 : i32
    scf.for %scan3A_36 = %scan3A to %scan3A_16 step %scan3A_17  : i32 {
      %mul3A_37 = arith.constant 1 : i32
      %mul3A_38 = arith.muli %scan3A_36, %mul3A_37 : i32
      %add3A_39 = arith.constant 0 : i32
      %add3A_40 = arith.addi %add3A_39, %mul3A_38 : i32
      %mul3A_41 = arith.constant 2 : i32
      %mul3A_42 = arith.muli %mul3A_41, %add3A_40 : i32
      %gt3A = arith.constant 0 : i32
      %gt3A_43 = arith.cmpi sgt, %add3A_40, %gt3A : i32
      %shift_right_arithmetic3A = arith.constant 3 : i32
      %shift_right_arithmetic3A_44 = arith.shrsi %mul3A_42, %shift_right_arithmetic3A : i32
      %and3A = arith.constant 1 : i32
      %and3A_45 = arith.andi %shift_right_arithmetic3A_44, %and3A : i32
      %and3A_46 = arith.constant 7 : i32
      %and3A_47 = arith.andi %mul3A_42, %and3A_46 : i32
      %convert_element_type3A = arith.extui %gt3A_43 : i1 to i32
      %cond3A = arith.constant 0 : i32
      %cond3A_48 = arith.cmpi ne, %convert_element_type3A, %cond3A : i32
      scf.if %cond3A_48 {
        %dma_wait3A_135 = arith.constant 0 : i32
        %dma_wait3A_136 = arith.constant 0 : i32
        %dma_wait3A_137 = tpu.memref_slice %arg6[%dma_wait3A_135, %dma_wait3A_136] : memref<10112x128xf32, #tpu.memory_space<vmem_shared>> -> memref<128x128xf32, #tpu.memory_space<vmem_shared>>
        %dma_wait3A_138 = arith.constant 0 : i32
        %dma_wait3A_139 = arith.constant 0 : i32
        %dma_wait3A_140 = tpu.memref_slice %arg6[%dma_wait3A_138, %dma_wait3A_139] : memref<10112x128xf32, #tpu.memory_space<vmem_shared>> -> memref<128x128xf32, #tpu.memory_space<vmem_shared>>
        tpu.wait_dma2 semaphore(%arg13 : memref<!tpu.dma_semaphore, #tpu.memory_space<semaphore_mem>>) src(%arg9 : memref<128x128xf32, #tpu.memory_space<vmem>>) dst(%dma_wait3A_140 : memref<128x128xf32, #tpu.memory_space<vmem_shared>>)
      } else {
      }
      %eq3A = arith.constant 0 : i32
      %eq3A_49 = arith.cmpi eq, %and3A_47, %eq3A : i32
      %convert_element_type3A_50 = arith.extui %eq3A_49 : i1 to i32
      %cond3A_51 = arith.constant 0 : i32
      %cond3A_52 = arith.cmpi ne, %convert_element_type3A_50, %cond3A_51 : i32
      scf.if %cond3A_52 {
        %shift_right_arithmetic3A_135 = arith.constant 3 : i32
        %shift_right_arithmetic3A_136 = arith.shrsi %mul3A_42, %shift_right_arithmetic3A_135 : i32
        %add3A_137 = arith.addi %mul3A_2, %shift_right_arithmetic3A_136 : i32
        %add3A_138 = arith.constant 1 : i32
        %add3A_139 = arith.addi %add3A_137, %add3A_138 : i32
        %add3A_140 = arith.constant 10 : i32
        %add3A_141 = arith.addi %mul3A_2, %add3A_140 : i32
        %sub3A = arith.constant 1 : i32
        %sub3A_142 = arith.subi %add3A_141, %sub3A : i32
        %min3A = arith.minsi %add3A_139, %sub3A_142 : i32
        %sub3A_143 = arith.constant 1 : i32
        %sub3A_144 = arith.subi %sub3A_143, %and3A_45 : i32
        "tpu.region"() ({
          %run_scoped3A_145 = tpu.sem_alloc : memref<!tpu.dma_semaphore, #tpu.memory_space<semaphore_mem>>
          %dma_start3A_146 = arith.constant 0 : i32
          %dma_start3A_147 = arith.constant 0 : i32
          %dma_start3A_148 = tpu.memref_slice %arg7[%sub3A_144, %dma_start3A_146, %dma_start3A_147] : memref<2x24x128xi32, #tpu.memory_space<vmem>> -> memref<1x24x128xi32, #tpu.memory_space<vmem>>
          %dma_start3A_149 = tpu.memref_squeeze %dma_start3A_148 : memref<1x24x128xi32, #tpu.memory_space<vmem>> -> memref<24x128xi32, #tpu.memory_space<vmem>>
          %dma_start3A_150 = arith.constant 0 : i32
          %dma_start3A_151 = arith.constant 0 : i32
          %dma_start3A_152 = tpu.memref_slice %arg3[%min3A, %dma_start3A_150, %dma_start3A_151] : memref<320x24x128xi32, #tpu.memory_space<hbm>> -> memref<1x24x128xi32, #tpu.memory_space<hbm>>
          %dma_start3A_153 = tpu.memref_squeeze %dma_start3A_152 : memref<1x24x128xi32, #tpu.memory_space<hbm>> -> memref<24x128xi32, #tpu.memory_space<hbm>>
          %dma_start3A_154 = arith.constant 0 : i32
          %dma_start3A_155 = arith.constant 0 : i32
          %dma_start3A_156 = tpu.memref_slice %arg7[%sub3A_144, %dma_start3A_154, %dma_start3A_155] : memref<2x24x128xi32, #tpu.memory_space<vmem>> -> memref<1x24x128xi32, #tpu.memory_space<vmem>>
          %dma_start3A_157 = tpu.memref_squeeze %dma_start3A_156 : memref<1x24x128xi32, #tpu.memory_space<vmem>> -> memref<24x128xi32, #tpu.memory_space<vmem>>
          %dma_start3A_158 = arith.constant 0 : i32
          %dma_start3A_159 = arith.constant 0 : i32
          %dma_start3A_160 = tpu.memref_slice %arg3[%min3A, %dma_start3A_158, %dma_start3A_159] : memref<320x24x128xi32, #tpu.memory_space<hbm>> -> memref<1x24x128xi32, #tpu.memory_space<hbm>>
          %dma_start3A_161 = tpu.memref_squeeze %dma_start3A_160 : memref<1x24x128xi32, #tpu.memory_space<hbm>> -> memref<24x128xi32, #tpu.memory_space<hbm>>
          tpu.enqueue_dma source(%dma_start3A_161 : memref<24x128xi32, #tpu.memory_space<hbm>>) target(%dma_start3A_157 : memref<24x128xi32, #tpu.memory_space<vmem>>) target_semaphore(%run_scoped3A_145 : memref<!tpu.dma_semaphore, #tpu.memory_space<semaphore_mem>>)
          %dma_wait3A_162 = arith.constant 0 : i32
          %dma_wait3A_163 = arith.constant 0 : i32
          %dma_wait3A_164 = tpu.memref_slice %arg7[%sub3A_144, %dma_wait3A_162, %dma_wait3A_163] : memref<2x24x128xi32, #tpu.memory_space<vmem>> -> memref<1x24x128xi32, #tpu.memory_space<vmem>>
          %dma_wait3A_165 = tpu.memref_squeeze %dma_wait3A_164 : memref<1x24x128xi32, #tpu.memory_space<vmem>> -> memref<24x128xi32, #tpu.memory_space<vmem>>
          %dma_wait3A_166 = arith.constant 0 : i32
          %dma_wait3A_167 = arith.constant 0 : i32
          %dma_wait3A_168 = tpu.memref_slice %arg3[%min3A, %dma_wait3A_166, %dma_wait3A_167] : memref<320x24x128xi32, #tpu.memory_space<hbm>> -> memref<1x24x128xi32, #tpu.memory_space<hbm>>
          %dma_wait3A_169 = tpu.memref_squeeze %dma_wait3A_168 : memref<1x24x128xi32, #tpu.memory_space<hbm>> -> memref<24x128xi32, #tpu.memory_space<hbm>>
          %dma_wait3A_170 = arith.constant 0 : i32
          %dma_wait3A_171 = arith.constant 0 : i32
          %dma_wait3A_172 = tpu.memref_slice %arg7[%sub3A_144, %dma_wait3A_170, %dma_wait3A_171] : memref<2x24x128xi32, #tpu.memory_space<vmem>> -> memref<1x24x128xi32, #tpu.memory_space<vmem>>
          %dma_wait3A_173 = tpu.memref_squeeze %dma_wait3A_172 : memref<1x24x128xi32, #tpu.memory_space<vmem>> -> memref<24x128xi32, #tpu.memory_space<vmem>>
          %dma_wait3A_174 = arith.constant 0 : i32
          %dma_wait3A_175 = arith.constant 0 : i32
          %dma_wait3A_176 = tpu.memref_slice %arg3[%min3A, %dma_wait3A_174, %dma_wait3A_175] : memref<320x24x128xi32, #tpu.memory_space<hbm>> -> memref<1x24x128xi32, #tpu.memory_space<hbm>>
          %dma_wait3A_177 = tpu.memref_squeeze %dma_wait3A_176 : memref<1x24x128xi32, #tpu.memory_space<hbm>> -> memref<24x128xi32, #tpu.memory_space<hbm>>
          tpu.wait_dma2 semaphore(%run_scoped3A_145 : memref<!tpu.dma_semaphore, #tpu.memory_space<semaphore_mem>>) src(%dma_wait3A_177 : memref<24x128xi32, #tpu.memory_space<hbm>>) dst(%dma_wait3A_173 : memref<24x128xi32, #tpu.memory_space<vmem>>)
          tpu.yield
        }) : () -> ()
      } else {
      }
      %add3A_53 = arith.constant 1 : i32
      %add3A_54 = arith.addi %mul3A_42, %add3A_53 : i32
      %shift_right_arithmetic3A_55 = arith.constant 3 : i32
      %shift_right_arithmetic3A_56 = arith.shrsi %add3A_54, %shift_right_arithmetic3A_55 : i32
      %and3A_57 = arith.constant 1 : i32
      %and3A_58 = arith.andi %shift_right_arithmetic3A_56, %and3A_57 : i32
      %and3A_59 = arith.constant 7 : i32
      %and3A_60 = arith.andi %add3A_54, %and3A_59 : i32
      %add3A_61 = arith.constant 8 : i32
      %add3A_62 = arith.addi %add3A_61, %and3A_60 : i32
      %dma_start3A_63 = arith.constant 0 : i32
      %dma_start3A_64 = tpu.memref_slice %arg7[%and3A_58, %add3A_62, %dma_start3A_63] : memref<2x24x128xi32, #tpu.memory_space<vmem>> -> memref<1x1x128xi32, #tpu.memory_space<vmem>>
      %dma_start3A_65 = tpu.memref_squeeze %dma_start3A_64 : memref<1x1x128xi32, #tpu.memory_space<vmem>> -> memref<128xi32, #tpu.memory_space<vmem>>
      %dma_start3A_66 = arith.constant 0 : i32
      %dma_start3A_67 = arith.constant 0 : i32
      %dma_start3A_68 = tpu.memref_slice %arg2[%dma_start3A_66, %dma_start3A_67] : memref<10000x128xf32, #tpu.memory_space<hbm>> -> memref<10000x128xf32, #tpu.memory_space<hbm>>
      tpu.enqueue_indirect_dma source(%dma_start3A_68 : memref<10000x128xf32, #tpu.memory_space<hbm>>) target(%arg9 : memref<128x128xf32, #tpu.memory_space<vmem>>) offsets(%dma_start3A_65 : memref<128xi32, #tpu.memory_space<vmem>>) semaphore(%arg11 : memref<!tpu.dma_semaphore, #tpu.memory_space<semaphore_mem>>)
      %dma_wait3A_69 = arith.constant 0 : i32
      %dma_wait3A_70 = arith.constant 0 : i32
      %dma_wait3A_71 = tpu.memref_slice %arg2[%dma_wait3A_69, %dma_wait3A_70] : memref<10000x128xf32, #tpu.memory_space<hbm>> -> memref<128x128xf32, #tpu.memory_space<hbm>>
      %dma_wait3A_72 = arith.constant 0 : i32
      %dma_wait3A_73 = arith.constant 0 : i32
      %dma_wait3A_74 = tpu.memref_slice %arg2[%dma_wait3A_72, %dma_wait3A_73] : memref<10000x128xf32, #tpu.memory_space<hbm>> -> memref<128x128xf32, #tpu.memory_space<hbm>>
      tpu.wait_dma2 semaphore(%arg10 : memref<!tpu.dma_semaphore, #tpu.memory_space<semaphore_mem>>) src(%dma_wait3A_74 : memref<128x128xf32, #tpu.memory_space<hbm>>) dst(%arg8 : memref<128x128xf32, #tpu.memory_space<vmem>>)
      %scan3A_75 = arith.constant 0 : i32
      %scan3A_76 = arith.constant 8 : i32
      %scan3A_77 = arith.addi %scan3A_75, %scan3A_76 : i32
      %scan3A_78 = arith.constant 1 : i32
      scf.for %scan3A_135 = %scan3A_75 to %scan3A_77 step %scan3A_78  : i32 {
        %mul3A_136 = arith.constant 1 : i32
        %mul3A_137 = arith.muli %scan3A_135, %mul3A_136 : i32
        %add3A_138 = arith.constant 0 : i32
        %add3A_139 = arith.addi %add3A_138, %mul3A_137 : i32
        %add3A_140 = arith.constant 16 : i32
        %add3A_141 = arith.addi %add3A_140, %and3A_47 : i32
        %mul3A_142 = arith.constant 16 : i32
        %mul3A_143 = arith.muli %add3A_139, %mul3A_142 : i32
        %get3A = arith.index_cast %and3A_45 : i32 to index
        %get3A_144 = arith.index_cast %add3A_141 : i32 to index
        %get3A_145 = arith.index_cast %mul3A_143 : i32 to index
        %get3A_146 = tpu.vector_load %arg7[%get3A, %get3A_144, %get3A_145] {strides = array<i32>} : memref<2x24x128xi32, #tpu.memory_space<vmem>>, vector<16xi32>,
        %bitcast3A = vector.bitcast %get3A_146 : vector<16xi32> to vector<16xf32>
        %slice3A = vector.extract_strided_slice %bitcast3A {offsets = [0], sizes = [1], strides = [1]} : vector<16xf32> to vector<1xf32>
        %squeeze3A = vector.extract %slice3A[0] : f32 from vector<1xf32>
        %mul3A_147 = arith.constant 16 : i32
        %mul3A_148 = arith.muli %add3A_139, %mul3A_147 : i32
        %add3A_149 = arith.constant 0 : i32
        %add3A_150 = arith.addi %mul3A_148, %add3A_149 : i32
        %get3A_151 = arith.index_cast %add3A_150 : i32 to index
        %get3A_152 = arith.constant 0 : index
        %get3A_153 = tpu.vector_load %arg8[%get3A_151, %get3A_152] {strides = array<i32>} : memref<128x128xf32, #tpu.memory_space<vmem>>, vector<16xf32>,
        %mul3A_154 = vector.broadcast %squeeze3A : f32 to vector<16xf32>
        %mul3A_155 = arith.mulf %get3A_153, %mul3A_154 : vector<16xf32>
        %swap3A = arith.index_cast %add3A_150 : i32 to index
        %swap3A_156 = arith.constant 0 : index
        %swap3A_157 = tpu.vector_load %arg8[%swap3A, %swap3A_156] {strides = array<i32>} : memref<128x128xf32, #tpu.memory_space<vmem>>, vector<16xf32>,
        tpu.vector_store %arg8[%swap3A, %swap3A_156], %mul3A_155 {strides = array<i32>} : memref<128x128xf32, #tpu.memory_space<vmem>>, vector<16xf32>,
        %mul3A_158 = arith.constant 16 : i32
        %mul3A_159 = arith.muli %add3A_139, %mul3A_158 : i32
        %add3A_160 = arith.constant 0 : i32
        %add3A_161 = arith.addi %mul3A_159, %add3A_160 : i32
        %get3A_162 = arith.index_cast %add3A_161 : i32 to index
        %get3A_163 = arith.constant 16 : index
        %get3A_164 = tpu.vector_load %arg8[%get3A_162, %get3A_163] {strides = array<i32>} : memref<128x128xf32, #tpu.memory_space<vmem>>, vector<16xf32>,
        %mul3A_165 = vector.broadcast %squeeze3A : f32 to vector<16xf32>
        %mul3A_166 = arith.mulf %get3A_164, %mul3A_165 : vector<16xf32>
        %swap3A_167 = arith.index_cast %add3A_161 : i32 to index
        %swap3A_168 = arith.constant 16 : index
        %swap3A_169 = tpu.vector_load %arg8[%swap3A_167, %swap3A_168] {strides = array<i32>} : memref<128x128xf32, #tpu.memory_space<vmem>>, vector<16xf32>,
        tpu.vector_store %arg8[%swap3A_167, %swap3A_168], %mul3A_166 {strides = array<i32>} : memref<128x128xf32, #tpu.memory_space<vmem>>, vector<16xf32>,
        %mul3A_170 = arith.constant 16 : i32
        %mul3A_171 = arith.muli %add3A_139, %mul3A_170 : i32
        %add3A_172 = arith.constant 0 : i32
        %add3A_173 = arith.addi %mul3A_171, %add3A_172 : i32
        %get3A_174 = arith.index_cast %add3A_173 : i32 to index
        %get3A_175 = arith.constant 32 : index
        %get3A_176 = tpu.vector_load %arg8[%get3A_174, %get3A_175] {strides = array<i32>} : memref<128x128xf32, #tpu.memory_space<vmem>>, vector<16xf32>,
        %mul3A_177 = vector.broadcast %squeeze3A : f32 to vector<16xf32>
        %mul3A_178 = arith.mulf %get3A_176, %mul3A_177 : vector<16xf32>
        %swap3A_179 = arith.index_cast %add3A_173 : i32 to index
        %swap3A_180 = arith.constant 32 : index
        %swap3A_181 = tpu.vector_load %arg8[%swap3A_179, %swap3A_180] {strides = array<i32>} : memref<128x128xf32, #tpu.memory_space<vmem>>, vector<16xf32>,
        tpu.vector_store %arg8[%swap3A_179, %swap3A_180], %mul3A_178 {strides = array<i32>} : memref<128x128xf32, #tpu.memory_space<vmem>>, vector<16xf32>,
        %mul3A_182 = arith.constant 16 : i32
        %mul3A_183 = arith.muli %add3A_139, %mul3A_182 : i32
        %add3A_184 = arith.constant 0 : i32
        %add3A_185 = arith.addi %mul3A_183, %add3A_184 : i32
        %get3A_186 = arith.index_cast %add3A_185 : i32 to index
        %get3A_187 = arith.constant 48 : index
        %get3A_188 = tpu.vector_load %arg8[%get3A_186, %get3A_187] {strides = array<i32>} : memref<128x128xf32, #tpu.memory_space<vmem>>, vector<16xf32>,
        %mul3A_189 = vector.broadcast %squeeze3A : f32 to vector<16xf32>
        %mul3A_190 = arith.mulf %get3A_188, %mul3A_189 : vector<16xf32>
        %swap3A_191 = arith.index_cast %add3A_185 : i32 to index
        %swap3A_192 = arith.constant 48 : index
        %swap3A_193 = tpu.vector_load %arg8[%swap3A_191, %swap3A_192] {strides = array<i32>} : memref<128x128xf32, #tpu.memory_space<vmem>>, vector<16xf32>,
        tpu.vector_store %arg8[%swap3A_191, %swap3A_192], %mul3A_190 {strides = array<i32>} : memref<128x128xf32, #tpu.memory_space<vmem>>, vector<16xf32>,
        %mul3A_194 = arith.constant 16 : i32
        %mul3A_195 = arith.muli %add3A_139, %mul3A_194 : i32
        %add3A_196 = arith.constant 0 : i32
        %add3A_197 = arith.addi %mul3A_195, %add3A_196 : i32
        %get3A_198 = arith.index_cast %add3A_197 : i32 to index
        %get3A_199 = arith.constant 64 : index
        %get3A_200 = tpu.vector_load %arg8[%get3A_198, %get3A_199] {strides = array<i32>} : memref<128x128xf32, #tpu.memory_space<vmem>>, vector<16xf32>,
        %mul3A_201 = vector.broadcast %squeeze3A : f32 to vector<16xf32>
        %mul3A_202 = arith.mulf %get3A_200, %mul3A_201 : vector<16xf32>
        %swap3A_203 = arith.index_cast %add3A_197 : i32 to index
        %swap3A_204 = arith.constant 64 : index
        %swap3A_205 = tpu.vector_load %arg8[%swap3A_203, %swap3A_204] {strides = array<i32>} : memref<128x128xf32, #tpu.memory_space<vmem>>, vector<16xf32>,
        tpu.vector_store %arg8[%swap3A_203, %swap3A_204], %mul3A_202 {strides = array<i32>} : memref<128x128xf32, #tpu.memory_space<vmem>>, vector<16xf32>,
        %mul3A_206 = arith.constant 16 : i32
        %mul3A_207 = arith.muli %add3A_139, %mul3A_206 : i32
        %add3A_208 = arith.constant 0 : i32
        %add3A_209 = arith.addi %mul3A_207, %add3A_208 : i32
        %get3A_210 = arith.index_cast %add3A_209 : i32 to index
        %get3A_211 = arith.constant 80 : index
        %get3A_212 = tpu.vector_load %arg8[%get3A_210, %get3A_211] {strides = array<i32>} : memref<128x128xf32, #tpu.memory_space<vmem>>, vector<16xf32>,
        %mul3A_213 = vector.broadcast %squeeze3A : f32 to vector<16xf32>
        %mul3A_214 = arith.mulf %get3A_212, %mul3A_213 : vector<16xf32>
        %swap3A_215 = arith.index_cast %add3A_209 : i32 to index
        %swap3A_216 = arith.constant 80 : index
        %swap3A_217 = tpu.vector_load %arg8[%swap3A_215, %swap3A_216] {strides = array<i32>} : memref<128x128xf32, #tpu.memory_space<vmem>>, vector<16xf32>,
        tpu.vector_store %arg8[%swap3A_215, %swap3A_216], %mul3A_214 {strides = array<i32>} : memref<128x128xf32, #tpu.memory_space<vmem>>, vector<16xf32>,
        %mul3A_218 = arith.constant 16 : i32
        %mul3A_219 = arith.muli %add3A_139, %mul3A_218 : i32
        %add3A_220 = arith.constant 0 : i32
        %add3A_221 = arith.addi %mul3A_219, %add3A_220 : i32
        %get3A_222 = arith.index_cast %add3A_221 : i32 to index
        %get3A_223 = arith.constant 96 : index
        %get3A_224 = tpu.vector_load %arg8[%get3A_222, %get3A_223] {strides = array<i32>} : memref<128x128xf32, #tpu.memory_space<vmem>>, vector<16xf32>,
        %mul3A_225 = vector.broadcast %squeeze3A : f32 to vector<16xf32>
        %mul3A_226 = arith.mulf %get3A_224, %mul3A_225 : vector<16xf32>
        %swap3A_227 = arith.index_cast %add3A_221 : i32 to index
        %swap3A_228 = arith.constant 96 : index
        %swap3A_229 = tpu.vector_load %arg8[%swap3A_227, %swap3A_228] {strides = array<i32>} : memref<128x128xf32, #tpu.memory_space<vmem>>, vector<16xf32>,
        tpu.vector_store %arg8[%swap3A_227, %swap3A_228], %mul3A_226 {strides = array<i32>} : memref<128x128xf32, #tpu.memory_space<vmem>>, vector<16xf32>,
        %mul3A_230 = arith.constant 16 : i32
        %mul3A_231 = arith.muli %add3A_139, %mul3A_230 : i32
        %add3A_232 = arith.constant 0 : i32
        %add3A_233 = arith.addi %mul3A_231, %add3A_232 : i32
        %get3A_234 = arith.index_cast %add3A_233 : i32 to index
        %get3A_235 = arith.constant 112 : index
        %get3A_236 = tpu.vector_load %arg8[%get3A_234, %get3A_235] {strides = array<i32>} : memref<128x128xf32, #tpu.memory_space<vmem>>, vector<16xf32>,
        %mul3A_237 = vector.broadcast %squeeze3A : f32 to vector<16xf32>
        %mul3A_238 = arith.mulf %get3A_236, %mul3A_237 : vector<16xf32>
        %swap3A_239 = arith.index_cast %add3A_233 : i32 to index
        %swap3A_240 = arith.constant 112 : index
        %swap3A_241 = tpu.vector_load %arg8[%swap3A_239, %swap3A_240] {strides = array<i32>} : memref<128x128xf32, #tpu.memory_space<vmem>>, vector<16xf32>,
        tpu.vector_store %arg8[%swap3A_239, %swap3A_240], %mul3A_238 {strides = array<i32>} : memref<128x128xf32, #tpu.memory_space<vmem>>, vector<16xf32>,
        %slice3A_242 = vector.extract_strided_slice %bitcast3A {offsets = [1], sizes = [1], strides = [1]} : vector<16xf32> to vector<1xf32>
        %squeeze3A_243 = vector.extract %slice3A_242[0] : f32 from vector<1xf32>
        %mul3A_244 = arith.constant 16 : i32
        %mul3A_245 = arith.muli %add3A_139, %mul3A_244 : i32
        %add3A_246 = arith.constant 1 : i32
        %add3A_247 = arith.addi %mul3A_245, %add3A_246 : i32
        %get3A_248 = arith.index_cast %add3A_247 : i32 to index
        %get3A_249 = arith.constant 0 : index
        %get3A_250 = tpu.vector_load %arg8[%get3A_248, %get3A_249] {strides = array<i32>} : memref<128x128xf32, #tpu.memory_space<vmem>>, vector<16xf32>,
        %mul3A_251 = vector.broadcast %squeeze3A_243 : f32 to vector<16xf32>
        %mul3A_252 = arith.mulf %get3A_250, %mul3A_251 : vector<16xf32>
        %swap3A_253 = arith.index_cast %add3A_247 : i32 to index
        %swap3A_254 = arith.constant 0 : index
        %swap3A_255 = tpu.vector_load %arg8[%swap3A_253, %swap3A_254] {strides = array<i32>} : memref<128x128xf32, #tpu.memory_space<vmem>>, vector<16xf32>,
        tpu.vector_store %arg8[%swap3A_253, %swap3A_254], %mul3A_252 {strides = array<i32>} : memref<128x128xf32, #tpu.memory_space<vmem>>, vector<16xf32>,
        %mul3A_256 = arith.constant 16 : i32
        %mul3A_257 = arith.muli %add3A_139, %mul3A_256 : i32
        %add3A_258 = arith.constant 1 : i32
        %add3A_259 = arith.addi %mul3A_257, %add3A_258 : i32
        %get3A_260 = arith.index_cast %add3A_259 : i32 to index
        %get3A_261 = arith.constant 16 : index
        %get3A_262 = tpu.vector_load %arg8[%get3A_260, %get3A_261] {strides = array<i32>} : memref<128x128xf32, #tpu.memory_space<vmem>>, vector<16xf32>,
        %mul3A_263 = vector.broadcast %squeeze3A_243 : f32 to vector<16xf32>
        %mul3A_264 = arith.mulf %get3A_262, %mul3A_263 : vector<16xf32>
        %swap3A_265 = arith.index_cast %add3A_259 : i32 to index
        %swap3A_266 = arith.constant 16 : index
        %swap3A_267 = tpu.vector_load %arg8[%swap3A_265, %swap3A_266] {strides = array<i32>} : memref<128x128xf32, #tpu.memory_space<vmem>>, vector<16xf32>,
        tpu.vector_store %arg8[%swap3A_265, %swap3A_266], %mul3A_264 {strides = array<i32>} : memref<128x128xf32, #tpu.memory_space<vmem>>, vector<16xf32>,
        %mul3A_268 = arith.constant 16 : i32
        %mul3A_269 = arith.muli %add3A_139, %mul3A_268 : i32
        %add3A_270 = arith.constant 1 : i32
        %add3A_271 = arith.addi %mul3A_269, %add3A_270 : i32
        %get3A_272 = arith.index_cast %add3A_271 : i32 to index
        %get3A_273 = arith.constant 32 : index
        %get3A_274 = tpu.vector_load %arg8[%get3A_272, %get3A_273] {strides = array<i32>} : memref<128x128xf32, #tpu.memory_space<vmem>>, vector<16xf32>,
        %mul3A_275 = vector.broadcast %squeeze3A_243 : f32 to vector<16xf32>
        %mul3A_276 = arith.mulf %get3A_274, %mul3A_275 : vector<16xf32>
        %swap3A_277 = arith.index_cast %add3A_271 : i32 to index
        %swap3A_278 = arith.constant 32 : index
        %swap3A_279 = tpu.vector_load %arg8[%swap3A_277, %swap3A_278] {strides = array<i32>} : memref<128x128xf32, #tpu.memory_space<vmem>>, vector<16xf32>,
        tpu.vector_store %arg8[%swap3A_277, %swap3A_278], %mul3A_276 {strides = array<i32>} : memref<128x128xf32, #tpu.memory_space<vmem>>, vector<16xf32>,
        %mul3A_280 = arith.constant 16 : i32
        %mul3A_281 = arith.muli %add3A_139, %mul3A_280 : i32
        %add3A_282 = arith.constant 1 : i32
        %add3A_283 = arith.addi %mul3A_281, %add3A_282 : i32
        %get3A_284 = arith.index_cast %add3A_283 : i32 to index
        %get3A_285 = arith.constant 48 : index
        %get3A_286 = tpu.vector_load %arg8[%get3A_284, %get3A_285] {strides = array<i32>} : memref<128x128xf32, #tpu.memory_space<vmem>>, vector<16xf32>,
        %mul3A_287 = vector.broadcast %squeeze3A_243 : f32 to vector<16xf32>
        %mul3A_288 = arith.mulf %get3A_286, %mul3A_287 : vector<16xf32>
        %swap3A_289 = arith.index_cast %add3A_283 : i32 to index
        %swap3A_290 = arith.constant 48 : index
        %swap3A_291 = tpu.vector_load %arg8[%swap3A_289, %swap3A_290] {strides = array<i32>} : memref<128x128xf32, #tpu.memory_space<vmem>>, vector<16xf32>,
        tpu.vector_store %arg8[%swap3A_289, %swap3A_290], %mul3A_288 {strides = array<i32>} : memref<128x128xf32, #tpu.memory_space<vmem>>, vector<16xf32>,
        %mul3A_292 = arith.constant 16 : i32
        %mul3A_293 = arith.muli %add3A_139, %mul3A_292 : i32
        %add3A_294 = arith.constant 1 : i32
        %add3A_295 = arith.addi %mul3A_293, %add3A_294 : i32
        %get3A_296 = arith.index_cast %add3A_295 : i32 to index
        %get3A_297 = arith.constant 64 : index
        %get3A_298 = tpu.vector_load %arg8[%get3A_296, %get3A_297] {strides = array<i32>} : memref<128x128xf32, #tpu.memory_space<vmem>>, vector<16xf32>,
        %mul3A_299 = vector.broadcast %squeeze3A_243 : f32 to vector<16xf32>
        %mul3A_300 = arith.mulf %get3A_298, %mul3A_299 : vector<16xf32>
        %swap3A_301 = arith.index_cast %add3A_295 : i32 to index
        %swap3A_302 = arith.constant 64 : index
        %swap3A_303 = tpu.vector_load %arg8[%swap3A_301, %swap3A_302] {strides = array<i32>} : memref<128x128xf32, #tpu.memory_space<vmem>>, vector<16xf32>,
        tpu.vector_store %arg8[%swap3A_301, %swap3A_302], %mul3A_300 {strides = array<i32>} : memref<128x128xf32, #tpu.memory_space<vmem>>, vector<16xf32>,
        %mul3A_304 = arith.constant 16 : i32
        %mul3A_305 = arith.muli %add3A_139, %mul3A_304 : i32
        %add3A_306 = arith.constant 1 : i32
        %add3A_307 = arith.addi %mul3A_305, %add3A_306 : i32
        %get3A_308 = arith.index_cast %add3A_307 : i32 to index
        %get3A_309 = arith.constant 80 : index
        %get3A_310 = tpu.vector_load %arg8[%get3A_308, %get3A_309] {strides = array<i32>} : memref<128x128xf32, #tpu.memory_space<vmem>>, vector<16xf32>,
        %mul3A_311 = vector.broadcast %squeeze3A_243 : f32 to vector<16xf32>
        %mul3A_312 = arith.mulf %get3A_310, %mul3A_311 : vector<16xf32>
        %swap3A_313 = arith.index_cast %add3A_307 : i32 to index
        %swap3A_314 = arith.constant 80 : index
        %swap3A_315 = tpu.vector_load %arg8[%swap3A_313, %swap3A_314] {strides = array<i32>} : memref<128x128xf32, #tpu.memory_space<vmem>>, vector<16xf32>,
        tpu.vector_store %arg8[%swap3A_313, %swap3A_314], %mul3A_312 {strides = array<i32>} : memref<128x128xf32, #tpu.memory_space<vmem>>, vector<16xf32>,
        %mul3A_316 = arith.constant 16 : i32
        %mul3A_317 = arith.muli %add3A_139, %mul3A_316 : i32
        %add3A_318 = arith.constant 1 : i32
        %add3A_319 = arith.addi %mul3A_317, %add3A_318 : i32
        %get3A_320 = arith.index_cast %add3A_319 : i32 to index
        %get3A_321 = arith.constant 96 : index
        %get3A_322 = tpu.vector_load %arg8[%get3A_320, %get3A_321] {strides = array<i32>} : memref<128x128xf32, #tpu.memory_space<vmem>>, vector<16xf32>,
        %mul3A_323 = vector.broadcast %squeeze3A_243 : f32 to vector<16xf32>
        %mul3A_324 = arith.mulf %get3A_322, %mul3A_323 : vector<16xf32>
        %swap3A_325 = arith.index_cast %add3A_319 : i32 to index
        %swap3A_326 = arith.constant 96 : index
        %swap3A_327 = tpu.vector_load %arg8[%swap3A_325, %swap3A_326] {strides = array<i32>} : memref<128x128xf32, #tpu.memory_space<vmem>>, vector<16xf32>,
        tpu.vector_store %arg8[%swap3A_325, %swap3A_326], %mul3A_324 {strides = array<i32>} : memref<128x128xf32, #tpu.memory_space<vmem>>, vector<16xf32>,
        %mul3A_328 = arith.constant 16 : i32
        %mul3A_329 = arith.muli %add3A_139, %mul3A_328 : i32
        %add3A_330 = arith.constant 1 : i32
        %add3A_331 = arith.addi %mul3A_329, %add3A_330 : i32
        %get3A_332 = arith.index_cast %add3A_331 : i32 to index
        %get3A_333 = arith.constant 112 : index
        %get3A_334 = tpu.vector_load %arg8[%get3A_332, %get3A_333] {strides = array<i32>} : memref<128x128xf32, #tpu.memory_space<vmem>>, vector<16xf32>,
        %mul3A_335 = vector.broadcast %squeeze3A_243 : f32 to vector<16xf32>
        %mul3A_336 = arith.mulf %get3A_334, %mul3A_335 : vector<16xf32>
        %swap3A_337 = arith.index_cast %add3A_331 : i32 to index
        %swap3A_338 = arith.constant 112 : index
        %swap3A_339 = tpu.vector_load %arg8[%swap3A_337, %swap3A_338] {strides = array<i32>} : memref<128x128xf32, #tpu.memory_space<vmem>>, vector<16xf32>,
        tpu.vector_store %arg8[%swap3A_337, %swap3A_338], %mul3A_336 {strides = array<i32>} : memref<128x128xf32, #tpu.memory_space<vmem>>, vector<16xf32>,
        %slice3A_340 = vector.extract_strided_slice %bitcast3A {offsets = [2], sizes = [1], strides = [1]} : vector<16xf32> to vector<1xf32>
        %squeeze3A_341 = vector.extract %slice3A_340[0] : f32 from vector<1xf32>
        %mul3A_342 = arith.constant 16 : i32
        %mul3A_343 = arith.muli %add3A_139, %mul3A_342 : i32
        %add3A_344 = arith.constant 2 : i32
        %add3A_345 = arith.addi %mul3A_343, %add3A_344 : i32
        %get3A_346 = arith.index_cast %add3A_345 : i32 to index
        %get3A_347 = arith.constant 0 : index
        %get3A_348 = tpu.vector_load %arg8[%get3A_346, %get3A_347] {strides = array<i32>} : memref<128x128xf32, #tpu.memory_space<vmem>>, vector<16xf32>,
        %mul3A_349 = vector.broadcast %squeeze3A_341 : f32 to vector<16xf32>
        %mul3A_350 = arith.mulf %get3A_348, %mul3A_349 : vector<16xf32>
        %swap3A_351 = arith.index_cast %add3A_345 : i32 to index
        %swap3A_352 = arith.constant 0 : index
        %swap3A_353 = tpu.vector_load %arg8[%swap3A_351, %swap3A_352] {strides = array<i32>} : memref<128x128xf32, #tpu.memory_space<vmem>>, vector<16xf32>,
        tpu.vector_store %arg8[%swap3A_351, %swap3A_352], %mul3A_350 {strides = array<i32>} : memref<128x128xf32, #tpu.memory_space<vmem>>, vector<16xf32>,
        %mul3A_354 = arith.constant 16 : i32
        %mul3A_355 = arith.muli %add3A_139, %mul3A_354 : i32
        %add3A_356 = arith.constant 2 : i32
        %add3A_357 = arith.addi %mul3A_355, %add3A_356 : i32
        %get3A_358 = arith.index_cast %add3A_357 : i32 to index
        %get3A_359 = arith.constant 16 : index
        %get3A_360 = tpu.vector_load %arg8[%get3A_358, %get3A_359] {strides = array<i32>} : memref<128x128xf32, #tpu.memory_space<vmem>>, vector<16xf32>,
        %mul3A_361 = vector.broadcast %squeeze3A_341 : f32 to vector<16xf32>
        %mul3A_362 = arith.mulf %get3A_360, %mul3A_361 : vector<16xf32>
        %swap3A_363 = arith.index_cast %add3A_357 : i32 to index
        %swap3A_364 = arith.constant 16 : index
        %swap3A_365 = tpu.vector_load %arg8[%swap3A_363, %swap3A_364] {strides = array<i32>} : memref<128x128xf32, #tpu.memory_space<vmem>>, vector<16xf32>,
        tpu.vector_store %arg8[%swap3A_363, %swap3A_364], %mul3A_362 {strides = array<i32>} : memref<128x128xf32, #tpu.memory_space<vmem>>, vector<16xf32>,
        %mul3A_366 = arith.constant 16 : i32
        %mul3A_367 = arith.muli %add3A_139, %mul3A_366 : i32
        %add3A_368 = arith.constant 2 : i32
        %add3A_369 = arith.addi %mul3A_367, %add3A_368 : i32
        %get3A_370 = arith.index_cast %add3A_369 : i32 to index
        %get3A_371 = arith.constant 32 : index
        %get3A_372 = tpu.vector_load %arg8[%get3A_370, %get3A_371] {strides = array<i32>} : memref<128x128xf32, #tpu.memory_space<vmem>>, vector<16xf32>,
        %mul3A_373 = vector.broadcast %squeeze3A_341 : f32 to vector<16xf32>
        %mul3A_374 = arith.mulf %get3A_372, %mul3A_373 : vector<16xf32>
        %swap3A_375 = arith.index_cast %add3A_369 : i32 to index
        %swap3A_376 = arith.constant 32 : index
        %swap3A_377 = tpu.vector_load %arg8[%swap3A_375, %swap3A_376] {strides = array<i32>} : memref<128x128xf32, #tpu.memory_space<vmem>>, vector<16xf32>,
        tpu.vector_store %arg8[%swap3A_375, %swap3A_376], %mul3A_374 {strides = array<i32>} : memref<128x128xf32, #tpu.memory_space<vmem>>, vector<16xf32>,
        %mul3A_378 = arith.constant 16 : i32
        %mul3A_379 = arith.muli %add3A_139, %mul3A_378 : i32
        %add3A_380 = arith.constant 2 : i32
        %add3A_381 = arith.addi %mul3A_379, %add3A_380 : i32
        %get3A_382 = arith.index_cast %add3A_381 : i32 to index
        %get3A_383 = arith.constant 48 : index
        %get3A_384 = tpu.vector_load %arg8[%get3A_382, %get3A_383] {strides = array<i32>} : memref<128x128xf32, #tpu.memory_space<vmem>>, vector<16xf32>,
        %mul3A_385 = vector.broadcast %squeeze3A_341 : f32 to vector<16xf32>
        %mul3A_386 = arith.mulf %get3A_384, %mul3A_385 : vector<16xf32>
        %swap3A_387 = arith.index_cast %add3A_381 : i32 to index
        %swap3A_388 = arith.constant 48 : index
        %swap3A_389 = tpu.vector_load %arg8[%swap3A_387, %swap3A_388] {strides = array<i32>} : memref<128x128xf32, #tpu.memory_space<vmem>>, vector<16xf32>,
        tpu.vector_store %arg8[%swap3A_387, %swap3A_388], %mul3A_386 {strides = array<i32>} : memref<128x128xf32, #tpu.memory_space<vmem>>, vector<16xf32>,
        %mul3A_390 = arith.constant 16 : i32
        %mul3A_391 = arith.muli %add3A_139, %mul3A_390 : i32
        %add3A_392 = arith.constant 2 : i32
        %add3A_393 = arith.addi %mul3A_391, %add3A_392 : i32
        %get3A_394 = arith.index_cast %add3A_393 : i32 to index
        %get3A_395 = arith.constant 64 : index
        %get3A_396 = tpu.vector_load %arg8[%get3A_394, %get3A_395] {strides = array<i32>} : memref<128x128xf32, #tpu.memory_space<vmem>>, vector<16xf32>,
        %mul3A_397 = vector.broadcast %squeeze3A_341 : f32 to vector<16xf32>
        %mul3A_398 = arith.mulf %get3A_396, %mul3A_397 : vector<16xf32>
        %swap3A_399 = arith.index_cast %add3A_393 : i32 to index
        %swap3A_400 = arith.constant 64 : index
        %swap3A_401 = tpu.vector_load %arg8[%swap3A_399, %swap3A_400] {strides = array<i32>} : memref<128x128xf32, #tpu.memory_space<vmem>>, vector<16xf32>,
        tpu.vector_store %arg8[%swap3A_399, %swap3A_400], %mul3A_398 {strides = array<i32>} : memref<128x128xf32, #tpu.memory_space<vmem>>, vector<16xf32>,
        %mul3A_402 = arith.constant 16 : i32
        %mul3A_403 = arith.muli %add3A_139, %mul3A_402 : i32
        %add3A_404 = arith.constant 2 : i32
        %add3A_405 = arith.addi %mul3A_403, %add3A_404 : i32
        %get3A_406 = arith.index_cast %add3A_405 : i32 to index
        %get3A_407 = arith.constant 80 : index
        %get3A_408 = tpu.vector_load %arg8[%get3A_406, %get3A_407] {strides = array<i32>} : memref<128x128xf32, #tpu.memory_space<vmem>>, vector<16xf32>,
        %mul3A_409 = vector.broadcast %squeeze3A_341 : f32 to vector<16xf32>
        %mul3A_410 = arith.mulf %get3A_408, %mul3A_409 : vector<16xf32>
        %swap3A_411 = arith.index_cast %add3A_405 : i32 to index
        %swap3A_412 = arith.constant 80 : index
        %swap3A_413 = tpu.vector_load %arg8[%swap3A_411, %swap3A_412] {strides = array<i32>} : memref<128x128xf32, #tpu.memory_space<vmem>>, vector<16xf32>,
        tpu.vector_store %arg8[%swap3A_411, %swap3A_412], %mul3A_410 {strides = array<i32>} : memref<128x128xf32, #tpu.memory_space<vmem>>, vector<16xf32>,
        %mul3A_414 = arith.constant 16 : i32
        %mul3A_415 = arith.muli %add3A_139, %mul3A_414 : i32
        %add3A_416 = arith.constant 2 : i32
        %add3A_417 = arith.addi %mul3A_415, %add3A_416 : i32
        %get3A_418 = arith.index_cast %add3A_417 : i32 to index
        %get3A_419 = arith.constant 96 : index
        %get3A_420 = tpu.vector_load %arg8[%get3A_418, %get3A_419] {strides = array<i32>} : memref<128x128xf32, #tpu.memory_space<vmem>>, vector<16xf32>,
        %mul3A_421 = vector.broadcast %squeeze3A_341 : f32 to vector<16xf32>
        %mul3A_422 = arith.mulf %get3A_420, %mul3A_421 : vector<16xf32>
        %swap3A_423 = arith.index_cast %add3A_417 : i32 to index
        %swap3A_424 = arith.constant 96 : index
        %swap3A_425 = tpu.vector_load %arg8[%swap3A_423, %swap3A_424] {strides = array<i32>} : memref<128x128xf32, #tpu.memory_space<vmem>>, vector<16xf32>,
        tpu.vector_store %arg8[%swap3A_423, %swap3A_424], %mul3A_422 {strides = array<i32>} : memref<128x128xf32, #tpu.memory_space<vmem>>, vector<16xf32>,
        %mul3A_426 = arith.constant 16 : i32
        %mul3A_427 = arith.muli %add3A_139, %mul3A_426 : i32
        %add3A_428 = arith.constant 2 : i32
        %add3A_429 = arith.addi %mul3A_427, %add3A_428 : i32
        %get3A_430 = arith.index_cast %add3A_429 : i32 to index
        %get3A_431 = arith.constant 112 : index
        %get3A_432 = tpu.vector_load %arg8[%get3A_430, %get3A_431] {strides = array<i32>} : memref<128x128xf32, #tpu.memory_space<vmem>>, vector<16xf32>,
        %mul3A_433 = vector.broadcast %squeeze3A_341 : f32 to vector<16xf32>
        %mul3A_434 = arith.mulf %get3A_432, %mul3A_433 : vector<16xf32>
        %swap3A_435 = arith.index_cast %add3A_429 : i32 to index
        %swap3A_436 = arith.constant 112 : index
        %swap3A_437 = tpu.vector_load %arg8[%swap3A_435, %swap3A_436] {strides = array<i32>} : memref<128x128xf32, #tpu.memory_space<vmem>>, vector<16xf32>,
        tpu.vector_store %arg8[%swap3A_435, %swap3A_436], %mul3A_434 {strides = array<i32>} : memref<128x128xf32, #tpu.memory_space<vmem>>, vector<16xf32>,
        %slice3A_438 = vector.extract_strided_slice %bitcast3A {offsets = [3], sizes = [1], strides = [1]} : vector<16xf32> to vector<1xf32>
        %squeeze3A_439 = vector.extract %slice3A_438[0] : f32 from vector<1xf32>
        %mul3A_440 = arith.constant 16 : i32
        %mul3A_441 = arith.muli %add3A_139, %mul3A_440 : i32
        %add3A_442 = arith.constant 3 : i32
        %add3A_443 = arith.addi %mul3A_441, %add3A_442 : i32
        %get3A_444 = arith.index_cast %add3A_443 : i32 to index
        %get3A_445 = arith.constant 0 : index
        %get3A_446 = tpu.vector_load %arg8[%get3A_444, %get3A_445] {strides = array<i32>} : memref<128x128xf32, #tpu.memory_space<vmem>>, vector<16xf32>,
        %mul3A_447 = vector.broadcast %squeeze3A_439 : f32 to vector<16xf32>
        %mul3A_448 = arith.mulf %get3A_446, %mul3A_447 : vector<16xf32>
        %swap3A_449 = arith.index_cast %add3A_443 : i32 to index
        %swap3A_450 = arith.constant 0 : index
        %swap3A_451 = tpu.vector_load %arg8[%swap3A_449, %swap3A_450] {strides = array<i32>} : memref<128x128xf32, #tpu.memory_space<vmem>>, vector<16xf32>,
        tpu.vector_store %arg8[%swap3A_449, %swap3A_450], %mul3A_448 {strides = array<i32>} : memref<128x128xf32, #tpu.memory_space<vmem>>, vector<16xf32>,
        %mul3A_452 = arith.constant 16 : i32
        %mul3A_453 = arith.muli %add3A_139, %mul3A_452 : i32
        %add3A_454 = arith.constant 3 : i32
        %add3A_455 = arith.addi %mul3A_453, %add3A_454 : i32
        %get3A_456 = arith.index_cast %add3A_455 : i32 to index
        %get3A_457 = arith.constant 16 : index
        %get3A_458 = tpu.vector_load %arg8[%get3A_456, %get3A_457] {strides = array<i32>} : memref<128x128xf32, #tpu.memory_space<vmem>>, vector<16xf32>,
        %mul3A_459 = vector.broadcast %squeeze3A_439 : f32 to vector<16xf32>
        %mul3A_460 = arith.mulf %get3A_458, %mul3A_459 : vector<16xf32>
        %swap3A_461 = arith.index_cast %add3A_455 : i32 to index
        %swap3A_462 = arith.constant 16 : index
        %swap3A_463 = tpu.vector_load %arg8[%swap3A_461, %swap3A_462] {strides = array<i32>} : memref<128x128xf32, #tpu.memory_space<vmem>>, vector<16xf32>,
        tpu.vector_store %arg8[%swap3A_461, %swap3A_462], %mul3A_460 {strides = array<i32>} : memref<128x128xf32, #tpu.memory_space<vmem>>, vector<16xf32>,
        %mul3A_464 = arith.constant 16 : i32
        %mul3A_465 = arith.muli %add3A_139, %mul3A_464 : i32
        %add3A_466 = arith.constant 3 : i32
        %add3A_467 = arith.addi %mul3A_465, %add3A_466 : i32
        %get3A_468 = arith.index_cast %add3A_467 : i32 to index
        %get3A_469 = arith.constant 32 : index
        %get3A_470 = tpu.vector_load %arg8[%get3A_468, %get3A_469] {strides = array<i32>} : memref<128x128xf32, #tpu.memory_space<vmem>>, vector<16xf32>,
        %mul3A_471 = vector.broadcast %squeeze3A_439 : f32 to vector<16xf32>
        %mul3A_472 = arith.mulf %get3A_470, %mul3A_471 : vector<16xf32>
        %swap3A_473 = arith.index_cast %add3A_467 : i32 to index
        %swap3A_474 = arith.constant 32 : index
        %swap3A_475 = tpu.vector_load %arg8[%swap3A_473, %swap3A_474] {strides = array<i32>} : memref<128x128xf32, #tpu.memory_space<vmem>>, vector<16xf32>,
        tpu.vector_store %arg8[%swap3A_473, %swap3A_474], %mul3A_472 {strides = array<i32>} : memref<128x128xf32, #tpu.memory_space<vmem>>, vector<16xf32>,
        %mul3A_476 = arith.constant 16 : i32
        %mul3A_477 = arith.muli %add3A_139, %mul3A_476 : i32
        %add3A_478 = arith.constant 3 : i32
        %add3A_479 = arith.addi %mul3A_477, %add3A_478 : i32
        %get3A_480 = arith.index_cast %add3A_479 : i32 to index
        %get3A_481 = arith.constant 48 : index
        %get3A_482 = tpu.vector_load %arg8[%get3A_480, %get3A_481] {strides = array<i32>} : memref<128x128xf32, #tpu.memory_space<vmem>>, vector<16xf32>,
        %mul3A_483 = vector.broadcast %squeeze3A_439 : f32 to vector<16xf32>
        %mul3A_484 = arith.mulf %get3A_482, %mul3A_483 : vector<16xf32>
        %swap3A_485 = arith.index_cast %add3A_479 : i32 to index
        %swap3A_486 = arith.constant 48 : index
        %swap3A_487 = tpu.vector_load %arg8[%swap3A_485, %swap3A_486] {strides = array<i32>} : memref<128x128xf32, #tpu.memory_space<vmem>>, vector<16xf32>,
        tpu.vector_store %arg8[%swap3A_485, %swap3A_486], %mul3A_484 {strides = array<i32>} : memref<128x128xf32, #tpu.memory_space<vmem>>, vector<16xf32>,
        %mul3A_488 = arith.constant 16 : i32
        %mul3A_489 = arith.muli %add3A_139, %mul3A_488 : i32
        %add3A_490 = arith.constant 3 : i32
        %add3A_491 = arith.addi %mul3A_489, %add3A_490 : i32
        %get3A_492 = arith.index_cast %add3A_491 : i32 to index
        %get3A_493 = arith.constant 64 : index
        %get3A_494 = tpu.vector_load %arg8[%get3A_492, %get3A_493] {strides = array<i32>} : memref<128x128xf32, #tpu.memory_space<vmem>>, vector<16xf32>,
        %mul3A_495 = vector.broadcast %squeeze3A_439 : f32 to vector<16xf32>
        %mul3A_496 = arith.mulf %get3A_494, %mul3A_495 : vector<16xf32>
        %swap3A_497 = arith.index_cast %add3A_491 : i32 to index
        %swap3A_498 = arith.constant 64 : index
        %swap3A_499 = tpu.vector_load %arg8[%swap3A_497, %swap3A_498] {strides = array<i32>} : memref<128x128xf32, #tpu.memory_space<vmem>>, vector<16xf32>,
        tpu.vector_store %arg8[%swap3A_497, %swap3A_498], %mul3A_496 {strides = array<i32>} : memref<128x128xf32, #tpu.memory_space<vmem>>, vector<16xf32>,
        %mul3A_500 = arith.constant 16 : i32
        %mul3A_501 = arith.muli %add3A_139, %mul3A_500 : i32
        %add3A_502 = arith.constant 3 : i32
        %add3A_503 = arith.addi %mul3A_501, %add3A_502 : i32
        %get3A_504 = arith.index_cast %add3A_503 : i32 to index
        %get3A_505 = arith.constant 80 : index
        %get3A_506 = tpu.vector_load %arg8[%get3A_504, %get3A_505] {strides = array<i32>} : memref<128x128xf32, #tpu.memory_space<vmem>>, vector<16xf32>,
        %mul3A_507 = vector.broadcast %squeeze3A_439 : f32 to vector<16xf32>
        %mul3A_508 = arith.mulf %get3A_506, %mul3A_507 : vector<16xf32>
        %swap3A_509 = arith.index_cast %add3A_503 : i32 to index
        %swap3A_510 = arith.constant 80 : index
        %swap3A_511 = tpu.vector_load %arg8[%swap3A_509, %swap3A_510] {strides = array<i32>} : memref<128x128xf32, #tpu.memory_space<vmem>>, vector<16xf32>,
        tpu.vector_store %arg8[%swap3A_509, %swap3A_510], %mul3A_508 {strides = array<i32>} : memref<128x128xf32, #tpu.memory_space<vmem>>, vector<16xf32>,
        %mul3A_512 = arith.constant 16 : i32
        %mul3A_513 = arith.muli %add3A_139, %mul3A_512 : i32
        %add3A_514 = arith.constant 3 : i32
        %add3A_515 = arith.addi %mul3A_513, %add3A_514 : i32
        %get3A_516 = arith.index_cast %add3A_515 : i32 to index
        %get3A_517 = arith.constant 96 : index
        %get3A_518 = tpu.vector_load %arg8[%get3A_516, %get3A_517] {strides = array<i32>} : memref<128x128xf32, #tpu.memory_space<vmem>>, vector<16xf32>,
        %mul3A_519 = vector.broadcast %squeeze3A_439 : f32 to vector<16xf32>
        %mul3A_520 = arith.mulf %get3A_518, %mul3A_519 : vector<16xf32>
        %swap3A_521 = arith.index_cast %add3A_515 : i32 to index
        %swap3A_522 = arith.constant 96 : index
        %swap3A_523 = tpu.vector_load %arg8[%swap3A_521, %swap3A_522] {strides = array<i32>} : memref<128x128xf32, #tpu.memory_space<vmem>>, vector<16xf32>,
        tpu.vector_store %arg8[%swap3A_521, %swap3A_522], %mul3A_520 {strides = array<i32>} : memref<128x128xf32, #tpu.memory_space<vmem>>, vector<16xf32>,
        %mul3A_524 = arith.constant 16 : i32
        %mul3A_525 = arith.muli %add3A_139, %mul3A_524 : i32
        %add3A_526 = arith.constant 3 : i32
        %add3A_527 = arith.addi %mul3A_525, %add3A_526 : i32
        %get3A_528 = arith.index_cast %add3A_527 : i32 to index
        %get3A_529 = arith.constant 112 : index
        %get3A_530 = tpu.vector_load %arg8[%get3A_528, %get3A_529] {strides = array<i32>} : memref<128x128xf32, #tpu.memory_space<vmem>>, vector<16xf32>,
        %mul3A_531 = vector.broadcast %squeeze3A_439 : f32 to vector<16xf32>
        %mul3A_532 = arith.mulf %get3A_530, %mul3A_531 : vector<16xf32>
        %swap3A_533 = arith.index_cast %add3A_527 : i32 to index
        %swap3A_534 = arith.constant 112 : index
        %swap3A_535 = tpu.vector_load %arg8[%swap3A_533, %swap3A_534] {strides = array<i32>} : memref<128x128xf32, #tpu.memory_space<vmem>>, vector<16xf32>,
        tpu.vector_store %arg8[%swap3A_533, %swap3A_534], %mul3A_532 {strides = array<i32>} : memref<128x128xf32, #tpu.memory_space<vmem>>, vector<16xf32>,
        %slice3A_536 = vector.extract_strided_slice %bitcast3A {offsets = [4], sizes = [1], strides = [1]} : vector<16xf32> to vector<1xf32>
        %squeeze3A_537 = vector.extract %slice3A_536[0] : f32 from vector<1xf32>
        %mul3A_538 = arith.constant 16 : i32
        %mul3A_539 = arith.muli %add3A_139, %mul3A_538 : i32
        %add3A_540 = arith.constant 4 : i32
        %add3A_541 = arith.addi %mul3A_539, %add3A_540 : i32
        %get3A_542 = arith.index_cast %add3A_541 : i32 to index
        %get3A_543 = arith.constant 0 : index
        %get3A_544 = tpu.vector_load %arg8[%get3A_542, %get3A_543] {strides = array<i32>} : memref<128x128xf32, #tpu.memory_space<vmem>>, vector<16xf32>,
        %mul3A_545 = vector.broadcast %squeeze3A_537 : f32 to vector<16xf32>
        %mul3A_546 = arith.mulf %get3A_544, %mul3A_545 : vector<16xf32>
        %swap3A_547 = arith.index_cast %add3A_541 : i32 to index
        %swap3A_548 = arith.constant 0 : index
        %swap3A_549 = tpu.vector_load %arg8[%swap3A_547, %swap3A_548] {strides = array<i32>} : memref<128x128xf32, #tpu.memory_space<vmem>>, vector<16xf32>,
        tpu.vector_store %arg8[%swap3A_547, %swap3A_548], %mul3A_546 {strides = array<i32>} : memref<128x128xf32, #tpu.memory_space<vmem>>, vector<16xf32>,
        %mul3A_550 = arith.constant 16 : i32
        %mul3A_551 = arith.muli %add3A_139, %mul3A_550 : i32
        %add3A_552 = arith.constant 4 : i32
        %add3A_553 = arith.addi %mul3A_551, %add3A_552 : i32
        %get3A_554 = arith.index_cast %add3A_553 : i32 to index
        %get3A_555 = arith.constant 16 : index
        %get3A_556 = tpu.vector_load %arg8[%get3A_554, %get3A_555] {strides = array<i32>} : memref<128x128xf32, #tpu.memory_space<vmem>>, vector<16xf32>,
        %mul3A_557 = vector.broadcast %squeeze3A_537 : f32 to vector<16xf32>
        %mul3A_558 = arith.mulf %get3A_556, %mul3A_557 : vector<16xf32>
        %swap3A_559 = arith.index_cast %add3A_553 : i32 to index
        %swap3A_560 = arith.constant 16 : index
        %swap3A_561 = tpu.vector_load %arg8[%swap3A_559, %swap3A_560] {strides = array<i32>} : memref<128x128xf32, #tpu.memory_space<vmem>>, vector<16xf32>,
        tpu.vector_store %arg8[%swap3A_559, %swap3A_560], %mul3A_558 {strides = array<i32>} : memref<128x128xf32, #tpu.memory_space<vmem>>, vector<16xf32>,
        %mul3A_562 = arith.constant 16 : i32
        %mul3A_563 = arith.muli %add3A_139, %mul3A_562 : i32
        %add3A_564 = arith.constant 4 : i32
        %add3A_565 = arith.addi %mul3A_563, %add3A_564 : i32
        %get3A_566 = arith.index_cast %add3A_565 : i32 to index
        %get3A_567 = arith.constant 32 : index
        %get3A_568 = tpu.vector_load %arg8[%get3A_566, %get3A_567] {strides = array<i32>} : memref<128x128xf32, #tpu.memory_space<vmem>>, vector<16xf32>,
        %mul3A_569 = vector.broadcast %squeeze3A_537 : f32 to vector<16xf32>
        %mul3A_570 = arith.mulf %get3A_568, %mul3A_569 : vector<16xf32>
        %swap3A_571 = arith.index_cast %add3A_565 : i32 to index
        %swap3A_572 = arith.constant 32 : index
        %swap3A_573 = tpu.vector_load %arg8[%swap3A_571, %swap3A_572] {strides = array<i32>} : memref<128x128xf32, #tpu.memory_space<vmem>>, vector<16xf32>,
        tpu.vector_store %arg8[%swap3A_571, %swap3A_572], %mul3A_570 {strides = array<i32>} : memref<128x128xf32, #tpu.memory_space<vmem>>, vector<16xf32>,
        %mul3A_574 = arith.constant 16 : i32
        %mul3A_575 = arith.muli %add3A_139, %mul3A_574 : i32
        %add3A_576 = arith.constant 4 : i32
        %add3A_577 = arith.addi %mul3A_575, %add3A_576 : i32
        %get3A_578 = arith.index_cast %add3A_577 : i32 to index
        %get3A_579 = arith.constant 48 : index
        %get3A_580 = tpu.vector_load %arg8[%get3A_578, %get3A_579] {strides = array<i32>} : memref<128x128xf32, #tpu.memory_space<vmem>>, vector<16xf32>,
        %mul3A_581 = vector.broadcast %squeeze3A_537 : f32 to vector<16xf32>
        %mul3A_582 = arith.mulf %get3A_580, %mul3A_581 : vector<16xf32>
        %swap3A_583 = arith.index_cast %add3A_577 : i32 to index
        %swap3A_584 = arith.constant 48 : index
        %swap3A_585 = tpu.vector_load %arg8[%swap3A_583, %swap3A_584] {strides = array<i32>} : memref<128x128xf32, #tpu.memory_space<vmem>>, vector<16xf32>,
        tpu.vector_store %arg8[%swap3A_583, %swap3A_584], %mul3A_582 {strides = array<i32>} : memref<128x128xf32, #tpu.memory_space<vmem>>, vector<16xf32>,
        %mul3A_586 = arith.constant 16 : i32
        %mul3A_587 = arith.muli %add3A_139, %mul3A_586 : i32
        %add3A_588 = arith.constant 4 : i32
        %add3A_589 = arith.addi %mul3A_587, %add3A_588 : i32
        %get3A_590 = arith.index_cast %add3A_589 : i32 to index
        %get3A_591 = arith.constant 64 : index
        %get3A_592 = tpu.vector_load %arg8[%get3A_590, %get3A_591] {strides = array<i32>} : memref<128x128xf32, #tpu.memory_space<vmem>>, vector<16xf32>,
        %mul3A_593 = vector.broadcast %squeeze3A_537 : f32 to vector<16xf32>
        %mul3A_594 = arith.mulf %get3A_592, %mul3A_593 : vector<16xf32>
        %swap3A_595 = arith.index_cast %add3A_589 : i32 to index
        %swap3A_596 = arith.constant 64 : index
        %swap3A_597 = tpu.vector_load %arg8[%swap3A_595, %swap3A_596] {strides = array<i32>} : memref<128x128xf32, #tpu.memory_space<vmem>>, vector<16xf32>,
        tpu.vector_store %arg8[%swap3A_595, %swap3A_596], %mul3A_594 {strides = array<i32>} : memref<128x128xf32, #tpu.memory_space<vmem>>, vector<16xf32>,
        %mul3A_598 = arith.constant 16 : i32
        %mul3A_599 = arith.muli %add3A_139, %mul3A_598 : i32
        %add3A_600 = arith.constant 4 : i32
        %add3A_601 = arith.addi %mul3A_599, %add3A_600 : i32
        %get3A_602 = arith.index_cast %add3A_601 : i32 to index
        %get3A_603 = arith.constant 80 : index
        %get3A_604 = tpu.vector_load %arg8[%get3A_602, %get3A_603] {strides = array<i32>} : memref<128x128xf32, #tpu.memory_space<vmem>>, vector<16xf32>,
        %mul3A_605 = vector.broadcast %squeeze3A_537 : f32 to vector<16xf32>
        %mul3A_606 = arith.mulf %get3A_604, %mul3A_605 : vector<16xf32>
        %swap3A_607 = arith.index_cast %add3A_601 : i32 to index
        %swap3A_608 = arith.constant 80 : index
        %swap3A_609 = tpu.vector_load %arg8[%swap3A_607, %swap3A_608] {strides = array<i32>} : memref<128x128xf32, #tpu.memory_space<vmem>>, vector<16xf32>,
        tpu.vector_store %arg8[%swap3A_607, %swap3A_608], %mul3A_606 {strides = array<i32>} : memref<128x128xf32, #tpu.memory_space<vmem>>, vector<16xf32>,
        %mul3A_610 = arith.constant 16 : i32
        %mul3A_611 = arith.muli %add3A_139, %mul3A_610 : i32
        %add3A_612 = arith.constant 4 : i32
        %add3A_613 = arith.addi %mul3A_611, %add3A_612 : i32
        %get3A_614 = arith.index_cast %add3A_613 : i32 to index
        %get3A_615 = arith.constant 96 : index
        %get3A_616 = tpu.vector_load %arg8[%get3A_614, %get3A_615] {strides = array<i32>} : memref<128x128xf32, #tpu.memory_space<vmem>>, vector<16xf32>,
        %mul3A_617 = vector.broadcast %squeeze3A_537 : f32 to vector<16xf32>
        %mul3A_618 = arith.mulf %get3A_616, %mul3A_617 : vector<16xf32>
        %swap3A_619 = arith.index_cast %add3A_613 : i32 to index
        %swap3A_620 = arith.constant 96 : index
        %swap3A_621 = tpu.vector_load %arg8[%swap3A_619, %swap3A_620] {strides = array<i32>} : memref<128x128xf32, #tpu.memory_space<vmem>>, vector<16xf32>,
        tpu.vector_store %arg8[%swap3A_619, %swap3A_620], %mul3A_618 {strides = array<i32>} : memref<128x128xf32, #tpu.memory_space<vmem>>, vector<16xf32>,
        %mul3A_622 = arith.constant 16 : i32
        %mul3A_623 = arith.muli %add3A_139, %mul3A_622 : i32
        %add3A_624 = arith.constant 4 : i32
        %add3A_625 = arith.addi %mul3A_623, %add3A_624 : i32
        %get3A_626 = arith.index_cast %add3A_625 : i32 to index
        %get3A_627 = arith.constant 112 : index
        %get3A_628 = tpu.vector_load %arg8[%get3A_626, %get3A_627] {strides = array<i32>} : memref<128x128xf32, #tpu.memory_space<vmem>>, vector<16xf32>,
        %mul3A_629 = vector.broadcast %squeeze3A_537 : f32 to vector<16xf32>
        %mul3A_630 = arith.mulf %get3A_628, %mul3A_629 : vector<16xf32>
        %swap3A_631 = arith.index_cast %add3A_625 : i32 to index
        %swap3A_632 = arith.constant 112 : index
        %swap3A_633 = tpu.vector_load %arg8[%swap3A_631, %swap3A_632] {strides = array<i32>} : memref<128x128xf32, #tpu.memory_space<vmem>>, vector<16xf32>,
        tpu.vector_store %arg8[%swap3A_631, %swap3A_632], %mul3A_630 {strides = array<i32>} : memref<128x128xf32, #tpu.memory_space<vmem>>, vector<16xf32>,
        %slice3A_634 = vector.extract_strided_slice %bitcast3A {offsets = [5], sizes = [1], strides = [1]} : vector<16xf32> to vector<1xf32>
        %squeeze3A_635 = vector.extract %slice3A_634[0] : f32 from vector<1xf32>
        %mul3A_636 = arith.constant 16 : i32
        %mul3A_637 = arith.muli %add3A_139, %mul3A_636 : i32
        %add3A_638 = arith.constant 5 : i32
        %add3A_639 = arith.addi %mul3A_637, %add3A_638 : i32
        %get3A_640 = arith.index_cast %add3A_639 : i32 to index
        %get3A_641 = arith.constant 0 : index
        %get3A_642 = tpu.vector_load %arg8[%get3A_640, %get3A_641] {strides = array<i32>} : memref<128x128xf32, #tpu.memory_space<vmem>>, vector<16xf32>,
        %mul3A_643 = vector.broadcast %squeeze3A_635 : f32 to vector<16xf32>
        %mul3A_644 = arith.mulf %get3A_642, %mul3A_643 : vector<16xf32>
        %swap3A_645 = arith.index_cast %add3A_639 : i32 to index
        %swap3A_646 = arith.constant 0 : index
        %swap3A_647 = tpu.vector_load %arg8[%swap3A_645, %swap3A_646] {strides = array<i32>} : memref<128x128xf32, #tpu.memory_space<vmem>>, vector<16xf32>,
        tpu.vector_store %arg8[%swap3A_645, %swap3A_646], %mul3A_644 {strides = array<i32>} : memref<128x128xf32, #tpu.memory_space<vmem>>, vector<16xf32>,
        %mul3A_648 = arith.constant 16 : i32
        %mul3A_649 = arith.muli %add3A_139, %mul3A_648 : i32
        %add3A_650 = arith.constant 5 : i32
        %add3A_651 = arith.addi %mul3A_649, %add3A_650 : i32
        %get3A_652 = arith.index_cast %add3A_651 : i32 to index
        %get3A_653 = arith.constant 16 : index
        %get3A_654 = tpu.vector_load %arg8[%get3A_652, %get3A_653] {strides = array<i32>} : memref<128x128xf32, #tpu.memory_space<vmem>>, vector<16xf32>,
        %mul3A_655 = vector.broadcast %squeeze3A_635 : f32 to vector<16xf32>
        %mul3A_656 = arith.mulf %get3A_654, %mul3A_655 : vector<16xf32>
        %swap3A_657 = arith.index_cast %add3A_651 : i32 to index
        %swap3A_658 = arith.constant 16 : index
        %swap3A_659 = tpu.vector_load %arg8[%swap3A_657, %swap3A_658] {strides = array<i32>} : memref<128x128xf32, #tpu.memory_space<vmem>>, vector<16xf32>,
        tpu.vector_store %arg8[%swap3A_657, %swap3A_658], %mul3A_656 {strides = array<i32>} : memref<128x128xf32, #tpu.memory_space<vmem>>, vector<16xf32>,
        %mul3A_660 = arith.constant 16 : i32
        %mul3A_661 = arith.muli %add3A_139, %mul3A_660 : i32
        %add3A_662 = arith.constant 5 : i32
        %add3A_663 = arith.addi %mul3A_661, %add3A_662 : i32
        %get3A_664 = arith.index_cast %add3A_663 : i32 to index
        %get3A_665 = arith.constant 32 : index
        %get3A_666 = tpu.vector_load %arg8[%get3A_664, %get3A_665] {strides = array<i32>} : memref<128x128xf32, #tpu.memory_space<vmem>>, vector<16xf32>,
        %mul3A_667 = vector.broadcast %squeeze3A_635 : f32 to vector<16xf32>
        %mul3A_668 = arith.mulf %get3A_666, %mul3A_667 : vector<16xf32>
        %swap3A_669 = arith.index_cast %add3A_663 : i32 to index
        %swap3A_670 = arith.constant 32 : index
        %swap3A_671 = tpu.vector_load %arg8[%swap3A_669, %swap3A_670] {strides = array<i32>} : memref<128x128xf32, #tpu.memory_space<vmem>>, vector<16xf32>,
        tpu.vector_store %arg8[%swap3A_669, %swap3A_670], %mul3A_668 {strides = array<i32>} : memref<128x128xf32, #tpu.memory_space<vmem>>, vector<16xf32>,
        %mul3A_672 = arith.constant 16 : i32
        %mul3A_673 = arith.muli %add3A_139, %mul3A_672 : i32
        %add3A_674 = arith.constant 5 : i32
        %add3A_675 = arith.addi %mul3A_673, %add3A_674 : i32
        %get3A_676 = arith.index_cast %add3A_675 : i32 to index
        %get3A_677 = arith.constant 48 : index
        %get3A_678 = tpu.vector_load %arg8[%get3A_676, %get3A_677] {strides = array<i32>} : memref<128x128xf32, #tpu.memory_space<vmem>>, vector<16xf32>,
        %mul3A_679 = vector.broadcast %squeeze3A_635 : f32 to vector<16xf32>
        %mul3A_680 = arith.mulf %get3A_678, %mul3A_679 : vector<16xf32>
        %swap3A_681 = arith.index_cast %add3A_675 : i32 to index
        %swap3A_682 = arith.constant 48 : index
        %swap3A_683 = tpu.vector_load %arg8[%swap3A_681, %swap3A_682] {strides = array<i32>} : memref<128x128xf32, #tpu.memory_space<vmem>>, vector<16xf32>,
        tpu.vector_store %arg8[%swap3A_681, %swap3A_682], %mul3A_680 {strides = array<i32>} : memref<128x128xf32, #tpu.memory_space<vmem>>, vector<16xf32>,
        %mul3A_684 = arith.constant 16 : i32
        %mul3A_685 = arith.muli %add3A_139, %mul3A_684 : i32
        %add3A_686 = arith.constant 5 : i32
        %add3A_687 = arith.addi %mul3A_685, %add3A_686 : i32
        %get3A_688 = arith.index_cast %add3A_687 : i32 to index
        %get3A_689 = arith.constant 64 : index
        %get3A_690 = tpu.vector_load %arg8[%get3A_688, %get3A_689] {strides = array<i32>} : memref<128x128xf32, #tpu.memory_space<vmem>>, vector<16xf32>,
        %mul3A_691 = vector.broadcast %squeeze3A_635 : f32 to vector<16xf32>
        %mul3A_692 = arith.mulf %get3A_690, %mul3A_691 : vector<16xf32>
        %swap3A_693 = arith.index_cast %add3A_687 : i32 to index
        %swap3A_694 = arith.constant 64 : index
        %swap3A_695 = tpu.vector_load %arg8[%swap3A_693, %swap3A_694] {strides = array<i32>} : memref<128x128xf32, #tpu.memory_space<vmem>>, vector<16xf32>,
        tpu.vector_store %arg8[%swap3A_693, %swap3A_694], %mul3A_692 {strides = array<i32>} : memref<128x128xf32, #tpu.memory_space<vmem>>, vector<16xf32>,
        %mul3A_696 = arith.constant 16 : i32
        %mul3A_697 = arith.muli %add3A_139, %mul3A_696 : i32
        %add3A_698 = arith.constant 5 : i32
        %add3A_699 = arith.addi %mul3A_697, %add3A_698 : i32
        %get3A_700 = arith.index_cast %add3A_699 : i32 to index
        %get3A_701 = arith.constant 80 : index
        %get3A_702 = tpu.vector_load %arg8[%get3A_700, %get3A_701] {strides = array<i32>} : memref<128x128xf32, #tpu.memory_space<vmem>>, vector<16xf32>,
        %mul3A_703 = vector.broadcast %squeeze3A_635 : f32 to vector<16xf32>
        %mul3A_704 = arith.mulf %get3A_702, %mul3A_703 : vector<16xf32>
        %swap3A_705 = arith.index_cast %add3A_699 : i32 to index
        %swap3A_706 = arith.constant 80 : index
        %swap3A_707 = tpu.vector_load %arg8[%swap3A_705, %swap3A_706] {strides = array<i32>} : memref<128x128xf32, #tpu.memory_space<vmem>>, vector<16xf32>,
        tpu.vector_store %arg8[%swap3A_705, %swap3A_706], %mul3A_704 {strides = array<i32>} : memref<128x128xf32, #tpu.memory_space<vmem>>, vector<16xf32>,
        %mul3A_708 = arith.constant 16 : i32
        %mul3A_709 = arith.muli %add3A_139, %mul3A_708 : i32
        %add3A_710 = arith.constant 5 : i32
        %add3A_711 = arith.addi %mul3A_709, %add3A_710 : i32
        %get3A_712 = arith.index_cast %add3A_711 : i32 to index
        %get3A_713 = arith.constant 96 : index
        %get3A_714 = tpu.vector_load %arg8[%get3A_712, %get3A_713] {strides = array<i32>} : memref<128x128xf32, #tpu.memory_space<vmem>>, vector<16xf32>,
        %mul3A_715 = vector.broadcast %squeeze3A_635 : f32 to vector<16xf32>
        %mul3A_716 = arith.mulf %get3A_714, %mul3A_715 : vector<16xf32>
        %swap3A_717 = arith.index_cast %add3A_711 : i32 to index
        %swap3A_718 = arith.constant 96 : index
        %swap3A_719 = tpu.vector_load %arg8[%swap3A_717, %swap3A_718] {strides = array<i32>} : memref<128x128xf32, #tpu.memory_space<vmem>>, vector<16xf32>,
        tpu.vector_store %arg8[%swap3A_717, %swap3A_718], %mul3A_716 {strides = array<i32>} : memref<128x128xf32, #tpu.memory_space<vmem>>, vector<16xf32>,
        %mul3A_720 = arith.constant 16 : i32
        %mul3A_721 = arith.muli %add3A_139, %mul3A_720 : i32
        %add3A_722 = arith.constant 5 : i32
        %add3A_723 = arith.addi %mul3A_721, %add3A_722 : i32
        %get3A_724 = arith.index_cast %add3A_723 : i32 to index
        %get3A_725 = arith.constant 112 : index
        %get3A_726 = tpu.vector_load %arg8[%get3A_724, %get3A_725] {strides = array<i32>} : memref<128x128xf32, #tpu.memory_space<vmem>>, vector<16xf32>,
        %mul3A_727 = vector.broadcast %squeeze3A_635 : f32 to vector<16xf32>
        %mul3A_728 = arith.mulf %get3A_726, %mul3A_727 : vector<16xf32>
        %swap3A_729 = arith.index_cast %add3A_723 : i32 to index
        %swap3A_730 = arith.constant 112 : index
        %swap3A_731 = tpu.vector_load %arg8[%swap3A_729, %swap3A_730] {strides = array<i32>} : memref<128x128xf32, #tpu.memory_space<vmem>>, vector<16xf32>,
        tpu.vector_store %arg8[%swap3A_729, %swap3A_730], %mul3A_728 {strides = array<i32>} : memref<128x128xf32, #tpu.memory_space<vmem>>, vector<16xf32>,
        %slice3A_732 = vector.extract_strided_slice %bitcast3A {offsets = [6], sizes = [1], strides = [1]} : vector<16xf32> to vector<1xf32>
        %squeeze3A_733 = vector.extract %slice3A_732[0] : f32 from vector<1xf32>
        %mul3A_734 = arith.constant 16 : i32
        %mul3A_735 = arith.muli %add3A_139, %mul3A_734 : i32
        %add3A_736 = arith.constant 6 : i32
        %add3A_737 = arith.addi %mul3A_735, %add3A_736 : i32
        %get3A_738 = arith.index_cast %add3A_737 : i32 to index
        %get3A_739 = arith.constant 0 : index
        %get3A_740 = tpu.vector_load %arg8[%get3A_738, %get3A_739] {strides = array<i32>} : memref<128x128xf32, #tpu.memory_space<vmem>>, vector<16xf32>,
        %mul3A_741 = vector.broadcast %squeeze3A_733 : f32 to vector<16xf32>
        %mul3A_742 = arith.mulf %get3A_740, %mul3A_741 : vector<16xf32>
        %swap3A_743 = arith.index_cast %add3A_737 : i32 to index
        %swap3A_744 = arith.constant 0 : index
        %swap3A_745 = tpu.vector_load %arg8[%swap3A_743, %swap3A_744] {strides = array<i32>} : memref<128x128xf32, #tpu.memory_space<vmem>>, vector<16xf32>,
        tpu.vector_store %arg8[%swap3A_743, %swap3A_744], %mul3A_742 {strides = array<i32>} : memref<128x128xf32, #tpu.memory_space<vmem>>, vector<16xf32>,
        %mul3A_746 = arith.constant 16 : i32
        %mul3A_747 = arith.muli %add3A_139, %mul3A_746 : i32
        %add3A_748 = arith.constant 6 : i32
        %add3A_749 = arith.addi %mul3A_747, %add3A_748 : i32
        %get3A_750 = arith.index_cast %add3A_749 : i32 to index
        %get3A_751 = arith.constant 16 : index
        %get3A_752 = tpu.vector_load %arg8[%get3A_750, %get3A_751] {strides = array<i32>} : memref<128x128xf32, #tpu.memory_space<vmem>>, vector<16xf32>,
        %mul3A_753 = vector.broadcast %squeeze3A_733 : f32 to vector<16xf32>
        %mul3A_754 = arith.mulf %get3A_752, %mul3A_753 : vector<16xf32>
        %swap3A_755 = arith.index_cast %add3A_749 : i32 to index
        %swap3A_756 = arith.constant 16 : index
        %swap3A_757 = tpu.vector_load %arg8[%swap3A_755, %swap3A_756] {strides = array<i32>} : memref<128x128xf32, #tpu.memory_space<vmem>>, vector<16xf32>,
        tpu.vector_store %arg8[%swap3A_755, %swap3A_756], %mul3A_754 {strides = array<i32>} : memref<128x128xf32, #tpu.memory_space<vmem>>, vector<16xf32>,
        %mul3A_758 = arith.constant 16 : i32
        %mul3A_759 = arith.muli %add3A_139, %mul3A_758 : i32
        %add3A_760 = arith.constant 6 : i32
        %add3A_761 = arith.addi %mul3A_759, %add3A_760 : i32
        %get3A_762 = arith.index_cast %add3A_761 : i32 to index
        %get3A_763 = arith.constant 32 : index
        %get3A_764 = tpu.vector_load %arg8[%get3A_762, %get3A_763] {strides = array<i32>} : memref<128x128xf32, #tpu.memory_space<vmem>>, vector<16xf32>,
        %mul3A_765 = vector.broadcast %squeeze3A_733 : f32 to vector<16xf32>
        %mul3A_766 = arith.mulf %get3A_764, %mul3A_765 : vector<16xf32>
        %swap3A_767 = arith.index_cast %add3A_761 : i32 to index
        %swap3A_768 = arith.constant 32 : index
        %swap3A_769 = tpu.vector_load %arg8[%swap3A_767, %swap3A_768] {strides = array<i32>} : memref<128x128xf32, #tpu.memory_space<vmem>>, vector<16xf32>,
        tpu.vector_store %arg8[%swap3A_767, %swap3A_768], %mul3A_766 {strides = array<i32>} : memref<128x128xf32, #tpu.memory_space<vmem>>, vector<16xf32>,
        %mul3A_770 = arith.constant 16 : i32
        %mul3A_771 = arith.muli %add3A_139, %mul3A_770 : i32
        %add3A_772 = arith.constant 6 : i32
        %add3A_773 = arith.addi %mul3A_771, %add3A_772 : i32
        %get3A_774 = arith.index_cast %add3A_773 : i32 to index
        %get3A_775 = arith.constant 48 : index
        %get3A_776 = tpu.vector_load %arg8[%get3A_774, %get3A_775] {strides = array<i32>} : memref<128x128xf32, #tpu.memory_space<vmem>>, vector<16xf32>,
        %mul3A_777 = vector.broadcast %squeeze3A_733 : f32 to vector<16xf32>
        %mul3A_778 = arith.mulf %get3A_776, %mul3A_777 : vector<16xf32>
        %swap3A_779 = arith.index_cast %add3A_773 : i32 to index
        %swap3A_780 = arith.constant 48 : index
        %swap3A_781 = tpu.vector_load %arg8[%swap3A_779, %swap3A_780] {strides = array<i32>} : memref<128x128xf32, #tpu.memory_space<vmem>>, vector<16xf32>,
        tpu.vector_store %arg8[%swap3A_779, %swap3A_780], %mul3A_778 {strides = array<i32>} : memref<128x128xf32, #tpu.memory_space<vmem>>, vector<16xf32>,
        %mul3A_782 = arith.constant 16 : i32
        %mul3A_783 = arith.muli %add3A_139, %mul3A_782 : i32
        %add3A_784 = arith.constant 6 : i32
        %add3A_785 = arith.addi %mul3A_783, %add3A_784 : i32
        %get3A_786 = arith.index_cast %add3A_785 : i32 to index
        %get3A_787 = arith.constant 64 : index
        %get3A_788 = tpu.vector_load %arg8[%get3A_786, %get3A_787] {strides = array<i32>} : memref<128x128xf32, #tpu.memory_space<vmem>>, vector<16xf32>,
        %mul3A_789 = vector.broadcast %squeeze3A_733 : f32 to vector<16xf32>
        %mul3A_790 = arith.mulf %get3A_788, %mul3A_789 : vector<16xf32>
        %swap3A_791 = arith.index_cast %add3A_785 : i32 to index
        %swap3A_792 = arith.constant 64 : index
        %swap3A_793 = tpu.vector_load %arg8[%swap3A_791, %swap3A_792] {strides = array<i32>} : memref<128x128xf32, #tpu.memory_space<vmem>>, vector<16xf32>,
        tpu.vector_store %arg8[%swap3A_791, %swap3A_792], %mul3A_790 {strides = array<i32>} : memref<128x128xf32, #tpu.memory_space<vmem>>, vector<16xf32>,
        %mul3A_794 = arith.constant 16 : i32
        %mul3A_795 = arith.muli %add3A_139, %mul3A_794 : i32
        %add3A_796 = arith.constant 6 : i32
        %add3A_797 = arith.addi %mul3A_795, %add3A_796 : i32
        %get3A_798 = arith.index_cast %add3A_797 : i32 to index
        %get3A_799 = arith.constant 80 : index
        %get3A_800 = tpu.vector_load %arg8[%get3A_798, %get3A_799] {strides = array<i32>} : memref<128x128xf32, #tpu.memory_space<vmem>>, vector<16xf32>,
        %mul3A_801 = vector.broadcast %squeeze3A_733 : f32 to vector<16xf32>
        %mul3A_802 = arith.mulf %get3A_800, %mul3A_801 : vector<16xf32>
        %swap3A_803 = arith.index_cast %add3A_797 : i32 to index
        %swap3A_804 = arith.constant 80 : index
        %swap3A_805 = tpu.vector_load %arg8[%swap3A_803, %swap3A_804] {strides = array<i32>} : memref<128x128xf32, #tpu.memory_space<vmem>>, vector<16xf32>,
        tpu.vector_store %arg8[%swap3A_803, %swap3A_804], %mul3A_802 {strides = array<i32>} : memref<128x128xf32, #tpu.memory_space<vmem>>, vector<16xf32>,
        %mul3A_806 = arith.constant 16 : i32
        %mul3A_807 = arith.muli %add3A_139, %mul3A_806 : i32
        %add3A_808 = arith.constant 6 : i32
        %add3A_809 = arith.addi %mul3A_807, %add3A_808 : i32
        %get3A_810 = arith.index_cast %add3A_809 : i32 to index
        %get3A_811 = arith.constant 96 : index
        %get3A_812 = tpu.vector_load %arg8[%get3A_810, %get3A_811] {strides = array<i32>} : memref<128x128xf32, #tpu.memory_space<vmem>>, vector<16xf32>,
        %mul3A_813 = vector.broadcast %squeeze3A_733 : f32 to vector<16xf32>
        %mul3A_814 = arith.mulf %get3A_812, %mul3A_813 : vector<16xf32>
        %swap3A_815 = arith.index_cast %add3A_809 : i32 to index
        %swap3A_816 = arith.constant 96 : index
        %swap3A_817 = tpu.vector_load %arg8[%swap3A_815, %swap3A_816] {strides = array<i32>} : memref<128x128xf32, #tpu.memory_space<vmem>>, vector<16xf32>,
        tpu.vector_store %arg8[%swap3A_815, %swap3A_816], %mul3A_814 {strides = array<i32>} : memref<128x128xf32, #tpu.memory_space<vmem>>, vector<16xf32>,
        %mul3A_818 = arith.constant 16 : i32
        %mul3A_819 = arith.muli %add3A_139, %mul3A_818 : i32
        %add3A_820 = arith.constant 6 : i32
        %add3A_821 = arith.addi %mul3A_819, %add3A_820 : i32
        %get3A_822 = arith.index_cast %add3A_821 : i32 to index
        %get3A_823 = arith.constant 112 : index
        %get3A_824 = tpu.vector_load %arg8[%get3A_822, %get3A_823] {strides = array<i32>} : memref<128x128xf32, #tpu.memory_space<vmem>>, vector<16xf32>,
        %mul3A_825 = vector.broadcast %squeeze3A_733 : f32 to vector<16xf32>
        %mul3A_826 = arith.mulf %get3A_824, %mul3A_825 : vector<16xf32>
        %swap3A_827 = arith.index_cast %add3A_821 : i32 to index
        %swap3A_828 = arith.constant 112 : index
        %swap3A_829 = tpu.vector_load %arg8[%swap3A_827, %swap3A_828] {strides = array<i32>} : memref<128x128xf32, #tpu.memory_space<vmem>>, vector<16xf32>,
        tpu.vector_store %arg8[%swap3A_827, %swap3A_828], %mul3A_826 {strides = array<i32>} : memref<128x128xf32, #tpu.memory_space<vmem>>, vector<16xf32>,
        %slice3A_830 = vector.extract_strided_slice %bitcast3A {offsets = [7], sizes = [1], strides = [1]} : vector<16xf32> to vector<1xf32>
        %squeeze3A_831 = vector.extract %slice3A_830[0] : f32 from vector<1xf32>
        %mul3A_832 = arith.constant 16 : i32
        %mul3A_833 = arith.muli %add3A_139, %mul3A_832 : i32
        %add3A_834 = arith.constant 7 : i32
        %add3A_835 = arith.addi %mul3A_833, %add3A_834 : i32
        %get3A_836 = arith.index_cast %add3A_835 : i32 to index
        %get3A_837 = arith.constant 0 : index
        %get3A_838 = tpu.vector_load %arg8[%get3A_836, %get3A_837] {strides = array<i32>} : memref<128x128xf32, #tpu.memory_space<vmem>>, vector<16xf32>,
        %mul3A_839 = vector.broadcast %squeeze3A_831 : f32 to vector<16xf32>
        %mul3A_840 = arith.mulf %get3A_838, %mul3A_839 : vector<16xf32>
        %swap3A_841 = arith.index_cast %add3A_835 : i32 to index
        %swap3A_842 = arith.constant 0 : index
        %swap3A_843 = tpu.vector_load %arg8[%swap3A_841, %swap3A_842] {strides = array<i32>} : memref<128x128xf32, #tpu.memory_space<vmem>>, vector<16xf32>,
        tpu.vector_store %arg8[%swap3A_841, %swap3A_842], %mul3A_840 {strides = array<i32>} : memref<128x128xf32, #tpu.memory_space<vmem>>, vector<16xf32>,
        %mul3A_844 = arith.constant 16 : i32
        %mul3A_845 = arith.muli %add3A_139, %mul3A_844 : i32
        %add3A_846 = arith.constant 7 : i32
        %add3A_847 = arith.addi %mul3A_845, %add3A_846 : i32
        %get3A_848 = arith.index_cast %add3A_847 : i32 to index
        %get3A_849 = arith.constant 16 : index
        %get3A_850 = tpu.vector_load %arg8[%get3A_848, %get3A_849] {strides = array<i32>} : memref<128x128xf32, #tpu.memory_space<vmem>>, vector<16xf32>,
        %mul3A_851 = vector.broadcast %squeeze3A_831 : f32 to vector<16xf32>
        %mul3A_852 = arith.mulf %get3A_850, %mul3A_851 : vector<16xf32>
        %swap3A_853 = arith.index_cast %add3A_847 : i32 to index
        %swap3A_854 = arith.constant 16 : index
        %swap3A_855 = tpu.vector_load %arg8[%swap3A_853, %swap3A_854] {strides = array<i32>} : memref<128x128xf32, #tpu.memory_space<vmem>>, vector<16xf32>,
        tpu.vector_store %arg8[%swap3A_853, %swap3A_854], %mul3A_852 {strides = array<i32>} : memref<128x128xf32, #tpu.memory_space<vmem>>, vector<16xf32>,
        %mul3A_856 = arith.constant 16 : i32
        %mul3A_857 = arith.muli %add3A_139, %mul3A_856 : i32
        %add3A_858 = arith.constant 7 : i32
        %add3A_859 = arith.addi %mul3A_857, %add3A_858 : i32
        %get3A_860 = arith.index_cast %add3A_859 : i32 to index
        %get3A_861 = arith.constant 32 : index
        %get3A_862 = tpu.vector_load %arg8[%get3A_860, %get3A_861] {strides = array<i32>} : memref<128x128xf32, #tpu.memory_space<vmem>>, vector<16xf32>,
        %mul3A_863 = vector.broadcast %squeeze3A_831 : f32 to vector<16xf32>
        %mul3A_864 = arith.mulf %get3A_862, %mul3A_863 : vector<16xf32>
        %swap3A_865 = arith.index_cast %add3A_859 : i32 to index
        %swap3A_866 = arith.constant 32 : index
        %swap3A_867 = tpu.vector_load %arg8[%swap3A_865, %swap3A_866] {strides = array<i32>} : memref<128x128xf32, #tpu.memory_space<vmem>>, vector<16xf32>,
        tpu.vector_store %arg8[%swap3A_865, %swap3A_866], %mul3A_864 {strides = array<i32>} : memref<128x128xf32, #tpu.memory_space<vmem>>, vector<16xf32>,
        %mul3A_868 = arith.constant 16 : i32
        %mul3A_869 = arith.muli %add3A_139, %mul3A_868 : i32
        %add3A_870 = arith.constant 7 : i32
        %add3A_871 = arith.addi %mul3A_869, %add3A_870 : i32
        %get3A_872 = arith.index_cast %add3A_871 : i32 to index
        %get3A_873 = arith.constant 48 : index
        %get3A_874 = tpu.vector_load %arg8[%get3A_872, %get3A_873] {strides = array<i32>} : memref<128x128xf32, #tpu.memory_space<vmem>>, vector<16xf32>,
        %mul3A_875 = vector.broadcast %squeeze3A_831 : f32 to vector<16xf32>
        %mul3A_876 = arith.mulf %get3A_874, %mul3A_875 : vector<16xf32>
        %swap3A_877 = arith.index_cast %add3A_871 : i32 to index
        %swap3A_878 = arith.constant 48 : index
        %swap3A_879 = tpu.vector_load %arg8[%swap3A_877, %swap3A_878] {strides = array<i32>} : memref<128x128xf32, #tpu.memory_space<vmem>>, vector<16xf32>,
        tpu.vector_store %arg8[%swap3A_877, %swap3A_878], %mul3A_876 {strides = array<i32>} : memref<128x128xf32, #tpu.memory_space<vmem>>, vector<16xf32>,
        %mul3A_880 = arith.constant 16 : i32
        %mul3A_881 = arith.muli %add3A_139, %mul3A_880 : i32
        %add3A_882 = arith.constant 7 : i32
        %add3A_883 = arith.addi %mul3A_881, %add3A_882 : i32
        %get3A_884 = arith.index_cast %add3A_883 : i32 to index
        %get3A_885 = arith.constant 64 : index
        %get3A_886 = tpu.vector_load %arg8[%get3A_884, %get3A_885] {strides = array<i32>} : memref<128x128xf32, #tpu.memory_space<vmem>>, vector<16xf32>,
        %mul3A_887 = vector.broadcast %squeeze3A_831 : f32 to vector<16xf32>
        %mul3A_888 = arith.mulf %get3A_886, %mul3A_887 : vector<16xf32>
        %swap3A_889 = arith.index_cast %add3A_883 : i32 to index
        %swap3A_890 = arith.constant 64 : index
        %swap3A_891 = tpu.vector_load %arg8[%swap3A_889, %swap3A_890] {strides = array<i32>} : memref<128x128xf32, #tpu.memory_space<vmem>>, vector<16xf32>,
        tpu.vector_store %arg8[%swap3A_889, %swap3A_890], %mul3A_888 {strides = array<i32>} : memref<128x128xf32, #tpu.memory_space<vmem>>, vector<16xf32>,
        %mul3A_892 = arith.constant 16 : i32
        %mul3A_893 = arith.muli %add3A_139, %mul3A_892 : i32
        %add3A_894 = arith.constant 7 : i32
        %add3A_895 = arith.addi %mul3A_893, %add3A_894 : i32
        %get3A_896 = arith.index_cast %add3A_895 : i32 to index
        %get3A_897 = arith.constant 80 : index
        %get3A_898 = tpu.vector_load %arg8[%get3A_896, %get3A_897] {strides = array<i32>} : memref<128x128xf32, #tpu.memory_space<vmem>>, vector<16xf32>,
        %mul3A_899 = vector.broadcast %squeeze3A_831 : f32 to vector<16xf32>
        %mul3A_900 = arith.mulf %get3A_898, %mul3A_899 : vector<16xf32>
        %swap3A_901 = arith.index_cast %add3A_895 : i32 to index
        %swap3A_902 = arith.constant 80 : index
        %swap3A_903 = tpu.vector_load %arg8[%swap3A_901, %swap3A_902] {strides = array<i32>} : memref<128x128xf32, #tpu.memory_space<vmem>>, vector<16xf32>,
        tpu.vector_store %arg8[%swap3A_901, %swap3A_902], %mul3A_900 {strides = array<i32>} : memref<128x128xf32, #tpu.memory_space<vmem>>, vector<16xf32>,
        %mul3A_904 = arith.constant 16 : i32
        %mul3A_905 = arith.muli %add3A_139, %mul3A_904 : i32
        %add3A_906 = arith.constant 7 : i32
        %add3A_907 = arith.addi %mul3A_905, %add3A_906 : i32
        %get3A_908 = arith.index_cast %add3A_907 : i32 to index
        %get3A_909 = arith.constant 96 : index
        %get3A_910 = tpu.vector_load %arg8[%get3A_908, %get3A_909] {strides = array<i32>} : memref<128x128xf32, #tpu.memory_space<vmem>>, vector<16xf32>,
        %mul3A_911 = vector.broadcast %squeeze3A_831 : f32 to vector<16xf32>
        %mul3A_912 = arith.mulf %get3A_910, %mul3A_911 : vector<16xf32>
        %swap3A_913 = arith.index_cast %add3A_907 : i32 to index
        %swap3A_914 = arith.constant 96 : index
        %swap3A_915 = tpu.vector_load %arg8[%swap3A_913, %swap3A_914] {strides = array<i32>} : memref<128x128xf32, #tpu.memory_space<vmem>>, vector<16xf32>,
        tpu.vector_store %arg8[%swap3A_913, %swap3A_914], %mul3A_912 {strides = array<i32>} : memref<128x128xf32, #tpu.memory_space<vmem>>, vector<16xf32>,
        %mul3A_916 = arith.constant 16 : i32
        %mul3A_917 = arith.muli %add3A_139, %mul3A_916 : i32
        %add3A_918 = arith.constant 7 : i32
        %add3A_919 = arith.addi %mul3A_917, %add3A_918 : i32
        %get3A_920 = arith.index_cast %add3A_919 : i32 to index
        %get3A_921 = arith.constant 112 : index
        %get3A_922 = tpu.vector_load %arg8[%get3A_920, %get3A_921] {strides = array<i32>} : memref<128x128xf32, #tpu.memory_space<vmem>>, vector<16xf32>,
        %mul3A_923 = vector.broadcast %squeeze3A_831 : f32 to vector<16xf32>
        %mul3A_924 = arith.mulf %get3A_922, %mul3A_923 : vector<16xf32>
        %swap3A_925 = arith.index_cast %add3A_919 : i32 to index
        %swap3A_926 = arith.constant 112 : index
        %swap3A_927 = tpu.vector_load %arg8[%swap3A_925, %swap3A_926] {strides = array<i32>} : memref<128x128xf32, #tpu.memory_space<vmem>>, vector<16xf32>,
        tpu.vector_store %arg8[%swap3A_925, %swap3A_926], %mul3A_924 {strides = array<i32>} : memref<128x128xf32, #tpu.memory_space<vmem>>, vector<16xf32>,
        %slice3A_928 = vector.extract_strided_slice %bitcast3A {offsets = [8], sizes = [1], strides = [1]} : vector<16xf32> to vector<1xf32>
        %squeeze3A_929 = vector.extract %slice3A_928[0] : f32 from vector<1xf32>
        %mul3A_930 = arith.constant 16 : i32
        %mul3A_931 = arith.muli %add3A_139, %mul3A_930 : i32
        %add3A_932 = arith.constant 8 : i32
        %add3A_933 = arith.addi %mul3A_931, %add3A_932 : i32
        %get3A_934 = arith.index_cast %add3A_933 : i32 to index
        %get3A_935 = arith.constant 0 : index
        %get3A_936 = tpu.vector_load %arg8[%get3A_934, %get3A_935] {strides = array<i32>} : memref<128x128xf32, #tpu.memory_space<vmem>>, vector<16xf32>,
        %mul3A_937 = vector.broadcast %squeeze3A_929 : f32 to vector<16xf32>
        %mul3A_938 = arith.mulf %get3A_936, %mul3A_937 : vector<16xf32>
        %swap3A_939 = arith.index_cast %add3A_933 : i32 to index
        %swap3A_940 = arith.constant 0 : index
        %swap3A_941 = tpu.vector_load %arg8[%swap3A_939, %swap3A_940] {strides = array<i32>} : memref<128x128xf32, #tpu.memory_space<vmem>>, vector<16xf32>,
        tpu.vector_store %arg8[%swap3A_939, %swap3A_940], %mul3A_938 {strides = array<i32>} : memref<128x128xf32, #tpu.memory_space<vmem>>, vector<16xf32>,
        %mul3A_942 = arith.constant 16 : i32
        %mul3A_943 = arith.muli %add3A_139, %mul3A_942 : i32
        %add3A_944 = arith.constant 8 : i32
        %add3A_945 = arith.addi %mul3A_943, %add3A_944 : i32
        %get3A_946 = arith.index_cast %add3A_945 : i32 to index
        %get3A_947 = arith.constant 16 : index
        %get3A_948 = tpu.vector_load %arg8[%get3A_946, %get3A_947] {strides = array<i32>} : memref<128x128xf32, #tpu.memory_space<vmem>>, vector<16xf32>,
        %mul3A_949 = vector.broadcast %squeeze3A_929 : f32 to vector<16xf32>
        %mul3A_950 = arith.mulf %get3A_948, %mul3A_949 : vector<16xf32>
        %swap3A_951 = arith.index_cast %add3A_945 : i32 to index
        %swap3A_952 = arith.constant 16 : index
        %swap3A_953 = tpu.vector_load %arg8[%swap3A_951, %swap3A_952] {strides = array<i32>} : memref<128x128xf32, #tpu.memory_space<vmem>>, vector<16xf32>,
        tpu.vector_store %arg8[%swap3A_951, %swap3A_952], %mul3A_950 {strides = array<i32>} : memref<128x128xf32, #tpu.memory_space<vmem>>, vector<16xf32>,
        %mul3A_954 = arith.constant 16 : i32
        %mul3A_955 = arith.muli %add3A_139, %mul3A_954 : i32
        %add3A_956 = arith.constant 8 : i32
        %add3A_957 = arith.addi %mul3A_955, %add3A_956 : i32
        %get3A_958 = arith.index_cast %add3A_957 : i32 to index
        %get3A_959 = arith.constant 32 : index
        %get3A_960 = tpu.vector_load %arg8[%get3A_958, %get3A_959] {strides = array<i32>} : memref<128x128xf32, #tpu.memory_space<vmem>>, vector<16xf32>,
        %mul3A_961 = vector.broadcast %squeeze3A_929 : f32 to vector<16xf32>
        %mul3A_962 = arith.mulf %get3A_960, %mul3A_961 : vector<16xf32>
        %swap3A_963 = arith.index_cast %add3A_957 : i32 to index
        %swap3A_964 = arith.constant 32 : index
        %swap3A_965 = tpu.vector_load %arg8[%swap3A_963, %swap3A_964] {strides = array<i32>} : memref<128x128xf32, #tpu.memory_space<vmem>>, vector<16xf32>,
        tpu.vector_store %arg8[%swap3A_963, %swap3A_964], %mul3A_962 {strides = array<i32>} : memref<128x128xf32, #tpu.memory_space<vmem>>, vector<16xf32>,
        %mul3A_966 = arith.constant 16 : i32
        %mul3A_967 = arith.muli %add3A_139, %mul3A_966 : i32
        %add3A_968 = arith.constant 8 : i32
        %add3A_969 = arith.addi %mul3A_967, %add3A_968 : i32
        %get3A_970 = arith.index_cast %add3A_969 : i32 to index
        %get3A_971 = arith.constant 48 : index
        %get3A_972 = tpu.vector_load %arg8[%get3A_970, %get3A_971] {strides = array<i32>} : memref<128x128xf32, #tpu.memory_space<vmem>>, vector<16xf32>,
        %mul3A_973 = vector.broadcast %squeeze3A_929 : f32 to vector<16xf32>
        %mul3A_974 = arith.mulf %get3A_972, %mul3A_973 : vector<16xf32>
        %swap3A_975 = arith.index_cast %add3A_969 : i32 to index
        %swap3A_976 = arith.constant 48 : index
        %swap3A_977 = tpu.vector_load %arg8[%swap3A_975, %swap3A_976] {strides = array<i32>} : memref<128x128xf32, #tpu.memory_space<vmem>>, vector<16xf32>,
        tpu.vector_store %arg8[%swap3A_975, %swap3A_976], %mul3A_974 {strides = array<i32>} : memref<128x128xf32, #tpu.memory_space<vmem>>, vector<16xf32>,
        %mul3A_978 = arith.constant 16 : i32
        %mul3A_979 = arith.muli %add3A_139, %mul3A_978 : i32
        %add3A_980 = arith.constant 8 : i32
        %add3A_981 = arith.addi %mul3A_979, %add3A_980 : i32
        %get3A_982 = arith.index_cast %add3A_981 : i32 to index
        %get3A_983 = arith.constant 64 : index
        %get3A_984 = tpu.vector_load %arg8[%get3A_982, %get3A_983] {strides = array<i32>} : memref<128x128xf32, #tpu.memory_space<vmem>>, vector<16xf32>,
        %mul3A_985 = vector.broadcast %squeeze3A_929 : f32 to vector<16xf32>
        %mul3A_986 = arith.mulf %get3A_984, %mul3A_985 : vector<16xf32>
        %swap3A_987 = arith.index_cast %add3A_981 : i32 to index
        %swap3A_988 = arith.constant 64 : index
        %swap3A_989 = tpu.vector_load %arg8[%swap3A_987, %swap3A_988] {strides = array<i32>} : memref<128x128xf32, #tpu.memory_space<vmem>>, vector<16xf32>,
        tpu.vector_store %arg8[%swap3A_987, %swap3A_988], %mul3A_986 {strides = array<i32>} : memref<128x128xf32, #tpu.memory_space<vmem>>, vector<16xf32>,
        %mul3A_990 = arith.constant 16 : i32
        %mul3A_991 = arith.muli %add3A_139, %mul3A_990 : i32
        %add3A_992 = arith.constant 8 : i32
        %add3A_993 = arith.addi %mul3A_991, %add3A_992 : i32
        %get3A_994 = arith.index_cast %add3A_993 : i32 to index
        %get3A_995 = arith.constant 80 : index
        %get3A_996 = tpu.vector_load %arg8[%get3A_994, %get3A_995] {strides = array<i32>} : memref<128x128xf32, #tpu.memory_space<vmem>>, vector<16xf32>,
        %mul3A_997 = vector.broadcast %squeeze3A_929 : f32 to vector<16xf32>
        %mul3A_998 = arith.mulf %get3A_996, %mul3A_997 : vector<16xf32>
        %swap3A_999 = arith.index_cast %add3A_993 : i32 to index
        %swap3A_1000 = arith.constant 80 : index
        %swap3A_1001 = tpu.vector_load %arg8[%swap3A_999, %swap3A_1000] {strides = array<i32>} : memref<128x128xf32, #tpu.memory_space<vmem>>, vector<16xf32>,
        tpu.vector_store %arg8[%swap3A_999, %swap3A_1000], %mul3A_998 {strides = array<i32>} : memref<128x128xf32, #tpu.memory_space<vmem>>, vector<16xf32>,
        %mul3A_1002 = arith.constant 16 : i32
        %mul3A_1003 = arith.muli %add3A_139, %mul3A_1002 : i32
        %add3A_1004 = arith.constant 8 : i32
        %add3A_1005 = arith.addi %mul3A_1003, %add3A_1004 : i32
        %get3A_1006 = arith.index_cast %add3A_1005 : i32 to index
        %get3A_1007 = arith.constant 96 : index
        %get3A_1008 = tpu.vector_load %arg8[%get3A_1006, %get3A_1007] {strides = array<i32>} : memref<128x128xf32, #tpu.memory_space<vmem>>, vector<16xf32>,
        %mul3A_1009 = vector.broadcast %squeeze3A_929 : f32 to vector<16xf32>
        %mul3A_1010 = arith.mulf %get3A_1008, %mul3A_1009 : vector<16xf32>
        %swap3A_1011 = arith.index_cast %add3A_1005 : i32 to index
        %swap3A_1012 = arith.constant 96 : index
        %swap3A_1013 = tpu.vector_load %arg8[%swap3A_1011, %swap3A_1012] {strides = array<i32>} : memref<128x128xf32, #tpu.memory_space<vmem>>, vector<16xf32>,
        tpu.vector_store %arg8[%swap3A_1011, %swap3A_1012], %mul3A_1010 {strides = array<i32>} : memref<128x128xf32, #tpu.memory_space<vmem>>, vector<16xf32>,
        %mul3A_1014 = arith.constant 16 : i32
        %mul3A_1015 = arith.muli %add3A_139, %mul3A_1014 : i32
        %add3A_1016 = arith.constant 8 : i32
        %add3A_1017 = arith.addi %mul3A_1015, %add3A_1016 : i32
        %get3A_1018 = arith.index_cast %add3A_1017 : i32 to index
        %get3A_1019 = arith.constant 112 : index
        %get3A_1020 = tpu.vector_load %arg8[%get3A_1018, %get3A_1019] {strides = array<i32>} : memref<128x128xf32, #tpu.memory_space<vmem>>, vector<16xf32>,
        %mul3A_1021 = vector.broadcast %squeeze3A_929 : f32 to vector<16xf32>
        %mul3A_1022 = arith.mulf %get3A_1020, %mul3A_1021 : vector<16xf32>
        %swap3A_1023 = arith.index_cast %add3A_1017 : i32 to index
        %swap3A_1024 = arith.constant 112 : index
        %swap3A_1025 = tpu.vector_load %arg8[%swap3A_1023, %swap3A_1024] {strides = array<i32>} : memref<128x128xf32, #tpu.memory_space<vmem>>, vector<16xf32>,
        tpu.vector_store %arg8[%swap3A_1023, %swap3A_1024], %mul3A_1022 {strides = array<i32>} : memref<128x128xf32, #tpu.memory_space<vmem>>, vector<16xf32>,
        %slice3A_1026 = vector.extract_strided_slice %bitcast3A {offsets = [9], sizes = [1], strides = [1]} : vector<16xf32> to vector<1xf32>
        %squeeze3A_1027 = vector.extract %slice3A_1026[0] : f32 from vector<1xf32>
        %mul3A_1028 = arith.constant 16 : i32
        %mul3A_1029 = arith.muli %add3A_139, %mul3A_1028 : i32
        %add3A_1030 = arith.constant 9 : i32
        %add3A_1031 = arith.addi %mul3A_1029, %add3A_1030 : i32
        %get3A_1032 = arith.index_cast %add3A_1031 : i32 to index
        %get3A_1033 = arith.constant 0 : index
        %get3A_1034 = tpu.vector_load %arg8[%get3A_1032, %get3A_1033] {strides = array<i32>} : memref<128x128xf32, #tpu.memory_space<vmem>>, vector<16xf32>,
        %mul3A_1035 = vector.broadcast %squeeze3A_1027 : f32 to vector<16xf32>
        %mul3A_1036 = arith.mulf %get3A_1034, %mul3A_1035 : vector<16xf32>
        %swap3A_1037 = arith.index_cast %add3A_1031 : i32 to index
        %swap3A_1038 = arith.constant 0 : index
        %swap3A_1039 = tpu.vector_load %arg8[%swap3A_1037, %swap3A_1038] {strides = array<i32>} : memref<128x128xf32, #tpu.memory_space<vmem>>, vector<16xf32>,
        tpu.vector_store %arg8[%swap3A_1037, %swap3A_1038], %mul3A_1036 {strides = array<i32>} : memref<128x128xf32, #tpu.memory_space<vmem>>, vector<16xf32>,
        %mul3A_1040 = arith.constant 16 : i32
        %mul3A_1041 = arith.muli %add3A_139, %mul3A_1040 : i32
        %add3A_1042 = arith.constant 9 : i32
        %add3A_1043 = arith.addi %mul3A_1041, %add3A_1042 : i32
        %get3A_1044 = arith.index_cast %add3A_1043 : i32 to index
        %get3A_1045 = arith.constant 16 : index
        %get3A_1046 = tpu.vector_load %arg8[%get3A_1044, %get3A_1045] {strides = array<i32>} : memref<128x128xf32, #tpu.memory_space<vmem>>, vector<16xf32>,
        %mul3A_1047 = vector.broadcast %squeeze3A_1027 : f32 to vector<16xf32>
        %mul3A_1048 = arith.mulf %get3A_1046, %mul3A_1047 : vector<16xf32>
        %swap3A_1049 = arith.index_cast %add3A_1043 : i32 to index
        %swap3A_1050 = arith.constant 16 : index
        %swap3A_1051 = tpu.vector_load %arg8[%swap3A_1049, %swap3A_1050] {strides = array<i32>} : memref<128x128xf32, #tpu.memory_space<vmem>>, vector<16xf32>,
        tpu.vector_store %arg8[%swap3A_1049, %swap3A_1050], %mul3A_1048 {strides = array<i32>} : memref<128x128xf32, #tpu.memory_space<vmem>>, vector<16xf32>,
        %mul3A_1052 = arith.constant 16 : i32
        %mul3A_1053 = arith.muli %add3A_139, %mul3A_1052 : i32
        %add3A_1054 = arith.constant 9 : i32
        %add3A_1055 = arith.addi %mul3A_1053, %add3A_1054 : i32
        %get3A_1056 = arith.index_cast %add3A_1055 : i32 to index
        %get3A_1057 = arith.constant 32 : index
        %get3A_1058 = tpu.vector_load %arg8[%get3A_1056, %get3A_1057] {strides = array<i32>} : memref<128x128xf32, #tpu.memory_space<vmem>>, vector<16xf32>,
        %mul3A_1059 = vector.broadcast %squeeze3A_1027 : f32 to vector<16xf32>
        %mul3A_1060 = arith.mulf %get3A_1058, %mul3A_1059 : vector<16xf32>
        %swap3A_1061 = arith.index_cast %add3A_1055 : i32 to index
        %swap3A_1062 = arith.constant 32 : index
        %swap3A_1063 = tpu.vector_load %arg8[%swap3A_1061, %swap3A_1062] {strides = array<i32>} : memref<128x128xf32, #tpu.memory_space<vmem>>, vector<16xf32>,
        tpu.vector_store %arg8[%swap3A_1061, %swap3A_1062], %mul3A_1060 {strides = array<i32>} : memref<128x128xf32, #tpu.memory_space<vmem>>, vector<16xf32>,
        %mul3A_1064 = arith.constant 16 : i32
        %mul3A_1065 = arith.muli %add3A_139, %mul3A_1064 : i32
        %add3A_1066 = arith.constant 9 : i32
        %add3A_1067 = arith.addi %mul3A_1065, %add3A_1066 : i32
        %get3A_1068 = arith.index_cast %add3A_1067 : i32 to index
        %get3A_1069 = arith.constant 48 : index
        %get3A_1070 = tpu.vector_load %arg8[%get3A_1068, %get3A_1069] {strides = array<i32>} : memref<128x128xf32, #tpu.memory_space<vmem>>, vector<16xf32>,
        %mul3A_1071 = vector.broadcast %squeeze3A_1027 : f32 to vector<16xf32>
        %mul3A_1072 = arith.mulf %get3A_1070, %mul3A_1071 : vector<16xf32>
        %swap3A_1073 = arith.index_cast %add3A_1067 : i32 to index
        %swap3A_1074 = arith.constant 48 : index
        %swap3A_1075 = tpu.vector_load %arg8[%swap3A_1073, %swap3A_1074] {strides = array<i32>} : memref<128x128xf32, #tpu.memory_space<vmem>>, vector<16xf32>,
        tpu.vector_store %arg8[%swap3A_1073, %swap3A_1074], %mul3A_1072 {strides = array<i32>} : memref<128x128xf32, #tpu.memory_space<vmem>>, vector<16xf32>,
        %mul3A_1076 = arith.constant 16 : i32
        %mul3A_1077 = arith.muli %add3A_139, %mul3A_1076 : i32
        %add3A_1078 = arith.constant 9 : i32
        %add3A_1079 = arith.addi %mul3A_1077, %add3A_1078 : i32
        %get3A_1080 = arith.index_cast %add3A_1079 : i32 to index
        %get3A_1081 = arith.constant 64 : index
        %get3A_1082 = tpu.vector_load %arg8[%get3A_1080, %get3A_1081] {strides = array<i32>} : memref<128x128xf32, #tpu.memory_space<vmem>>, vector<16xf32>,
        %mul3A_1083 = vector.broadcast %squeeze3A_1027 : f32 to vector<16xf32>
        %mul3A_1084 = arith.mulf %get3A_1082, %mul3A_1083 : vector<16xf32>
        %swap3A_1085 = arith.index_cast %add3A_1079 : i32 to index
        %swap3A_1086 = arith.constant 64 : index
        %swap3A_1087 = tpu.vector_load %arg8[%swap3A_1085, %swap3A_1086] {strides = array<i32>} : memref<128x128xf32, #tpu.memory_space<vmem>>, vector<16xf32>,
        tpu.vector_store %arg8[%swap3A_1085, %swap3A_1086], %mul3A_1084 {strides = array<i32>} : memref<128x128xf32, #tpu.memory_space<vmem>>, vector<16xf32>,
        %mul3A_1088 = arith.constant 16 : i32
        %mul3A_1089 = arith.muli %add3A_139, %mul3A_1088 : i32
        %add3A_1090 = arith.constant 9 : i32
        %add3A_1091 = arith.addi %mul3A_1089, %add3A_1090 : i32
        %get3A_1092 = arith.index_cast %add3A_1091 : i32 to index
        %get3A_1093 = arith.constant 80 : index
        %get3A_1094 = tpu.vector_load %arg8[%get3A_1092, %get3A_1093] {strides = array<i32>} : memref<128x128xf32, #tpu.memory_space<vmem>>, vector<16xf32>,
        %mul3A_1095 = vector.broadcast %squeeze3A_1027 : f32 to vector<16xf32>
        %mul3A_1096 = arith.mulf %get3A_1094, %mul3A_1095 : vector<16xf32>
        %swap3A_1097 = arith.index_cast %add3A_1091 : i32 to index
        %swap3A_1098 = arith.constant 80 : index
        %swap3A_1099 = tpu.vector_load %arg8[%swap3A_1097, %swap3A_1098] {strides = array<i32>} : memref<128x128xf32, #tpu.memory_space<vmem>>, vector<16xf32>,
        tpu.vector_store %arg8[%swap3A_1097, %swap3A_1098], %mul3A_1096 {strides = array<i32>} : memref<128x128xf32, #tpu.memory_space<vmem>>, vector<16xf32>,
        %mul3A_1100 = arith.constant 16 : i32
        %mul3A_1101 = arith.muli %add3A_139, %mul3A_1100 : i32
        %add3A_1102 = arith.constant 9 : i32
        %add3A_1103 = arith.addi %mul3A_1101, %add3A_1102 : i32
        %get3A_1104 = arith.index_cast %add3A_1103 : i32 to index
        %get3A_1105 = arith.constant 96 : index
        %get3A_1106 = tpu.vector_load %arg8[%get3A_1104, %get3A_1105] {strides = array<i32>} : memref<128x128xf32, #tpu.memory_space<vmem>>, vector<16xf32>,
        %mul3A_1107 = vector.broadcast %squeeze3A_1027 : f32 to vector<16xf32>
        %mul3A_1108 = arith.mulf %get3A_1106, %mul3A_1107 : vector<16xf32>
        %swap3A_1109 = arith.index_cast %add3A_1103 : i32 to index
        %swap3A_1110 = arith.constant 96 : index
        %swap3A_1111 = tpu.vector_load %arg8[%swap3A_1109, %swap3A_1110] {strides = array<i32>} : memref<128x128xf32, #tpu.memory_space<vmem>>, vector<16xf32>,
        tpu.vector_store %arg8[%swap3A_1109, %swap3A_1110], %mul3A_1108 {strides = array<i32>} : memref<128x128xf32, #tpu.memory_space<vmem>>, vector<16xf32>,
        %mul3A_1112 = arith.constant 16 : i32
        %mul3A_1113 = arith.muli %add3A_139, %mul3A_1112 : i32
        %add3A_1114 = arith.constant 9 : i32
        %add3A_1115 = arith.addi %mul3A_1113, %add3A_1114 : i32
        %get3A_1116 = arith.index_cast %add3A_1115 : i32 to index
        %get3A_1117 = arith.constant 112 : index
        %get3A_1118 = tpu.vector_load %arg8[%get3A_1116, %get3A_1117] {strides = array<i32>} : memref<128x128xf32, #tpu.memory_space<vmem>>, vector<16xf32>,
        %mul3A_1119 = vector.broadcast %squeeze3A_1027 : f32 to vector<16xf32>
        %mul3A_1120 = arith.mulf %get3A_1118, %mul3A_1119 : vector<16xf32>
        %swap3A_1121 = arith.index_cast %add3A_1115 : i32 to index
        %swap3A_1122 = arith.constant 112 : index
        %swap3A_1123 = tpu.vector_load %arg8[%swap3A_1121, %swap3A_1122] {strides = array<i32>} : memref<128x128xf32, #tpu.memory_space<vmem>>, vector<16xf32>,
        tpu.vector_store %arg8[%swap3A_1121, %swap3A_1122], %mul3A_1120 {strides = array<i32>} : memref<128x128xf32, #tpu.memory_space<vmem>>, vector<16xf32>,
        %slice3A_1124 = vector.extract_strided_slice %bitcast3A {offsets = [10], sizes = [1], strides = [1]} : vector<16xf32> to vector<1xf32>
        %squeeze3A_1125 = vector.extract %slice3A_1124[0] : f32 from vector<1xf32>
        %mul3A_1126 = arith.constant 16 : i32
        %mul3A_1127 = arith.muli %add3A_139, %mul3A_1126 : i32
        %add3A_1128 = arith.constant 10 : i32
        %add3A_1129 = arith.addi %mul3A_1127, %add3A_1128 : i32
        %get3A_1130 = arith.index_cast %add3A_1129 : i32 to index
        %get3A_1131 = arith.constant 0 : index
        %get3A_1132 = tpu.vector_load %arg8[%get3A_1130, %get3A_1131] {strides = array<i32>} : memref<128x128xf32, #tpu.memory_space<vmem>>, vector<16xf32>,
        %mul3A_1133 = vector.broadcast %squeeze3A_1125 : f32 to vector<16xf32>
        %mul3A_1134 = arith.mulf %get3A_1132, %mul3A_1133 : vector<16xf32>
        %swap3A_1135 = arith.index_cast %add3A_1129 : i32 to index
        %swap3A_1136 = arith.constant 0 : index
        %swap3A_1137 = tpu.vector_load %arg8[%swap3A_1135, %swap3A_1136] {strides = array<i32>} : memref<128x128xf32, #tpu.memory_space<vmem>>, vector<16xf32>,
        tpu.vector_store %arg8[%swap3A_1135, %swap3A_1136], %mul3A_1134 {strides = array<i32>} : memref<128x128xf32, #tpu.memory_space<vmem>>, vector<16xf32>,
        %mul3A_1138 = arith.constant 16 : i32
        %mul3A_1139 = arith.muli %add3A_139, %mul3A_1138 : i32
        %add3A_1140 = arith.constant 10 : i32
        %add3A_1141 = arith.addi %mul3A_1139, %add3A_1140 : i32
        %get3A_1142 = arith.index_cast %add3A_1141 : i32 to index
        %get3A_1143 = arith.constant 16 : index
        %get3A_1144 = tpu.vector_load %arg8[%get3A_1142, %get3A_1143] {strides = array<i32>} : memref<128x128xf32, #tpu.memory_space<vmem>>, vector<16xf32>,
        %mul3A_1145 = vector.broadcast %squeeze3A_1125 : f32 to vector<16xf32>
        %mul3A_1146 = arith.mulf %get3A_1144, %mul3A_1145 : vector<16xf32>
        %swap3A_1147 = arith.index_cast %add3A_1141 : i32 to index
        %swap3A_1148 = arith.constant 16 : index
        %swap3A_1149 = tpu.vector_load %arg8[%swap3A_1147, %swap3A_1148] {strides = array<i32>} : memref<128x128xf32, #tpu.memory_space<vmem>>, vector<16xf32>,
        tpu.vector_store %arg8[%swap3A_1147, %swap3A_1148], %mul3A_1146 {strides = array<i32>} : memref<128x128xf32, #tpu.memory_space<vmem>>, vector<16xf32>,
        %mul3A_1150 = arith.constant 16 : i32
        %mul3A_1151 = arith.muli %add3A_139, %mul3A_1150 : i32
        %add3A_1152 = arith.constant 10 : i32
        %add3A_1153 = arith.addi %mul3A_1151, %add3A_1152 : i32
        %get3A_1154 = arith.index_cast %add3A_1153 : i32 to index
        %get3A_1155 = arith.constant 32 : index
        %get3A_1156 = tpu.vector_load %arg8[%get3A_1154, %get3A_1155] {strides = array<i32>} : memref<128x128xf32, #tpu.memory_space<vmem>>, vector<16xf32>,
        %mul3A_1157 = vector.broadcast %squeeze3A_1125 : f32 to vector<16xf32>
        %mul3A_1158 = arith.mulf %get3A_1156, %mul3A_1157 : vector<16xf32>
        %swap3A_1159 = arith.index_cast %add3A_1153 : i32 to index
        %swap3A_1160 = arith.constant 32 : index
        %swap3A_1161 = tpu.vector_load %arg8[%swap3A_1159, %swap3A_1160] {strides = array<i32>} : memref<128x128xf32, #tpu.memory_space<vmem>>, vector<16xf32>,
        tpu.vector_store %arg8[%swap3A_1159, %swap3A_1160], %mul3A_1158 {strides = array<i32>} : memref<128x128xf32, #tpu.memory_space<vmem>>, vector<16xf32>,
        %mul3A_1162 = arith.constant 16 : i32
        %mul3A_1163 = arith.muli %add3A_139, %mul3A_1162 : i32
        %add3A_1164 = arith.constant 10 : i32
        %add3A_1165 = arith.addi %mul3A_1163, %add3A_1164 : i32
        %get3A_1166 = arith.index_cast %add3A_1165 : i32 to index
        %get3A_1167 = arith.constant 48 : index
        %get3A_1168 = tpu.vector_load %arg8[%get3A_1166, %get3A_1167] {strides = array<i32>} : memref<128x128xf32, #tpu.memory_space<vmem>>, vector<16xf32>,
        %mul3A_1169 = vector.broadcast %squeeze3A_1125 : f32 to vector<16xf32>
        %mul3A_1170 = arith.mulf %get3A_1168, %mul3A_1169 : vector<16xf32>
        %swap3A_1171 = arith.index_cast %add3A_1165 : i32 to index
        %swap3A_1172 = arith.constant 48 : index
        %swap3A_1173 = tpu.vector_load %arg8[%swap3A_1171, %swap3A_1172] {strides = array<i32>} : memref<128x128xf32, #tpu.memory_space<vmem>>, vector<16xf32>,
        tpu.vector_store %arg8[%swap3A_1171, %swap3A_1172], %mul3A_1170 {strides = array<i32>} : memref<128x128xf32, #tpu.memory_space<vmem>>, vector<16xf32>,
        %mul3A_1174 = arith.constant 16 : i32
        %mul3A_1175 = arith.muli %add3A_139, %mul3A_1174 : i32
        %add3A_1176 = arith.constant 10 : i32
        %add3A_1177 = arith.addi %mul3A_1175, %add3A_1176 : i32
        %get3A_1178 = arith.index_cast %add3A_1177 : i32 to index
        %get3A_1179 = arith.constant 64 : index
        %get3A_1180 = tpu.vector_load %arg8[%get3A_1178, %get3A_1179] {strides = array<i32>} : memref<128x128xf32, #tpu.memory_space<vmem>>, vector<16xf32>,
        %mul3A_1181 = vector.broadcast %squeeze3A_1125 : f32 to vector<16xf32>
        %mul3A_1182 = arith.mulf %get3A_1180, %mul3A_1181 : vector<16xf32>
        %swap3A_1183 = arith.index_cast %add3A_1177 : i32 to index
        %swap3A_1184 = arith.constant 64 : index
        %swap3A_1185 = tpu.vector_load %arg8[%swap3A_1183, %swap3A_1184] {strides = array<i32>} : memref<128x128xf32, #tpu.memory_space<vmem>>, vector<16xf32>,
        tpu.vector_store %arg8[%swap3A_1183, %swap3A_1184], %mul3A_1182 {strides = array<i32>} : memref<128x128xf32, #tpu.memory_space<vmem>>, vector<16xf32>,
        %mul3A_1186 = arith.constant 16 : i32
        %mul3A_1187 = arith.muli %add3A_139, %mul3A_1186 : i32
        %add3A_1188 = arith.constant 10 : i32
        %add3A_1189 = arith.addi %mul3A_1187, %add3A_1188 : i32
        %get3A_1190 = arith.index_cast %add3A_1189 : i32 to index
        %get3A_1191 = arith.constant 80 : index
        %get3A_1192 = tpu.vector_load %arg8[%get3A_1190, %get3A_1191] {strides = array<i32>} : memref<128x128xf32, #tpu.memory_space<vmem>>, vector<16xf32>,
        %mul3A_1193 = vector.broadcast %squeeze3A_1125 : f32 to vector<16xf32>
        %mul3A_1194 = arith.mulf %get3A_1192, %mul3A_1193 : vector<16xf32>
        %swap3A_1195 = arith.index_cast %add3A_1189 : i32 to index
        %swap3A_1196 = arith.constant 80 : index
        %swap3A_1197 = tpu.vector_load %arg8[%swap3A_1195, %swap3A_1196] {strides = array<i32>} : memref<128x128xf32, #tpu.memory_space<vmem>>, vector<16xf32>,
        tpu.vector_store %arg8[%swap3A_1195, %swap3A_1196], %mul3A_1194 {strides = array<i32>} : memref<128x128xf32, #tpu.memory_space<vmem>>, vector<16xf32>,
        %mul3A_1198 = arith.constant 16 : i32
        %mul3A_1199 = arith.muli %add3A_139, %mul3A_1198 : i32
        %add3A_1200 = arith.constant 10 : i32
        %add3A_1201 = arith.addi %mul3A_1199, %add3A_1200 : i32
        %get3A_1202 = arith.index_cast %add3A_1201 : i32 to index
        %get3A_1203 = arith.constant 96 : index
        %get3A_1204 = tpu.vector_load %arg8[%get3A_1202, %get3A_1203] {strides = array<i32>} : memref<128x128xf32, #tpu.memory_space<vmem>>, vector<16xf32>,
        %mul3A_1205 = vector.broadcast %squeeze3A_1125 : f32 to vector<16xf32>
        %mul3A_1206 = arith.mulf %get3A_1204, %mul3A_1205 : vector<16xf32>
        %swap3A_1207 = arith.index_cast %add3A_1201 : i32 to index
        %swap3A_1208 = arith.constant 96 : index
        %swap3A_1209 = tpu.vector_load %arg8[%swap3A_1207, %swap3A_1208] {strides = array<i32>} : memref<128x128xf32, #tpu.memory_space<vmem>>, vector<16xf32>,
        tpu.vector_store %arg8[%swap3A_1207, %swap3A_1208], %mul3A_1206 {strides = array<i32>} : memref<128x128xf32, #tpu.memory_space<vmem>>, vector<16xf32>,
        %mul3A_1210 = arith.constant 16 : i32
        %mul3A_1211 = arith.muli %add3A_139, %mul3A_1210 : i32
        %add3A_1212 = arith.constant 10 : i32
        %add3A_1213 = arith.addi %mul3A_1211, %add3A_1212 : i32
        %get3A_1214 = arith.index_cast %add3A_1213 : i32 to index
        %get3A_1215 = arith.constant 112 : index
        %get3A_1216 = tpu.vector_load %arg8[%get3A_1214, %get3A_1215] {strides = array<i32>} : memref<128x128xf32, #tpu.memory_space<vmem>>, vector<16xf32>,
        %mul3A_1217 = vector.broadcast %squeeze3A_1125 : f32 to vector<16xf32>
        %mul3A_1218 = arith.mulf %get3A_1216, %mul3A_1217 : vector<16xf32>
        %swap3A_1219 = arith.index_cast %add3A_1213 : i32 to index
        %swap3A_1220 = arith.constant 112 : index
        %swap3A_1221 = tpu.vector_load %arg8[%swap3A_1219, %swap3A_1220] {strides = array<i32>} : memref<128x128xf32, #tpu.memory_space<vmem>>, vector<16xf32>,
        tpu.vector_store %arg8[%swap3A_1219, %swap3A_1220], %mul3A_1218 {strides = array<i32>} : memref<128x128xf32, #tpu.memory_space<vmem>>, vector<16xf32>,
        %slice3A_1222 = vector.extract_strided_slice %bitcast3A {offsets = [11], sizes = [1], strides = [1]} : vector<16xf32> to vector<1xf32>
        %squeeze3A_1223 = vector.extract %slice3A_1222[0] : f32 from vector<1xf32>
        %mul3A_1224 = arith.constant 16 : i32
        %mul3A_1225 = arith.muli %add3A_139, %mul3A_1224 : i32
        %add3A_1226 = arith.constant 11 : i32
        %add3A_1227 = arith.addi %mul3A_1225, %add3A_1226 : i32
        %get3A_1228 = arith.index_cast %add3A_1227 : i32 to index
        %get3A_1229 = arith.constant 0 : index
        %get3A_1230 = tpu.vector_load %arg8[%get3A_1228, %get3A_1229] {strides = array<i32>} : memref<128x128xf32, #tpu.memory_space<vmem>>, vector<16xf32>,
        %mul3A_1231 = vector.broadcast %squeeze3A_1223 : f32 to vector<16xf32>
        %mul3A_1232 = arith.mulf %get3A_1230, %mul3A_1231 : vector<16xf32>
        %swap3A_1233 = arith.index_cast %add3A_1227 : i32 to index
        %swap3A_1234 = arith.constant 0 : index
        %swap3A_1235 = tpu.vector_load %arg8[%swap3A_1233, %swap3A_1234] {strides = array<i32>} : memref<128x128xf32, #tpu.memory_space<vmem>>, vector<16xf32>,
        tpu.vector_store %arg8[%swap3A_1233, %swap3A_1234], %mul3A_1232 {strides = array<i32>} : memref<128x128xf32, #tpu.memory_space<vmem>>, vector<16xf32>,
        %mul3A_1236 = arith.constant 16 : i32
        %mul3A_1237 = arith.muli %add3A_139, %mul3A_1236 : i32
        %add3A_1238 = arith.constant 11 : i32
        %add3A_1239 = arith.addi %mul3A_1237, %add3A_1238 : i32
        %get3A_1240 = arith.index_cast %add3A_1239 : i32 to index
        %get3A_1241 = arith.constant 16 : index
        %get3A_1242 = tpu.vector_load %arg8[%get3A_1240, %get3A_1241] {strides = array<i32>} : memref<128x128xf32, #tpu.memory_space<vmem>>, vector<16xf32>,
        %mul3A_1243 = vector.broadcast %squeeze3A_1223 : f32 to vector<16xf32>
        %mul3A_1244 = arith.mulf %get3A_1242, %mul3A_1243 : vector<16xf32>
        %swap3A_1245 = arith.index_cast %add3A_1239 : i32 to index
        %swap3A_1246 = arith.constant 16 : index
        %swap3A_1247 = tpu.vector_load %arg8[%swap3A_1245, %swap3A_1246] {strides = array<i32>} : memref<128x128xf32, #tpu.memory_space<vmem>>, vector<16xf32>,
        tpu.vector_store %arg8[%swap3A_1245, %swap3A_1246], %mul3A_1244 {strides = array<i32>} : memref<128x128xf32, #tpu.memory_space<vmem>>, vector<16xf32>,
        %mul3A_1248 = arith.constant 16 : i32
        %mul3A_1249 = arith.muli %add3A_139, %mul3A_1248 : i32
        %add3A_1250 = arith.constant 11 : i32
        %add3A_1251 = arith.addi %mul3A_1249, %add3A_1250 : i32
        %get3A_1252 = arith.index_cast %add3A_1251 : i32 to index
        %get3A_1253 = arith.constant 32 : index
        %get3A_1254 = tpu.vector_load %arg8[%get3A_1252, %get3A_1253] {strides = array<i32>} : memref<128x128xf32, #tpu.memory_space<vmem>>, vector<16xf32>,
        %mul3A_1255 = vector.broadcast %squeeze3A_1223 : f32 to vector<16xf32>
        %mul3A_1256 = arith.mulf %get3A_1254, %mul3A_1255 : vector<16xf32>
        %swap3A_1257 = arith.index_cast %add3A_1251 : i32 to index
        %swap3A_1258 = arith.constant 32 : index
        %swap3A_1259 = tpu.vector_load %arg8[%swap3A_1257, %swap3A_1258] {strides = array<i32>} : memref<128x128xf32, #tpu.memory_space<vmem>>, vector<16xf32>,
        tpu.vector_store %arg8[%swap3A_1257, %swap3A_1258], %mul3A_1256 {strides = array<i32>} : memref<128x128xf32, #tpu.memory_space<vmem>>, vector<16xf32>,
        %mul3A_1260 = arith.constant 16 : i32
        %mul3A_1261 = arith.muli %add3A_139, %mul3A_1260 : i32
        %add3A_1262 = arith.constant 11 : i32
        %add3A_1263 = arith.addi %mul3A_1261, %add3A_1262 : i32
        %get3A_1264 = arith.index_cast %add3A_1263 : i32 to index
        %get3A_1265 = arith.constant 48 : index
        %get3A_1266 = tpu.vector_load %arg8[%get3A_1264, %get3A_1265] {strides = array<i32>} : memref<128x128xf32, #tpu.memory_space<vmem>>, vector<16xf32>,
        %mul3A_1267 = vector.broadcast %squeeze3A_1223 : f32 to vector<16xf32>
        %mul3A_1268 = arith.mulf %get3A_1266, %mul3A_1267 : vector<16xf32>
        %swap3A_1269 = arith.index_cast %add3A_1263 : i32 to index
        %swap3A_1270 = arith.constant 48 : index
        %swap3A_1271 = tpu.vector_load %arg8[%swap3A_1269, %swap3A_1270] {strides = array<i32>} : memref<128x128xf32, #tpu.memory_space<vmem>>, vector<16xf32>,
        tpu.vector_store %arg8[%swap3A_1269, %swap3A_1270], %mul3A_1268 {strides = array<i32>} : memref<128x128xf32, #tpu.memory_space<vmem>>, vector<16xf32>,
        %mul3A_1272 = arith.constant 16 : i32
        %mul3A_1273 = arith.muli %add3A_139, %mul3A_1272 : i32
        %add3A_1274 = arith.constant 11 : i32
        %add3A_1275 = arith.addi %mul3A_1273, %add3A_1274 : i32
        %get3A_1276 = arith.index_cast %add3A_1275 : i32 to index
        %get3A_1277 = arith.constant 64 : index
        %get3A_1278 = tpu.vector_load %arg8[%get3A_1276, %get3A_1277] {strides = array<i32>} : memref<128x128xf32, #tpu.memory_space<vmem>>, vector<16xf32>,
        %mul3A_1279 = vector.broadcast %squeeze3A_1223 : f32 to vector<16xf32>
        %mul3A_1280 = arith.mulf %get3A_1278, %mul3A_1279 : vector<16xf32>
        %swap3A_1281 = arith.index_cast %add3A_1275 : i32 to index
        %swap3A_1282 = arith.constant 64 : index
        %swap3A_1283 = tpu.vector_load %arg8[%swap3A_1281, %swap3A_1282] {strides = array<i32>} : memref<128x128xf32, #tpu.memory_space<vmem>>, vector<16xf32>,
        tpu.vector_store %arg8[%swap3A_1281, %swap3A_1282], %mul3A_1280 {strides = array<i32>} : memref<128x128xf32, #tpu.memory_space<vmem>>, vector<16xf32>,
        %mul3A_1284 = arith.constant 16 : i32
        %mul3A_1285 = arith.muli %add3A_139, %mul3A_1284 : i32
        %add3A_1286 = arith.constant 11 : i32
        %add3A_1287 = arith.addi %mul3A_1285, %add3A_1286 : i32
        %get3A_1288 = arith.index_cast %add3A_1287 : i32 to index
        %get3A_1289 = arith.constant 80 : index
        %get3A_1290 = tpu.vector_load %arg8[%get3A_1288, %get3A_1289] {strides = array<i32>} : memref<128x128xf32, #tpu.memory_space<vmem>>, vector<16xf32>,
        %mul3A_1291 = vector.broadcast %squeeze3A_1223 : f32 to vector<16xf32>
        %mul3A_1292 = arith.mulf %get3A_1290, %mul3A_1291 : vector<16xf32>
        %swap3A_1293 = arith.index_cast %add3A_1287 : i32 to index
        %swap3A_1294 = arith.constant 80 : index
        %swap3A_1295 = tpu.vector_load %arg8[%swap3A_1293, %swap3A_1294] {strides = array<i32>} : memref<128x128xf32, #tpu.memory_space<vmem>>, vector<16xf32>,
        tpu.vector_store %arg8[%swap3A_1293, %swap3A_1294], %mul3A_1292 {strides = array<i32>} : memref<128x128xf32, #tpu.memory_space<vmem>>, vector<16xf32>,
        %mul3A_1296 = arith.constant 16 : i32
        %mul3A_1297 = arith.muli %add3A_139, %mul3A_1296 : i32
        %add3A_1298 = arith.constant 11 : i32
        %add3A_1299 = arith.addi %mul3A_1297, %add3A_1298 : i32
        %get3A_1300 = arith.index_cast %add3A_1299 : i32 to index
        %get3A_1301 = arith.constant 96 : index
        %get3A_1302 = tpu.vector_load %arg8[%get3A_1300, %get3A_1301] {strides = array<i32>} : memref<128x128xf32, #tpu.memory_space<vmem>>, vector<16xf32>,
        %mul3A_1303 = vector.broadcast %squeeze3A_1223 : f32 to vector<16xf32>
        %mul3A_1304 = arith.mulf %get3A_1302, %mul3A_1303 : vector<16xf32>
        %swap3A_1305 = arith.index_cast %add3A_1299 : i32 to index
        %swap3A_1306 = arith.constant 96 : index
        %swap3A_1307 = tpu.vector_load %arg8[%swap3A_1305, %swap3A_1306] {strides = array<i32>} : memref<128x128xf32, #tpu.memory_space<vmem>>, vector<16xf32>,
        tpu.vector_store %arg8[%swap3A_1305, %swap3A_1306], %mul3A_1304 {strides = array<i32>} : memref<128x128xf32, #tpu.memory_space<vmem>>, vector<16xf32>,
        %mul3A_1308 = arith.constant 16 : i32
        %mul3A_1309 = arith.muli %add3A_139, %mul3A_1308 : i32
        %add3A_1310 = arith.constant 11 : i32
        %add3A_1311 = arith.addi %mul3A_1309, %add3A_1310 : i32
        %get3A_1312 = arith.index_cast %add3A_1311 : i32 to index
        %get3A_1313 = arith.constant 112 : index
        %get3A_1314 = tpu.vector_load %arg8[%get3A_1312, %get3A_1313] {strides = array<i32>} : memref<128x128xf32, #tpu.memory_space<vmem>>, vector<16xf32>,
        %mul3A_1315 = vector.broadcast %squeeze3A_1223 : f32 to vector<16xf32>
        %mul3A_1316 = arith.mulf %get3A_1314, %mul3A_1315 : vector<16xf32>
        %swap3A_1317 = arith.index_cast %add3A_1311 : i32 to index
        %swap3A_1318 = arith.constant 112 : index
        %swap3A_1319 = tpu.vector_load %arg8[%swap3A_1317, %swap3A_1318] {strides = array<i32>} : memref<128x128xf32, #tpu.memory_space<vmem>>, vector<16xf32>,
        tpu.vector_store %arg8[%swap3A_1317, %swap3A_1318], %mul3A_1316 {strides = array<i32>} : memref<128x128xf32, #tpu.memory_space<vmem>>, vector<16xf32>,
        %slice3A_1320 = vector.extract_strided_slice %bitcast3A {offsets = [12], sizes = [1], strides = [1]} : vector<16xf32> to vector<1xf32>
        %squeeze3A_1321 = vector.extract %slice3A_1320[0] : f32 from vector<1xf32>
        %mul3A_1322 = arith.constant 16 : i32
        %mul3A_1323 = arith.muli %add3A_139, %mul3A_1322 : i32
        %add3A_1324 = arith.constant 12 : i32
        %add3A_1325 = arith.addi %mul3A_1323, %add3A_1324 : i32
        %get3A_1326 = arith.index_cast %add3A_1325 : i32 to index
        %get3A_1327 = arith.constant 0 : index
        %get3A_1328 = tpu.vector_load %arg8[%get3A_1326, %get3A_1327] {strides = array<i32>} : memref<128x128xf32, #tpu.memory_space<vmem>>, vector<16xf32>,
        %mul3A_1329 = vector.broadcast %squeeze3A_1321 : f32 to vector<16xf32>
        %mul3A_1330 = arith.mulf %get3A_1328, %mul3A_1329 : vector<16xf32>
        %swap3A_1331 = arith.index_cast %add3A_1325 : i32 to index
        %swap3A_1332 = arith.constant 0 : index
        %swap3A_1333 = tpu.vector_load %arg8[%swap3A_1331, %swap3A_1332] {strides = array<i32>} : memref<128x128xf32, #tpu.memory_space<vmem>>, vector<16xf32>,
        tpu.vector_store %arg8[%swap3A_1331, %swap3A_1332], %mul3A_1330 {strides = array<i32>} : memref<128x128xf32, #tpu.memory_space<vmem>>, vector<16xf32>,
        %mul3A_1334 = arith.constant 16 : i32
        %mul3A_1335 = arith.muli %add3A_139, %mul3A_1334 : i32
        %add3A_1336 = arith.constant 12 : i32
        %add3A_1337 = arith.addi %mul3A_1335, %add3A_1336 : i32
        %get3A_1338 = arith.index_cast %add3A_1337 : i32 to index
        %get3A_1339 = arith.constant 16 : index
        %get3A_1340 = tpu.vector_load %arg8[%get3A_1338, %get3A_1339] {strides = array<i32>} : memref<128x128xf32, #tpu.memory_space<vmem>>, vector<16xf32>,
        %mul3A_1341 = vector.broadcast %squeeze3A_1321 : f32 to vector<16xf32>
        %mul3A_1342 = arith.mulf %get3A_1340, %mul3A_1341 : vector<16xf32>
        %swap3A_1343 = arith.index_cast %add3A_1337 : i32 to index
        %swap3A_1344 = arith.constant 16 : index
        %swap3A_1345 = tpu.vector_load %arg8[%swap3A_1343, %swap3A_1344] {strides = array<i32>} : memref<128x128xf32, #tpu.memory_space<vmem>>, vector<16xf32>,
        tpu.vector_store %arg8[%swap3A_1343, %swap3A_1344], %mul3A_1342 {strides = array<i32>} : memref<128x128xf32, #tpu.memory_space<vmem>>, vector<16xf32>,
        %mul3A_1346 = arith.constant 16 : i32
        %mul3A_1347 = arith.muli %add3A_139, %mul3A_1346 : i32
        %add3A_1348 = arith.constant 12 : i32
        %add3A_1349 = arith.addi %mul3A_1347, %add3A_1348 : i32
        %get3A_1350 = arith.index_cast %add3A_1349 : i32 to index
        %get3A_1351 = arith.constant 32 : index
        %get3A_1352 = tpu.vector_load %arg8[%get3A_1350, %get3A_1351] {strides = array<i32>} : memref<128x128xf32, #tpu.memory_space<vmem>>, vector<16xf32>,
        %mul3A_1353 = vector.broadcast %squeeze3A_1321 : f32 to vector<16xf32>
        %mul3A_1354 = arith.mulf %get3A_1352, %mul3A_1353 : vector<16xf32>
        %swap3A_1355 = arith.index_cast %add3A_1349 : i32 to index
        %swap3A_1356 = arith.constant 32 : index
        %swap3A_1357 = tpu.vector_load %arg8[%swap3A_1355, %swap3A_1356] {strides = array<i32>} : memref<128x128xf32, #tpu.memory_space<vmem>>, vector<16xf32>,
        tpu.vector_store %arg8[%swap3A_1355, %swap3A_1356], %mul3A_1354 {strides = array<i32>} : memref<128x128xf32, #tpu.memory_space<vmem>>, vector<16xf32>,
        %mul3A_1358 = arith.constant 16 : i32
        %mul3A_1359 = arith.muli %add3A_139, %mul3A_1358 : i32
        %add3A_1360 = arith.constant 12 : i32
        %add3A_1361 = arith.addi %mul3A_1359, %add3A_1360 : i32
        %get3A_1362 = arith.index_cast %add3A_1361 : i32 to index
        %get3A_1363 = arith.constant 48 : index
        %get3A_1364 = tpu.vector_load %arg8[%get3A_1362, %get3A_1363] {strides = array<i32>} : memref<128x128xf32, #tpu.memory_space<vmem>>, vector<16xf32>,
        %mul3A_1365 = vector.broadcast %squeeze3A_1321 : f32 to vector<16xf32>
        %mul3A_1366 = arith.mulf %get3A_1364, %mul3A_1365 : vector<16xf32>
        %swap3A_1367 = arith.index_cast %add3A_1361 : i32 to index
        %swap3A_1368 = arith.constant 48 : index
        %swap3A_1369 = tpu.vector_load %arg8[%swap3A_1367, %swap3A_1368] {strides = array<i32>} : memref<128x128xf32, #tpu.memory_space<vmem>>, vector<16xf32>,
        tpu.vector_store %arg8[%swap3A_1367, %swap3A_1368], %mul3A_1366 {strides = array<i32>} : memref<128x128xf32, #tpu.memory_space<vmem>>, vector<16xf32>,
        %mul3A_1370 = arith.constant 16 : i32
        %mul3A_1371 = arith.muli %add3A_139, %mul3A_1370 : i32
        %add3A_1372 = arith.constant 12 : i32
        %add3A_1373 = arith.addi %mul3A_1371, %add3A_1372 : i32
        %get3A_1374 = arith.index_cast %add3A_1373 : i32 to index
        %get3A_1375 = arith.constant 64 : index
        %get3A_1376 = tpu.vector_load %arg8[%get3A_1374, %get3A_1375] {strides = array<i32>} : memref<128x128xf32, #tpu.memory_space<vmem>>, vector<16xf32>,
        %mul3A_1377 = vector.broadcast %squeeze3A_1321 : f32 to vector<16xf32>
        %mul3A_1378 = arith.mulf %get3A_1376, %mul3A_1377 : vector<16xf32>
        %swap3A_1379 = arith.index_cast %add3A_1373 : i32 to index
        %swap3A_1380 = arith.constant 64 : index
        %swap3A_1381 = tpu.vector_load %arg8[%swap3A_1379, %swap3A_1380] {strides = array<i32>} : memref<128x128xf32, #tpu.memory_space<vmem>>, vector<16xf32>,
        tpu.vector_store %arg8[%swap3A_1379, %swap3A_1380], %mul3A_1378 {strides = array<i32>} : memref<128x128xf32, #tpu.memory_space<vmem>>, vector<16xf32>,
        %mul3A_1382 = arith.constant 16 : i32
        %mul3A_1383 = arith.muli %add3A_139, %mul3A_1382 : i32
        %add3A_1384 = arith.constant 12 : i32
        %add3A_1385 = arith.addi %mul3A_1383, %add3A_1384 : i32
        %get3A_1386 = arith.index_cast %add3A_1385 : i32 to index
        %get3A_1387 = arith.constant 80 : index
        %get3A_1388 = tpu.vector_load %arg8[%get3A_1386, %get3A_1387] {strides = array<i32>} : memref<128x128xf32, #tpu.memory_space<vmem>>, vector<16xf32>,
        %mul3A_1389 = vector.broadcast %squeeze3A_1321 : f32 to vector<16xf32>
        %mul3A_1390 = arith.mulf %get3A_1388, %mul3A_1389 : vector<16xf32>
        %swap3A_1391 = arith.index_cast %add3A_1385 : i32 to index
        %swap3A_1392 = arith.constant 80 : index
        %swap3A_1393 = tpu.vector_load %arg8[%swap3A_1391, %swap3A_1392] {strides = array<i32>} : memref<128x128xf32, #tpu.memory_space<vmem>>, vector<16xf32>,
        tpu.vector_store %arg8[%swap3A_1391, %swap3A_1392], %mul3A_1390 {strides = array<i32>} : memref<128x128xf32, #tpu.memory_space<vmem>>, vector<16xf32>,
        %mul3A_1394 = arith.constant 16 : i32
        %mul3A_1395 = arith.muli %add3A_139, %mul3A_1394 : i32
        %add3A_1396 = arith.constant 12 : i32
        %add3A_1397 = arith.addi %mul3A_1395, %add3A_1396 : i32
        %get3A_1398 = arith.index_cast %add3A_1397 : i32 to index
        %get3A_1399 = arith.constant 96 : index
        %get3A_1400 = tpu.vector_load %arg8[%get3A_1398, %get3A_1399] {strides = array<i32>} : memref<128x128xf32, #tpu.memory_space<vmem>>, vector<16xf32>,
        %mul3A_1401 = vector.broadcast %squeeze3A_1321 : f32 to vector<16xf32>
        %mul3A_1402 = arith.mulf %get3A_1400, %mul3A_1401 : vector<16xf32>
        %swap3A_1403 = arith.index_cast %add3A_1397 : i32 to index
        %swap3A_1404 = arith.constant 96 : index
        %swap3A_1405 = tpu.vector_load %arg8[%swap3A_1403, %swap3A_1404] {strides = array<i32>} : memref<128x128xf32, #tpu.memory_space<vmem>>, vector<16xf32>,
        tpu.vector_store %arg8[%swap3A_1403, %swap3A_1404], %mul3A_1402 {strides = array<i32>} : memref<128x128xf32, #tpu.memory_space<vmem>>, vector<16xf32>,
        %mul3A_1406 = arith.constant 16 : i32
        %mul3A_1407 = arith.muli %add3A_139, %mul3A_1406 : i32
        %add3A_1408 = arith.constant 12 : i32
        %add3A_1409 = arith.addi %mul3A_1407, %add3A_1408 : i32
        %get3A_1410 = arith.index_cast %add3A_1409 : i32 to index
        %get3A_1411 = arith.constant 112 : index
        %get3A_1412 = tpu.vector_load %arg8[%get3A_1410, %get3A_1411] {strides = array<i32>} : memref<128x128xf32, #tpu.memory_space<vmem>>, vector<16xf32>,
        %mul3A_1413 = vector.broadcast %squeeze3A_1321 : f32 to vector<16xf32>
        %mul3A_1414 = arith.mulf %get3A_1412, %mul3A_1413 : vector<16xf32>
        %swap3A_1415 = arith.index_cast %add3A_1409 : i32 to index
        %swap3A_1416 = arith.constant 112 : index
        %swap3A_1417 = tpu.vector_load %arg8[%swap3A_1415, %swap3A_1416] {strides = array<i32>} : memref<128x128xf32, #tpu.memory_space<vmem>>, vector<16xf32>,
        tpu.vector_store %arg8[%swap3A_1415, %swap3A_1416], %mul3A_1414 {strides = array<i32>} : memref<128x128xf32, #tpu.memory_space<vmem>>, vector<16xf32>,
        %slice3A_1418 = vector.extract_strided_slice %bitcast3A {offsets = [13], sizes = [1], strides = [1]} : vector<16xf32> to vector<1xf32>
        %squeeze3A_1419 = vector.extract %slice3A_1418[0] : f32 from vector<1xf32>
        %mul3A_1420 = arith.constant 16 : i32
        %mul3A_1421 = arith.muli %add3A_139, %mul3A_1420 : i32
        %add3A_1422 = arith.constant 13 : i32
        %add3A_1423 = arith.addi %mul3A_1421, %add3A_1422 : i32
        %get3A_1424 = arith.index_cast %add3A_1423 : i32 to index
        %get3A_1425 = arith.constant 0 : index
        %get3A_1426 = tpu.vector_load %arg8[%get3A_1424, %get3A_1425] {strides = array<i32>} : memref<128x128xf32, #tpu.memory_space<vmem>>, vector<16xf32>,
        %mul3A_1427 = vector.broadcast %squeeze3A_1419 : f32 to vector<16xf32>
        %mul3A_1428 = arith.mulf %get3A_1426, %mul3A_1427 : vector<16xf32>
        %swap3A_1429 = arith.index_cast %add3A_1423 : i32 to index
        %swap3A_1430 = arith.constant 0 : index
        %swap3A_1431 = tpu.vector_load %arg8[%swap3A_1429, %swap3A_1430] {strides = array<i32>} : memref<128x128xf32, #tpu.memory_space<vmem>>, vector<16xf32>,
        tpu.vector_store %arg8[%swap3A_1429, %swap3A_1430], %mul3A_1428 {strides = array<i32>} : memref<128x128xf32, #tpu.memory_space<vmem>>, vector<16xf32>,
        %mul3A_1432 = arith.constant 16 : i32
        %mul3A_1433 = arith.muli %add3A_139, %mul3A_1432 : i32
        %add3A_1434 = arith.constant 13 : i32
        %add3A_1435 = arith.addi %mul3A_1433, %add3A_1434 : i32
        %get3A_1436 = arith.index_cast %add3A_1435 : i32 to index
        %get3A_1437 = arith.constant 16 : index
        %get3A_1438 = tpu.vector_load %arg8[%get3A_1436, %get3A_1437] {strides = array<i32>} : memref<128x128xf32, #tpu.memory_space<vmem>>, vector<16xf32>,
        %mul3A_1439 = vector.broadcast %squeeze3A_1419 : f32 to vector<16xf32>
        %mul3A_1440 = arith.mulf %get3A_1438, %mul3A_1439 : vector<16xf32>
        %swap3A_1441 = arith.index_cast %add3A_1435 : i32 to index
        %swap3A_1442 = arith.constant 16 : index
        %swap3A_1443 = tpu.vector_load %arg8[%swap3A_1441, %swap3A_1442] {strides = array<i32>} : memref<128x128xf32, #tpu.memory_space<vmem>>, vector<16xf32>,
        tpu.vector_store %arg8[%swap3A_1441, %swap3A_1442], %mul3A_1440 {strides = array<i32>} : memref<128x128xf32, #tpu.memory_space<vmem>>, vector<16xf32>,
        %mul3A_1444 = arith.constant 16 : i32
        %mul3A_1445 = arith.muli %add3A_139, %mul3A_1444 : i32
        %add3A_1446 = arith.constant 13 : i32
        %add3A_1447 = arith.addi %mul3A_1445, %add3A_1446 : i32
        %get3A_1448 = arith.index_cast %add3A_1447 : i32 to index
        %get3A_1449 = arith.constant 32 : index
        %get3A_1450 = tpu.vector_load %arg8[%get3A_1448, %get3A_1449] {strides = array<i32>} : memref<128x128xf32, #tpu.memory_space<vmem>>, vector<16xf32>,
        %mul3A_1451 = vector.broadcast %squeeze3A_1419 : f32 to vector<16xf32>
        %mul3A_1452 = arith.mulf %get3A_1450, %mul3A_1451 : vector<16xf32>
        %swap3A_1453 = arith.index_cast %add3A_1447 : i32 to index
        %swap3A_1454 = arith.constant 32 : index
        %swap3A_1455 = tpu.vector_load %arg8[%swap3A_1453, %swap3A_1454] {strides = array<i32>} : memref<128x128xf32, #tpu.memory_space<vmem>>, vector<16xf32>,
        tpu.vector_store %arg8[%swap3A_1453, %swap3A_1454], %mul3A_1452 {strides = array<i32>} : memref<128x128xf32, #tpu.memory_space<vmem>>, vector<16xf32>,
        %mul3A_1456 = arith.constant 16 : i32
        %mul3A_1457 = arith.muli %add3A_139, %mul3A_1456 : i32
        %add3A_1458 = arith.constant 13 : i32
        %add3A_1459 = arith.addi %mul3A_1457, %add3A_1458 : i32
        %get3A_1460 = arith.index_cast %add3A_1459 : i32 to index
        %get3A_1461 = arith.constant 48 : index
        %get3A_1462 = tpu.vector_load %arg8[%get3A_1460, %get3A_1461] {strides = array<i32>} : memref<128x128xf32, #tpu.memory_space<vmem>>, vector<16xf32>,
        %mul3A_1463 = vector.broadcast %squeeze3A_1419 : f32 to vector<16xf32>
        %mul3A_1464 = arith.mulf %get3A_1462, %mul3A_1463 : vector<16xf32>
        %swap3A_1465 = arith.index_cast %add3A_1459 : i32 to index
        %swap3A_1466 = arith.constant 48 : index
        %swap3A_1467 = tpu.vector_load %arg8[%swap3A_1465, %swap3A_1466] {strides = array<i32>} : memref<128x128xf32, #tpu.memory_space<vmem>>, vector<16xf32>,
        tpu.vector_store %arg8[%swap3A_1465, %swap3A_1466], %mul3A_1464 {strides = array<i32>} : memref<128x128xf32, #tpu.memory_space<vmem>>, vector<16xf32>,
        %mul3A_1468 = arith.constant 16 : i32
        %mul3A_1469 = arith.muli %add3A_139, %mul3A_1468 : i32
        %add3A_1470 = arith.constant 13 : i32
        %add3A_1471 = arith.addi %mul3A_1469, %add3A_1470 : i32
        %get3A_1472 = arith.index_cast %add3A_1471 : i32 to index
        %get3A_1473 = arith.constant 64 : index
        %get3A_1474 = tpu.vector_load %arg8[%get3A_1472, %get3A_1473] {strides = array<i32>} : memref<128x128xf32, #tpu.memory_space<vmem>>, vector<16xf32>,
        %mul3A_1475 = vector.broadcast %squeeze3A_1419 : f32 to vector<16xf32>
        %mul3A_1476 = arith.mulf %get3A_1474, %mul3A_1475 : vector<16xf32>
        %swap3A_1477 = arith.index_cast %add3A_1471 : i32 to index
        %swap3A_1478 = arith.constant 64 : index
        %swap3A_1479 = tpu.vector_load %arg8[%swap3A_1477, %swap3A_1478] {strides = array<i32>} : memref<128x128xf32, #tpu.memory_space<vmem>>, vector<16xf32>,
        tpu.vector_store %arg8[%swap3A_1477, %swap3A_1478], %mul3A_1476 {strides = array<i32>} : memref<128x128xf32, #tpu.memory_space<vmem>>, vector<16xf32>,
        %mul3A_1480 = arith.constant 16 : i32
        %mul3A_1481 = arith.muli %add3A_139, %mul3A_1480 : i32
        %add3A_1482 = arith.constant 13 : i32
        %add3A_1483 = arith.addi %mul3A_1481, %add3A_1482 : i32
        %get3A_1484 = arith.index_cast %add3A_1483 : i32 to index
        %get3A_1485 = arith.constant 80 : index
        %get3A_1486 = tpu.vector_load %arg8[%get3A_1484, %get3A_1485] {strides = array<i32>} : memref<128x128xf32, #tpu.memory_space<vmem>>, vector<16xf32>,
        %mul3A_1487 = vector.broadcast %squeeze3A_1419 : f32 to vector<16xf32>
        %mul3A_1488 = arith.mulf %get3A_1486, %mul3A_1487 : vector<16xf32>
        %swap3A_1489 = arith.index_cast %add3A_1483 : i32 to index
        %swap3A_1490 = arith.constant 80 : index
        %swap3A_1491 = tpu.vector_load %arg8[%swap3A_1489, %swap3A_1490] {strides = array<i32>} : memref<128x128xf32, #tpu.memory_space<vmem>>, vector<16xf32>,
        tpu.vector_store %arg8[%swap3A_1489, %swap3A_1490], %mul3A_1488 {strides = array<i32>} : memref<128x128xf32, #tpu.memory_space<vmem>>, vector<16xf32>,
        %mul3A_1492 = arith.constant 16 : i32
        %mul3A_1493 = arith.muli %add3A_139, %mul3A_1492 : i32
        %add3A_1494 = arith.constant 13 : i32
        %add3A_1495 = arith.addi %mul3A_1493, %add3A_1494 : i32
        %get3A_1496 = arith.index_cast %add3A_1495 : i32 to index
        %get3A_1497 = arith.constant 96 : index
        %get3A_1498 = tpu.vector_load %arg8[%get3A_1496, %get3A_1497] {strides = array<i32>} : memref<128x128xf32, #tpu.memory_space<vmem>>, vector<16xf32>,
        %mul3A_1499 = vector.broadcast %squeeze3A_1419 : f32 to vector<16xf32>
        %mul3A_1500 = arith.mulf %get3A_1498, %mul3A_1499 : vector<16xf32>
        %swap3A_1501 = arith.index_cast %add3A_1495 : i32 to index
        %swap3A_1502 = arith.constant 96 : index
        %swap3A_1503 = tpu.vector_load %arg8[%swap3A_1501, %swap3A_1502] {strides = array<i32>} : memref<128x128xf32, #tpu.memory_space<vmem>>, vector<16xf32>,
        tpu.vector_store %arg8[%swap3A_1501, %swap3A_1502], %mul3A_1500 {strides = array<i32>} : memref<128x128xf32, #tpu.memory_space<vmem>>, vector<16xf32>,
        %mul3A_1504 = arith.constant 16 : i32
        %mul3A_1505 = arith.muli %add3A_139, %mul3A_1504 : i32
        %add3A_1506 = arith.constant 13 : i32
        %add3A_1507 = arith.addi %mul3A_1505, %add3A_1506 : i32
        %get3A_1508 = arith.index_cast %add3A_1507 : i32 to index
        %get3A_1509 = arith.constant 112 : index
        %get3A_1510 = tpu.vector_load %arg8[%get3A_1508, %get3A_1509] {strides = array<i32>} : memref<128x128xf32, #tpu.memory_space<vmem>>, vector<16xf32>,
        %mul3A_1511 = vector.broadcast %squeeze3A_1419 : f32 to vector<16xf32>
        %mul3A_1512 = arith.mulf %get3A_1510, %mul3A_1511 : vector<16xf32>
        %swap3A_1513 = arith.index_cast %add3A_1507 : i32 to index
        %swap3A_1514 = arith.constant 112 : index
        %swap3A_1515 = tpu.vector_load %arg8[%swap3A_1513, %swap3A_1514] {strides = array<i32>} : memref<128x128xf32, #tpu.memory_space<vmem>>, vector<16xf32>,
        tpu.vector_store %arg8[%swap3A_1513, %swap3A_1514], %mul3A_1512 {strides = array<i32>} : memref<128x128xf32, #tpu.memory_space<vmem>>, vector<16xf32>,
        %slice3A_1516 = vector.extract_strided_slice %bitcast3A {offsets = [14], sizes = [1], strides = [1]} : vector<16xf32> to vector<1xf32>
        %squeeze3A_1517 = vector.extract %slice3A_1516[0] : f32 from vector<1xf32>
        %mul3A_1518 = arith.constant 16 : i32
        %mul3A_1519 = arith.muli %add3A_139, %mul3A_1518 : i32
        %add3A_1520 = arith.constant 14 : i32
        %add3A_1521 = arith.addi %mul3A_1519, %add3A_1520 : i32
        %get3A_1522 = arith.index_cast %add3A_1521 : i32 to index
        %get3A_1523 = arith.constant 0 : index
        %get3A_1524 = tpu.vector_load %arg8[%get3A_1522, %get3A_1523] {strides = array<i32>} : memref<128x128xf32, #tpu.memory_space<vmem>>, vector<16xf32>,
        %mul3A_1525 = vector.broadcast %squeeze3A_1517 : f32 to vector<16xf32>
        %mul3A_1526 = arith.mulf %get3A_1524, %mul3A_1525 : vector<16xf32>
        %swap3A_1527 = arith.index_cast %add3A_1521 : i32 to index
        %swap3A_1528 = arith.constant 0 : index
        %swap3A_1529 = tpu.vector_load %arg8[%swap3A_1527, %swap3A_1528] {strides = array<i32>} : memref<128x128xf32, #tpu.memory_space<vmem>>, vector<16xf32>,
        tpu.vector_store %arg8[%swap3A_1527, %swap3A_1528], %mul3A_1526 {strides = array<i32>} : memref<128x128xf32, #tpu.memory_space<vmem>>, vector<16xf32>,
        %mul3A_1530 = arith.constant 16 : i32
        %mul3A_1531 = arith.muli %add3A_139, %mul3A_1530 : i32
        %add3A_1532 = arith.constant 14 : i32
        %add3A_1533 = arith.addi %mul3A_1531, %add3A_1532 : i32
        %get3A_1534 = arith.index_cast %add3A_1533 : i32 to index
        %get3A_1535 = arith.constant 16 : index
        %get3A_1536 = tpu.vector_load %arg8[%get3A_1534, %get3A_1535] {strides = array<i32>} : memref<128x128xf32, #tpu.memory_space<vmem>>, vector<16xf32>,
        %mul3A_1537 = vector.broadcast %squeeze3A_1517 : f32 to vector<16xf32>
        %mul3A_1538 = arith.mulf %get3A_1536, %mul3A_1537 : vector<16xf32>
        %swap3A_1539 = arith.index_cast %add3A_1533 : i32 to index
        %swap3A_1540 = arith.constant 16 : index
        %swap3A_1541 = tpu.vector_load %arg8[%swap3A_1539, %swap3A_1540] {strides = array<i32>} : memref<128x128xf32, #tpu.memory_space<vmem>>, vector<16xf32>,
        tpu.vector_store %arg8[%swap3A_1539, %swap3A_1540], %mul3A_1538 {strides = array<i32>} : memref<128x128xf32, #tpu.memory_space<vmem>>, vector<16xf32>,
        %mul3A_1542 = arith.constant 16 : i32
        %mul3A_1543 = arith.muli %add3A_139, %mul3A_1542 : i32
        %add3A_1544 = arith.constant 14 : i32
        %add3A_1545 = arith.addi %mul3A_1543, %add3A_1544 : i32
        %get3A_1546 = arith.index_cast %add3A_1545 : i32 to index
        %get3A_1547 = arith.constant 32 : index
        %get3A_1548 = tpu.vector_load %arg8[%get3A_1546, %get3A_1547] {strides = array<i32>} : memref<128x128xf32, #tpu.memory_space<vmem>>, vector<16xf32>,
        %mul3A_1549 = vector.broadcast %squeeze3A_1517 : f32 to vector<16xf32>
        %mul3A_1550 = arith.mulf %get3A_1548, %mul3A_1549 : vector<16xf32>
        %swap3A_1551 = arith.index_cast %add3A_1545 : i32 to index
        %swap3A_1552 = arith.constant 32 : index
        %swap3A_1553 = tpu.vector_load %arg8[%swap3A_1551, %swap3A_1552] {strides = array<i32>} : memref<128x128xf32, #tpu.memory_space<vmem>>, vector<16xf32>,
        tpu.vector_store %arg8[%swap3A_1551, %swap3A_1552], %mul3A_1550 {strides = array<i32>} : memref<128x128xf32, #tpu.memory_space<vmem>>, vector<16xf32>,
        %mul3A_1554 = arith.constant 16 : i32
        %mul3A_1555 = arith.muli %add3A_139, %mul3A_1554 : i32
        %add3A_1556 = arith.constant 14 : i32
        %add3A_1557 = arith.addi %mul3A_1555, %add3A_1556 : i32
        %get3A_1558 = arith.index_cast %add3A_1557 : i32 to index
        %get3A_1559 = arith.constant 48 : index
        %get3A_1560 = tpu.vector_load %arg8[%get3A_1558, %get3A_1559] {strides = array<i32>} : memref<128x128xf32, #tpu.memory_space<vmem>>, vector<16xf32>,
        %mul3A_1561 = vector.broadcast %squeeze3A_1517 : f32 to vector<16xf32>
        %mul3A_1562 = arith.mulf %get3A_1560, %mul3A_1561 : vector<16xf32>
        %swap3A_1563 = arith.index_cast %add3A_1557 : i32 to index
        %swap3A_1564 = arith.constant 48 : index
        %swap3A_1565 = tpu.vector_load %arg8[%swap3A_1563, %swap3A_1564] {strides = array<i32>} : memref<128x128xf32, #tpu.memory_space<vmem>>, vector<16xf32>,
        tpu.vector_store %arg8[%swap3A_1563, %swap3A_1564], %mul3A_1562 {strides = array<i32>} : memref<128x128xf32, #tpu.memory_space<vmem>>, vector<16xf32>,
        %mul3A_1566 = arith.constant 16 : i32
        %mul3A_1567 = arith.muli %add3A_139, %mul3A_1566 : i32
        %add3A_1568 = arith.constant 14 : i32
        %add3A_1569 = arith.addi %mul3A_1567, %add3A_1568 : i32
        %get3A_1570 = arith.index_cast %add3A_1569 : i32 to index
        %get3A_1571 = arith.constant 64 : index
        %get3A_1572 = tpu.vector_load %arg8[%get3A_1570, %get3A_1571] {strides = array<i32>} : memref<128x128xf32, #tpu.memory_space<vmem>>, vector<16xf32>,
        %mul3A_1573 = vector.broadcast %squeeze3A_1517 : f32 to vector<16xf32>
        %mul3A_1574 = arith.mulf %get3A_1572, %mul3A_1573 : vector<16xf32>
        %swap3A_1575 = arith.index_cast %add3A_1569 : i32 to index
        %swap3A_1576 = arith.constant 64 : index
        %swap3A_1577 = tpu.vector_load %arg8[%swap3A_1575, %swap3A_1576] {strides = array<i32>} : memref<128x128xf32, #tpu.memory_space<vmem>>, vector<16xf32>,
        tpu.vector_store %arg8[%swap3A_1575, %swap3A_1576], %mul3A_1574 {strides = array<i32>} : memref<128x128xf32, #tpu.memory_space<vmem>>, vector<16xf32>,
        %mul3A_1578 = arith.constant 16 : i32
        %mul3A_1579 = arith.muli %add3A_139, %mul3A_1578 : i32
        %add3A_1580 = arith.constant 14 : i32
        %add3A_1581 = arith.addi %mul3A_1579, %add3A_1580 : i32
        %get3A_1582 = arith.index_cast %add3A_1581 : i32 to index
        %get3A_1583 = arith.constant 80 : index
        %get3A_1584 = tpu.vector_load %arg8[%get3A_1582, %get3A_1583] {strides = array<i32>} : memref<128x128xf32, #tpu.memory_space<vmem>>, vector<16xf32>,
        %mul3A_1585 = vector.broadcast %squeeze3A_1517 : f32 to vector<16xf32>
        %mul3A_1586 = arith.mulf %get3A_1584, %mul3A_1585 : vector<16xf32>
        %swap3A_1587 = arith.index_cast %add3A_1581 : i32 to index
        %swap3A_1588 = arith.constant 80 : index
        %swap3A_1589 = tpu.vector_load %arg8[%swap3A_1587, %swap3A_1588] {strides = array<i32>} : memref<128x128xf32, #tpu.memory_space<vmem>>, vector<16xf32>,
        tpu.vector_store %arg8[%swap3A_1587, %swap3A_1588], %mul3A_1586 {strides = array<i32>} : memref<128x128xf32, #tpu.memory_space<vmem>>, vector<16xf32>,
        %mul3A_1590 = arith.constant 16 : i32
        %mul3A_1591 = arith.muli %add3A_139, %mul3A_1590 : i32
        %add3A_1592 = arith.constant 14 : i32
        %add3A_1593 = arith.addi %mul3A_1591, %add3A_1592 : i32
        %get3A_1594 = arith.index_cast %add3A_1593 : i32 to index
        %get3A_1595 = arith.constant 96 : index
        %get3A_1596 = tpu.vector_load %arg8[%get3A_1594, %get3A_1595] {strides = array<i32>} : memref<128x128xf32, #tpu.memory_space<vmem>>, vector<16xf32>,
        %mul3A_1597 = vector.broadcast %squeeze3A_1517 : f32 to vector<16xf32>
        %mul3A_1598 = arith.mulf %get3A_1596, %mul3A_1597 : vector<16xf32>
        %swap3A_1599 = arith.index_cast %add3A_1593 : i32 to index
        %swap3A_1600 = arith.constant 96 : index
        %swap3A_1601 = tpu.vector_load %arg8[%swap3A_1599, %swap3A_1600] {strides = array<i32>} : memref<128x128xf32, #tpu.memory_space<vmem>>, vector<16xf32>,
        tpu.vector_store %arg8[%swap3A_1599, %swap3A_1600], %mul3A_1598 {strides = array<i32>} : memref<128x128xf32, #tpu.memory_space<vmem>>, vector<16xf32>,
        %mul3A_1602 = arith.constant 16 : i32
        %mul3A_1603 = arith.muli %add3A_139, %mul3A_1602 : i32
        %add3A_1604 = arith.constant 14 : i32
        %add3A_1605 = arith.addi %mul3A_1603, %add3A_1604 : i32
        %get3A_1606 = arith.index_cast %add3A_1605 : i32 to index
        %get3A_1607 = arith.constant 112 : index
        %get3A_1608 = tpu.vector_load %arg8[%get3A_1606, %get3A_1607] {strides = array<i32>} : memref<128x128xf32, #tpu.memory_space<vmem>>, vector<16xf32>,
        %mul3A_1609 = vector.broadcast %squeeze3A_1517 : f32 to vector<16xf32>
        %mul3A_1610 = arith.mulf %get3A_1608, %mul3A_1609 : vector<16xf32>
        %swap3A_1611 = arith.index_cast %add3A_1605 : i32 to index
        %swap3A_1612 = arith.constant 112 : index
        %swap3A_1613 = tpu.vector_load %arg8[%swap3A_1611, %swap3A_1612] {strides = array<i32>} : memref<128x128xf32, #tpu.memory_space<vmem>>, vector<16xf32>,
        tpu.vector_store %arg8[%swap3A_1611, %swap3A_1612], %mul3A_1610 {strides = array<i32>} : memref<128x128xf32, #tpu.memory_space<vmem>>, vector<16xf32>,
        %slice3A_1614 = vector.extract_strided_slice %bitcast3A {offsets = [15], sizes = [1], strides = [1]} : vector<16xf32> to vector<1xf32>
        %squeeze3A_1615 = vector.extract %slice3A_1614[0] : f32 from vector<1xf32>
        %mul3A_1616 = arith.constant 16 : i32
        %mul3A_1617 = arith.muli %add3A_139, %mul3A_1616 : i32
        %add3A_1618 = arith.constant 15 : i32
        %add3A_1619 = arith.addi %mul3A_1617, %add3A_1618 : i32
        %get3A_1620 = arith.index_cast %add3A_1619 : i32 to index
        %get3A_1621 = arith.constant 0 : index
        %get3A_1622 = tpu.vector_load %arg8[%get3A_1620, %get3A_1621] {strides = array<i32>} : memref<128x128xf32, #tpu.memory_space<vmem>>, vector<16xf32>,
        %mul3A_1623 = vector.broadcast %squeeze3A_1615 : f32 to vector<16xf32>
        %mul3A_1624 = arith.mulf %get3A_1622, %mul3A_1623 : vector<16xf32>
        %swap3A_1625 = arith.index_cast %add3A_1619 : i32 to index
        %swap3A_1626 = arith.constant 0 : index
        %swap3A_1627 = tpu.vector_load %arg8[%swap3A_1625, %swap3A_1626] {strides = array<i32>} : memref<128x128xf32, #tpu.memory_space<vmem>>, vector<16xf32>,
        tpu.vector_store %arg8[%swap3A_1625, %swap3A_1626], %mul3A_1624 {strides = array<i32>} : memref<128x128xf32, #tpu.memory_space<vmem>>, vector<16xf32>,
        %mul3A_1628 = arith.constant 16 : i32
        %mul3A_1629 = arith.muli %add3A_139, %mul3A_1628 : i32
        %add3A_1630 = arith.constant 15 : i32
        %add3A_1631 = arith.addi %mul3A_1629, %add3A_1630 : i32
        %get3A_1632 = arith.index_cast %add3A_1631 : i32 to index
        %get3A_1633 = arith.constant 16 : index
        %get3A_1634 = tpu.vector_load %arg8[%get3A_1632, %get3A_1633] {strides = array<i32>} : memref<128x128xf32, #tpu.memory_space<vmem>>, vector<16xf32>,
        %mul3A_1635 = vector.broadcast %squeeze3A_1615 : f32 to vector<16xf32>
        %mul3A_1636 = arith.mulf %get3A_1634, %mul3A_1635 : vector<16xf32>
        %swap3A_1637 = arith.index_cast %add3A_1631 : i32 to index
        %swap3A_1638 = arith.constant 16 : index
        %swap3A_1639 = tpu.vector_load %arg8[%swap3A_1637, %swap3A_1638] {strides = array<i32>} : memref<128x128xf32, #tpu.memory_space<vmem>>, vector<16xf32>,
        tpu.vector_store %arg8[%swap3A_1637, %swap3A_1638], %mul3A_1636 {strides = array<i32>} : memref<128x128xf32, #tpu.memory_space<vmem>>, vector<16xf32>,
        %mul3A_1640 = arith.constant 16 : i32
        %mul3A_1641 = arith.muli %add3A_139, %mul3A_1640 : i32
        %add3A_1642 = arith.constant 15 : i32
        %add3A_1643 = arith.addi %mul3A_1641, %add3A_1642 : i32
        %get3A_1644 = arith.index_cast %add3A_1643 : i32 to index
        %get3A_1645 = arith.constant 32 : index
        %get3A_1646 = tpu.vector_load %arg8[%get3A_1644, %get3A_1645] {strides = array<i32>} : memref<128x128xf32, #tpu.memory_space<vmem>>, vector<16xf32>,
        %mul3A_1647 = vector.broadcast %squeeze3A_1615 : f32 to vector<16xf32>
        %mul3A_1648 = arith.mulf %get3A_1646, %mul3A_1647 : vector<16xf32>
        %swap3A_1649 = arith.index_cast %add3A_1643 : i32 to index
        %swap3A_1650 = arith.constant 32 : index
        %swap3A_1651 = tpu.vector_load %arg8[%swap3A_1649, %swap3A_1650] {strides = array<i32>} : memref<128x128xf32, #tpu.memory_space<vmem>>, vector<16xf32>,
        tpu.vector_store %arg8[%swap3A_1649, %swap3A_1650], %mul3A_1648 {strides = array<i32>} : memref<128x128xf32, #tpu.memory_space<vmem>>, vector<16xf32>,
        %mul3A_1652 = arith.constant 16 : i32
        %mul3A_1653 = arith.muli %add3A_139, %mul3A_1652 : i32
        %add3A_1654 = arith.constant 15 : i32
        %add3A_1655 = arith.addi %mul3A_1653, %add3A_1654 : i32
        %get3A_1656 = arith.index_cast %add3A_1655 : i32 to index
        %get3A_1657 = arith.constant 48 : index
        %get3A_1658 = tpu.vector_load %arg8[%get3A_1656, %get3A_1657] {strides = array<i32>} : memref<128x128xf32, #tpu.memory_space<vmem>>, vector<16xf32>,
        %mul3A_1659 = vector.broadcast %squeeze3A_1615 : f32 to vector<16xf32>
        %mul3A_1660 = arith.mulf %get3A_1658, %mul3A_1659 : vector<16xf32>
        %swap3A_1661 = arith.index_cast %add3A_1655 : i32 to index
        %swap3A_1662 = arith.constant 48 : index
        %swap3A_1663 = tpu.vector_load %arg8[%swap3A_1661, %swap3A_1662] {strides = array<i32>} : memref<128x128xf32, #tpu.memory_space<vmem>>, vector<16xf32>,
        tpu.vector_store %arg8[%swap3A_1661, %swap3A_1662], %mul3A_1660 {strides = array<i32>} : memref<128x128xf32, #tpu.memory_space<vmem>>, vector<16xf32>,
        %mul3A_1664 = arith.constant 16 : i32
        %mul3A_1665 = arith.muli %add3A_139, %mul3A_1664 : i32
        %add3A_1666 = arith.constant 15 : i32
        %add3A_1667 = arith.addi %mul3A_1665, %add3A_1666 : i32
        %get3A_1668 = arith.index_cast %add3A_1667 : i32 to index
        %get3A_1669 = arith.constant 64 : index
        %get3A_1670 = tpu.vector_load %arg8[%get3A_1668, %get3A_1669] {strides = array<i32>} : memref<128x128xf32, #tpu.memory_space<vmem>>, vector<16xf32>,
        %mul3A_1671 = vector.broadcast %squeeze3A_1615 : f32 to vector<16xf32>
        %mul3A_1672 = arith.mulf %get3A_1670, %mul3A_1671 : vector<16xf32>
        %swap3A_1673 = arith.index_cast %add3A_1667 : i32 to index
        %swap3A_1674 = arith.constant 64 : index
        %swap3A_1675 = tpu.vector_load %arg8[%swap3A_1673, %swap3A_1674] {strides = array<i32>} : memref<128x128xf32, #tpu.memory_space<vmem>>, vector<16xf32>,
        tpu.vector_store %arg8[%swap3A_1673, %swap3A_1674], %mul3A_1672 {strides = array<i32>} : memref<128x128xf32, #tpu.memory_space<vmem>>, vector<16xf32>,
        %mul3A_1676 = arith.constant 16 : i32
        %mul3A_1677 = arith.muli %add3A_139, %mul3A_1676 : i32
        %add3A_1678 = arith.constant 15 : i32
        %add3A_1679 = arith.addi %mul3A_1677, %add3A_1678 : i32
        %get3A_1680 = arith.index_cast %add3A_1679 : i32 to index
        %get3A_1681 = arith.constant 80 : index
        %get3A_1682 = tpu.vector_load %arg8[%get3A_1680, %get3A_1681] {strides = array<i32>} : memref<128x128xf32, #tpu.memory_space<vmem>>, vector<16xf32>,
        %mul3A_1683 = vector.broadcast %squeeze3A_1615 : f32 to vector<16xf32>
        %mul3A_1684 = arith.mulf %get3A_1682, %mul3A_1683 : vector<16xf32>
        %swap3A_1685 = arith.index_cast %add3A_1679 : i32 to index
        %swap3A_1686 = arith.constant 80 : index
        %swap3A_1687 = tpu.vector_load %arg8[%swap3A_1685, %swap3A_1686] {strides = array<i32>} : memref<128x128xf32, #tpu.memory_space<vmem>>, vector<16xf32>,
        tpu.vector_store %arg8[%swap3A_1685, %swap3A_1686], %mul3A_1684 {strides = array<i32>} : memref<128x128xf32, #tpu.memory_space<vmem>>, vector<16xf32>,
        %mul3A_1688 = arith.constant 16 : i32
        %mul3A_1689 = arith.muli %add3A_139, %mul3A_1688 : i32
        %add3A_1690 = arith.constant 15 : i32
        %add3A_1691 = arith.addi %mul3A_1689, %add3A_1690 : i32
        %get3A_1692 = arith.index_cast %add3A_1691 : i32 to index
        %get3A_1693 = arith.constant 96 : index
        %get3A_1694 = tpu.vector_load %arg8[%get3A_1692, %get3A_1693] {strides = array<i32>} : memref<128x128xf32, #tpu.memory_space<vmem>>, vector<16xf32>,
        %mul3A_1695 = vector.broadcast %squeeze3A_1615 : f32 to vector<16xf32>
        %mul3A_1696 = arith.mulf %get3A_1694, %mul3A_1695 : vector<16xf32>
        %swap3A_1697 = arith.index_cast %add3A_1691 : i32 to index
        %swap3A_1698 = arith.constant 96 : index
        %swap3A_1699 = tpu.vector_load %arg8[%swap3A_1697, %swap3A_1698] {strides = array<i32>} : memref<128x128xf32, #tpu.memory_space<vmem>>, vector<16xf32>,
        tpu.vector_store %arg8[%swap3A_1697, %swap3A_1698], %mul3A_1696 {strides = array<i32>} : memref<128x128xf32, #tpu.memory_space<vmem>>, vector<16xf32>,
        %mul3A_1700 = arith.constant 16 : i32
        %mul3A_1701 = arith.muli %add3A_139, %mul3A_1700 : i32
        %add3A_1702 = arith.constant 15 : i32
        %add3A_1703 = arith.addi %mul3A_1701, %add3A_1702 : i32
        %get3A_1704 = arith.index_cast %add3A_1703 : i32 to index
        %get3A_1705 = arith.constant 112 : index
        %get3A_1706 = tpu.vector_load %arg8[%get3A_1704, %get3A_1705] {strides = array<i32>} : memref<128x128xf32, #tpu.memory_space<vmem>>, vector<16xf32>,
        %mul3A_1707 = vector.broadcast %squeeze3A_1615 : f32 to vector<16xf32>
        %mul3A_1708 = arith.mulf %get3A_1706, %mul3A_1707 : vector<16xf32>
        %swap3A_1709 = arith.index_cast %add3A_1703 : i32 to index
        %swap3A_1710 = arith.constant 112 : index
        %swap3A_1711 = tpu.vector_load %arg8[%swap3A_1709, %swap3A_1710] {strides = array<i32>} : memref<128x128xf32, #tpu.memory_space<vmem>>, vector<16xf32>,
        tpu.vector_store %arg8[%swap3A_1709, %swap3A_1710], %mul3A_1708 {strides = array<i32>} : memref<128x128xf32, #tpu.memory_space<vmem>>, vector<16xf32>,
      }
      %scan3A_79 = arith.constant 8 : i32
      %dma_start3A_80 = arith.constant 0 : i32
      %dma_start3A_81 = tpu.memref_slice %arg7[%and3A_45, %and3A_47, %dma_start3A_80] : memref<2x24x128xi32, #tpu.memory_space<vmem>> -> memref<1x1x128xi32, #tpu.memory_space<vmem>>
      %dma_start3A_82 = tpu.memref_squeeze %dma_start3A_81 : memref<1x1x128xi32, #tpu.memory_space<vmem>> -> memref<128xi32, #tpu.memory_space<vmem>>
      %dma_start3A_83 = arith.constant 0 : i32
      %dma_start3A_84 = arith.constant 0 : i32
      %dma_start3A_85 = tpu.memref_slice %arg6[%dma_start3A_83, %dma_start3A_84] : memref<10112x128xf32, #tpu.memory_space<vmem_shared>> -> memref<10112x128xf32, #tpu.memory_space<vmem_shared>>
      tpu.enqueue_indirect_dma source(%arg8 : memref<128x128xf32, #tpu.memory_space<vmem>>) target(%dma_start3A_85 : memref<10112x128xf32, #tpu.memory_space<vmem_shared>>) offsets(%dma_start3A_82 : memref<128xi32, #tpu.memory_space<vmem>>) semaphore(%arg12 : memref<!tpu.dma_semaphore, #tpu.memory_space<semaphore_mem>>) {add = true}
      %mul3A_86 = arith.constant 2 : i32
      %mul3A_87 = arith.muli %mul3A_86, %add3A_40 : i32
      %add3A_88 = arith.constant 1 : i32
      %add3A_89 = arith.addi %mul3A_87, %add3A_88 : i32
      %shift_right_arithmetic3A_90 = arith.constant 3 : i32
      %shift_right_arithmetic3A_91 = arith.shrsi %add3A_89, %shift_right_arithmetic3A_90 : i32
      %and3A_92 = arith.constant 1 : i32
      %and3A_93 = arith.andi %shift_right_arithmetic3A_91, %and3A_92 : i32
      %and3A_94 = arith.constant 7 : i32
      %and3A_95 = arith.andi %add3A_89, %and3A_94 : i32
      %dma_wait3A_96 = arith.constant 0 : i32
      %dma_wait3A_97 = arith.constant 0 : i32
      %dma_wait3A_98 = tpu.memref_slice %arg6[%dma_wait3A_96, %dma_wait3A_97] : memref<10112x128xf32, #tpu.memory_space<vmem_shared>> -> memref<128x128xf32, #tpu.memory_space<vmem_shared>>
      %dma_wait3A_99 = arith.constant 0 : i32
      %dma_wait3A_100 = arith.constant 0 : i32
      %dma_wait3A_101 = tpu.memref_slice %arg6[%dma_wait3A_99, %dma_wait3A_100] : memref<10112x128xf32, #tpu.memory_space<vmem_shared>> -> memref<128x128xf32, #tpu.memory_space<vmem_shared>>
      tpu.wait_dma2 semaphore(%arg12 : memref<!tpu.dma_semaphore, #tpu.memory_space<semaphore_mem>>) src(%arg8 : memref<128x128xf32, #tpu.memory_space<vmem>>) dst(%dma_wait3A_101 : memref<128x128xf32, #tpu.memory_space<vmem_shared>>)
      %add3A_102 = arith.constant 1 : i32
      %add3A_103 = arith.addi %add3A_89, %add3A_102 : i32
      %shift_right_arithmetic3A_104 = arith.constant 3 : i32
      %shift_right_arithmetic3A_105 = arith.shrsi %add3A_103, %shift_right_arithmetic3A_104 : i32
      %and3A_106 = arith.constant 1 : i32
      %and3A_107 = arith.andi %shift_right_arithmetic3A_105, %and3A_106 : i32
      %and3A_108 = arith.constant 7 : i32
      %and3A_109 = arith.andi %add3A_103, %and3A_108 : i32
      %add3A_110 = arith.constant 8 : i32
      %add3A_111 = arith.addi %add3A_110, %and3A_109 : i32
      %dma_start3A_112 = arith.constant 0 : i32
      %dma_start3A_113 = tpu.memref_slice %arg7[%and3A_107, %add3A_111, %dma_start3A_112] : memref<2x24x128xi32, #tpu.memory_space<vmem>> -> memref<1x1x128xi32, #tpu.memory_space<vmem>>
      %dma_start3A_114 = tpu.memref_squeeze %dma_start3A_113 : memref<1x1x128xi32, #tpu.memory_space<vmem>> -> memref<128xi32, #tpu.memory_space<vmem>>
      %dma_start3A_115 = arith.constant 0 : i32
      %dma_start3A_116 = arith.constant 0 : i32
      %dma_start3A_117 = tpu.memref_slice %arg2[%dma_start3A_115, %dma_start3A_116] : memref<10000x128xf32, #tpu.memory_space<hbm>> -> memref<10000x128xf32, #tpu.memory_space<hbm>>
      tpu.enqueue_indirect_dma source(%dma_start3A_117 : memref<10000x128xf32, #tpu.memory_space<hbm>>) target(%arg8 : memref<128x128xf32, #tpu.memory_space<vmem>>) offsets(%dma_start3A_114 : memref<128xi32, #tpu.memory_space<vmem>>) semaphore(%arg10 : memref<!tpu.dma_semaphore, #tpu.memory_space<semaphore_mem>>)
      %dma_wait3A_118 = arith.constant 0 : i32
      %dma_wait3A_119 = arith.constant 0 : i32
      %dma_wait3A_120 = tpu.memref_slice %arg2[%dma_wait3A_118, %dma_wait3A_119] : memref<10000x128xf32, #tpu.memory_space<hbm>> -> memref<128x128xf32, #tpu.memory_space<hbm>>
      %dma_wait3A_121 = arith.constant 0 : i32
      %dma_wait3A_122 = arith.constant 0 : i32
      %dma_wait3A_123 = tpu.memref_slice %arg2[%dma_wait3A_121, %dma_wait3A_122] : memref<10000x128xf32, #tpu.memory_space<hbm>> -> memref<128x128xf32, #tpu.memory_space<hbm>>
      tpu.wait_dma2 semaphore(%arg11 : memref<!tpu.dma_semaphore, #tpu.memory_space<semaphore_mem>>) src(%dma_wait3A_123 : memref<128x128xf32, #tpu.memory_space<hbm>>) dst(%arg9 : memref<128x128xf32, #tpu.memory_space<vmem>>)
      %scan3A_124 = arith.constant 0 : i32
      %scan3A_125 = arith.constant 8 : i32
      %scan3A_126 = arith.addi %scan3A_124, %scan3A_125 : i32
      %scan3A_127 = arith.constant 1 : i32
      scf.for %scan3A_135 = %scan3A_124 to %scan3A_126 step %scan3A_127  : i32 {
        %mul3A_136 = arith.constant 1 : i32
        %mul3A_137 = arith.muli %scan3A_135, %mul3A_136 : i32
        %add3A_138 = arith.constant 0 : i32
        %add3A_139 = arith.addi %add3A_138, %mul3A_137 : i32
        %add3A_140 = arith.constant 16 : i32
        %add3A_141 = arith.addi %add3A_140, %and3A_95 : i32
        %mul3A_142 = arith.constant 16 : i32
        %mul3A_143 = arith.muli %add3A_139, %mul3A_142 : i32
        %get3A = arith.index_cast %and3A_93 : i32 to index
        %get3A_144 = arith.index_cast %add3A_141 : i32 to index
        %get3A_145 = arith.index_cast %mul3A_143 : i32 to index
        %get3A_146 = tpu.vector_load %arg7[%get3A, %get3A_144, %get3A_145] {strides = array<i32>} : memref<2x24x128xi32, #tpu.memory_space<vmem>>, vector<16xi32>,
        %bitcast3A = vector.bitcast %get3A_146 : vector<16xi32> to vector<16xf32>
        %slice3A = vector.extract_strided_slice %bitcast3A {offsets = [0], sizes = [1], strides = [1]} : vector<16xf32> to vector<1xf32>
        %squeeze3A = vector.extract %slice3A[0] : f32 from vector<1xf32>
        %mul3A_147 = arith.constant 16 : i32
        %mul3A_148 = arith.muli %add3A_139, %mul3A_147 : i32
        %add3A_149 = arith.constant 0 : i32
        %add3A_150 = arith.addi %mul3A_148, %add3A_149 : i32
        %get3A_151 = arith.index_cast %add3A_150 : i32 to index
        %get3A_152 = arith.constant 0 : index
        %get3A_153 = tpu.vector_load %arg9[%get3A_151, %get3A_152] {strides = array<i32>} : memref<128x128xf32, #tpu.memory_space<vmem>>, vector<16xf32>,
        %mul3A_154 = vector.broadcast %squeeze3A : f32 to vector<16xf32>
        %mul3A_155 = arith.mulf %get3A_153, %mul3A_154 : vector<16xf32>
        %swap3A = arith.index_cast %add3A_150 : i32 to index
        %swap3A_156 = arith.constant 0 : index
        %swap3A_157 = tpu.vector_load %arg9[%swap3A, %swap3A_156] {strides = array<i32>} : memref<128x128xf32, #tpu.memory_space<vmem>>, vector<16xf32>,
        tpu.vector_store %arg9[%swap3A, %swap3A_156], %mul3A_155 {strides = array<i32>} : memref<128x128xf32, #tpu.memory_space<vmem>>, vector<16xf32>,
        %mul3A_158 = arith.constant 16 : i32
        %mul3A_159 = arith.muli %add3A_139, %mul3A_158 : i32
        %add3A_160 = arith.constant 0 : i32
        %add3A_161 = arith.addi %mul3A_159, %add3A_160 : i32
        %get3A_162 = arith.index_cast %add3A_161 : i32 to index
        %get3A_163 = arith.constant 16 : index
        %get3A_164 = tpu.vector_load %arg9[%get3A_162, %get3A_163] {strides = array<i32>} : memref<128x128xf32, #tpu.memory_space<vmem>>, vector<16xf32>,
        %mul3A_165 = vector.broadcast %squeeze3A : f32 to vector<16xf32>
        %mul3A_166 = arith.mulf %get3A_164, %mul3A_165 : vector<16xf32>
        %swap3A_167 = arith.index_cast %add3A_161 : i32 to index
        %swap3A_168 = arith.constant 16 : index
        %swap3A_169 = tpu.vector_load %arg9[%swap3A_167, %swap3A_168] {strides = array<i32>} : memref<128x128xf32, #tpu.memory_space<vmem>>, vector<16xf32>,
        tpu.vector_store %arg9[%swap3A_167, %swap3A_168], %mul3A_166 {strides = array<i32>} : memref<128x128xf32, #tpu.memory_space<vmem>>, vector<16xf32>,
        %mul3A_170 = arith.constant 16 : i32
        %mul3A_171 = arith.muli %add3A_139, %mul3A_170 : i32
        %add3A_172 = arith.constant 0 : i32
        %add3A_173 = arith.addi %mul3A_171, %add3A_172 : i32
        %get3A_174 = arith.index_cast %add3A_173 : i32 to index
        %get3A_175 = arith.constant 32 : index
        %get3A_176 = tpu.vector_load %arg9[%get3A_174, %get3A_175] {strides = array<i32>} : memref<128x128xf32, #tpu.memory_space<vmem>>, vector<16xf32>,
        %mul3A_177 = vector.broadcast %squeeze3A : f32 to vector<16xf32>
        %mul3A_178 = arith.mulf %get3A_176, %mul3A_177 : vector<16xf32>
        %swap3A_179 = arith.index_cast %add3A_173 : i32 to index
        %swap3A_180 = arith.constant 32 : index
        %swap3A_181 = tpu.vector_load %arg9[%swap3A_179, %swap3A_180] {strides = array<i32>} : memref<128x128xf32, #tpu.memory_space<vmem>>, vector<16xf32>,
        tpu.vector_store %arg9[%swap3A_179, %swap3A_180], %mul3A_178 {strides = array<i32>} : memref<128x128xf32, #tpu.memory_space<vmem>>, vector<16xf32>,
        %mul3A_182 = arith.constant 16 : i32
        %mul3A_183 = arith.muli %add3A_139, %mul3A_182 : i32
        %add3A_184 = arith.constant 0 : i32
        %add3A_185 = arith.addi %mul3A_183, %add3A_184 : i32
        %get3A_186 = arith.index_cast %add3A_185 : i32 to index
        %get3A_187 = arith.constant 48 : index
        %get3A_188 = tpu.vector_load %arg9[%get3A_186, %get3A_187] {strides = array<i32>} : memref<128x128xf32, #tpu.memory_space<vmem>>, vector<16xf32>,
        %mul3A_189 = vector.broadcast %squeeze3A : f32 to vector<16xf32>
        %mul3A_190 = arith.mulf %get3A_188, %mul3A_189 : vector<16xf32>
        %swap3A_191 = arith.index_cast %add3A_185 : i32 to index
        %swap3A_192 = arith.constant 48 : index
        %swap3A_193 = tpu.vector_load %arg9[%swap3A_191, %swap3A_192] {strides = array<i32>} : memref<128x128xf32, #tpu.memory_space<vmem>>, vector<16xf32>,
        tpu.vector_store %arg9[%swap3A_191, %swap3A_192], %mul3A_190 {strides = array<i32>} : memref<128x128xf32, #tpu.memory_space<vmem>>, vector<16xf32>,
        %mul3A_194 = arith.constant 16 : i32
        %mul3A_195 = arith.muli %add3A_139, %mul3A_194 : i32
        %add3A_196 = arith.constant 0 : i32
        %add3A_197 = arith.addi %mul3A_195, %add3A_196 : i32
        %get3A_198 = arith.index_cast %add3A_197 : i32 to index
        %get3A_199 = arith.constant 64 : index
        %get3A_200 = tpu.vector_load %arg9[%get3A_198, %get3A_199] {strides = array<i32>} : memref<128x128xf32, #tpu.memory_space<vmem>>, vector<16xf32>,
        %mul3A_201 = vector.broadcast %squeeze3A : f32 to vector<16xf32>
        %mul3A_202 = arith.mulf %get3A_200, %mul3A_201 : vector<16xf32>
        %swap3A_203 = arith.index_cast %add3A_197 : i32 to index
        %swap3A_204 = arith.constant 64 : index
        %swap3A_205 = tpu.vector_load %arg9[%swap3A_203, %swap3A_204] {strides = array<i32>} : memref<128x128xf32, #tpu.memory_space<vmem>>, vector<16xf32>,
        tpu.vector_store %arg9[%swap3A_203, %swap3A_204], %mul3A_202 {strides = array<i32>} : memref<128x128xf32, #tpu.memory_space<vmem>>, vector<16xf32>,
        %mul3A_206 = arith.constant 16 : i32
        %mul3A_207 = arith.muli %add3A_139, %mul3A_206 : i32
        %add3A_208 = arith.constant 0 : i32
        %add3A_209 = arith.addi %mul3A_207, %add3A_208 : i32
        %get3A_210 = arith.index_cast %add3A_209 : i32 to index
        %get3A_211 = arith.constant 80 : index
        %get3A_212 = tpu.vector_load %arg9[%get3A_210, %get3A_211] {strides = array<i32>} : memref<128x128xf32, #tpu.memory_space<vmem>>, vector<16xf32>,
        %mul3A_213 = vector.broadcast %squeeze3A : f32 to vector<16xf32>
        %mul3A_214 = arith.mulf %get3A_212, %mul3A_213 : vector<16xf32>
        %swap3A_215 = arith.index_cast %add3A_209 : i32 to index
        %swap3A_216 = arith.constant 80 : index
        %swap3A_217 = tpu.vector_load %arg9[%swap3A_215, %swap3A_216] {strides = array<i32>} : memref<128x128xf32, #tpu.memory_space<vmem>>, vector<16xf32>,
        tpu.vector_store %arg9[%swap3A_215, %swap3A_216], %mul3A_214 {strides = array<i32>} : memref<128x128xf32, #tpu.memory_space<vmem>>, vector<16xf32>,
        %mul3A_218 = arith.constant 16 : i32
        %mul3A_219 = arith.muli %add3A_139, %mul3A_218 : i32
        %add3A_220 = arith.constant 0 : i32
        %add3A_221 = arith.addi %mul3A_219, %add3A_220 : i32
        %get3A_222 = arith.index_cast %add3A_221 : i32 to index
        %get3A_223 = arith.constant 96 : index
        %get3A_224 = tpu.vector_load %arg9[%get3A_222, %get3A_223] {strides = array<i32>} : memref<128x128xf32, #tpu.memory_space<vmem>>, vector<16xf32>,
        %mul3A_225 = vector.broadcast %squeeze3A : f32 to vector<16xf32>
        %mul3A_226 = arith.mulf %get3A_224, %mul3A_225 : vector<16xf32>
        %swap3A_227 = arith.index_cast %add3A_221 : i32 to index
        %swap3A_228 = arith.constant 96 : index
        %swap3A_229 = tpu.vector_load %arg9[%swap3A_227, %swap3A_228] {strides = array<i32>} : memref<128x128xf32, #tpu.memory_space<vmem>>, vector<16xf32>,
        tpu.vector_store %arg9[%swap3A_227, %swap3A_228], %mul3A_226 {strides = array<i32>} : memref<128x128xf32, #tpu.memory_space<vmem>>, vector<16xf32>,
        %mul3A_230 = arith.constant 16 : i32
        %mul3A_231 = arith.muli %add3A_139, %mul3A_230 : i32
        %add3A_232 = arith.constant 0 : i32
        %add3A_233 = arith.addi %mul3A_231, %add3A_232 : i32
        %get3A_234 = arith.index_cast %add3A_233 : i32 to index
        %get3A_235 = arith.constant 112 : index
        %get3A_236 = tpu.vector_load %arg9[%get3A_234, %get3A_235] {strides = array<i32>} : memref<128x128xf32, #tpu.memory_space<vmem>>, vector<16xf32>,
        %mul3A_237 = vector.broadcast %squeeze3A : f32 to vector<16xf32>
        %mul3A_238 = arith.mulf %get3A_236, %mul3A_237 : vector<16xf32>
        %swap3A_239 = arith.index_cast %add3A_233 : i32 to index
        %swap3A_240 = arith.constant 112 : index
        %swap3A_241 = tpu.vector_load %arg9[%swap3A_239, %swap3A_240] {strides = array<i32>} : memref<128x128xf32, #tpu.memory_space<vmem>>, vector<16xf32>,
        tpu.vector_store %arg9[%swap3A_239, %swap3A_240], %mul3A_238 {strides = array<i32>} : memref<128x128xf32, #tpu.memory_space<vmem>>, vector<16xf32>,
        %slice3A_242 = vector.extract_strided_slice %bitcast3A {offsets = [1], sizes = [1], strides = [1]} : vector<16xf32> to vector<1xf32>
        %squeeze3A_243 = vector.extract %slice3A_242[0] : f32 from vector<1xf32>
        %mul3A_244 = arith.constant 16 : i32
        %mul3A_245 = arith.muli %add3A_139, %mul3A_244 : i32
        %add3A_246 = arith.constant 1 : i32
        %add3A_247 = arith.addi %mul3A_245, %add3A_246 : i32
        %get3A_248 = arith.index_cast %add3A_247 : i32 to index
        %get3A_249 = arith.constant 0 : index
        %get3A_250 = tpu.vector_load %arg9[%get3A_248, %get3A_249] {strides = array<i32>} : memref<128x128xf32, #tpu.memory_space<vmem>>, vector<16xf32>,
        %mul3A_251 = vector.broadcast %squeeze3A_243 : f32 to vector<16xf32>
        %mul3A_252 = arith.mulf %get3A_250, %mul3A_251 : vector<16xf32>
        %swap3A_253 = arith.index_cast %add3A_247 : i32 to index
        %swap3A_254 = arith.constant 0 : index
        %swap3A_255 = tpu.vector_load %arg9[%swap3A_253, %swap3A_254] {strides = array<i32>} : memref<128x128xf32, #tpu.memory_space<vmem>>, vector<16xf32>,
        tpu.vector_store %arg9[%swap3A_253, %swap3A_254], %mul3A_252 {strides = array<i32>} : memref<128x128xf32, #tpu.memory_space<vmem>>, vector<16xf32>,
        %mul3A_256 = arith.constant 16 : i32
        %mul3A_257 = arith.muli %add3A_139, %mul3A_256 : i32
        %add3A_258 = arith.constant 1 : i32
        %add3A_259 = arith.addi %mul3A_257, %add3A_258 : i32
        %get3A_260 = arith.index_cast %add3A_259 : i32 to index
        %get3A_261 = arith.constant 16 : index
        %get3A_262 = tpu.vector_load %arg9[%get3A_260, %get3A_261] {strides = array<i32>} : memref<128x128xf32, #tpu.memory_space<vmem>>, vector<16xf32>,
        %mul3A_263 = vector.broadcast %squeeze3A_243 : f32 to vector<16xf32>
        %mul3A_264 = arith.mulf %get3A_262, %mul3A_263 : vector<16xf32>
        %swap3A_265 = arith.index_cast %add3A_259 : i32 to index
        %swap3A_266 = arith.constant 16 : index
        %swap3A_267 = tpu.vector_load %arg9[%swap3A_265, %swap3A_266] {strides = array<i32>} : memref<128x128xf32, #tpu.memory_space<vmem>>, vector<16xf32>,
        tpu.vector_store %arg9[%swap3A_265, %swap3A_266], %mul3A_264 {strides = array<i32>} : memref<128x128xf32, #tpu.memory_space<vmem>>, vector<16xf32>,
        %mul3A_268 = arith.constant 16 : i32
        %mul3A_269 = arith.muli %add3A_139, %mul3A_268 : i32
        %add3A_270 = arith.constant 1 : i32
        %add3A_271 = arith.addi %mul3A_269, %add3A_270 : i32
        %get3A_272 = arith.index_cast %add3A_271 : i32 to index
        %get3A_273 = arith.constant 32 : index
        %get3A_274 = tpu.vector_load %arg9[%get3A_272, %get3A_273] {strides = array<i32>} : memref<128x128xf32, #tpu.memory_space<vmem>>, vector<16xf32>,
        %mul3A_275 = vector.broadcast %squeeze3A_243 : f32 to vector<16xf32>
        %mul3A_276 = arith.mulf %get3A_274, %mul3A_275 : vector<16xf32>
        %swap3A_277 = arith.index_cast %add3A_271 : i32 to index
        %swap3A_278 = arith.constant 32 : index
        %swap3A_279 = tpu.vector_load %arg9[%swap3A_277, %swap3A_278] {strides = array<i32>} : memref<128x128xf32, #tpu.memory_space<vmem>>, vector<16xf32>,
        tpu.vector_store %arg9[%swap3A_277, %swap3A_278], %mul3A_276 {strides = array<i32>} : memref<128x128xf32, #tpu.memory_space<vmem>>, vector<16xf32>,
        %mul3A_280 = arith.constant 16 : i32
        %mul3A_281 = arith.muli %add3A_139, %mul3A_280 : i32
        %add3A_282 = arith.constant 1 : i32
        %add3A_283 = arith.addi %mul3A_281, %add3A_282 : i32
        %get3A_284 = arith.index_cast %add3A_283 : i32 to index
        %get3A_285 = arith.constant 48 : index
        %get3A_286 = tpu.vector_load %arg9[%get3A_284, %get3A_285] {strides = array<i32>} : memref<128x128xf32, #tpu.memory_space<vmem>>, vector<16xf32>,
        %mul3A_287 = vector.broadcast %squeeze3A_243 : f32 to vector<16xf32>
        %mul3A_288 = arith.mulf %get3A_286, %mul3A_287 : vector<16xf32>
        %swap3A_289 = arith.index_cast %add3A_283 : i32 to index
        %swap3A_290 = arith.constant 48 : index
        %swap3A_291 = tpu.vector_load %arg9[%swap3A_289, %swap3A_290] {strides = array<i32>} : memref<128x128xf32, #tpu.memory_space<vmem>>, vector<16xf32>,
        tpu.vector_store %arg9[%swap3A_289, %swap3A_290], %mul3A_288 {strides = array<i32>} : memref<128x128xf32, #tpu.memory_space<vmem>>, vector<16xf32>,
        %mul3A_292 = arith.constant 16 : i32
        %mul3A_293 = arith.muli %add3A_139, %mul3A_292 : i32
        %add3A_294 = arith.constant 1 : i32
        %add3A_295 = arith.addi %mul3A_293, %add3A_294 : i32
        %get3A_296 = arith.index_cast %add3A_295 : i32 to index
        %get3A_297 = arith.constant 64 : index
        %get3A_298 = tpu.vector_load %arg9[%get3A_296, %get3A_297] {strides = array<i32>} : memref<128x128xf32, #tpu.memory_space<vmem>>, vector<16xf32>,
        %mul3A_299 = vector.broadcast %squeeze3A_243 : f32 to vector<16xf32>
        %mul3A_300 = arith.mulf %get3A_298, %mul3A_299 : vector<16xf32>
        %swap3A_301 = arith.index_cast %add3A_295 : i32 to index
        %swap3A_302 = arith.constant 64 : index
        %swap3A_303 = tpu.vector_load %arg9[%swap3A_301, %swap3A_302] {strides = array<i32>} : memref<128x128xf32, #tpu.memory_space<vmem>>, vector<16xf32>,
        tpu.vector_store %arg9[%swap3A_301, %swap3A_302], %mul3A_300 {strides = array<i32>} : memref<128x128xf32, #tpu.memory_space<vmem>>, vector<16xf32>,
        %mul3A_304 = arith.constant 16 : i32
        %mul3A_305 = arith.muli %add3A_139, %mul3A_304 : i32
        %add3A_306 = arith.constant 1 : i32
        %add3A_307 = arith.addi %mul3A_305, %add3A_306 : i32
        %get3A_308 = arith.index_cast %add3A_307 : i32 to index
        %get3A_309 = arith.constant 80 : index
        %get3A_310 = tpu.vector_load %arg9[%get3A_308, %get3A_309] {strides = array<i32>} : memref<128x128xf32, #tpu.memory_space<vmem>>, vector<16xf32>,
        %mul3A_311 = vector.broadcast %squeeze3A_243 : f32 to vector<16xf32>
        %mul3A_312 = arith.mulf %get3A_310, %mul3A_311 : vector<16xf32>
        %swap3A_313 = arith.index_cast %add3A_307 : i32 to index
        %swap3A_314 = arith.constant 80 : index
        %swap3A_315 = tpu.vector_load %arg9[%swap3A_313, %swap3A_314] {strides = array<i32>} : memref<128x128xf32, #tpu.memory_space<vmem>>, vector<16xf32>,
        tpu.vector_store %arg9[%swap3A_313, %swap3A_314], %mul3A_312 {strides = array<i32>} : memref<128x128xf32, #tpu.memory_space<vmem>>, vector<16xf32>,
        %mul3A_316 = arith.constant 16 : i32
        %mul3A_317 = arith.muli %add3A_139, %mul3A_316 : i32
        %add3A_318 = arith.constant 1 : i32
        %add3A_319 = arith.addi %mul3A_317, %add3A_318 : i32
        %get3A_320 = arith.index_cast %add3A_319 : i32 to index
        %get3A_321 = arith.constant 96 : index
        %get3A_322 = tpu.vector_load %arg9[%get3A_320, %get3A_321] {strides = array<i32>} : memref<128x128xf32, #tpu.memory_space<vmem>>, vector<16xf32>,
        %mul3A_323 = vector.broadcast %squeeze3A_243 : f32 to vector<16xf32>
        %mul3A_324 = arith.mulf %get3A_322, %mul3A_323 : vector<16xf32>
        %swap3A_325 = arith.index_cast %add3A_319 : i32 to index
        %swap3A_326 = arith.constant 96 : index
        %swap3A_327 = tpu.vector_load %arg9[%swap3A_325, %swap3A_326] {strides = array<i32>} : memref<128x128xf32, #tpu.memory_space<vmem>>, vector<16xf32>,
        tpu.vector_store %arg9[%swap3A_325, %swap3A_326], %mul3A_324 {strides = array<i32>} : memref<128x128xf32, #tpu.memory_space<vmem>>, vector<16xf32>,
        %mul3A_328 = arith.constant 16 : i32
        %mul3A_329 = arith.muli %add3A_139, %mul3A_328 : i32
        %add3A_330 = arith.constant 1 : i32
        %add3A_331 = arith.addi %mul3A_329, %add3A_330 : i32
        %get3A_332 = arith.index_cast %add3A_331 : i32 to index
        %get3A_333 = arith.constant 112 : index
        %get3A_334 = tpu.vector_load %arg9[%get3A_332, %get3A_333] {strides = array<i32>} : memref<128x128xf32, #tpu.memory_space<vmem>>, vector<16xf32>,
        %mul3A_335 = vector.broadcast %squeeze3A_243 : f32 to vector<16xf32>
        %mul3A_336 = arith.mulf %get3A_334, %mul3A_335 : vector<16xf32>
        %swap3A_337 = arith.index_cast %add3A_331 : i32 to index
        %swap3A_338 = arith.constant 112 : index
        %swap3A_339 = tpu.vector_load %arg9[%swap3A_337, %swap3A_338] {strides = array<i32>} : memref<128x128xf32, #tpu.memory_space<vmem>>, vector<16xf32>,
        tpu.vector_store %arg9[%swap3A_337, %swap3A_338], %mul3A_336 {strides = array<i32>} : memref<128x128xf32, #tpu.memory_space<vmem>>, vector<16xf32>,
        %slice3A_340 = vector.extract_strided_slice %bitcast3A {offsets = [2], sizes = [1], strides = [1]} : vector<16xf32> to vector<1xf32>
        %squeeze3A_341 = vector.extract %slice3A_340[0] : f32 from vector<1xf32>
        %mul3A_342 = arith.constant 16 : i32
        %mul3A_343 = arith.muli %add3A_139, %mul3A_342 : i32
        %add3A_344 = arith.constant 2 : i32
        %add3A_345 = arith.addi %mul3A_343, %add3A_344 : i32
        %get3A_346 = arith.index_cast %add3A_345 : i32 to index
        %get3A_347 = arith.constant 0 : index
        %get3A_348 = tpu.vector_load %arg9[%get3A_346, %get3A_347] {strides = array<i32>} : memref<128x128xf32, #tpu.memory_space<vmem>>, vector<16xf32>,
        %mul3A_349 = vector.broadcast %squeeze3A_341 : f32 to vector<16xf32>
        %mul3A_350 = arith.mulf %get3A_348, %mul3A_349 : vector<16xf32>
        %swap3A_351 = arith.index_cast %add3A_345 : i32 to index
        %swap3A_352 = arith.constant 0 : index
        %swap3A_353 = tpu.vector_load %arg9[%swap3A_351, %swap3A_352] {strides = array<i32>} : memref<128x128xf32, #tpu.memory_space<vmem>>, vector<16xf32>,
        tpu.vector_store %arg9[%swap3A_351, %swap3A_352], %mul3A_350 {strides = array<i32>} : memref<128x128xf32, #tpu.memory_space<vmem>>, vector<16xf32>,
        %mul3A_354 = arith.constant 16 : i32
        %mul3A_355 = arith.muli %add3A_139, %mul3A_354 : i32
        %add3A_356 = arith.constant 2 : i32
        %add3A_357 = arith.addi %mul3A_355, %add3A_356 : i32
        %get3A_358 = arith.index_cast %add3A_357 : i32 to index
        %get3A_359 = arith.constant 16 : index
        %get3A_360 = tpu.vector_load %arg9[%get3A_358, %get3A_359] {strides = array<i32>} : memref<128x128xf32, #tpu.memory_space<vmem>>, vector<16xf32>,
        %mul3A_361 = vector.broadcast %squeeze3A_341 : f32 to vector<16xf32>
        %mul3A_362 = arith.mulf %get3A_360, %mul3A_361 : vector<16xf32>
        %swap3A_363 = arith.index_cast %add3A_357 : i32 to index
        %swap3A_364 = arith.constant 16 : index
        %swap3A_365 = tpu.vector_load %arg9[%swap3A_363, %swap3A_364] {strides = array<i32>} : memref<128x128xf32, #tpu.memory_space<vmem>>, vector<16xf32>,
        tpu.vector_store %arg9[%swap3A_363, %swap3A_364], %mul3A_362 {strides = array<i32>} : memref<128x128xf32, #tpu.memory_space<vmem>>, vector<16xf32>,
        %mul3A_366 = arith.constant 16 : i32
        %mul3A_367 = arith.muli %add3A_139, %mul3A_366 : i32
        %add3A_368 = arith.constant 2 : i32
        %add3A_369 = arith.addi %mul3A_367, %add3A_368 : i32
        %get3A_370 = arith.index_cast %add3A_369 : i32 to index
        %get3A_371 = arith.constant 32 : index
        %get3A_372 = tpu.vector_load %arg9[%get3A_370, %get3A_371] {strides = array<i32>} : memref<128x128xf32, #tpu.memory_space<vmem>>, vector<16xf32>,
        %mul3A_373 = vector.broadcast %squeeze3A_341 : f32 to vector<16xf32>
        %mul3A_374 = arith.mulf %get3A_372, %mul3A_373 : vector<16xf32>
        %swap3A_375 = arith.index_cast %add3A_369 : i32 to index
        %swap3A_376 = arith.constant 32 : index
        %swap3A_377 = tpu.vector_load %arg9[%swap3A_375, %swap3A_376] {strides = array<i32>} : memref<128x128xf32, #tpu.memory_space<vmem>>, vector<16xf32>,
        tpu.vector_store %arg9[%swap3A_375, %swap3A_376], %mul3A_374 {strides = array<i32>} : memref<128x128xf32, #tpu.memory_space<vmem>>, vector<16xf32>,
        %mul3A_378 = arith.constant 16 : i32
        %mul3A_379 = arith.muli %add3A_139, %mul3A_378 : i32
        %add3A_380 = arith.constant 2 : i32
        %add3A_381 = arith.addi %mul3A_379, %add3A_380 : i32
        %get3A_382 = arith.index_cast %add3A_381 : i32 to index
        %get3A_383 = arith.constant 48 : index
        %get3A_384 = tpu.vector_load %arg9[%get3A_382, %get3A_383] {strides = array<i32>} : memref<128x128xf32, #tpu.memory_space<vmem>>, vector<16xf32>,
        %mul3A_385 = vector.broadcast %squeeze3A_341 : f32 to vector<16xf32>
        %mul3A_386 = arith.mulf %get3A_384, %mul3A_385 : vector<16xf32>
        %swap3A_387 = arith.index_cast %add3A_381 : i32 to index
        %swap3A_388 = arith.constant 48 : index
        %swap3A_389 = tpu.vector_load %arg9[%swap3A_387, %swap3A_388] {strides = array<i32>} : memref<128x128xf32, #tpu.memory_space<vmem>>, vector<16xf32>,
        tpu.vector_store %arg9[%swap3A_387, %swap3A_388], %mul3A_386 {strides = array<i32>} : memref<128x128xf32, #tpu.memory_space<vmem>>, vector<16xf32>,
        %mul3A_390 = arith.constant 16 : i32
        %mul3A_391 = arith.muli %add3A_139, %mul3A_390 : i32
        %add3A_392 = arith.constant 2 : i32
        %add3A_393 = arith.addi %mul3A_391, %add3A_392 : i32
        %get3A_394 = arith.index_cast %add3A_393 : i32 to index
        %get3A_395 = arith.constant 64 : index
        %get3A_396 = tpu.vector_load %arg9[%get3A_394, %get3A_395] {strides = array<i32>} : memref<128x128xf32, #tpu.memory_space<vmem>>, vector<16xf32>,
        %mul3A_397 = vector.broadcast %squeeze3A_341 : f32 to vector<16xf32>
        %mul3A_398 = arith.mulf %get3A_396, %mul3A_397 : vector<16xf32>
        %swap3A_399 = arith.index_cast %add3A_393 : i32 to index
        %swap3A_400 = arith.constant 64 : index
        %swap3A_401 = tpu.vector_load %arg9[%swap3A_399, %swap3A_400] {strides = array<i32>} : memref<128x128xf32, #tpu.memory_space<vmem>>, vector<16xf32>,
        tpu.vector_store %arg9[%swap3A_399, %swap3A_400], %mul3A_398 {strides = array<i32>} : memref<128x128xf32, #tpu.memory_space<vmem>>, vector<16xf32>,
        %mul3A_402 = arith.constant 16 : i32
        %mul3A_403 = arith.muli %add3A_139, %mul3A_402 : i32
        %add3A_404 = arith.constant 2 : i32
        %add3A_405 = arith.addi %mul3A_403, %add3A_404 : i32
        %get3A_406 = arith.index_cast %add3A_405 : i32 to index
        %get3A_407 = arith.constant 80 : index
        %get3A_408 = tpu.vector_load %arg9[%get3A_406, %get3A_407] {strides = array<i32>} : memref<128x128xf32, #tpu.memory_space<vmem>>, vector<16xf32>,
        %mul3A_409 = vector.broadcast %squeeze3A_341 : f32 to vector<16xf32>
        %mul3A_410 = arith.mulf %get3A_408, %mul3A_409 : vector<16xf32>
        %swap3A_411 = arith.index_cast %add3A_405 : i32 to index
        %swap3A_412 = arith.constant 80 : index
        %swap3A_413 = tpu.vector_load %arg9[%swap3A_411, %swap3A_412] {strides = array<i32>} : memref<128x128xf32, #tpu.memory_space<vmem>>, vector<16xf32>,
        tpu.vector_store %arg9[%swap3A_411, %swap3A_412], %mul3A_410 {strides = array<i32>} : memref<128x128xf32, #tpu.memory_space<vmem>>, vector<16xf32>,
        %mul3A_414 = arith.constant 16 : i32
        %mul3A_415 = arith.muli %add3A_139, %mul3A_414 : i32
        %add3A_416 = arith.constant 2 : i32
        %add3A_417 = arith.addi %mul3A_415, %add3A_416 : i32
        %get3A_418 = arith.index_cast %add3A_417 : i32 to index
        %get3A_419 = arith.constant 96 : index
        %get3A_420 = tpu.vector_load %arg9[%get3A_418, %get3A_419] {strides = array<i32>} : memref<128x128xf32, #tpu.memory_space<vmem>>, vector<16xf32>,
        %mul3A_421 = vector.broadcast %squeeze3A_341 : f32 to vector<16xf32>
        %mul3A_422 = arith.mulf %get3A_420, %mul3A_421 : vector<16xf32>
        %swap3A_423 = arith.index_cast %add3A_417 : i32 to index
        %swap3A_424 = arith.constant 96 : index
        %swap3A_425 = tpu.vector_load %arg9[%swap3A_423, %swap3A_424] {strides = array<i32>} : memref<128x128xf32, #tpu.memory_space<vmem>>, vector<16xf32>,
        tpu.vector_store %arg9[%swap3A_423, %swap3A_424], %mul3A_422 {strides = array<i32>} : memref<128x128xf32, #tpu.memory_space<vmem>>, vector<16xf32>,
        %mul3A_426 = arith.constant 16 : i32
        %mul3A_427 = arith.muli %add3A_139, %mul3A_426 : i32
        %add3A_428 = arith.constant 2 : i32
        %add3A_429 = arith.addi %mul3A_427, %add3A_428 : i32
        %get3A_430 = arith.index_cast %add3A_429 : i32 to index
        %get3A_431 = arith.constant 112 : index
        %get3A_432 = tpu.vector_load %arg9[%get3A_430, %get3A_431] {strides = array<i32>} : memref<128x128xf32, #tpu.memory_space<vmem>>, vector<16xf32>,
        %mul3A_433 = vector.broadcast %squeeze3A_341 : f32 to vector<16xf32>
        %mul3A_434 = arith.mulf %get3A_432, %mul3A_433 : vector<16xf32>
        %swap3A_435 = arith.index_cast %add3A_429 : i32 to index
        %swap3A_436 = arith.constant 112 : index
        %swap3A_437 = tpu.vector_load %arg9[%swap3A_435, %swap3A_436] {strides = array<i32>} : memref<128x128xf32, #tpu.memory_space<vmem>>, vector<16xf32>,
        tpu.vector_store %arg9[%swap3A_435, %swap3A_436], %mul3A_434 {strides = array<i32>} : memref<128x128xf32, #tpu.memory_space<vmem>>, vector<16xf32>,
        %slice3A_438 = vector.extract_strided_slice %bitcast3A {offsets = [3], sizes = [1], strides = [1]} : vector<16xf32> to vector<1xf32>
        %squeeze3A_439 = vector.extract %slice3A_438[0] : f32 from vector<1xf32>
        %mul3A_440 = arith.constant 16 : i32
        %mul3A_441 = arith.muli %add3A_139, %mul3A_440 : i32
        %add3A_442 = arith.constant 3 : i32
        %add3A_443 = arith.addi %mul3A_441, %add3A_442 : i32
        %get3A_444 = arith.index_cast %add3A_443 : i32 to index
        %get3A_445 = arith.constant 0 : index
        %get3A_446 = tpu.vector_load %arg9[%get3A_444, %get3A_445] {strides = array<i32>} : memref<128x128xf32, #tpu.memory_space<vmem>>, vector<16xf32>,
        %mul3A_447 = vector.broadcast %squeeze3A_439 : f32 to vector<16xf32>
        %mul3A_448 = arith.mulf %get3A_446, %mul3A_447 : vector<16xf32>
        %swap3A_449 = arith.index_cast %add3A_443 : i32 to index
        %swap3A_450 = arith.constant 0 : index
        %swap3A_451 = tpu.vector_load %arg9[%swap3A_449, %swap3A_450] {strides = array<i32>} : memref<128x128xf32, #tpu.memory_space<vmem>>, vector<16xf32>,
        tpu.vector_store %arg9[%swap3A_449, %swap3A_450], %mul3A_448 {strides = array<i32>} : memref<128x128xf32, #tpu.memory_space<vmem>>, vector<16xf32>,
        %mul3A_452 = arith.constant 16 : i32
        %mul3A_453 = arith.muli %add3A_139, %mul3A_452 : i32
        %add3A_454 = arith.constant 3 : i32
        %add3A_455 = arith.addi %mul3A_453, %add3A_454 : i32
        %get3A_456 = arith.index_cast %add3A_455 : i32 to index
        %get3A_457 = arith.constant 16 : index
        %get3A_458 = tpu.vector_load %arg9[%get3A_456, %get3A_457] {strides = array<i32>} : memref<128x128xf32, #tpu.memory_space<vmem>>, vector<16xf32>,
        %mul3A_459 = vector.broadcast %squeeze3A_439 : f32 to vector<16xf32>
        %mul3A_460 = arith.mulf %get3A_458, %mul3A_459 : vector<16xf32>
        %swap3A_461 = arith.index_cast %add3A_455 : i32 to index
        %swap3A_462 = arith.constant 16 : index
        %swap3A_463 = tpu.vector_load %arg9[%swap3A_461, %swap3A_462] {strides = array<i32>} : memref<128x128xf32, #tpu.memory_space<vmem>>, vector<16xf32>,
        tpu.vector_store %arg9[%swap3A_461, %swap3A_462], %mul3A_460 {strides = array<i32>} : memref<128x128xf32, #tpu.memory_space<vmem>>, vector<16xf32>,
        %mul3A_464 = arith.constant 16 : i32
        %mul3A_465 = arith.muli %add3A_139, %mul3A_464 : i32
        %add3A_466 = arith.constant 3 : i32
        %add3A_467 = arith.addi %mul3A_465, %add3A_466 : i32
        %get3A_468 = arith.index_cast %add3A_467 : i32 to index
        %get3A_469 = arith.constant 32 : index
        %get3A_470 = tpu.vector_load %arg9[%get3A_468, %get3A_469] {strides = array<i32>} : memref<128x128xf32, #tpu.memory_space<vmem>>, vector<16xf32>,
        %mul3A_471 = vector.broadcast %squeeze3A_439 : f32 to vector<16xf32>
        %mul3A_472 = arith.mulf %get3A_470, %mul3A_471 : vector<16xf32>
        %swap3A_473 = arith.index_cast %add3A_467 : i32 to index
        %swap3A_474 = arith.constant 32 : index
        %swap3A_475 = tpu.vector_load %arg9[%swap3A_473, %swap3A_474] {strides = array<i32>} : memref<128x128xf32, #tpu.memory_space<vmem>>, vector<16xf32>,
        tpu.vector_store %arg9[%swap3A_473, %swap3A_474], %mul3A_472 {strides = array<i32>} : memref<128x128xf32, #tpu.memory_space<vmem>>, vector<16xf32>,
        %mul3A_476 = arith.constant 16 : i32
        %mul3A_477 = arith.muli %add3A_139, %mul3A_476 : i32
        %add3A_478 = arith.constant 3 : i32
        %add3A_479 = arith.addi %mul3A_477, %add3A_478 : i32
        %get3A_480 = arith.index_cast %add3A_479 : i32 to index
        %get3A_481 = arith.constant 48 : index
        %get3A_482 = tpu.vector_load %arg9[%get3A_480, %get3A_481] {strides = array<i32>} : memref<128x128xf32, #tpu.memory_space<vmem>>, vector<16xf32>,
        %mul3A_483 = vector.broadcast %squeeze3A_439 : f32 to vector<16xf32>
        %mul3A_484 = arith.mulf %get3A_482, %mul3A_483 : vector<16xf32>
        %swap3A_485 = arith.index_cast %add3A_479 : i32 to index
        %swap3A_486 = arith.constant 48 : index
        %swap3A_487 = tpu.vector_load %arg9[%swap3A_485, %swap3A_486] {strides = array<i32>} : memref<128x128xf32, #tpu.memory_space<vmem>>, vector<16xf32>,
        tpu.vector_store %arg9[%swap3A_485, %swap3A_486], %mul3A_484 {strides = array<i32>} : memref<128x128xf32, #tpu.memory_space<vmem>>, vector<16xf32>,
        %mul3A_488 = arith.constant 16 : i32
        %mul3A_489 = arith.muli %add3A_139, %mul3A_488 : i32
        %add3A_490 = arith.constant 3 : i32
        %add3A_491 = arith.addi %mul3A_489, %add3A_490 : i32
        %get3A_492 = arith.index_cast %add3A_491 : i32 to index
        %get3A_493 = arith.constant 64 : index
        %get3A_494 = tpu.vector_load %arg9[%get3A_492, %get3A_493] {strides = array<i32>} : memref<128x128xf32, #tpu.memory_space<vmem>>, vector<16xf32>,
        %mul3A_495 = vector.broadcast %squeeze3A_439 : f32 to vector<16xf32>
        %mul3A_496 = arith.mulf %get3A_494, %mul3A_495 : vector<16xf32>
        %swap3A_497 = arith.index_cast %add3A_491 : i32 to index
        %swap3A_498 = arith.constant 64 : index
        %swap3A_499 = tpu.vector_load %arg9[%swap3A_497, %swap3A_498] {strides = array<i32>} : memref<128x128xf32, #tpu.memory_space<vmem>>, vector<16xf32>,
        tpu.vector_store %arg9[%swap3A_497, %swap3A_498], %mul3A_496 {strides = array<i32>} : memref<128x128xf32, #tpu.memory_space<vmem>>, vector<16xf32>,
        %mul3A_500 = arith.constant 16 : i32
        %mul3A_501 = arith.muli %add3A_139, %mul3A_500 : i32
        %add3A_502 = arith.constant 3 : i32
        %add3A_503 = arith.addi %mul3A_501, %add3A_502 : i32
        %get3A_504 = arith.index_cast %add3A_503 : i32 to index
        %get3A_505 = arith.constant 80 : index
        %get3A_506 = tpu.vector_load %arg9[%get3A_504, %get3A_505] {strides = array<i32>} : memref<128x128xf32, #tpu.memory_space<vmem>>, vector<16xf32>,
        %mul3A_507 = vector.broadcast %squeeze3A_439 : f32 to vector<16xf32>
        %mul3A_508 = arith.mulf %get3A_506, %mul3A_507 : vector<16xf32>
        %swap3A_509 = arith.index_cast %add3A_503 : i32 to index
        %swap3A_510 = arith.constant 80 : index
        %swap3A_511 = tpu.vector_load %arg9[%swap3A_509, %swap3A_510] {strides = array<i32>} : memref<128x128xf32, #tpu.memory_space<vmem>>, vector<16xf32>,
        tpu.vector_store %arg9[%swap3A_509, %swap3A_510], %mul3A_508 {strides = array<i32>} : memref<128x128xf32, #tpu.memory_space<vmem>>, vector<16xf32>,
        %mul3A_512 = arith.constant 16 : i32
        %mul3A_513 = arith.muli %add3A_139, %mul3A_512 : i32
        %add3A_514 = arith.constant 3 : i32
        %add3A_515 = arith.addi %mul3A_513, %add3A_514 : i32
        %get3A_516 = arith.index_cast %add3A_515 : i32 to index
        %get3A_517 = arith.constant 96 : index
        %get3A_518 = tpu.vector_load %arg9[%get3A_516, %get3A_517] {strides = array<i32>} : memref<128x128xf32, #tpu.memory_space<vmem>>, vector<16xf32>,
        %mul3A_519 = vector.broadcast %squeeze3A_439 : f32 to vector<16xf32>
        %mul3A_520 = arith.mulf %get3A_518, %mul3A_519 : vector<16xf32>
        %swap3A_521 = arith.index_cast %add3A_515 : i32 to index
        %swap3A_522 = arith.constant 96 : index
        %swap3A_523 = tpu.vector_load %arg9[%swap3A_521, %swap3A_522] {strides = array<i32>} : memref<128x128xf32, #tpu.memory_space<vmem>>, vector<16xf32>,
        tpu.vector_store %arg9[%swap3A_521, %swap3A_522], %mul3A_520 {strides = array<i32>} : memref<128x128xf32, #tpu.memory_space<vmem>>, vector<16xf32>,
        %mul3A_524 = arith.constant 16 : i32
        %mul3A_525 = arith.muli %add3A_139, %mul3A_524 : i32
        %add3A_526 = arith.constant 3 : i32
        %add3A_527 = arith.addi %mul3A_525, %add3A_526 : i32
        %get3A_528 = arith.index_cast %add3A_527 : i32 to index
        %get3A_529 = arith.constant 112 : index
        %get3A_530 = tpu.vector_load %arg9[%get3A_528, %get3A_529] {strides = array<i32>} : memref<128x128xf32, #tpu.memory_space<vmem>>, vector<16xf32>,
        %mul3A_531 = vector.broadcast %squeeze3A_439 : f32 to vector<16xf32>
        %mul3A_532 = arith.mulf %get3A_530, %mul3A_531 : vector<16xf32>
        %swap3A_533 = arith.index_cast %add3A_527 : i32 to index
        %swap3A_534 = arith.constant 112 : index
        %swap3A_535 = tpu.vector_load %arg9[%swap3A_533, %swap3A_534] {strides = array<i32>} : memref<128x128xf32, #tpu.memory_space<vmem>>, vector<16xf32>,
        tpu.vector_store %arg9[%swap3A_533, %swap3A_534], %mul3A_532 {strides = array<i32>} : memref<128x128xf32, #tpu.memory_space<vmem>>, vector<16xf32>,
        %slice3A_536 = vector.extract_strided_slice %bitcast3A {offsets = [4], sizes = [1], strides = [1]} : vector<16xf32> to vector<1xf32>
        %squeeze3A_537 = vector.extract %slice3A_536[0] : f32 from vector<1xf32>
        %mul3A_538 = arith.constant 16 : i32
        %mul3A_539 = arith.muli %add3A_139, %mul3A_538 : i32
        %add3A_540 = arith.constant 4 : i32
        %add3A_541 = arith.addi %mul3A_539, %add3A_540 : i32
        %get3A_542 = arith.index_cast %add3A_541 : i32 to index
        %get3A_543 = arith.constant 0 : index
        %get3A_544 = tpu.vector_load %arg9[%get3A_542, %get3A_543] {strides = array<i32>} : memref<128x128xf32, #tpu.memory_space<vmem>>, vector<16xf32>,
        %mul3A_545 = vector.broadcast %squeeze3A_537 : f32 to vector<16xf32>
        %mul3A_546 = arith.mulf %get3A_544, %mul3A_545 : vector<16xf32>
        %swap3A_547 = arith.index_cast %add3A_541 : i32 to index
        %swap3A_548 = arith.constant 0 : index
        %swap3A_549 = tpu.vector_load %arg9[%swap3A_547, %swap3A_548] {strides = array<i32>} : memref<128x128xf32, #tpu.memory_space<vmem>>, vector<16xf32>,
        tpu.vector_store %arg9[%swap3A_547, %swap3A_548], %mul3A_546 {strides = array<i32>} : memref<128x128xf32, #tpu.memory_space<vmem>>, vector<16xf32>,
        %mul3A_550 = arith.constant 16 : i32
        %mul3A_551 = arith.muli %add3A_139, %mul3A_550 : i32
        %add3A_552 = arith.constant 4 : i32
        %add3A_553 = arith.addi %mul3A_551, %add3A_552 : i32
        %get3A_554 = arith.index_cast %add3A_553 : i32 to index
        %get3A_555 = arith.constant 16 : index
        %get3A_556 = tpu.vector_load %arg9[%get3A_554, %get3A_555] {strides = array<i32>} : memref<128x128xf32, #tpu.memory_space<vmem>>, vector<16xf32>,
        %mul3A_557 = vector.broadcast %squeeze3A_537 : f32 to vector<16xf32>
        %mul3A_558 = arith.mulf %get3A_556, %mul3A_557 : vector<16xf32>
        %swap3A_559 = arith.index_cast %add3A_553 : i32 to index
        %swap3A_560 = arith.constant 16 : index
        %swap3A_561 = tpu.vector_load %arg9[%swap3A_559, %swap3A_560] {strides = array<i32>} : memref<128x128xf32, #tpu.memory_space<vmem>>, vector<16xf32>,
        tpu.vector_store %arg9[%swap3A_559, %swap3A_560], %mul3A_558 {strides = array<i32>} : memref<128x128xf32, #tpu.memory_space<vmem>>, vector<16xf32>,
        %mul3A_562 = arith.constant 16 : i32
        %mul3A_563 = arith.muli %add3A_139, %mul3A_562 : i32
        %add3A_564 = arith.constant 4 : i32
        %add3A_565 = arith.addi %mul3A_563, %add3A_564 : i32
        %get3A_566 = arith.index_cast %add3A_565 : i32 to index
        %get3A_567 = arith.constant 32 : index
        %get3A_568 = tpu.vector_load %arg9[%get3A_566, %get3A_567] {strides = array<i32>} : memref<128x128xf32, #tpu.memory_space<vmem>>, vector<16xf32>,
        %mul3A_569 = vector.broadcast %squeeze3A_537 : f32 to vector<16xf32>
        %mul3A_570 = arith.mulf %get3A_568, %mul3A_569 : vector<16xf32>
        %swap3A_571 = arith.index_cast %add3A_565 : i32 to index
        %swap3A_572 = arith.constant 32 : index
        %swap3A_573 = tpu.vector_load %arg9[%swap3A_571, %swap3A_572] {strides = array<i32>} : memref<128x128xf32, #tpu.memory_space<vmem>>, vector<16xf32>,
        tpu.vector_store %arg9[%swap3A_571, %swap3A_572], %mul3A_570 {strides = array<i32>} : memref<128x128xf32, #tpu.memory_space<vmem>>, vector<16xf32>,
        %mul3A_574 = arith.constant 16 : i32
        %mul3A_575 = arith.muli %add3A_139, %mul3A_574 : i32
        %add3A_576 = arith.constant 4 : i32
        %add3A_577 = arith.addi %mul3A_575, %add3A_576 : i32
        %get3A_578 = arith.index_cast %add3A_577 : i32 to index
        %get3A_579 = arith.constant 48 : index
        %get3A_580 = tpu.vector_load %arg9[%get3A_578, %get3A_579] {strides = array<i32>} : memref<128x128xf32, #tpu.memory_space<vmem>>, vector<16xf32>,
        %mul3A_581 = vector.broadcast %squeeze3A_537 : f32 to vector<16xf32>
        %mul3A_582 = arith.mulf %get3A_580, %mul3A_581 : vector<16xf32>
        %swap3A_583 = arith.index_cast %add3A_577 : i32 to index
        %swap3A_584 = arith.constant 48 : index
        %swap3A_585 = tpu.vector_load %arg9[%swap3A_583, %swap3A_584] {strides = array<i32>} : memref<128x128xf32, #tpu.memory_space<vmem>>, vector<16xf32>,
        tpu.vector_store %arg9[%swap3A_583, %swap3A_584], %mul3A_582 {strides = array<i32>} : memref<128x128xf32, #tpu.memory_space<vmem>>, vector<16xf32>,
        %mul3A_586 = arith.constant 16 : i32
        %mul3A_587 = arith.muli %add3A_139, %mul3A_586 : i32
        %add3A_588 = arith.constant 4 : i32
        %add3A_589 = arith.addi %mul3A_587, %add3A_588 : i32
        %get3A_590 = arith.index_cast %add3A_589 : i32 to index
        %get3A_591 = arith.constant 64 : index
        %get3A_592 = tpu.vector_load %arg9[%get3A_590, %get3A_591] {strides = array<i32>} : memref<128x128xf32, #tpu.memory_space<vmem>>, vector<16xf32>,
        %mul3A_593 = vector.broadcast %squeeze3A_537 : f32 to vector<16xf32>
        %mul3A_594 = arith.mulf %get3A_592, %mul3A_593 : vector<16xf32>
        %swap3A_595 = arith.index_cast %add3A_589 : i32 to index
        %swap3A_596 = arith.constant 64 : index
        %swap3A_597 = tpu.vector_load %arg9[%swap3A_595, %swap3A_596] {strides = array<i32>} : memref<128x128xf32, #tpu.memory_space<vmem>>, vector<16xf32>,
        tpu.vector_store %arg9[%swap3A_595, %swap3A_596], %mul3A_594 {strides = array<i32>} : memref<128x128xf32, #tpu.memory_space<vmem>>, vector<16xf32>,
        %mul3A_598 = arith.constant 16 : i32
        %mul3A_599 = arith.muli %add3A_139, %mul3A_598 : i32
        %add3A_600 = arith.constant 4 : i32
        %add3A_601 = arith.addi %mul3A_599, %add3A_600 : i32
        %get3A_602 = arith.index_cast %add3A_601 : i32 to index
        %get3A_603 = arith.constant 80 : index
        %get3A_604 = tpu.vector_load %arg9[%get3A_602, %get3A_603] {strides = array<i32>} : memref<128x128xf32, #tpu.memory_space<vmem>>, vector<16xf32>,
        %mul3A_605 = vector.broadcast %squeeze3A_537 : f32 to vector<16xf32>
        %mul3A_606 = arith.mulf %get3A_604, %mul3A_605 : vector<16xf32>
        %swap3A_607 = arith.index_cast %add3A_601 : i32 to index
        %swap3A_608 = arith.constant 80 : index
        %swap3A_609 = tpu.vector_load %arg9[%swap3A_607, %swap3A_608] {strides = array<i32>} : memref<128x128xf32, #tpu.memory_space<vmem>>, vector<16xf32>,
        tpu.vector_store %arg9[%swap3A_607, %swap3A_608], %mul3A_606 {strides = array<i32>} : memref<128x128xf32, #tpu.memory_space<vmem>>, vector<16xf32>,
        %mul3A_610 = arith.constant 16 : i32
        %mul3A_611 = arith.muli %add3A_139, %mul3A_610 : i32
        %add3A_612 = arith.constant 4 : i32
        %add3A_613 = arith.addi %mul3A_611, %add3A_612 : i32
        %get3A_614 = arith.index_cast %add3A_613 : i32 to index
        %get3A_615 = arith.constant 96 : index
        %get3A_616 = tpu.vector_load %arg9[%get3A_614, %get3A_615] {strides = array<i32>} : memref<128x128xf32, #tpu.memory_space<vmem>>, vector<16xf32>,
        %mul3A_617 = vector.broadcast %squeeze3A_537 : f32 to vector<16xf32>
        %mul3A_618 = arith.mulf %get3A_616, %mul3A_617 : vector<16xf32>
        %swap3A_619 = arith.index_cast %add3A_613 : i32 to index
        %swap3A_620 = arith.constant 96 : index
        %swap3A_621 = tpu.vector_load %arg9[%swap3A_619, %swap3A_620] {strides = array<i32>} : memref<128x128xf32, #tpu.memory_space<vmem>>, vector<16xf32>,
        tpu.vector_store %arg9[%swap3A_619, %swap3A_620], %mul3A_618 {strides = array<i32>} : memref<128x128xf32, #tpu.memory_space<vmem>>, vector<16xf32>,
        %mul3A_622 = arith.constant 16 : i32
        %mul3A_623 = arith.muli %add3A_139, %mul3A_622 : i32
        %add3A_624 = arith.constant 4 : i32
        %add3A_625 = arith.addi %mul3A_623, %add3A_624 : i32
        %get3A_626 = arith.index_cast %add3A_625 : i32 to index
        %get3A_627 = arith.constant 112 : index
        %get3A_628 = tpu.vector_load %arg9[%get3A_626, %get3A_627] {strides = array<i32>} : memref<128x128xf32, #tpu.memory_space<vmem>>, vector<16xf32>,
        %mul3A_629 = vector.broadcast %squeeze3A_537 : f32 to vector<16xf32>
        %mul3A_630 = arith.mulf %get3A_628, %mul3A_629 : vector<16xf32>
        %swap3A_631 = arith.index_cast %add3A_625 : i32 to index
        %swap3A_632 = arith.constant 112 : index
        %swap3A_633 = tpu.vector_load %arg9[%swap3A_631, %swap3A_632] {strides = array<i32>} : memref<128x128xf32, #tpu.memory_space<vmem>>, vector<16xf32>,
        tpu.vector_store %arg9[%swap3A_631, %swap3A_632], %mul3A_630 {strides = array<i32>} : memref<128x128xf32, #tpu.memory_space<vmem>>, vector<16xf32>,
        %slice3A_634 = vector.extract_strided_slice %bitcast3A {offsets = [5], sizes = [1], strides = [1]} : vector<16xf32> to vector<1xf32>
        %squeeze3A_635 = vector.extract %slice3A_634[0] : f32 from vector<1xf32>
        %mul3A_636 = arith.constant 16 : i32
        %mul3A_637 = arith.muli %add3A_139, %mul3A_636 : i32
        %add3A_638 = arith.constant 5 : i32
        %add3A_639 = arith.addi %mul3A_637, %add3A_638 : i32
        %get3A_640 = arith.index_cast %add3A_639 : i32 to index
        %get3A_641 = arith.constant 0 : index
        %get3A_642 = tpu.vector_load %arg9[%get3A_640, %get3A_641] {strides = array<i32>} : memref<128x128xf32, #tpu.memory_space<vmem>>, vector<16xf32>,
        %mul3A_643 = vector.broadcast %squeeze3A_635 : f32 to vector<16xf32>
        %mul3A_644 = arith.mulf %get3A_642, %mul3A_643 : vector<16xf32>
        %swap3A_645 = arith.index_cast %add3A_639 : i32 to index
        %swap3A_646 = arith.constant 0 : index
        %swap3A_647 = tpu.vector_load %arg9[%swap3A_645, %swap3A_646] {strides = array<i32>} : memref<128x128xf32, #tpu.memory_space<vmem>>, vector<16xf32>,
        tpu.vector_store %arg9[%swap3A_645, %swap3A_646], %mul3A_644 {strides = array<i32>} : memref<128x128xf32, #tpu.memory_space<vmem>>, vector<16xf32>,
        %mul3A_648 = arith.constant 16 : i32
        %mul3A_649 = arith.muli %add3A_139, %mul3A_648 : i32
        %add3A_650 = arith.constant 5 : i32
        %add3A_651 = arith.addi %mul3A_649, %add3A_650 : i32
        %get3A_652 = arith.index_cast %add3A_651 : i32 to index
        %get3A_653 = arith.constant 16 : index
        %get3A_654 = tpu.vector_load %arg9[%get3A_652, %get3A_653] {strides = array<i32>} : memref<128x128xf32, #tpu.memory_space<vmem>>, vector<16xf32>,
        %mul3A_655 = vector.broadcast %squeeze3A_635 : f32 to vector<16xf32>
        %mul3A_656 = arith.mulf %get3A_654, %mul3A_655 : vector<16xf32>
        %swap3A_657 = arith.index_cast %add3A_651 : i32 to index
        %swap3A_658 = arith.constant 16 : index
        %swap3A_659 = tpu.vector_load %arg9[%swap3A_657, %swap3A_658] {strides = array<i32>} : memref<128x128xf32, #tpu.memory_space<vmem>>, vector<16xf32>,
        tpu.vector_store %arg9[%swap3A_657, %swap3A_658], %mul3A_656 {strides = array<i32>} : memref<128x128xf32, #tpu.memory_space<vmem>>, vector<16xf32>,
        %mul3A_660 = arith.constant 16 : i32
        %mul3A_661 = arith.muli %add3A_139, %mul3A_660 : i32
        %add3A_662 = arith.constant 5 : i32
        %add3A_663 = arith.addi %mul3A_661, %add3A_662 : i32
        %get3A_664 = arith.index_cast %add3A_663 : i32 to index
        %get3A_665 = arith.constant 32 : index
        %get3A_666 = tpu.vector_load %arg9[%get3A_664, %get3A_665] {strides = array<i32>} : memref<128x128xf32, #tpu.memory_space<vmem>>, vector<16xf32>,
        %mul3A_667 = vector.broadcast %squeeze3A_635 : f32 to vector<16xf32>
        %mul3A_668 = arith.mulf %get3A_666, %mul3A_667 : vector<16xf32>
        %swap3A_669 = arith.index_cast %add3A_663 : i32 to index
        %swap3A_670 = arith.constant 32 : index
        %swap3A_671 = tpu.vector_load %arg9[%swap3A_669, %swap3A_670] {strides = array<i32>} : memref<128x128xf32, #tpu.memory_space<vmem>>, vector<16xf32>,
        tpu.vector_store %arg9[%swap3A_669, %swap3A_670], %mul3A_668 {strides = array<i32>} : memref<128x128xf32, #tpu.memory_space<vmem>>, vector<16xf32>,
        %mul3A_672 = arith.constant 16 : i32
        %mul3A_673 = arith.muli %add3A_139, %mul3A_672 : i32
        %add3A_674 = arith.constant 5 : i32
        %add3A_675 = arith.addi %mul3A_673, %add3A_674 : i32
        %get3A_676 = arith.index_cast %add3A_675 : i32 to index
        %get3A_677 = arith.constant 48 : index
        %get3A_678 = tpu.vector_load %arg9[%get3A_676, %get3A_677] {strides = array<i32>} : memref<128x128xf32, #tpu.memory_space<vmem>>, vector<16xf32>,
        %mul3A_679 = vector.broadcast %squeeze3A_635 : f32 to vector<16xf32>
        %mul3A_680 = arith.mulf %get3A_678, %mul3A_679 : vector<16xf32>
        %swap3A_681 = arith.index_cast %add3A_675 : i32 to index
        %swap3A_682 = arith.constant 48 : index
        %swap3A_683 = tpu.vector_load %arg9[%swap3A_681, %swap3A_682] {strides = array<i32>} : memref<128x128xf32, #tpu.memory_space<vmem>>, vector<16xf32>,
        tpu.vector_store %arg9[%swap3A_681, %swap3A_682], %mul3A_680 {strides = array<i32>} : memref<128x128xf32, #tpu.memory_space<vmem>>, vector<16xf32>,
        %mul3A_684 = arith.constant 16 : i32
        %mul3A_685 = arith.muli %add3A_139, %mul3A_684 : i32
        %add3A_686 = arith.constant 5 : i32
        %add3A_687 = arith.addi %mul3A_685, %add3A_686 : i32
        %get3A_688 = arith.index_cast %add3A_687 : i32 to index
        %get3A_689 = arith.constant 64 : index
        %get3A_690 = tpu.vector_load %arg9[%get3A_688, %get3A_689] {strides = array<i32>} : memref<128x128xf32, #tpu.memory_space<vmem>>, vector<16xf32>,
        %mul3A_691 = vector.broadcast %squeeze3A_635 : f32 to vector<16xf32>
        %mul3A_692 = arith.mulf %get3A_690, %mul3A_691 : vector<16xf32>
        %swap3A_693 = arith.index_cast %add3A_687 : i32 to index
        %swap3A_694 = arith.constant 64 : index
        %swap3A_695 = tpu.vector_load %arg9[%swap3A_693, %swap3A_694] {strides = array<i32>} : memref<128x128xf32, #tpu.memory_space<vmem>>, vector<16xf32>,
        tpu.vector_store %arg9[%swap3A_693, %swap3A_694], %mul3A_692 {strides = array<i32>} : memref<128x128xf32, #tpu.memory_space<vmem>>, vector<16xf32>,
        %mul3A_696 = arith.constant 16 : i32
        %mul3A_697 = arith.muli %add3A_139, %mul3A_696 : i32
        %add3A_698 = arith.constant 5 : i32
        %add3A_699 = arith.addi %mul3A_697, %add3A_698 : i32
        %get3A_700 = arith.index_cast %add3A_699 : i32 to index
        %get3A_701 = arith.constant 80 : index
        %get3A_702 = tpu.vector_load %arg9[%get3A_700, %get3A_701] {strides = array<i32>} : memref<128x128xf32, #tpu.memory_space<vmem>>, vector<16xf32>,
        %mul3A_703 = vector.broadcast %squeeze3A_635 : f32 to vector<16xf32>
        %mul3A_704 = arith.mulf %get3A_702, %mul3A_703 : vector<16xf32>
        %swap3A_705 = arith.index_cast %add3A_699 : i32 to index
        %swap3A_706 = arith.constant 80 : index
        %swap3A_707 = tpu.vector_load %arg9[%swap3A_705, %swap3A_706] {strides = array<i32>} : memref<128x128xf32, #tpu.memory_space<vmem>>, vector<16xf32>,
        tpu.vector_store %arg9[%swap3A_705, %swap3A_706], %mul3A_704 {strides = array<i32>} : memref<128x128xf32, #tpu.memory_space<vmem>>, vector<16xf32>,
        %mul3A_708 = arith.constant 16 : i32
        %mul3A_709 = arith.muli %add3A_139, %mul3A_708 : i32
        %add3A_710 = arith.constant 5 : i32
        %add3A_711 = arith.addi %mul3A_709, %add3A_710 : i32
        %get3A_712 = arith.index_cast %add3A_711 : i32 to index
        %get3A_713 = arith.constant 96 : index
        %get3A_714 = tpu.vector_load %arg9[%get3A_712, %get3A_713] {strides = array<i32>} : memref<128x128xf32, #tpu.memory_space<vmem>>, vector<16xf32>,
        %mul3A_715 = vector.broadcast %squeeze3A_635 : f32 to vector<16xf32>
        %mul3A_716 = arith.mulf %get3A_714, %mul3A_715 : vector<16xf32>
        %swap3A_717 = arith.index_cast %add3A_711 : i32 to index
        %swap3A_718 = arith.constant 96 : index
        %swap3A_719 = tpu.vector_load %arg9[%swap3A_717, %swap3A_718] {strides = array<i32>} : memref<128x128xf32, #tpu.memory_space<vmem>>, vector<16xf32>,
        tpu.vector_store %arg9[%swap3A_717, %swap3A_718], %mul3A_716 {strides = array<i32>} : memref<128x128xf32, #tpu.memory_space<vmem>>, vector<16xf32>,
        %mul3A_720 = arith.constant 16 : i32
        %mul3A_721 = arith.muli %add3A_139, %mul3A_720 : i32
        %add3A_722 = arith.constant 5 : i32
        %add3A_723 = arith.addi %mul3A_721, %add3A_722 : i32
        %get3A_724 = arith.index_cast %add3A_723 : i32 to index
        %get3A_725 = arith.constant 112 : index
        %get3A_726 = tpu.vector_load %arg9[%get3A_724, %get3A_725] {strides = array<i32>} : memref<128x128xf32, #tpu.memory_space<vmem>>, vector<16xf32>,
        %mul3A_727 = vector.broadcast %squeeze3A_635 : f32 to vector<16xf32>
        %mul3A_728 = arith.mulf %get3A_726, %mul3A_727 : vector<16xf32>
        %swap3A_729 = arith.index_cast %add3A_723 : i32 to index
        %swap3A_730 = arith.constant 112 : index
        %swap3A_731 = tpu.vector_load %arg9[%swap3A_729, %swap3A_730] {strides = array<i32>} : memref<128x128xf32, #tpu.memory_space<vmem>>, vector<16xf32>,
        tpu.vector_store %arg9[%swap3A_729, %swap3A_730], %mul3A_728 {strides = array<i32>} : memref<128x128xf32, #tpu.memory_space<vmem>>, vector<16xf32>,
        %slice3A_732 = vector.extract_strided_slice %bitcast3A {offsets = [6], sizes = [1], strides = [1]} : vector<16xf32> to vector<1xf32>
        %squeeze3A_733 = vector.extract %slice3A_732[0] : f32 from vector<1xf32>
        %mul3A_734 = arith.constant 16 : i32
        %mul3A_735 = arith.muli %add3A_139, %mul3A_734 : i32
        %add3A_736 = arith.constant 6 : i32
        %add3A_737 = arith.addi %mul3A_735, %add3A_736 : i32
        %get3A_738 = arith.index_cast %add3A_737 : i32 to index
        %get3A_739 = arith.constant 0 : index
        %get3A_740 = tpu.vector_load %arg9[%get3A_738, %get3A_739] {strides = array<i32>} : memref<128x128xf32, #tpu.memory_space<vmem>>, vector<16xf32>,
        %mul3A_741 = vector.broadcast %squeeze3A_733 : f32 to vector<16xf32>
        %mul3A_742 = arith.mulf %get3A_740, %mul3A_741 : vector<16xf32>
        %swap3A_743 = arith.index_cast %add3A_737 : i32 to index
        %swap3A_744 = arith.constant 0 : index
        %swap3A_745 = tpu.vector_load %arg9[%swap3A_743, %swap3A_744] {strides = array<i32>} : memref<128x128xf32, #tpu.memory_space<vmem>>, vector<16xf32>,
        tpu.vector_store %arg9[%swap3A_743, %swap3A_744], %mul3A_742 {strides = array<i32>} : memref<128x128xf32, #tpu.memory_space<vmem>>, vector<16xf32>,
        %mul3A_746 = arith.constant 16 : i32
        %mul3A_747 = arith.muli %add3A_139, %mul3A_746 : i32
        %add3A_748 = arith.constant 6 : i32
        %add3A_749 = arith.addi %mul3A_747, %add3A_748 : i32
        %get3A_750 = arith.index_cast %add3A_749 : i32 to index
        %get3A_751 = arith.constant 16 : index
        %get3A_752 = tpu.vector_load %arg9[%get3A_750, %get3A_751] {strides = array<i32>} : memref<128x128xf32, #tpu.memory_space<vmem>>, vector<16xf32>,
        %mul3A_753 = vector.broadcast %squeeze3A_733 : f32 to vector<16xf32>
        %mul3A_754 = arith.mulf %get3A_752, %mul3A_753 : vector<16xf32>
        %swap3A_755 = arith.index_cast %add3A_749 : i32 to index
        %swap3A_756 = arith.constant 16 : index
        %swap3A_757 = tpu.vector_load %arg9[%swap3A_755, %swap3A_756] {strides = array<i32>} : memref<128x128xf32, #tpu.memory_space<vmem>>, vector<16xf32>,
        tpu.vector_store %arg9[%swap3A_755, %swap3A_756], %mul3A_754 {strides = array<i32>} : memref<128x128xf32, #tpu.memory_space<vmem>>, vector<16xf32>,
        %mul3A_758 = arith.constant 16 : i32
        %mul3A_759 = arith.muli %add3A_139, %mul3A_758 : i32
        %add3A_760 = arith.constant 6 : i32
        %add3A_761 = arith.addi %mul3A_759, %add3A_760 : i32
        %get3A_762 = arith.index_cast %add3A_761 : i32 to index
        %get3A_763 = arith.constant 32 : index
        %get3A_764 = tpu.vector_load %arg9[%get3A_762, %get3A_763] {strides = array<i32>} : memref<128x128xf32, #tpu.memory_space<vmem>>, vector<16xf32>,
        %mul3A_765 = vector.broadcast %squeeze3A_733 : f32 to vector<16xf32>
        %mul3A_766 = arith.mulf %get3A_764, %mul3A_765 : vector<16xf32>
        %swap3A_767 = arith.index_cast %add3A_761 : i32 to index
        %swap3A_768 = arith.constant 32 : index
        %swap3A_769 = tpu.vector_load %arg9[%swap3A_767, %swap3A_768] {strides = array<i32>} : memref<128x128xf32, #tpu.memory_space<vmem>>, vector<16xf32>,
        tpu.vector_store %arg9[%swap3A_767, %swap3A_768], %mul3A_766 {strides = array<i32>} : memref<128x128xf32, #tpu.memory_space<vmem>>, vector<16xf32>,
        %mul3A_770 = arith.constant 16 : i32
        %mul3A_771 = arith.muli %add3A_139, %mul3A_770 : i32
        %add3A_772 = arith.constant 6 : i32
        %add3A_773 = arith.addi %mul3A_771, %add3A_772 : i32
        %get3A_774 = arith.index_cast %add3A_773 : i32 to index
        %get3A_775 = arith.constant 48 : index
        %get3A_776 = tpu.vector_load %arg9[%get3A_774, %get3A_775] {strides = array<i32>} : memref<128x128xf32, #tpu.memory_space<vmem>>, vector<16xf32>,
        %mul3A_777 = vector.broadcast %squeeze3A_733 : f32 to vector<16xf32>
        %mul3A_778 = arith.mulf %get3A_776, %mul3A_777 : vector<16xf32>
        %swap3A_779 = arith.index_cast %add3A_773 : i32 to index
        %swap3A_780 = arith.constant 48 : index
        %swap3A_781 = tpu.vector_load %arg9[%swap3A_779, %swap3A_780] {strides = array<i32>} : memref<128x128xf32, #tpu.memory_space<vmem>>, vector<16xf32>,
        tpu.vector_store %arg9[%swap3A_779, %swap3A_780], %mul3A_778 {strides = array<i32>} : memref<128x128xf32, #tpu.memory_space<vmem>>, vector<16xf32>,
        %mul3A_782 = arith.constant 16 : i32
        %mul3A_783 = arith.muli %add3A_139, %mul3A_782 : i32
        %add3A_784 = arith.constant 6 : i32
        %add3A_785 = arith.addi %mul3A_783, %add3A_784 : i32
        %get3A_786 = arith.index_cast %add3A_785 : i32 to index
        %get3A_787 = arith.constant 64 : index
        %get3A_788 = tpu.vector_load %arg9[%get3A_786, %get3A_787] {strides = array<i32>} : memref<128x128xf32, #tpu.memory_space<vmem>>, vector<16xf32>,
        %mul3A_789 = vector.broadcast %squeeze3A_733 : f32 to vector<16xf32>
        %mul3A_790 = arith.mulf %get3A_788, %mul3A_789 : vector<16xf32>
        %swap3A_791 = arith.index_cast %add3A_785 : i32 to index
        %swap3A_792 = arith.constant 64 : index
        %swap3A_793 = tpu.vector_load %arg9[%swap3A_791, %swap3A_792] {strides = array<i32>} : memref<128x128xf32, #tpu.memory_space<vmem>>, vector<16xf32>,
        tpu.vector_store %arg9[%swap3A_791, %swap3A_792], %mul3A_790 {strides = array<i32>} : memref<128x128xf32, #tpu.memory_space<vmem>>, vector<16xf32>,
        %mul3A_794 = arith.constant 16 : i32
        %mul3A_795 = arith.muli %add3A_139, %mul3A_794 : i32
        %add3A_796 = arith.constant 6 : i32
        %add3A_797 = arith.addi %mul3A_795, %add3A_796 : i32
        %get3A_798 = arith.index_cast %add3A_797 : i32 to index
        %get3A_799 = arith.constant 80 : index
        %get3A_800 = tpu.vector_load %arg9[%get3A_798, %get3A_799] {strides = array<i32>} : memref<128x128xf32, #tpu.memory_space<vmem>>, vector<16xf32>,
        %mul3A_801 = vector.broadcast %squeeze3A_733 : f32 to vector<16xf32>
        %mul3A_802 = arith.mulf %get3A_800, %mul3A_801 : vector<16xf32>
        %swap3A_803 = arith.index_cast %add3A_797 : i32 to index
        %swap3A_804 = arith.constant 80 : index
        %swap3A_805 = tpu.vector_load %arg9[%swap3A_803, %swap3A_804] {strides = array<i32>} : memref<128x128xf32, #tpu.memory_space<vmem>>, vector<16xf32>,
        tpu.vector_store %arg9[%swap3A_803, %swap3A_804], %mul3A_802 {strides = array<i32>} : memref<128x128xf32, #tpu.memory_space<vmem>>, vector<16xf32>,
        %mul3A_806 = arith.constant 16 : i32
        %mul3A_807 = arith.muli %add3A_139, %mul3A_806 : i32
        %add3A_808 = arith.constant 6 : i32
        %add3A_809 = arith.addi %mul3A_807, %add3A_808 : i32
        %get3A_810 = arith.index_cast %add3A_809 : i32 to index
        %get3A_811 = arith.constant 96 : index
        %get3A_812 = tpu.vector_load %arg9[%get3A_810, %get3A_811] {strides = array<i32>} : memref<128x128xf32, #tpu.memory_space<vmem>>, vector<16xf32>,
        %mul3A_813 = vector.broadcast %squeeze3A_733 : f32 to vector<16xf32>
        %mul3A_814 = arith.mulf %get3A_812, %mul3A_813 : vector<16xf32>
        %swap3A_815 = arith.index_cast %add3A_809 : i32 to index
        %swap3A_816 = arith.constant 96 : index
        %swap3A_817 = tpu.vector_load %arg9[%swap3A_815, %swap3A_816] {strides = array<i32>} : memref<128x128xf32, #tpu.memory_space<vmem>>, vector<16xf32>,
        tpu.vector_store %arg9[%swap3A_815, %swap3A_816], %mul3A_814 {strides = array<i32>} : memref<128x128xf32, #tpu.memory_space<vmem>>, vector<16xf32>,
        %mul3A_818 = arith.constant 16 : i32
        %mul3A_819 = arith.muli %add3A_139, %mul3A_818 : i32
        %add3A_820 = arith.constant 6 : i32
        %add3A_821 = arith.addi %mul3A_819, %add3A_820 : i32
        %get3A_822 = arith.index_cast %add3A_821 : i32 to index
        %get3A_823 = arith.constant 112 : index
        %get3A_824 = tpu.vector_load %arg9[%get3A_822, %get3A_823] {strides = array<i32>} : memref<128x128xf32, #tpu.memory_space<vmem>>, vector<16xf32>,
        %mul3A_825 = vector.broadcast %squeeze3A_733 : f32 to vector<16xf32>
        %mul3A_826 = arith.mulf %get3A_824, %mul3A_825 : vector<16xf32>
        %swap3A_827 = arith.index_cast %add3A_821 : i32 to index
        %swap3A_828 = arith.constant 112 : index
        %swap3A_829 = tpu.vector_load %arg9[%swap3A_827, %swap3A_828] {strides = array<i32>} : memref<128x128xf32, #tpu.memory_space<vmem>>, vector<16xf32>,
        tpu.vector_store %arg9[%swap3A_827, %swap3A_828], %mul3A_826 {strides = array<i32>} : memref<128x128xf32, #tpu.memory_space<vmem>>, vector<16xf32>,
        %slice3A_830 = vector.extract_strided_slice %bitcast3A {offsets = [7], sizes = [1], strides = [1]} : vector<16xf32> to vector<1xf32>
        %squeeze3A_831 = vector.extract %slice3A_830[0] : f32 from vector<1xf32>
        %mul3A_832 = arith.constant 16 : i32
        %mul3A_833 = arith.muli %add3A_139, %mul3A_832 : i32
        %add3A_834 = arith.constant 7 : i32
        %add3A_835 = arith.addi %mul3A_833, %add3A_834 : i32
        %get3A_836 = arith.index_cast %add3A_835 : i32 to index
        %get3A_837 = arith.constant 0 : index
        %get3A_838 = tpu.vector_load %arg9[%get3A_836, %get3A_837] {strides = array<i32>} : memref<128x128xf32, #tpu.memory_space<vmem>>, vector<16xf32>,
        %mul3A_839 = vector.broadcast %squeeze3A_831 : f32 to vector<16xf32>
        %mul3A_840 = arith.mulf %get3A_838, %mul3A_839 : vector<16xf32>
        %swap3A_841 = arith.index_cast %add3A_835 : i32 to index
        %swap3A_842 = arith.constant 0 : index
        %swap3A_843 = tpu.vector_load %arg9[%swap3A_841, %swap3A_842] {strides = array<i32>} : memref<128x128xf32, #tpu.memory_space<vmem>>, vector<16xf32>,
        tpu.vector_store %arg9[%swap3A_841, %swap3A_842], %mul3A_840 {strides = array<i32>} : memref<128x128xf32, #tpu.memory_space<vmem>>, vector<16xf32>,
        %mul3A_844 = arith.constant 16 : i32
        %mul3A_845 = arith.muli %add3A_139, %mul3A_844 : i32
        %add3A_846 = arith.constant 7 : i32
        %add3A_847 = arith.addi %mul3A_845, %add3A_846 : i32
        %get3A_848 = arith.index_cast %add3A_847 : i32 to index
        %get3A_849 = arith.constant 16 : index
        %get3A_850 = tpu.vector_load %arg9[%get3A_848, %get3A_849] {strides = array<i32>} : memref<128x128xf32, #tpu.memory_space<vmem>>, vector<16xf32>,
        %mul3A_851 = vector.broadcast %squeeze3A_831 : f32 to vector<16xf32>
        %mul3A_852 = arith.mulf %get3A_850, %mul3A_851 : vector<16xf32>
        %swap3A_853 = arith.index_cast %add3A_847 : i32 to index
        %swap3A_854 = arith.constant 16 : index
        %swap3A_855 = tpu.vector_load %arg9[%swap3A_853, %swap3A_854] {strides = array<i32>} : memref<128x128xf32, #tpu.memory_space<vmem>>, vector<16xf32>,
        tpu.vector_store %arg9[%swap3A_853, %swap3A_854], %mul3A_852 {strides = array<i32>} : memref<128x128xf32, #tpu.memory_space<vmem>>, vector<16xf32>,
        %mul3A_856 = arith.constant 16 : i32
        %mul3A_857 = arith.muli %add3A_139, %mul3A_856 : i32
        %add3A_858 = arith.constant 7 : i32
        %add3A_859 = arith.addi %mul3A_857, %add3A_858 : i32
        %get3A_860 = arith.index_cast %add3A_859 : i32 to index
        %get3A_861 = arith.constant 32 : index
        %get3A_862 = tpu.vector_load %arg9[%get3A_860, %get3A_861] {strides = array<i32>} : memref<128x128xf32, #tpu.memory_space<vmem>>, vector<16xf32>,
        %mul3A_863 = vector.broadcast %squeeze3A_831 : f32 to vector<16xf32>
        %mul3A_864 = arith.mulf %get3A_862, %mul3A_863 : vector<16xf32>
        %swap3A_865 = arith.index_cast %add3A_859 : i32 to index
        %swap3A_866 = arith.constant 32 : index
        %swap3A_867 = tpu.vector_load %arg9[%swap3A_865, %swap3A_866] {strides = array<i32>} : memref<128x128xf32, #tpu.memory_space<vmem>>, vector<16xf32>,
        tpu.vector_store %arg9[%swap3A_865, %swap3A_866], %mul3A_864 {strides = array<i32>} : memref<128x128xf32, #tpu.memory_space<vmem>>, vector<16xf32>,
        %mul3A_868 = arith.constant 16 : i32
        %mul3A_869 = arith.muli %add3A_139, %mul3A_868 : i32
        %add3A_870 = arith.constant 7 : i32
        %add3A_871 = arith.addi %mul3A_869, %add3A_870 : i32
        %get3A_872 = arith.index_cast %add3A_871 : i32 to index
        %get3A_873 = arith.constant 48 : index
        %get3A_874 = tpu.vector_load %arg9[%get3A_872, %get3A_873] {strides = array<i32>} : memref<128x128xf32, #tpu.memory_space<vmem>>, vector<16xf32>,
        %mul3A_875 = vector.broadcast %squeeze3A_831 : f32 to vector<16xf32>
        %mul3A_876 = arith.mulf %get3A_874, %mul3A_875 : vector<16xf32>
        %swap3A_877 = arith.index_cast %add3A_871 : i32 to index
        %swap3A_878 = arith.constant 48 : index
        %swap3A_879 = tpu.vector_load %arg9[%swap3A_877, %swap3A_878] {strides = array<i32>} : memref<128x128xf32, #tpu.memory_space<vmem>>, vector<16xf32>,
        tpu.vector_store %arg9[%swap3A_877, %swap3A_878], %mul3A_876 {strides = array<i32>} : memref<128x128xf32, #tpu.memory_space<vmem>>, vector<16xf32>,
        %mul3A_880 = arith.constant 16 : i32
        %mul3A_881 = arith.muli %add3A_139, %mul3A_880 : i32
        %add3A_882 = arith.constant 7 : i32
        %add3A_883 = arith.addi %mul3A_881, %add3A_882 : i32
        %get3A_884 = arith.index_cast %add3A_883 : i32 to index
        %get3A_885 = arith.constant 64 : index
        %get3A_886 = tpu.vector_load %arg9[%get3A_884, %get3A_885] {strides = array<i32>} : memref<128x128xf32, #tpu.memory_space<vmem>>, vector<16xf32>,
        %mul3A_887 = vector.broadcast %squeeze3A_831 : f32 to vector<16xf32>
        %mul3A_888 = arith.mulf %get3A_886, %mul3A_887 : vector<16xf32>
        %swap3A_889 = arith.index_cast %add3A_883 : i32 to index
        %swap3A_890 = arith.constant 64 : index
        %swap3A_891 = tpu.vector_load %arg9[%swap3A_889, %swap3A_890] {strides = array<i32>} : memref<128x128xf32, #tpu.memory_space<vmem>>, vector<16xf32>,
        tpu.vector_store %arg9[%swap3A_889, %swap3A_890], %mul3A_888 {strides = array<i32>} : memref<128x128xf32, #tpu.memory_space<vmem>>, vector<16xf32>,
        %mul3A_892 = arith.constant 16 : i32
        %mul3A_893 = arith.muli %add3A_139, %mul3A_892 : i32
        %add3A_894 = arith.constant 7 : i32
        %add3A_895 = arith.addi %mul3A_893, %add3A_894 : i32
        %get3A_896 = arith.index_cast %add3A_895 : i32 to index
        %get3A_897 = arith.constant 80 : index
        %get3A_898 = tpu.vector_load %arg9[%get3A_896, %get3A_897] {strides = array<i32>} : memref<128x128xf32, #tpu.memory_space<vmem>>, vector<16xf32>,
        %mul3A_899 = vector.broadcast %squeeze3A_831 : f32 to vector<16xf32>
        %mul3A_900 = arith.mulf %get3A_898, %mul3A_899 : vector<16xf32>
        %swap3A_901 = arith.index_cast %add3A_895 : i32 to index
        %swap3A_902 = arith.constant 80 : index
        %swap3A_903 = tpu.vector_load %arg9[%swap3A_901, %swap3A_902] {strides = array<i32>} : memref<128x128xf32, #tpu.memory_space<vmem>>, vector<16xf32>,
        tpu.vector_store %arg9[%swap3A_901, %swap3A_902], %mul3A_900 {strides = array<i32>} : memref<128x128xf32, #tpu.memory_space<vmem>>, vector<16xf32>,
        %mul3A_904 = arith.constant 16 : i32
        %mul3A_905 = arith.muli %add3A_139, %mul3A_904 : i32
        %add3A_906 = arith.constant 7 : i32
        %add3A_907 = arith.addi %mul3A_905, %add3A_906 : i32
        %get3A_908 = arith.index_cast %add3A_907 : i32 to index
        %get3A_909 = arith.constant 96 : index
        %get3A_910 = tpu.vector_load %arg9[%get3A_908, %get3A_909] {strides = array<i32>} : memref<128x128xf32, #tpu.memory_space<vmem>>, vector<16xf32>,
        %mul3A_911 = vector.broadcast %squeeze3A_831 : f32 to vector<16xf32>
        %mul3A_912 = arith.mulf %get3A_910, %mul3A_911 : vector<16xf32>
        %swap3A_913 = arith.index_cast %add3A_907 : i32 to index
        %swap3A_914 = arith.constant 96 : index
        %swap3A_915 = tpu.vector_load %arg9[%swap3A_913, %swap3A_914] {strides = array<i32>} : memref<128x128xf32, #tpu.memory_space<vmem>>, vector<16xf32>,
        tpu.vector_store %arg9[%swap3A_913, %swap3A_914], %mul3A_912 {strides = array<i32>} : memref<128x128xf32, #tpu.memory_space<vmem>>, vector<16xf32>,
        %mul3A_916 = arith.constant 16 : i32
        %mul3A_917 = arith.muli %add3A_139, %mul3A_916 : i32
        %add3A_918 = arith.constant 7 : i32
        %add3A_919 = arith.addi %mul3A_917, %add3A_918 : i32
        %get3A_920 = arith.index_cast %add3A_919 : i32 to index
        %get3A_921 = arith.constant 112 : index
        %get3A_922 = tpu.vector_load %arg9[%get3A_920, %get3A_921] {strides = array<i32>} : memref<128x128xf32, #tpu.memory_space<vmem>>, vector<16xf32>,
        %mul3A_923 = vector.broadcast %squeeze3A_831 : f32 to vector<16xf32>
        %mul3A_924 = arith.mulf %get3A_922, %mul3A_923 : vector<16xf32>
        %swap3A_925 = arith.index_cast %add3A_919 : i32 to index
        %swap3A_926 = arith.constant 112 : index
        %swap3A_927 = tpu.vector_load %arg9[%swap3A_925, %swap3A_926] {strides = array<i32>} : memref<128x128xf32, #tpu.memory_space<vmem>>, vector<16xf32>,
        tpu.vector_store %arg9[%swap3A_925, %swap3A_926], %mul3A_924 {strides = array<i32>} : memref<128x128xf32, #tpu.memory_space<vmem>>, vector<16xf32>,
        %slice3A_928 = vector.extract_strided_slice %bitcast3A {offsets = [8], sizes = [1], strides = [1]} : vector<16xf32> to vector<1xf32>
        %squeeze3A_929 = vector.extract %slice3A_928[0] : f32 from vector<1xf32>
        %mul3A_930 = arith.constant 16 : i32
        %mul3A_931 = arith.muli %add3A_139, %mul3A_930 : i32
        %add3A_932 = arith.constant 8 : i32
        %add3A_933 = arith.addi %mul3A_931, %add3A_932 : i32
        %get3A_934 = arith.index_cast %add3A_933 : i32 to index
        %get3A_935 = arith.constant 0 : index
        %get3A_936 = tpu.vector_load %arg9[%get3A_934, %get3A_935] {strides = array<i32>} : memref<128x128xf32, #tpu.memory_space<vmem>>, vector<16xf32>,
        %mul3A_937 = vector.broadcast %squeeze3A_929 : f32 to vector<16xf32>
        %mul3A_938 = arith.mulf %get3A_936, %mul3A_937 : vector<16xf32>
        %swap3A_939 = arith.index_cast %add3A_933 : i32 to index
        %swap3A_940 = arith.constant 0 : index
        %swap3A_941 = tpu.vector_load %arg9[%swap3A_939, %swap3A_940] {strides = array<i32>} : memref<128x128xf32, #tpu.memory_space<vmem>>, vector<16xf32>,
        tpu.vector_store %arg9[%swap3A_939, %swap3A_940], %mul3A_938 {strides = array<i32>} : memref<128x128xf32, #tpu.memory_space<vmem>>, vector<16xf32>,
        %mul3A_942 = arith.constant 16 : i32
        %mul3A_943 = arith.muli %add3A_139, %mul3A_942 : i32
        %add3A_944 = arith.constant 8 : i32
        %add3A_945 = arith.addi %mul3A_943, %add3A_944 : i32
        %get3A_946 = arith.index_cast %add3A_945 : i32 to index
        %get3A_947 = arith.constant 16 : index
        %get3A_948 = tpu.vector_load %arg9[%get3A_946, %get3A_947] {strides = array<i32>} : memref<128x128xf32, #tpu.memory_space<vmem>>, vector<16xf32>,
        %mul3A_949 = vector.broadcast %squeeze3A_929 : f32 to vector<16xf32>
        %mul3A_950 = arith.mulf %get3A_948, %mul3A_949 : vector<16xf32>
        %swap3A_951 = arith.index_cast %add3A_945 : i32 to index
        %swap3A_952 = arith.constant 16 : index
        %swap3A_953 = tpu.vector_load %arg9[%swap3A_951, %swap3A_952] {strides = array<i32>} : memref<128x128xf32, #tpu.memory_space<vmem>>, vector<16xf32>,
        tpu.vector_store %arg9[%swap3A_951, %swap3A_952], %mul3A_950 {strides = array<i32>} : memref<128x128xf32, #tpu.memory_space<vmem>>, vector<16xf32>,
        %mul3A_954 = arith.constant 16 : i32
        %mul3A_955 = arith.muli %add3A_139, %mul3A_954 : i32
        %add3A_956 = arith.constant 8 : i32
        %add3A_957 = arith.addi %mul3A_955, %add3A_956 : i32
        %get3A_958 = arith.index_cast %add3A_957 : i32 to index
        %get3A_959 = arith.constant 32 : index
        %get3A_960 = tpu.vector_load %arg9[%get3A_958, %get3A_959] {strides = array<i32>} : memref<128x128xf32, #tpu.memory_space<vmem>>, vector<16xf32>,
        %mul3A_961 = vector.broadcast %squeeze3A_929 : f32 to vector<16xf32>
        %mul3A_962 = arith.mulf %get3A_960, %mul3A_961 : vector<16xf32>
        %swap3A_963 = arith.index_cast %add3A_957 : i32 to index
        %swap3A_964 = arith.constant 32 : index
        %swap3A_965 = tpu.vector_load %arg9[%swap3A_963, %swap3A_964] {strides = array<i32>} : memref<128x128xf32, #tpu.memory_space<vmem>>, vector<16xf32>,
        tpu.vector_store %arg9[%swap3A_963, %swap3A_964], %mul3A_962 {strides = array<i32>} : memref<128x128xf32, #tpu.memory_space<vmem>>, vector<16xf32>,
        %mul3A_966 = arith.constant 16 : i32
        %mul3A_967 = arith.muli %add3A_139, %mul3A_966 : i32
        %add3A_968 = arith.constant 8 : i32
        %add3A_969 = arith.addi %mul3A_967, %add3A_968 : i32
        %get3A_970 = arith.index_cast %add3A_969 : i32 to index
        %get3A_971 = arith.constant 48 : index
        %get3A_972 = tpu.vector_load %arg9[%get3A_970, %get3A_971] {strides = array<i32>} : memref<128x128xf32, #tpu.memory_space<vmem>>, vector<16xf32>,
        %mul3A_973 = vector.broadcast %squeeze3A_929 : f32 to vector<16xf32>
        %mul3A_974 = arith.mulf %get3A_972, %mul3A_973 : vector<16xf32>
        %swap3A_975 = arith.index_cast %add3A_969 : i32 to index
        %swap3A_976 = arith.constant 48 : index
        %swap3A_977 = tpu.vector_load %arg9[%swap3A_975, %swap3A_976] {strides = array<i32>} : memref<128x128xf32, #tpu.memory_space<vmem>>, vector<16xf32>,
        tpu.vector_store %arg9[%swap3A_975, %swap3A_976], %mul3A_974 {strides = array<i32>} : memref<128x128xf32, #tpu.memory_space<vmem>>, vector<16xf32>,
        %mul3A_978 = arith.constant 16 : i32
        %mul3A_979 = arith.muli %add3A_139, %mul3A_978 : i32
        %add3A_980 = arith.constant 8 : i32
        %add3A_981 = arith.addi %mul3A_979, %add3A_980 : i32
        %get3A_982 = arith.index_cast %add3A_981 : i32 to index
        %get3A_983 = arith.constant 64 : index
        %get3A_984 = tpu.vector_load %arg9[%get3A_982, %get3A_983] {strides = array<i32>} : memref<128x128xf32, #tpu.memory_space<vmem>>, vector<16xf32>,
        %mul3A_985 = vector.broadcast %squeeze3A_929 : f32 to vector<16xf32>
        %mul3A_986 = arith.mulf %get3A_984, %mul3A_985 : vector<16xf32>
        %swap3A_987 = arith.index_cast %add3A_981 : i32 to index
        %swap3A_988 = arith.constant 64 : index
        %swap3A_989 = tpu.vector_load %arg9[%swap3A_987, %swap3A_988] {strides = array<i32>} : memref<128x128xf32, #tpu.memory_space<vmem>>, vector<16xf32>,
        tpu.vector_store %arg9[%swap3A_987, %swap3A_988], %mul3A_986 {strides = array<i32>} : memref<128x128xf32, #tpu.memory_space<vmem>>, vector<16xf32>,
        %mul3A_990 = arith.constant 16 : i32
        %mul3A_991 = arith.muli %add3A_139, %mul3A_990 : i32
        %add3A_992 = arith.constant 8 : i32
        %add3A_993 = arith.addi %mul3A_991, %add3A_992 : i32
        %get3A_994 = arith.index_cast %add3A_993 : i32 to index
        %get3A_995 = arith.constant 80 : index
        %get3A_996 = tpu.vector_load %arg9[%get3A_994, %get3A_995] {strides = array<i32>} : memref<128x128xf32, #tpu.memory_space<vmem>>, vector<16xf32>,
        %mul3A_997 = vector.broadcast %squeeze3A_929 : f32 to vector<16xf32>
        %mul3A_998 = arith.mulf %get3A_996, %mul3A_997 : vector<16xf32>
        %swap3A_999 = arith.index_cast %add3A_993 : i32 to index
        %swap3A_1000 = arith.constant 80 : index
        %swap3A_1001 = tpu.vector_load %arg9[%swap3A_999, %swap3A_1000] {strides = array<i32>} : memref<128x128xf32, #tpu.memory_space<vmem>>, vector<16xf32>,
        tpu.vector_store %arg9[%swap3A_999, %swap3A_1000], %mul3A_998 {strides = array<i32>} : memref<128x128xf32, #tpu.memory_space<vmem>>, vector<16xf32>,
        %mul3A_1002 = arith.constant 16 : i32
        %mul3A_1003 = arith.muli %add3A_139, %mul3A_1002 : i32
        %add3A_1004 = arith.constant 8 : i32
        %add3A_1005 = arith.addi %mul3A_1003, %add3A_1004 : i32
        %get3A_1006 = arith.index_cast %add3A_1005 : i32 to index
        %get3A_1007 = arith.constant 96 : index
        %get3A_1008 = tpu.vector_load %arg9[%get3A_1006, %get3A_1007] {strides = array<i32>} : memref<128x128xf32, #tpu.memory_space<vmem>>, vector<16xf32>,
        %mul3A_1009 = vector.broadcast %squeeze3A_929 : f32 to vector<16xf32>
        %mul3A_1010 = arith.mulf %get3A_1008, %mul3A_1009 : vector<16xf32>
        %swap3A_1011 = arith.index_cast %add3A_1005 : i32 to index
        %swap3A_1012 = arith.constant 96 : index
        %swap3A_1013 = tpu.vector_load %arg9[%swap3A_1011, %swap3A_1012] {strides = array<i32>} : memref<128x128xf32, #tpu.memory_space<vmem>>, vector<16xf32>,
        tpu.vector_store %arg9[%swap3A_1011, %swap3A_1012], %mul3A_1010 {strides = array<i32>} : memref<128x128xf32, #tpu.memory_space<vmem>>, vector<16xf32>,
        %mul3A_1014 = arith.constant 16 : i32
        %mul3A_1015 = arith.muli %add3A_139, %mul3A_1014 : i32
        %add3A_1016 = arith.constant 8 : i32
        %add3A_1017 = arith.addi %mul3A_1015, %add3A_1016 : i32
        %get3A_1018 = arith.index_cast %add3A_1017 : i32 to index
        %get3A_1019 = arith.constant 112 : index
        %get3A_1020 = tpu.vector_load %arg9[%get3A_1018, %get3A_1019] {strides = array<i32>} : memref<128x128xf32, #tpu.memory_space<vmem>>, vector<16xf32>,
        %mul3A_1021 = vector.broadcast %squeeze3A_929 : f32 to vector<16xf32>
        %mul3A_1022 = arith.mulf %get3A_1020, %mul3A_1021 : vector<16xf32>
        %swap3A_1023 = arith.index_cast %add3A_1017 : i32 to index
        %swap3A_1024 = arith.constant 112 : index
        %swap3A_1025 = tpu.vector_load %arg9[%swap3A_1023, %swap3A_1024] {strides = array<i32>} : memref<128x128xf32, #tpu.memory_space<vmem>>, vector<16xf32>,
        tpu.vector_store %arg9[%swap3A_1023, %swap3A_1024], %mul3A_1022 {strides = array<i32>} : memref<128x128xf32, #tpu.memory_space<vmem>>, vector<16xf32>,
        %slice3A_1026 = vector.extract_strided_slice %bitcast3A {offsets = [9], sizes = [1], strides = [1]} : vector<16xf32> to vector<1xf32>
        %squeeze3A_1027 = vector.extract %slice3A_1026[0] : f32 from vector<1xf32>
        %mul3A_1028 = arith.constant 16 : i32
        %mul3A_1029 = arith.muli %add3A_139, %mul3A_1028 : i32
        %add3A_1030 = arith.constant 9 : i32
        %add3A_1031 = arith.addi %mul3A_1029, %add3A_1030 : i32
        %get3A_1032 = arith.index_cast %add3A_1031 : i32 to index
        %get3A_1033 = arith.constant 0 : index
        %get3A_1034 = tpu.vector_load %arg9[%get3A_1032, %get3A_1033] {strides = array<i32>} : memref<128x128xf32, #tpu.memory_space<vmem>>, vector<16xf32>,
        %mul3A_1035 = vector.broadcast %squeeze3A_1027 : f32 to vector<16xf32>
        %mul3A_1036 = arith.mulf %get3A_1034, %mul3A_1035 : vector<16xf32>
        %swap3A_1037 = arith.index_cast %add3A_1031 : i32 to index
        %swap3A_1038 = arith.constant 0 : index
        %swap3A_1039 = tpu.vector_load %arg9[%swap3A_1037, %swap3A_1038] {strides = array<i32>} : memref<128x128xf32, #tpu.memory_space<vmem>>, vector<16xf32>,
        tpu.vector_store %arg9[%swap3A_1037, %swap3A_1038], %mul3A_1036 {strides = array<i32>} : memref<128x128xf32, #tpu.memory_space<vmem>>, vector<16xf32>,
        %mul3A_1040 = arith.constant 16 : i32
        %mul3A_1041 = arith.muli %add3A_139, %mul3A_1040 : i32
        %add3A_1042 = arith.constant 9 : i32
        %add3A_1043 = arith.addi %mul3A_1041, %add3A_1042 : i32
        %get3A_1044 = arith.index_cast %add3A_1043 : i32 to index
        %get3A_1045 = arith.constant 16 : index
        %get3A_1046 = tpu.vector_load %arg9[%get3A_1044, %get3A_1045] {strides = array<i32>} : memref<128x128xf32, #tpu.memory_space<vmem>>, vector<16xf32>,
        %mul3A_1047 = vector.broadcast %squeeze3A_1027 : f32 to vector<16xf32>
        %mul3A_1048 = arith.mulf %get3A_1046, %mul3A_1047 : vector<16xf32>
        %swap3A_1049 = arith.index_cast %add3A_1043 : i32 to index
        %swap3A_1050 = arith.constant 16 : index
        %swap3A_1051 = tpu.vector_load %arg9[%swap3A_1049, %swap3A_1050] {strides = array<i32>} : memref<128x128xf32, #tpu.memory_space<vmem>>, vector<16xf32>,
        tpu.vector_store %arg9[%swap3A_1049, %swap3A_1050], %mul3A_1048 {strides = array<i32>} : memref<128x128xf32, #tpu.memory_space<vmem>>, vector<16xf32>,
        %mul3A_1052 = arith.constant 16 : i32
        %mul3A_1053 = arith.muli %add3A_139, %mul3A_1052 : i32
        %add3A_1054 = arith.constant 9 : i32
        %add3A_1055 = arith.addi %mul3A_1053, %add3A_1054 : i32
        %get3A_1056 = arith.index_cast %add3A_1055 : i32 to index
        %get3A_1057 = arith.constant 32 : index
        %get3A_1058 = tpu.vector_load %arg9[%get3A_1056, %get3A_1057] {strides = array<i32>} : memref<128x128xf32, #tpu.memory_space<vmem>>, vector<16xf32>,
        %mul3A_1059 = vector.broadcast %squeeze3A_1027 : f32 to vector<16xf32>
        %mul3A_1060 = arith.mulf %get3A_1058, %mul3A_1059 : vector<16xf32>
        %swap3A_1061 = arith.index_cast %add3A_1055 : i32 to index
        %swap3A_1062 = arith.constant 32 : index
        %swap3A_1063 = tpu.vector_load %arg9[%swap3A_1061, %swap3A_1062] {strides = array<i32>} : memref<128x128xf32, #tpu.memory_space<vmem>>, vector<16xf32>,
        tpu.vector_store %arg9[%swap3A_1061, %swap3A_1062], %mul3A_1060 {strides = array<i32>} : memref<128x128xf32, #tpu.memory_space<vmem>>, vector<16xf32>,
        %mul3A_1064 = arith.constant 16 : i32
        %mul3A_1065 = arith.muli %add3A_139, %mul3A_1064 : i32
        %add3A_1066 = arith.constant 9 : i32
        %add3A_1067 = arith.addi %mul3A_1065, %add3A_1066 : i32
        %get3A_1068 = arith.index_cast %add3A_1067 : i32 to index
        %get3A_1069 = arith.constant 48 : index
        %get3A_1070 = tpu.vector_load %arg9[%get3A_1068, %get3A_1069] {strides = array<i32>} : memref<128x128xf32, #tpu.memory_space<vmem>>, vector<16xf32>,
        %mul3A_1071 = vector.broadcast %squeeze3A_1027 : f32 to vector<16xf32>
        %mul3A_1072 = arith.mulf %get3A_1070, %mul3A_1071 : vector<16xf32>
        %swap3A_1073 = arith.index_cast %add3A_1067 : i32 to index
        %swap3A_1074 = arith.constant 48 : index
        %swap3A_1075 = tpu.vector_load %arg9[%swap3A_1073, %swap3A_1074] {strides = array<i32>} : memref<128x128xf32, #tpu.memory_space<vmem>>, vector<16xf32>,
        tpu.vector_store %arg9[%swap3A_1073, %swap3A_1074], %mul3A_1072 {strides = array<i32>} : memref<128x128xf32, #tpu.memory_space<vmem>>, vector<16xf32>,
        %mul3A_1076 = arith.constant 16 : i32
        %mul3A_1077 = arith.muli %add3A_139, %mul3A_1076 : i32
        %add3A_1078 = arith.constant 9 : i32
        %add3A_1079 = arith.addi %mul3A_1077, %add3A_1078 : i32
        %get3A_1080 = arith.index_cast %add3A_1079 : i32 to index
        %get3A_1081 = arith.constant 64 : index
        %get3A_1082 = tpu.vector_load %arg9[%get3A_1080, %get3A_1081] {strides = array<i32>} : memref<128x128xf32, #tpu.memory_space<vmem>>, vector<16xf32>,
        %mul3A_1083 = vector.broadcast %squeeze3A_1027 : f32 to vector<16xf32>
        %mul3A_1084 = arith.mulf %get3A_1082, %mul3A_1083 : vector<16xf32>
        %swap3A_1085 = arith.index_cast %add3A_1079 : i32 to index
        %swap3A_1086 = arith.constant 64 : index
        %swap3A_1087 = tpu.vector_load %arg9[%swap3A_1085, %swap3A_1086] {strides = array<i32>} : memref<128x128xf32, #tpu.memory_space<vmem>>, vector<16xf32>,
        tpu.vector_store %arg9[%swap3A_1085, %swap3A_1086], %mul3A_1084 {strides = array<i32>} : memref<128x128xf32, #tpu.memory_space<vmem>>, vector<16xf32>,
        %mul3A_1088 = arith.constant 16 : i32
        %mul3A_1089 = arith.muli %add3A_139, %mul3A_1088 : i32
        %add3A_1090 = arith.constant 9 : i32
        %add3A_1091 = arith.addi %mul3A_1089, %add3A_1090 : i32
        %get3A_1092 = arith.index_cast %add3A_1091 : i32 to index
        %get3A_1093 = arith.constant 80 : index
        %get3A_1094 = tpu.vector_load %arg9[%get3A_1092, %get3A_1093] {strides = array<i32>} : memref<128x128xf32, #tpu.memory_space<vmem>>, vector<16xf32>,
        %mul3A_1095 = vector.broadcast %squeeze3A_1027 : f32 to vector<16xf32>
        %mul3A_1096 = arith.mulf %get3A_1094, %mul3A_1095 : vector<16xf32>
        %swap3A_1097 = arith.index_cast %add3A_1091 : i32 to index
        %swap3A_1098 = arith.constant 80 : index
        %swap3A_1099 = tpu.vector_load %arg9[%swap3A_1097, %swap3A_1098] {strides = array<i32>} : memref<128x128xf32, #tpu.memory_space<vmem>>, vector<16xf32>,
        tpu.vector_store %arg9[%swap3A_1097, %swap3A_1098], %mul3A_1096 {strides = array<i32>} : memref<128x128xf32, #tpu.memory_space<vmem>>, vector<16xf32>,
        %mul3A_1100 = arith.constant 16 : i32
        %mul3A_1101 = arith.muli %add3A_139, %mul3A_1100 : i32
        %add3A_1102 = arith.constant 9 : i32
        %add3A_1103 = arith.addi %mul3A_1101, %add3A_1102 : i32
        %get3A_1104 = arith.index_cast %add3A_1103 : i32 to index
        %get3A_1105 = arith.constant 96 : index
        %get3A_1106 = tpu.vector_load %arg9[%get3A_1104, %get3A_1105] {strides = array<i32>} : memref<128x128xf32, #tpu.memory_space<vmem>>, vector<16xf32>,
        %mul3A_1107 = vector.broadcast %squeeze3A_1027 : f32 to vector<16xf32>
        %mul3A_1108 = arith.mulf %get3A_1106, %mul3A_1107 : vector<16xf32>
        %swap3A_1109 = arith.index_cast %add3A_1103 : i32 to index
        %swap3A_1110 = arith.constant 96 : index
        %swap3A_1111 = tpu.vector_load %arg9[%swap3A_1109, %swap3A_1110] {strides = array<i32>} : memref<128x128xf32, #tpu.memory_space<vmem>>, vector<16xf32>,
        tpu.vector_store %arg9[%swap3A_1109, %swap3A_1110], %mul3A_1108 {strides = array<i32>} : memref<128x128xf32, #tpu.memory_space<vmem>>, vector<16xf32>,
        %mul3A_1112 = arith.constant 16 : i32
        %mul3A_1113 = arith.muli %add3A_139, %mul3A_1112 : i32
        %add3A_1114 = arith.constant 9 : i32
        %add3A_1115 = arith.addi %mul3A_1113, %add3A_1114 : i32
        %get3A_1116 = arith.index_cast %add3A_1115 : i32 to index
        %get3A_1117 = arith.constant 112 : index
        %get3A_1118 = tpu.vector_load %arg9[%get3A_1116, %get3A_1117] {strides = array<i32>} : memref<128x128xf32, #tpu.memory_space<vmem>>, vector<16xf32>,
        %mul3A_1119 = vector.broadcast %squeeze3A_1027 : f32 to vector<16xf32>
        %mul3A_1120 = arith.mulf %get3A_1118, %mul3A_1119 : vector<16xf32>
        %swap3A_1121 = arith.index_cast %add3A_1115 : i32 to index
        %swap3A_1122 = arith.constant 112 : index
        %swap3A_1123 = tpu.vector_load %arg9[%swap3A_1121, %swap3A_1122] {strides = array<i32>} : memref<128x128xf32, #tpu.memory_space<vmem>>, vector<16xf32>,
        tpu.vector_store %arg9[%swap3A_1121, %swap3A_1122], %mul3A_1120 {strides = array<i32>} : memref<128x128xf32, #tpu.memory_space<vmem>>, vector<16xf32>,
        %slice3A_1124 = vector.extract_strided_slice %bitcast3A {offsets = [10], sizes = [1], strides = [1]} : vector<16xf32> to vector<1xf32>
        %squeeze3A_1125 = vector.extract %slice3A_1124[0] : f32 from vector<1xf32>
        %mul3A_1126 = arith.constant 16 : i32
        %mul3A_1127 = arith.muli %add3A_139, %mul3A_1126 : i32
        %add3A_1128 = arith.constant 10 : i32
        %add3A_1129 = arith.addi %mul3A_1127, %add3A_1128 : i32
        %get3A_1130 = arith.index_cast %add3A_1129 : i32 to index
        %get3A_1131 = arith.constant 0 : index
        %get3A_1132 = tpu.vector_load %arg9[%get3A_1130, %get3A_1131] {strides = array<i32>} : memref<128x128xf32, #tpu.memory_space<vmem>>, vector<16xf32>,
        %mul3A_1133 = vector.broadcast %squeeze3A_1125 : f32 to vector<16xf32>
        %mul3A_1134 = arith.mulf %get3A_1132, %mul3A_1133 : vector<16xf32>
        %swap3A_1135 = arith.index_cast %add3A_1129 : i32 to index
        %swap3A_1136 = arith.constant 0 : index
        %swap3A_1137 = tpu.vector_load %arg9[%swap3A_1135, %swap3A_1136] {strides = array<i32>} : memref<128x128xf32, #tpu.memory_space<vmem>>, vector<16xf32>,
        tpu.vector_store %arg9[%swap3A_1135, %swap3A_1136], %mul3A_1134 {strides = array<i32>} : memref<128x128xf32, #tpu.memory_space<vmem>>, vector<16xf32>,
        %mul3A_1138 = arith.constant 16 : i32
        %mul3A_1139 = arith.muli %add3A_139, %mul3A_1138 : i32
        %add3A_1140 = arith.constant 10 : i32
        %add3A_1141 = arith.addi %mul3A_1139, %add3A_1140 : i32
        %get3A_1142 = arith.index_cast %add3A_1141 : i32 to index
        %get3A_1143 = arith.constant 16 : index
        %get3A_1144 = tpu.vector_load %arg9[%get3A_1142, %get3A_1143] {strides = array<i32>} : memref<128x128xf32, #tpu.memory_space<vmem>>, vector<16xf32>,
        %mul3A_1145 = vector.broadcast %squeeze3A_1125 : f32 to vector<16xf32>
        %mul3A_1146 = arith.mulf %get3A_1144, %mul3A_1145 : vector<16xf32>
        %swap3A_1147 = arith.index_cast %add3A_1141 : i32 to index
        %swap3A_1148 = arith.constant 16 : index
        %swap3A_1149 = tpu.vector_load %arg9[%swap3A_1147, %swap3A_1148] {strides = array<i32>} : memref<128x128xf32, #tpu.memory_space<vmem>>, vector<16xf32>,
        tpu.vector_store %arg9[%swap3A_1147, %swap3A_1148], %mul3A_1146 {strides = array<i32>} : memref<128x128xf32, #tpu.memory_space<vmem>>, vector<16xf32>,
        %mul3A_1150 = arith.constant 16 : i32
        %mul3A_1151 = arith.muli %add3A_139, %mul3A_1150 : i32
        %add3A_1152 = arith.constant 10 : i32
        %add3A_1153 = arith.addi %mul3A_1151, %add3A_1152 : i32
        %get3A_1154 = arith.index_cast %add3A_1153 : i32 to index
        %get3A_1155 = arith.constant 32 : index
        %get3A_1156 = tpu.vector_load %arg9[%get3A_1154, %get3A_1155] {strides = array<i32>} : memref<128x128xf32, #tpu.memory_space<vmem>>, vector<16xf32>,
        %mul3A_1157 = vector.broadcast %squeeze3A_1125 : f32 to vector<16xf32>
        %mul3A_1158 = arith.mulf %get3A_1156, %mul3A_1157 : vector<16xf32>
        %swap3A_1159 = arith.index_cast %add3A_1153 : i32 to index
        %swap3A_1160 = arith.constant 32 : index
        %swap3A_1161 = tpu.vector_load %arg9[%swap3A_1159, %swap3A_1160] {strides = array<i32>} : memref<128x128xf32, #tpu.memory_space<vmem>>, vector<16xf32>,
        tpu.vector_store %arg9[%swap3A_1159, %swap3A_1160], %mul3A_1158 {strides = array<i32>} : memref<128x128xf32, #tpu.memory_space<vmem>>, vector<16xf32>,
        %mul3A_1162 = arith.constant 16 : i32
        %mul3A_1163 = arith.muli %add3A_139, %mul3A_1162 : i32
        %add3A_1164 = arith.constant 10 : i32
        %add3A_1165 = arith.addi %mul3A_1163, %add3A_1164 : i32
        %get3A_1166 = arith.index_cast %add3A_1165 : i32 to index
        %get3A_1167 = arith.constant 48 : index
        %get3A_1168 = tpu.vector_load %arg9[%get3A_1166, %get3A_1167] {strides = array<i32>} : memref<128x128xf32, #tpu.memory_space<vmem>>, vector<16xf32>,
        %mul3A_1169 = vector.broadcast %squeeze3A_1125 : f32 to vector<16xf32>
        %mul3A_1170 = arith.mulf %get3A_1168, %mul3A_1169 : vector<16xf32>
        %swap3A_1171 = arith.index_cast %add3A_1165 : i32 to index
        %swap3A_1172 = arith.constant 48 : index
        %swap3A_1173 = tpu.vector_load %arg9[%swap3A_1171, %swap3A_1172] {strides = array<i32>} : memref<128x128xf32, #tpu.memory_space<vmem>>, vector<16xf32>,
        tpu.vector_store %arg9[%swap3A_1171, %swap3A_1172], %mul3A_1170 {strides = array<i32>} : memref<128x128xf32, #tpu.memory_space<vmem>>, vector<16xf32>,
        %mul3A_1174 = arith.constant 16 : i32
        %mul3A_1175 = arith.muli %add3A_139, %mul3A_1174 : i32
        %add3A_1176 = arith.constant 10 : i32
        %add3A_1177 = arith.addi %mul3A_1175, %add3A_1176 : i32
        %get3A_1178 = arith.index_cast %add3A_1177 : i32 to index
        %get3A_1179 = arith.constant 64 : index
        %get3A_1180 = tpu.vector_load %arg9[%get3A_1178, %get3A_1179] {strides = array<i32>} : memref<128x128xf32, #tpu.memory_space<vmem>>, vector<16xf32>,
        %mul3A_1181 = vector.broadcast %squeeze3A_1125 : f32 to vector<16xf32>
        %mul3A_1182 = arith.mulf %get3A_1180, %mul3A_1181 : vector<16xf32>
        %swap3A_1183 = arith.index_cast %add3A_1177 : i32 to index
        %swap3A_1184 = arith.constant 64 : index
        %swap3A_1185 = tpu.vector_load %arg9[%swap3A_1183, %swap3A_1184] {strides = array<i32>} : memref<128x128xf32, #tpu.memory_space<vmem>>, vector<16xf32>,
        tpu.vector_store %arg9[%swap3A_1183, %swap3A_1184], %mul3A_1182 {strides = array<i32>} : memref<128x128xf32, #tpu.memory_space<vmem>>, vector<16xf32>,
        %mul3A_1186 = arith.constant 16 : i32
        %mul3A_1187 = arith.muli %add3A_139, %mul3A_1186 : i32
        %add3A_1188 = arith.constant 10 : i32
        %add3A_1189 = arith.addi %mul3A_1187, %add3A_1188 : i32
        %get3A_1190 = arith.index_cast %add3A_1189 : i32 to index
        %get3A_1191 = arith.constant 80 : index
        %get3A_1192 = tpu.vector_load %arg9[%get3A_1190, %get3A_1191] {strides = array<i32>} : memref<128x128xf32, #tpu.memory_space<vmem>>, vector<16xf32>,
        %mul3A_1193 = vector.broadcast %squeeze3A_1125 : f32 to vector<16xf32>
        %mul3A_1194 = arith.mulf %get3A_1192, %mul3A_1193 : vector<16xf32>
        %swap3A_1195 = arith.index_cast %add3A_1189 : i32 to index
        %swap3A_1196 = arith.constant 80 : index
        %swap3A_1197 = tpu.vector_load %arg9[%swap3A_1195, %swap3A_1196] {strides = array<i32>} : memref<128x128xf32, #tpu.memory_space<vmem>>, vector<16xf32>,
        tpu.vector_store %arg9[%swap3A_1195, %swap3A_1196], %mul3A_1194 {strides = array<i32>} : memref<128x128xf32, #tpu.memory_space<vmem>>, vector<16xf32>,
        %mul3A_1198 = arith.constant 16 : i32
        %mul3A_1199 = arith.muli %add3A_139, %mul3A_1198 : i32
        %add3A_1200 = arith.constant 10 : i32
        %add3A_1201 = arith.addi %mul3A_1199, %add3A_1200 : i32
        %get3A_1202 = arith.index_cast %add3A_1201 : i32 to index
        %get3A_1203 = arith.constant 96 : index
        %get3A_1204 = tpu.vector_load %arg9[%get3A_1202, %get3A_1203] {strides = array<i32>} : memref<128x128xf32, #tpu.memory_space<vmem>>, vector<16xf32>,
        %mul3A_1205 = vector.broadcast %squeeze3A_1125 : f32 to vector<16xf32>
        %mul3A_1206 = arith.mulf %get3A_1204, %mul3A_1205 : vector<16xf32>
        %swap3A_1207 = arith.index_cast %add3A_1201 : i32 to index
        %swap3A_1208 = arith.constant 96 : index
        %swap3A_1209 = tpu.vector_load %arg9[%swap3A_1207, %swap3A_1208] {strides = array<i32>} : memref<128x128xf32, #tpu.memory_space<vmem>>, vector<16xf32>,
        tpu.vector_store %arg9[%swap3A_1207, %swap3A_1208], %mul3A_1206 {strides = array<i32>} : memref<128x128xf32, #tpu.memory_space<vmem>>, vector<16xf32>,
        %mul3A_1210 = arith.constant 16 : i32
        %mul3A_1211 = arith.muli %add3A_139, %mul3A_1210 : i32
        %add3A_1212 = arith.constant 10 : i32
        %add3A_1213 = arith.addi %mul3A_1211, %add3A_1212 : i32
        %get3A_1214 = arith.index_cast %add3A_1213 : i32 to index
        %get3A_1215 = arith.constant 112 : index
        %get3A_1216 = tpu.vector_load %arg9[%get3A_1214, %get3A_1215] {strides = array<i32>} : memref<128x128xf32, #tpu.memory_space<vmem>>, vector<16xf32>,
        %mul3A_1217 = vector.broadcast %squeeze3A_1125 : f32 to vector<16xf32>
        %mul3A_1218 = arith.mulf %get3A_1216, %mul3A_1217 : vector<16xf32>
        %swap3A_1219 = arith.index_cast %add3A_1213 : i32 to index
        %swap3A_1220 = arith.constant 112 : index
        %swap3A_1221 = tpu.vector_load %arg9[%swap3A_1219, %swap3A_1220] {strides = array<i32>} : memref<128x128xf32, #tpu.memory_space<vmem>>, vector<16xf32>,
        tpu.vector_store %arg9[%swap3A_1219, %swap3A_1220], %mul3A_1218 {strides = array<i32>} : memref<128x128xf32, #tpu.memory_space<vmem>>, vector<16xf32>,
        %slice3A_1222 = vector.extract_strided_slice %bitcast3A {offsets = [11], sizes = [1], strides = [1]} : vector<16xf32> to vector<1xf32>
        %squeeze3A_1223 = vector.extract %slice3A_1222[0] : f32 from vector<1xf32>
        %mul3A_1224 = arith.constant 16 : i32
        %mul3A_1225 = arith.muli %add3A_139, %mul3A_1224 : i32
        %add3A_1226 = arith.constant 11 : i32
        %add3A_1227 = arith.addi %mul3A_1225, %add3A_1226 : i32
        %get3A_1228 = arith.index_cast %add3A_1227 : i32 to index
        %get3A_1229 = arith.constant 0 : index
        %get3A_1230 = tpu.vector_load %arg9[%get3A_1228, %get3A_1229] {strides = array<i32>} : memref<128x128xf32, #tpu.memory_space<vmem>>, vector<16xf32>,
        %mul3A_1231 = vector.broadcast %squeeze3A_1223 : f32 to vector<16xf32>
        %mul3A_1232 = arith.mulf %get3A_1230, %mul3A_1231 : vector<16xf32>
        %swap3A_1233 = arith.index_cast %add3A_1227 : i32 to index
        %swap3A_1234 = arith.constant 0 : index
        %swap3A_1235 = tpu.vector_load %arg9[%swap3A_1233, %swap3A_1234] {strides = array<i32>} : memref<128x128xf32, #tpu.memory_space<vmem>>, vector<16xf32>,
        tpu.vector_store %arg9[%swap3A_1233, %swap3A_1234], %mul3A_1232 {strides = array<i32>} : memref<128x128xf32, #tpu.memory_space<vmem>>, vector<16xf32>,
        %mul3A_1236 = arith.constant 16 : i32
        %mul3A_1237 = arith.muli %add3A_139, %mul3A_1236 : i32
        %add3A_1238 = arith.constant 11 : i32
        %add3A_1239 = arith.addi %mul3A_1237, %add3A_1238 : i32
        %get3A_1240 = arith.index_cast %add3A_1239 : i32 to index
        %get3A_1241 = arith.constant 16 : index
        %get3A_1242 = tpu.vector_load %arg9[%get3A_1240, %get3A_1241] {strides = array<i32>} : memref<128x128xf32, #tpu.memory_space<vmem>>, vector<16xf32>,
        %mul3A_1243 = vector.broadcast %squeeze3A_1223 : f32 to vector<16xf32>
        %mul3A_1244 = arith.mulf %get3A_1242, %mul3A_1243 : vector<16xf32>
        %swap3A_1245 = arith.index_cast %add3A_1239 : i32 to index
        %swap3A_1246 = arith.constant 16 : index
        %swap3A_1247 = tpu.vector_load %arg9[%swap3A_1245, %swap3A_1246] {strides = array<i32>} : memref<128x128xf32, #tpu.memory_space<vmem>>, vector<16xf32>,
        tpu.vector_store %arg9[%swap3A_1245, %swap3A_1246], %mul3A_1244 {strides = array<i32>} : memref<128x128xf32, #tpu.memory_space<vmem>>, vector<16xf32>,
        %mul3A_1248 = arith.constant 16 : i32
        %mul3A_1249 = arith.muli %add3A_139, %mul3A_1248 : i32
        %add3A_1250 = arith.constant 11 : i32
        %add3A_1251 = arith.addi %mul3A_1249, %add3A_1250 : i32
        %get3A_1252 = arith.index_cast %add3A_1251 : i32 to index
        %get3A_1253 = arith.constant 32 : index
        %get3A_1254 = tpu.vector_load %arg9[%get3A_1252, %get3A_1253] {strides = array<i32>} : memref<128x128xf32, #tpu.memory_space<vmem>>, vector<16xf32>,
        %mul3A_1255 = vector.broadcast %squeeze3A_1223 : f32 to vector<16xf32>
        %mul3A_1256 = arith.mulf %get3A_1254, %mul3A_1255 : vector<16xf32>
        %swap3A_1257 = arith.index_cast %add3A_1251 : i32 to index
        %swap3A_1258 = arith.constant 32 : index
        %swap3A_1259 = tpu.vector_load %arg9[%swap3A_1257, %swap3A_1258] {strides = array<i32>} : memref<128x128xf32, #tpu.memory_space<vmem>>, vector<16xf32>,
        tpu.vector_store %arg9[%swap3A_1257, %swap3A_1258], %mul3A_1256 {strides = array<i32>} : memref<128x128xf32, #tpu.memory_space<vmem>>, vector<16xf32>,
        %mul3A_1260 = arith.constant 16 : i32
        %mul3A_1261 = arith.muli %add3A_139, %mul3A_1260 : i32
        %add3A_1262 = arith.constant 11 : i32
        %add3A_1263 = arith.addi %mul3A_1261, %add3A_1262 : i32
        %get3A_1264 = arith.index_cast %add3A_1263 : i32 to index
        %get3A_1265 = arith.constant 48 : index
        %get3A_1266 = tpu.vector_load %arg9[%get3A_1264, %get3A_1265] {strides = array<i32>} : memref<128x128xf32, #tpu.memory_space<vmem>>, vector<16xf32>,
        %mul3A_1267 = vector.broadcast %squeeze3A_1223 : f32 to vector<16xf32>
        %mul3A_1268 = arith.mulf %get3A_1266, %mul3A_1267 : vector<16xf32>
        %swap3A_1269 = arith.index_cast %add3A_1263 : i32 to index
        %swap3A_1270 = arith.constant 48 : index
        %swap3A_1271 = tpu.vector_load %arg9[%swap3A_1269, %swap3A_1270] {strides = array<i32>} : memref<128x128xf32, #tpu.memory_space<vmem>>, vector<16xf32>,
        tpu.vector_store %arg9[%swap3A_1269, %swap3A_1270], %mul3A_1268 {strides = array<i32>} : memref<128x128xf32, #tpu.memory_space<vmem>>, vector<16xf32>,
        %mul3A_1272 = arith.constant 16 : i32
        %mul3A_1273 = arith.muli %add3A_139, %mul3A_1272 : i32
        %add3A_1274 = arith.constant 11 : i32
        %add3A_1275 = arith.addi %mul3A_1273, %add3A_1274 : i32
        %get3A_1276 = arith.index_cast %add3A_1275 : i32 to index
        %get3A_1277 = arith.constant 64 : index
        %get3A_1278 = tpu.vector_load %arg9[%get3A_1276, %get3A_1277] {strides = array<i32>} : memref<128x128xf32, #tpu.memory_space<vmem>>, vector<16xf32>,
        %mul3A_1279 = vector.broadcast %squeeze3A_1223 : f32 to vector<16xf32>
        %mul3A_1280 = arith.mulf %get3A_1278, %mul3A_1279 : vector<16xf32>
        %swap3A_1281 = arith.index_cast %add3A_1275 : i32 to index
        %swap3A_1282 = arith.constant 64 : index
        %swap3A_1283 = tpu.vector_load %arg9[%swap3A_1281, %swap3A_1282] {strides = array<i32>} : memref<128x128xf32, #tpu.memory_space<vmem>>, vector<16xf32>,
        tpu.vector_store %arg9[%swap3A_1281, %swap3A_1282], %mul3A_1280 {strides = array<i32>} : memref<128x128xf32, #tpu.memory_space<vmem>>, vector<16xf32>,
        %mul3A_1284 = arith.constant 16 : i32
        %mul3A_1285 = arith.muli %add3A_139, %mul3A_1284 : i32
        %add3A_1286 = arith.constant 11 : i32
        %add3A_1287 = arith.addi %mul3A_1285, %add3A_1286 : i32
        %get3A_1288 = arith.index_cast %add3A_1287 : i32 to index
        %get3A_1289 = arith.constant 80 : index
        %get3A_1290 = tpu.vector_load %arg9[%get3A_1288, %get3A_1289] {strides = array<i32>} : memref<128x128xf32, #tpu.memory_space<vmem>>, vector<16xf32>,
        %mul3A_1291 = vector.broadcast %squeeze3A_1223 : f32 to vector<16xf32>
        %mul3A_1292 = arith.mulf %get3A_1290, %mul3A_1291 : vector<16xf32>
        %swap3A_1293 = arith.index_cast %add3A_1287 : i32 to index
        %swap3A_1294 = arith.constant 80 : index
        %swap3A_1295 = tpu.vector_load %arg9[%swap3A_1293, %swap3A_1294] {strides = array<i32>} : memref<128x128xf32, #tpu.memory_space<vmem>>, vector<16xf32>,
        tpu.vector_store %arg9[%swap3A_1293, %swap3A_1294], %mul3A_1292 {strides = array<i32>} : memref<128x128xf32, #tpu.memory_space<vmem>>, vector<16xf32>,
        %mul3A_1296 = arith.constant 16 : i32
        %mul3A_1297 = arith.muli %add3A_139, %mul3A_1296 : i32
        %add3A_1298 = arith.constant 11 : i32
        %add3A_1299 = arith.addi %mul3A_1297, %add3A_1298 : i32
        %get3A_1300 = arith.index_cast %add3A_1299 : i32 to index
        %get3A_1301 = arith.constant 96 : index
        %get3A_1302 = tpu.vector_load %arg9[%get3A_1300, %get3A_1301] {strides = array<i32>} : memref<128x128xf32, #tpu.memory_space<vmem>>, vector<16xf32>,
        %mul3A_1303 = vector.broadcast %squeeze3A_1223 : f32 to vector<16xf32>
        %mul3A_1304 = arith.mulf %get3A_1302, %mul3A_1303 : vector<16xf32>
        %swap3A_1305 = arith.index_cast %add3A_1299 : i32 to index
        %swap3A_1306 = arith.constant 96 : index
        %swap3A_1307 = tpu.vector_load %arg9[%swap3A_1305, %swap3A_1306] {strides = array<i32>} : memref<128x128xf32, #tpu.memory_space<vmem>>, vector<16xf32>,
        tpu.vector_store %arg9[%swap3A_1305, %swap3A_1306], %mul3A_1304 {strides = array<i32>} : memref<128x128xf32, #tpu.memory_space<vmem>>, vector<16xf32>,
        %mul3A_1308 = arith.constant 16 : i32
        %mul3A_1309 = arith.muli %add3A_139, %mul3A_1308 : i32
        %add3A_1310 = arith.constant 11 : i32
        %add3A_1311 = arith.addi %mul3A_1309, %add3A_1310 : i32
        %get3A_1312 = arith.index_cast %add3A_1311 : i32 to index
        %get3A_1313 = arith.constant 112 : index
        %get3A_1314 = tpu.vector_load %arg9[%get3A_1312, %get3A_1313] {strides = array<i32>} : memref<128x128xf32, #tpu.memory_space<vmem>>, vector<16xf32>,
        %mul3A_1315 = vector.broadcast %squeeze3A_1223 : f32 to vector<16xf32>
        %mul3A_1316 = arith.mulf %get3A_1314, %mul3A_1315 : vector<16xf32>
        %swap3A_1317 = arith.index_cast %add3A_1311 : i32 to index
        %swap3A_1318 = arith.constant 112 : index
        %swap3A_1319 = tpu.vector_load %arg9[%swap3A_1317, %swap3A_1318] {strides = array<i32>} : memref<128x128xf32, #tpu.memory_space<vmem>>, vector<16xf32>,
        tpu.vector_store %arg9[%swap3A_1317, %swap3A_1318], %mul3A_1316 {strides = array<i32>} : memref<128x128xf32, #tpu.memory_space<vmem>>, vector<16xf32>,
        %slice3A_1320 = vector.extract_strided_slice %bitcast3A {offsets = [12], sizes = [1], strides = [1]} : vector<16xf32> to vector<1xf32>
        %squeeze3A_1321 = vector.extract %slice3A_1320[0] : f32 from vector<1xf32>
        %mul3A_1322 = arith.constant 16 : i32
        %mul3A_1323 = arith.muli %add3A_139, %mul3A_1322 : i32
        %add3A_1324 = arith.constant 12 : i32
        %add3A_1325 = arith.addi %mul3A_1323, %add3A_1324 : i32
        %get3A_1326 = arith.index_cast %add3A_1325 : i32 to index
        %get3A_1327 = arith.constant 0 : index
        %get3A_1328 = tpu.vector_load %arg9[%get3A_1326, %get3A_1327] {strides = array<i32>} : memref<128x128xf32, #tpu.memory_space<vmem>>, vector<16xf32>,
        %mul3A_1329 = vector.broadcast %squeeze3A_1321 : f32 to vector<16xf32>
        %mul3A_1330 = arith.mulf %get3A_1328, %mul3A_1329 : vector<16xf32>
        %swap3A_1331 = arith.index_cast %add3A_1325 : i32 to index
        %swap3A_1332 = arith.constant 0 : index
        %swap3A_1333 = tpu.vector_load %arg9[%swap3A_1331, %swap3A_1332] {strides = array<i32>} : memref<128x128xf32, #tpu.memory_space<vmem>>, vector<16xf32>,
        tpu.vector_store %arg9[%swap3A_1331, %swap3A_1332], %mul3A_1330 {strides = array<i32>} : memref<128x128xf32, #tpu.memory_space<vmem>>, vector<16xf32>,
        %mul3A_1334 = arith.constant 16 : i32
        %mul3A_1335 = arith.muli %add3A_139, %mul3A_1334 : i32
        %add3A_1336 = arith.constant 12 : i32
        %add3A_1337 = arith.addi %mul3A_1335, %add3A_1336 : i32
        %get3A_1338 = arith.index_cast %add3A_1337 : i32 to index
        %get3A_1339 = arith.constant 16 : index
        %get3A_1340 = tpu.vector_load %arg9[%get3A_1338, %get3A_1339] {strides = array<i32>} : memref<128x128xf32, #tpu.memory_space<vmem>>, vector<16xf32>,
        %mul3A_1341 = vector.broadcast %squeeze3A_1321 : f32 to vector<16xf32>
        %mul3A_1342 = arith.mulf %get3A_1340, %mul3A_1341 : vector<16xf32>
        %swap3A_1343 = arith.index_cast %add3A_1337 : i32 to index
        %swap3A_1344 = arith.constant 16 : index
        %swap3A_1345 = tpu.vector_load %arg9[%swap3A_1343, %swap3A_1344] {strides = array<i32>} : memref<128x128xf32, #tpu.memory_space<vmem>>, vector<16xf32>,
        tpu.vector_store %arg9[%swap3A_1343, %swap3A_1344], %mul3A_1342 {strides = array<i32>} : memref<128x128xf32, #tpu.memory_space<vmem>>, vector<16xf32>,
        %mul3A_1346 = arith.constant 16 : i32
        %mul3A_1347 = arith.muli %add3A_139, %mul3A_1346 : i32
        %add3A_1348 = arith.constant 12 : i32
        %add3A_1349 = arith.addi %mul3A_1347, %add3A_1348 : i32
        %get3A_1350 = arith.index_cast %add3A_1349 : i32 to index
        %get3A_1351 = arith.constant 32 : index
        %get3A_1352 = tpu.vector_load %arg9[%get3A_1350, %get3A_1351] {strides = array<i32>} : memref<128x128xf32, #tpu.memory_space<vmem>>, vector<16xf32>,
        %mul3A_1353 = vector.broadcast %squeeze3A_1321 : f32 to vector<16xf32>
        %mul3A_1354 = arith.mulf %get3A_1352, %mul3A_1353 : vector<16xf32>
        %swap3A_1355 = arith.index_cast %add3A_1349 : i32 to index
        %swap3A_1356 = arith.constant 32 : index
        %swap3A_1357 = tpu.vector_load %arg9[%swap3A_1355, %swap3A_1356] {strides = array<i32>} : memref<128x128xf32, #tpu.memory_space<vmem>>, vector<16xf32>,
        tpu.vector_store %arg9[%swap3A_1355, %swap3A_1356], %mul3A_1354 {strides = array<i32>} : memref<128x128xf32, #tpu.memory_space<vmem>>, vector<16xf32>,
        %mul3A_1358 = arith.constant 16 : i32
        %mul3A_1359 = arith.muli %add3A_139, %mul3A_1358 : i32
        %add3A_1360 = arith.constant 12 : i32
        %add3A_1361 = arith.addi %mul3A_1359, %add3A_1360 : i32
        %get3A_1362 = arith.index_cast %add3A_1361 : i32 to index
        %get3A_1363 = arith.constant 48 : index
        %get3A_1364 = tpu.vector_load %arg9[%get3A_1362, %get3A_1363] {strides = array<i32>} : memref<128x128xf32, #tpu.memory_space<vmem>>, vector<16xf32>,
        %mul3A_1365 = vector.broadcast %squeeze3A_1321 : f32 to vector<16xf32>
        %mul3A_1366 = arith.mulf %get3A_1364, %mul3A_1365 : vector<16xf32>
        %swap3A_1367 = arith.index_cast %add3A_1361 : i32 to index
        %swap3A_1368 = arith.constant 48 : index
        %swap3A_1369 = tpu.vector_load %arg9[%swap3A_1367, %swap3A_1368] {strides = array<i32>} : memref<128x128xf32, #tpu.memory_space<vmem>>, vector<16xf32>,
        tpu.vector_store %arg9[%swap3A_1367, %swap3A_1368], %mul3A_1366 {strides = array<i32>} : memref<128x128xf32, #tpu.memory_space<vmem>>, vector<16xf32>,
        %mul3A_1370 = arith.constant 16 : i32
        %mul3A_1371 = arith.muli %add3A_139, %mul3A_1370 : i32
        %add3A_1372 = arith.constant 12 : i32
        %add3A_1373 = arith.addi %mul3A_1371, %add3A_1372 : i32
        %get3A_1374 = arith.index_cast %add3A_1373 : i32 to index
        %get3A_1375 = arith.constant 64 : index
        %get3A_1376 = tpu.vector_load %arg9[%get3A_1374, %get3A_1375] {strides = array<i32>} : memref<128x128xf32, #tpu.memory_space<vmem>>, vector<16xf32>,
        %mul3A_1377 = vector.broadcast %squeeze3A_1321 : f32 to vector<16xf32>
        %mul3A_1378 = arith.mulf %get3A_1376, %mul3A_1377 : vector<16xf32>
        %swap3A_1379 = arith.index_cast %add3A_1373 : i32 to index
        %swap3A_1380 = arith.constant 64 : index
        %swap3A_1381 = tpu.vector_load %arg9[%swap3A_1379, %swap3A_1380] {strides = array<i32>} : memref<128x128xf32, #tpu.memory_space<vmem>>, vector<16xf32>,
        tpu.vector_store %arg9[%swap3A_1379, %swap3A_1380], %mul3A_1378 {strides = array<i32>} : memref<128x128xf32, #tpu.memory_space<vmem>>, vector<16xf32>,
        %mul3A_1382 = arith.constant 16 : i32
        %mul3A_1383 = arith.muli %add3A_139, %mul3A_1382 : i32
        %add3A_1384 = arith.constant 12 : i32
        %add3A_1385 = arith.addi %mul3A_1383, %add3A_1384 : i32
        %get3A_1386 = arith.index_cast %add3A_1385 : i32 to index
        %get3A_1387 = arith.constant 80 : index
        %get3A_1388 = tpu.vector_load %arg9[%get3A_1386, %get3A_1387] {strides = array<i32>} : memref<128x128xf32, #tpu.memory_space<vmem>>, vector<16xf32>,
        %mul3A_1389 = vector.broadcast %squeeze3A_1321 : f32 to vector<16xf32>
        %mul3A_1390 = arith.mulf %get3A_1388, %mul3A_1389 : vector<16xf32>
        %swap3A_1391 = arith.index_cast %add3A_1385 : i32 to index
        %swap3A_1392 = arith.constant 80 : index
        %swap3A_1393 = tpu.vector_load %arg9[%swap3A_1391, %swap3A_1392] {strides = array<i32>} : memref<128x128xf32, #tpu.memory_space<vmem>>, vector<16xf32>,
        tpu.vector_store %arg9[%swap3A_1391, %swap3A_1392], %mul3A_1390 {strides = array<i32>} : memref<128x128xf32, #tpu.memory_space<vmem>>, vector<16xf32>,
        %mul3A_1394 = arith.constant 16 : i32
        %mul3A_1395 = arith.muli %add3A_139, %mul3A_1394 : i32
        %add3A_1396 = arith.constant 12 : i32
        %add3A_1397 = arith.addi %mul3A_1395, %add3A_1396 : i32
        %get3A_1398 = arith.index_cast %add3A_1397 : i32 to index
        %get3A_1399 = arith.constant 96 : index
        %get3A_1400 = tpu.vector_load %arg9[%get3A_1398, %get3A_1399] {strides = array<i32>} : memref<128x128xf32, #tpu.memory_space<vmem>>, vector<16xf32>,
        %mul3A_1401 = vector.broadcast %squeeze3A_1321 : f32 to vector<16xf32>
        %mul3A_1402 = arith.mulf %get3A_1400, %mul3A_1401 : vector<16xf32>
        %swap3A_1403 = arith.index_cast %add3A_1397 : i32 to index
        %swap3A_1404 = arith.constant 96 : index
        %swap3A_1405 = tpu.vector_load %arg9[%swap3A_1403, %swap3A_1404] {strides = array<i32>} : memref<128x128xf32, #tpu.memory_space<vmem>>, vector<16xf32>,
        tpu.vector_store %arg9[%swap3A_1403, %swap3A_1404], %mul3A_1402 {strides = array<i32>} : memref<128x128xf32, #tpu.memory_space<vmem>>, vector<16xf32>,
        %mul3A_1406 = arith.constant 16 : i32
        %mul3A_1407 = arith.muli %add3A_139, %mul3A_1406 : i32
        %add3A_1408 = arith.constant 12 : i32
        %add3A_1409 = arith.addi %mul3A_1407, %add3A_1408 : i32
        %get3A_1410 = arith.index_cast %add3A_1409 : i32 to index
        %get3A_1411 = arith.constant 112 : index
        %get3A_1412 = tpu.vector_load %arg9[%get3A_1410, %get3A_1411] {strides = array<i32>} : memref<128x128xf32, #tpu.memory_space<vmem>>, vector<16xf32>,
        %mul3A_1413 = vector.broadcast %squeeze3A_1321 : f32 to vector<16xf32>
        %mul3A_1414 = arith.mulf %get3A_1412, %mul3A_1413 : vector<16xf32>
        %swap3A_1415 = arith.index_cast %add3A_1409 : i32 to index
        %swap3A_1416 = arith.constant 112 : index
        %swap3A_1417 = tpu.vector_load %arg9[%swap3A_1415, %swap3A_1416] {strides = array<i32>} : memref<128x128xf32, #tpu.memory_space<vmem>>, vector<16xf32>,
        tpu.vector_store %arg9[%swap3A_1415, %swap3A_1416], %mul3A_1414 {strides = array<i32>} : memref<128x128xf32, #tpu.memory_space<vmem>>, vector<16xf32>,
        %slice3A_1418 = vector.extract_strided_slice %bitcast3A {offsets = [13], sizes = [1], strides = [1]} : vector<16xf32> to vector<1xf32>
        %squeeze3A_1419 = vector.extract %slice3A_1418[0] : f32 from vector<1xf32>
        %mul3A_1420 = arith.constant 16 : i32
        %mul3A_1421 = arith.muli %add3A_139, %mul3A_1420 : i32
        %add3A_1422 = arith.constant 13 : i32
        %add3A_1423 = arith.addi %mul3A_1421, %add3A_1422 : i32
        %get3A_1424 = arith.index_cast %add3A_1423 : i32 to index
        %get3A_1425 = arith.constant 0 : index
        %get3A_1426 = tpu.vector_load %arg9[%get3A_1424, %get3A_1425] {strides = array<i32>} : memref<128x128xf32, #tpu.memory_space<vmem>>, vector<16xf32>,
        %mul3A_1427 = vector.broadcast %squeeze3A_1419 : f32 to vector<16xf32>
        %mul3A_1428 = arith.mulf %get3A_1426, %mul3A_1427 : vector<16xf32>
        %swap3A_1429 = arith.index_cast %add3A_1423 : i32 to index
        %swap3A_1430 = arith.constant 0 : index
        %swap3A_1431 = tpu.vector_load %arg9[%swap3A_1429, %swap3A_1430] {strides = array<i32>} : memref<128x128xf32, #tpu.memory_space<vmem>>, vector<16xf32>,
        tpu.vector_store %arg9[%swap3A_1429, %swap3A_1430], %mul3A_1428 {strides = array<i32>} : memref<128x128xf32, #tpu.memory_space<vmem>>, vector<16xf32>,
        %mul3A_1432 = arith.constant 16 : i32
        %mul3A_1433 = arith.muli %add3A_139, %mul3A_1432 : i32
        %add3A_1434 = arith.constant 13 : i32
        %add3A_1435 = arith.addi %mul3A_1433, %add3A_1434 : i32
        %get3A_1436 = arith.index_cast %add3A_1435 : i32 to index
        %get3A_1437 = arith.constant 16 : index
        %get3A_1438 = tpu.vector_load %arg9[%get3A_1436, %get3A_1437] {strides = array<i32>} : memref<128x128xf32, #tpu.memory_space<vmem>>, vector<16xf32>,
        %mul3A_1439 = vector.broadcast %squeeze3A_1419 : f32 to vector<16xf32>
        %mul3A_1440 = arith.mulf %get3A_1438, %mul3A_1439 : vector<16xf32>
        %swap3A_1441 = arith.index_cast %add3A_1435 : i32 to index
        %swap3A_1442 = arith.constant 16 : index
        %swap3A_1443 = tpu.vector_load %arg9[%swap3A_1441, %swap3A_1442] {strides = array<i32>} : memref<128x128xf32, #tpu.memory_space<vmem>>, vector<16xf32>,
        tpu.vector_store %arg9[%swap3A_1441, %swap3A_1442], %mul3A_1440 {strides = array<i32>} : memref<128x128xf32, #tpu.memory_space<vmem>>, vector<16xf32>,
        %mul3A_1444 = arith.constant 16 : i32
        %mul3A_1445 = arith.muli %add3A_139, %mul3A_1444 : i32
        %add3A_1446 = arith.constant 13 : i32
        %add3A_1447 = arith.addi %mul3A_1445, %add3A_1446 : i32
        %get3A_1448 = arith.index_cast %add3A_1447 : i32 to index
        %get3A_1449 = arith.constant 32 : index
        %get3A_1450 = tpu.vector_load %arg9[%get3A_1448, %get3A_1449] {strides = array<i32>} : memref<128x128xf32, #tpu.memory_space<vmem>>, vector<16xf32>,
        %mul3A_1451 = vector.broadcast %squeeze3A_1419 : f32 to vector<16xf32>
        %mul3A_1452 = arith.mulf %get3A_1450, %mul3A_1451 : vector<16xf32>
        %swap3A_1453 = arith.index_cast %add3A_1447 : i32 to index
        %swap3A_1454 = arith.constant 32 : index
        %swap3A_1455 = tpu.vector_load %arg9[%swap3A_1453, %swap3A_1454] {strides = array<i32>} : memref<128x128xf32, #tpu.memory_space<vmem>>, vector<16xf32>,
        tpu.vector_store %arg9[%swap3A_1453, %swap3A_1454], %mul3A_1452 {strides = array<i32>} : memref<128x128xf32, #tpu.memory_space<vmem>>, vector<16xf32>,
        %mul3A_1456 = arith.constant 16 : i32
        %mul3A_1457 = arith.muli %add3A_139, %mul3A_1456 : i32
        %add3A_1458 = arith.constant 13 : i32
        %add3A_1459 = arith.addi %mul3A_1457, %add3A_1458 : i32
        %get3A_1460 = arith.index_cast %add3A_1459 : i32 to index
        %get3A_1461 = arith.constant 48 : index
        %get3A_1462 = tpu.vector_load %arg9[%get3A_1460, %get3A_1461] {strides = array<i32>} : memref<128x128xf32, #tpu.memory_space<vmem>>, vector<16xf32>,
        %mul3A_1463 = vector.broadcast %squeeze3A_1419 : f32 to vector<16xf32>
        %mul3A_1464 = arith.mulf %get3A_1462, %mul3A_1463 : vector<16xf32>
        %swap3A_1465 = arith.index_cast %add3A_1459 : i32 to index
        %swap3A_1466 = arith.constant 48 : index
        %swap3A_1467 = tpu.vector_load %arg9[%swap3A_1465, %swap3A_1466] {strides = array<i32>} : memref<128x128xf32, #tpu.memory_space<vmem>>, vector<16xf32>,
        tpu.vector_store %arg9[%swap3A_1465, %swap3A_1466], %mul3A_1464 {strides = array<i32>} : memref<128x128xf32, #tpu.memory_space<vmem>>, vector<16xf32>,
        %mul3A_1468 = arith.constant 16 : i32
        %mul3A_1469 = arith.muli %add3A_139, %mul3A_1468 : i32
        %add3A_1470 = arith.constant 13 : i32
        %add3A_1471 = arith.addi %mul3A_1469, %add3A_1470 : i32
        %get3A_1472 = arith.index_cast %add3A_1471 : i32 to index
        %get3A_1473 = arith.constant 64 : index
        %get3A_1474 = tpu.vector_load %arg9[%get3A_1472, %get3A_1473] {strides = array<i32>} : memref<128x128xf32, #tpu.memory_space<vmem>>, vector<16xf32>,
        %mul3A_1475 = vector.broadcast %squeeze3A_1419 : f32 to vector<16xf32>
        %mul3A_1476 = arith.mulf %get3A_1474, %mul3A_1475 : vector<16xf32>
        %swap3A_1477 = arith.index_cast %add3A_1471 : i32 to index
        %swap3A_1478 = arith.constant 64 : index
        %swap3A_1479 = tpu.vector_load %arg9[%swap3A_1477, %swap3A_1478] {strides = array<i32>} : memref<128x128xf32, #tpu.memory_space<vmem>>, vector<16xf32>,
        tpu.vector_store %arg9[%swap3A_1477, %swap3A_1478], %mul3A_1476 {strides = array<i32>} : memref<128x128xf32, #tpu.memory_space<vmem>>, vector<16xf32>,
        %mul3A_1480 = arith.constant 16 : i32
        %mul3A_1481 = arith.muli %add3A_139, %mul3A_1480 : i32
        %add3A_1482 = arith.constant 13 : i32
        %add3A_1483 = arith.addi %mul3A_1481, %add3A_1482 : i32
        %get3A_1484 = arith.index_cast %add3A_1483 : i32 to index
        %get3A_1485 = arith.constant 80 : index
        %get3A_1486 = tpu.vector_load %arg9[%get3A_1484, %get3A_1485] {strides = array<i32>} : memref<128x128xf32, #tpu.memory_space<vmem>>, vector<16xf32>,
        %mul3A_1487 = vector.broadcast %squeeze3A_1419 : f32 to vector<16xf32>
        %mul3A_1488 = arith.mulf %get3A_1486, %mul3A_1487 : vector<16xf32>
        %swap3A_1489 = arith.index_cast %add3A_1483 : i32 to index
        %swap3A_1490 = arith.constant 80 : index
        %swap3A_1491 = tpu.vector_load %arg9[%swap3A_1489, %swap3A_1490] {strides = array<i32>} : memref<128x128xf32, #tpu.memory_space<vmem>>, vector<16xf32>,
        tpu.vector_store %arg9[%swap3A_1489, %swap3A_1490], %mul3A_1488 {strides = array<i32>} : memref<128x128xf32, #tpu.memory_space<vmem>>, vector<16xf32>,
        %mul3A_1492 = arith.constant 16 : i32
        %mul3A_1493 = arith.muli %add3A_139, %mul3A_1492 : i32
        %add3A_1494 = arith.constant 13 : i32
        %add3A_1495 = arith.addi %mul3A_1493, %add3A_1494 : i32
        %get3A_1496 = arith.index_cast %add3A_1495 : i32 to index
        %get3A_1497 = arith.constant 96 : index
        %get3A_1498 = tpu.vector_load %arg9[%get3A_1496, %get3A_1497] {strides = array<i32>} : memref<128x128xf32, #tpu.memory_space<vmem>>, vector<16xf32>,
        %mul3A_1499 = vector.broadcast %squeeze3A_1419 : f32 to vector<16xf32>
        %mul3A_1500 = arith.mulf %get3A_1498, %mul3A_1499 : vector<16xf32>
        %swap3A_1501 = arith.index_cast %add3A_1495 : i32 to index
        %swap3A_1502 = arith.constant 96 : index
        %swap3A_1503 = tpu.vector_load %arg9[%swap3A_1501, %swap3A_1502] {strides = array<i32>} : memref<128x128xf32, #tpu.memory_space<vmem>>, vector<16xf32>,
        tpu.vector_store %arg9[%swap3A_1501, %swap3A_1502], %mul3A_1500 {strides = array<i32>} : memref<128x128xf32, #tpu.memory_space<vmem>>, vector<16xf32>,
        %mul3A_1504 = arith.constant 16 : i32
        %mul3A_1505 = arith.muli %add3A_139, %mul3A_1504 : i32
        %add3A_1506 = arith.constant 13 : i32
        %add3A_1507 = arith.addi %mul3A_1505, %add3A_1506 : i32
        %get3A_1508 = arith.index_cast %add3A_1507 : i32 to index
        %get3A_1509 = arith.constant 112 : index
        %get3A_1510 = tpu.vector_load %arg9[%get3A_1508, %get3A_1509] {strides = array<i32>} : memref<128x128xf32, #tpu.memory_space<vmem>>, vector<16xf32>,
        %mul3A_1511 = vector.broadcast %squeeze3A_1419 : f32 to vector<16xf32>
        %mul3A_1512 = arith.mulf %get3A_1510, %mul3A_1511 : vector<16xf32>
        %swap3A_1513 = arith.index_cast %add3A_1507 : i32 to index
        %swap3A_1514 = arith.constant 112 : index
        %swap3A_1515 = tpu.vector_load %arg9[%swap3A_1513, %swap3A_1514] {strides = array<i32>} : memref<128x128xf32, #tpu.memory_space<vmem>>, vector<16xf32>,
        tpu.vector_store %arg9[%swap3A_1513, %swap3A_1514], %mul3A_1512 {strides = array<i32>} : memref<128x128xf32, #tpu.memory_space<vmem>>, vector<16xf32>,
        %slice3A_1516 = vector.extract_strided_slice %bitcast3A {offsets = [14], sizes = [1], strides = [1]} : vector<16xf32> to vector<1xf32>
        %squeeze3A_1517 = vector.extract %slice3A_1516[0] : f32 from vector<1xf32>
        %mul3A_1518 = arith.constant 16 : i32
        %mul3A_1519 = arith.muli %add3A_139, %mul3A_1518 : i32
        %add3A_1520 = arith.constant 14 : i32
        %add3A_1521 = arith.addi %mul3A_1519, %add3A_1520 : i32
        %get3A_1522 = arith.index_cast %add3A_1521 : i32 to index
        %get3A_1523 = arith.constant 0 : index
        %get3A_1524 = tpu.vector_load %arg9[%get3A_1522, %get3A_1523] {strides = array<i32>} : memref<128x128xf32, #tpu.memory_space<vmem>>, vector<16xf32>,
        %mul3A_1525 = vector.broadcast %squeeze3A_1517 : f32 to vector<16xf32>
        %mul3A_1526 = arith.mulf %get3A_1524, %mul3A_1525 : vector<16xf32>
        %swap3A_1527 = arith.index_cast %add3A_1521 : i32 to index
        %swap3A_1528 = arith.constant 0 : index
        %swap3A_1529 = tpu.vector_load %arg9[%swap3A_1527, %swap3A_1528] {strides = array<i32>} : memref<128x128xf32, #tpu.memory_space<vmem>>, vector<16xf32>,
        tpu.vector_store %arg9[%swap3A_1527, %swap3A_1528], %mul3A_1526 {strides = array<i32>} : memref<128x128xf32, #tpu.memory_space<vmem>>, vector<16xf32>,
        %mul3A_1530 = arith.constant 16 : i32
        %mul3A_1531 = arith.muli %add3A_139, %mul3A_1530 : i32
        %add3A_1532 = arith.constant 14 : i32
        %add3A_1533 = arith.addi %mul3A_1531, %add3A_1532 : i32
        %get3A_1534 = arith.index_cast %add3A_1533 : i32 to index
        %get3A_1535 = arith.constant 16 : index
        %get3A_1536 = tpu.vector_load %arg9[%get3A_1534, %get3A_1535] {strides = array<i32>} : memref<128x128xf32, #tpu.memory_space<vmem>>, vector<16xf32>,
        %mul3A_1537 = vector.broadcast %squeeze3A_1517 : f32 to vector<16xf32>
        %mul3A_1538 = arith.mulf %get3A_1536, %mul3A_1537 : vector<16xf32>
        %swap3A_1539 = arith.index_cast %add3A_1533 : i32 to index
        %swap3A_1540 = arith.constant 16 : index
        %swap3A_1541 = tpu.vector_load %arg9[%swap3A_1539, %swap3A_1540] {strides = array<i32>} : memref<128x128xf32, #tpu.memory_space<vmem>>, vector<16xf32>,
        tpu.vector_store %arg9[%swap3A_1539, %swap3A_1540], %mul3A_1538 {strides = array<i32>} : memref<128x128xf32, #tpu.memory_space<vmem>>, vector<16xf32>,
        %mul3A_1542 = arith.constant 16 : i32
        %mul3A_1543 = arith.muli %add3A_139, %mul3A_1542 : i32
        %add3A_1544 = arith.constant 14 : i32
        %add3A_1545 = arith.addi %mul3A_1543, %add3A_1544 : i32
        %get3A_1546 = arith.index_cast %add3A_1545 : i32 to index
        %get3A_1547 = arith.constant 32 : index
        %get3A_1548 = tpu.vector_load %arg9[%get3A_1546, %get3A_1547] {strides = array<i32>} : memref<128x128xf32, #tpu.memory_space<vmem>>, vector<16xf32>,
        %mul3A_1549 = vector.broadcast %squeeze3A_1517 : f32 to vector<16xf32>
        %mul3A_1550 = arith.mulf %get3A_1548, %mul3A_1549 : vector<16xf32>
        %swap3A_1551 = arith.index_cast %add3A_1545 : i32 to index
        %swap3A_1552 = arith.constant 32 : index
        %swap3A_1553 = tpu.vector_load %arg9[%swap3A_1551, %swap3A_1552] {strides = array<i32>} : memref<128x128xf32, #tpu.memory_space<vmem>>, vector<16xf32>,
        tpu.vector_store %arg9[%swap3A_1551, %swap3A_1552], %mul3A_1550 {strides = array<i32>} : memref<128x128xf32, #tpu.memory_space<vmem>>, vector<16xf32>,
        %mul3A_1554 = arith.constant 16 : i32
        %mul3A_1555 = arith.muli %add3A_139, %mul3A_1554 : i32
        %add3A_1556 = arith.constant 14 : i32
        %add3A_1557 = arith.addi %mul3A_1555, %add3A_1556 : i32
        %get3A_1558 = arith.index_cast %add3A_1557 : i32 to index
        %get3A_1559 = arith.constant 48 : index
        %get3A_1560 = tpu.vector_load %arg9[%get3A_1558, %get3A_1559] {strides = array<i32>} : memref<128x128xf32, #tpu.memory_space<vmem>>, vector<16xf32>,
        %mul3A_1561 = vector.broadcast %squeeze3A_1517 : f32 to vector<16xf32>
        %mul3A_1562 = arith.mulf %get3A_1560, %mul3A_1561 : vector<16xf32>
        %swap3A_1563 = arith.index_cast %add3A_1557 : i32 to index
        %swap3A_1564 = arith.constant 48 : index
        %swap3A_1565 = tpu.vector_load %arg9[%swap3A_1563, %swap3A_1564] {strides = array<i32>} : memref<128x128xf32, #tpu.memory_space<vmem>>, vector<16xf32>,
        tpu.vector_store %arg9[%swap3A_1563, %swap3A_1564], %mul3A_1562 {strides = array<i32>} : memref<128x128xf32, #tpu.memory_space<vmem>>, vector<16xf32>,
        %mul3A_1566 = arith.constant 16 : i32
        %mul3A_1567 = arith.muli %add3A_139, %mul3A_1566 : i32
        %add3A_1568 = arith.constant 14 : i32
        %add3A_1569 = arith.addi %mul3A_1567, %add3A_1568 : i32
        %get3A_1570 = arith.index_cast %add3A_1569 : i32 to index
        %get3A_1571 = arith.constant 64 : index
        %get3A_1572 = tpu.vector_load %arg9[%get3A_1570, %get3A_1571] {strides = array<i32>} : memref<128x128xf32, #tpu.memory_space<vmem>>, vector<16xf32>,
        %mul3A_1573 = vector.broadcast %squeeze3A_1517 : f32 to vector<16xf32>
        %mul3A_1574 = arith.mulf %get3A_1572, %mul3A_1573 : vector<16xf32>
        %swap3A_1575 = arith.index_cast %add3A_1569 : i32 to index
        %swap3A_1576 = arith.constant 64 : index
        %swap3A_1577 = tpu.vector_load %arg9[%swap3A_1575, %swap3A_1576] {strides = array<i32>} : memref<128x128xf32, #tpu.memory_space<vmem>>, vector<16xf32>,
        tpu.vector_store %arg9[%swap3A_1575, %swap3A_1576], %mul3A_1574 {strides = array<i32>} : memref<128x128xf32, #tpu.memory_space<vmem>>, vector<16xf32>,
        %mul3A_1578 = arith.constant 16 : i32
        %mul3A_1579 = arith.muli %add3A_139, %mul3A_1578 : i32
        %add3A_1580 = arith.constant 14 : i32
        %add3A_1581 = arith.addi %mul3A_1579, %add3A_1580 : i32
        %get3A_1582 = arith.index_cast %add3A_1581 : i32 to index
        %get3A_1583 = arith.constant 80 : index
        %get3A_1584 = tpu.vector_load %arg9[%get3A_1582, %get3A_1583] {strides = array<i32>} : memref<128x128xf32, #tpu.memory_space<vmem>>, vector<16xf32>,
        %mul3A_1585 = vector.broadcast %squeeze3A_1517 : f32 to vector<16xf32>
        %mul3A_1586 = arith.mulf %get3A_1584, %mul3A_1585 : vector<16xf32>
        %swap3A_1587 = arith.index_cast %add3A_1581 : i32 to index
        %swap3A_1588 = arith.constant 80 : index
        %swap3A_1589 = tpu.vector_load %arg9[%swap3A_1587, %swap3A_1588] {strides = array<i32>} : memref<128x128xf32, #tpu.memory_space<vmem>>, vector<16xf32>,
        tpu.vector_store %arg9[%swap3A_1587, %swap3A_1588], %mul3A_1586 {strides = array<i32>} : memref<128x128xf32, #tpu.memory_space<vmem>>, vector<16xf32>,
        %mul3A_1590 = arith.constant 16 : i32
        %mul3A_1591 = arith.muli %add3A_139, %mul3A_1590 : i32
        %add3A_1592 = arith.constant 14 : i32
        %add3A_1593 = arith.addi %mul3A_1591, %add3A_1592 : i32
        %get3A_1594 = arith.index_cast %add3A_1593 : i32 to index
        %get3A_1595 = arith.constant 96 : index
        %get3A_1596 = tpu.vector_load %arg9[%get3A_1594, %get3A_1595] {strides = array<i32>} : memref<128x128xf32, #tpu.memory_space<vmem>>, vector<16xf32>,
        %mul3A_1597 = vector.broadcast %squeeze3A_1517 : f32 to vector<16xf32>
        %mul3A_1598 = arith.mulf %get3A_1596, %mul3A_1597 : vector<16xf32>
        %swap3A_1599 = arith.index_cast %add3A_1593 : i32 to index
        %swap3A_1600 = arith.constant 96 : index
        %swap3A_1601 = tpu.vector_load %arg9[%swap3A_1599, %swap3A_1600] {strides = array<i32>} : memref<128x128xf32, #tpu.memory_space<vmem>>, vector<16xf32>,
        tpu.vector_store %arg9[%swap3A_1599, %swap3A_1600], %mul3A_1598 {strides = array<i32>} : memref<128x128xf32, #tpu.memory_space<vmem>>, vector<16xf32>,
        %mul3A_1602 = arith.constant 16 : i32
        %mul3A_1603 = arith.muli %add3A_139, %mul3A_1602 : i32
        %add3A_1604 = arith.constant 14 : i32
        %add3A_1605 = arith.addi %mul3A_1603, %add3A_1604 : i32
        %get3A_1606 = arith.index_cast %add3A_1605 : i32 to index
        %get3A_1607 = arith.constant 112 : index
        %get3A_1608 = tpu.vector_load %arg9[%get3A_1606, %get3A_1607] {strides = array<i32>} : memref<128x128xf32, #tpu.memory_space<vmem>>, vector<16xf32>,
        %mul3A_1609 = vector.broadcast %squeeze3A_1517 : f32 to vector<16xf32>
        %mul3A_1610 = arith.mulf %get3A_1608, %mul3A_1609 : vector<16xf32>
        %swap3A_1611 = arith.index_cast %add3A_1605 : i32 to index
        %swap3A_1612 = arith.constant 112 : index
        %swap3A_1613 = tpu.vector_load %arg9[%swap3A_1611, %swap3A_1612] {strides = array<i32>} : memref<128x128xf32, #tpu.memory_space<vmem>>, vector<16xf32>,
        tpu.vector_store %arg9[%swap3A_1611, %swap3A_1612], %mul3A_1610 {strides = array<i32>} : memref<128x128xf32, #tpu.memory_space<vmem>>, vector<16xf32>,
        %slice3A_1614 = vector.extract_strided_slice %bitcast3A {offsets = [15], sizes = [1], strides = [1]} : vector<16xf32> to vector<1xf32>
        %squeeze3A_1615 = vector.extract %slice3A_1614[0] : f32 from vector<1xf32>
        %mul3A_1616 = arith.constant 16 : i32
        %mul3A_1617 = arith.muli %add3A_139, %mul3A_1616 : i32
        %add3A_1618 = arith.constant 15 : i32
        %add3A_1619 = arith.addi %mul3A_1617, %add3A_1618 : i32
        %get3A_1620 = arith.index_cast %add3A_1619 : i32 to index
        %get3A_1621 = arith.constant 0 : index
        %get3A_1622 = tpu.vector_load %arg9[%get3A_1620, %get3A_1621] {strides = array<i32>} : memref<128x128xf32, #tpu.memory_space<vmem>>, vector<16xf32>,
        %mul3A_1623 = vector.broadcast %squeeze3A_1615 : f32 to vector<16xf32>
        %mul3A_1624 = arith.mulf %get3A_1622, %mul3A_1623 : vector<16xf32>
        %swap3A_1625 = arith.index_cast %add3A_1619 : i32 to index
        %swap3A_1626 = arith.constant 0 : index
        %swap3A_1627 = tpu.vector_load %arg9[%swap3A_1625, %swap3A_1626] {strides = array<i32>} : memref<128x128xf32, #tpu.memory_space<vmem>>, vector<16xf32>,
        tpu.vector_store %arg9[%swap3A_1625, %swap3A_1626], %mul3A_1624 {strides = array<i32>} : memref<128x128xf32, #tpu.memory_space<vmem>>, vector<16xf32>,
        %mul3A_1628 = arith.constant 16 : i32
        %mul3A_1629 = arith.muli %add3A_139, %mul3A_1628 : i32
        %add3A_1630 = arith.constant 15 : i32
        %add3A_1631 = arith.addi %mul3A_1629, %add3A_1630 : i32
        %get3A_1632 = arith.index_cast %add3A_1631 : i32 to index
        %get3A_1633 = arith.constant 16 : index
        %get3A_1634 = tpu.vector_load %arg9[%get3A_1632, %get3A_1633] {strides = array<i32>} : memref<128x128xf32, #tpu.memory_space<vmem>>, vector<16xf32>,
        %mul3A_1635 = vector.broadcast %squeeze3A_1615 : f32 to vector<16xf32>
        %mul3A_1636 = arith.mulf %get3A_1634, %mul3A_1635 : vector<16xf32>
        %swap3A_1637 = arith.index_cast %add3A_1631 : i32 to index
        %swap3A_1638 = arith.constant 16 : index
        %swap3A_1639 = tpu.vector_load %arg9[%swap3A_1637, %swap3A_1638] {strides = array<i32>} : memref<128x128xf32, #tpu.memory_space<vmem>>, vector<16xf32>,
        tpu.vector_store %arg9[%swap3A_1637, %swap3A_1638], %mul3A_1636 {strides = array<i32>} : memref<128x128xf32, #tpu.memory_space<vmem>>, vector<16xf32>,
        %mul3A_1640 = arith.constant 16 : i32
        %mul3A_1641 = arith.muli %add3A_139, %mul3A_1640 : i32
        %add3A_1642 = arith.constant 15 : i32
        %add3A_1643 = arith.addi %mul3A_1641, %add3A_1642 : i32
        %get3A_1644 = arith.index_cast %add3A_1643 : i32 to index
        %get3A_1645 = arith.constant 32 : index
        %get3A_1646 = tpu.vector_load %arg9[%get3A_1644, %get3A_1645] {strides = array<i32>} : memref<128x128xf32, #tpu.memory_space<vmem>>, vector<16xf32>,
        %mul3A_1647 = vector.broadcast %squeeze3A_1615 : f32 to vector<16xf32>
        %mul3A_1648 = arith.mulf %get3A_1646, %mul3A_1647 : vector<16xf32>
        %swap3A_1649 = arith.index_cast %add3A_1643 : i32 to index
        %swap3A_1650 = arith.constant 32 : index
        %swap3A_1651 = tpu.vector_load %arg9[%swap3A_1649, %swap3A_1650] {strides = array<i32>} : memref<128x128xf32, #tpu.memory_space<vmem>>, vector<16xf32>,
        tpu.vector_store %arg9[%swap3A_1649, %swap3A_1650], %mul3A_1648 {strides = array<i32>} : memref<128x128xf32, #tpu.memory_space<vmem>>, vector<16xf32>,
        %mul3A_1652 = arith.constant 16 : i32
        %mul3A_1653 = arith.muli %add3A_139, %mul3A_1652 : i32
        %add3A_1654 = arith.constant 15 : i32
        %add3A_1655 = arith.addi %mul3A_1653, %add3A_1654 : i32
        %get3A_1656 = arith.index_cast %add3A_1655 : i32 to index
        %get3A_1657 = arith.constant 48 : index
        %get3A_1658 = tpu.vector_load %arg9[%get3A_1656, %get3A_1657] {strides = array<i32>} : memref<128x128xf32, #tpu.memory_space<vmem>>, vector<16xf32>,
        %mul3A_1659 = vector.broadcast %squeeze3A_1615 : f32 to vector<16xf32>
        %mul3A_1660 = arith.mulf %get3A_1658, %mul3A_1659 : vector<16xf32>
        %swap3A_1661 = arith.index_cast %add3A_1655 : i32 to index
        %swap3A_1662 = arith.constant 48 : index
        %swap3A_1663 = tpu.vector_load %arg9[%swap3A_1661, %swap3A_1662] {strides = array<i32>} : memref<128x128xf32, #tpu.memory_space<vmem>>, vector<16xf32>,
        tpu.vector_store %arg9[%swap3A_1661, %swap3A_1662], %mul3A_1660 {strides = array<i32>} : memref<128x128xf32, #tpu.memory_space<vmem>>, vector<16xf32>,
        %mul3A_1664 = arith.constant 16 : i32
        %mul3A_1665 = arith.muli %add3A_139, %mul3A_1664 : i32
        %add3A_1666 = arith.constant 15 : i32
        %add3A_1667 = arith.addi %mul3A_1665, %add3A_1666 : i32
        %get3A_1668 = arith.index_cast %add3A_1667 : i32 to index
        %get3A_1669 = arith.constant 64 : index
        %get3A_1670 = tpu.vector_load %arg9[%get3A_1668, %get3A_1669] {strides = array<i32>} : memref<128x128xf32, #tpu.memory_space<vmem>>, vector<16xf32>,
        %mul3A_1671 = vector.broadcast %squeeze3A_1615 : f32 to vector<16xf32>
        %mul3A_1672 = arith.mulf %get3A_1670, %mul3A_1671 : vector<16xf32>
        %swap3A_1673 = arith.index_cast %add3A_1667 : i32 to index
        %swap3A_1674 = arith.constant 64 : index
        %swap3A_1675 = tpu.vector_load %arg9[%swap3A_1673, %swap3A_1674] {strides = array<i32>} : memref<128x128xf32, #tpu.memory_space<vmem>>, vector<16xf32>,
        tpu.vector_store %arg9[%swap3A_1673, %swap3A_1674], %mul3A_1672 {strides = array<i32>} : memref<128x128xf32, #tpu.memory_space<vmem>>, vector<16xf32>,
        %mul3A_1676 = arith.constant 16 : i32
        %mul3A_1677 = arith.muli %add3A_139, %mul3A_1676 : i32
        %add3A_1678 = arith.constant 15 : i32
        %add3A_1679 = arith.addi %mul3A_1677, %add3A_1678 : i32
        %get3A_1680 = arith.index_cast %add3A_1679 : i32 to index
        %get3A_1681 = arith.constant 80 : index
        %get3A_1682 = tpu.vector_load %arg9[%get3A_1680, %get3A_1681] {strides = array<i32>} : memref<128x128xf32, #tpu.memory_space<vmem>>, vector<16xf32>,
        %mul3A_1683 = vector.broadcast %squeeze3A_1615 : f32 to vector<16xf32>
        %mul3A_1684 = arith.mulf %get3A_1682, %mul3A_1683 : vector<16xf32>
        %swap3A_1685 = arith.index_cast %add3A_1679 : i32 to index
        %swap3A_1686 = arith.constant 80 : index
        %swap3A_1687 = tpu.vector_load %arg9[%swap3A_1685, %swap3A_1686] {strides = array<i32>} : memref<128x128xf32, #tpu.memory_space<vmem>>, vector<16xf32>,
        tpu.vector_store %arg9[%swap3A_1685, %swap3A_1686], %mul3A_1684 {strides = array<i32>} : memref<128x128xf32, #tpu.memory_space<vmem>>, vector<16xf32>,
        %mul3A_1688 = arith.constant 16 : i32
        %mul3A_1689 = arith.muli %add3A_139, %mul3A_1688 : i32
        %add3A_1690 = arith.constant 15 : i32
        %add3A_1691 = arith.addi %mul3A_1689, %add3A_1690 : i32
        %get3A_1692 = arith.index_cast %add3A_1691 : i32 to index
        %get3A_1693 = arith.constant 96 : index
        %get3A_1694 = tpu.vector_load %arg9[%get3A_1692, %get3A_1693] {strides = array<i32>} : memref<128x128xf32, #tpu.memory_space<vmem>>, vector<16xf32>,
        %mul3A_1695 = vector.broadcast %squeeze3A_1615 : f32 to vector<16xf32>
        %mul3A_1696 = arith.mulf %get3A_1694, %mul3A_1695 : vector<16xf32>
        %swap3A_1697 = arith.index_cast %add3A_1691 : i32 to index
        %swap3A_1698 = arith.constant 96 : index
        %swap3A_1699 = tpu.vector_load %arg9[%swap3A_1697, %swap3A_1698] {strides = array<i32>} : memref<128x128xf32, #tpu.memory_space<vmem>>, vector<16xf32>,
        tpu.vector_store %arg9[%swap3A_1697, %swap3A_1698], %mul3A_1696 {strides = array<i32>} : memref<128x128xf32, #tpu.memory_space<vmem>>, vector<16xf32>,
        %mul3A_1700 = arith.constant 16 : i32
        %mul3A_1701 = arith.muli %add3A_139, %mul3A_1700 : i32
        %add3A_1702 = arith.constant 15 : i32
        %add3A_1703 = arith.addi %mul3A_1701, %add3A_1702 : i32
        %get3A_1704 = arith.index_cast %add3A_1703 : i32 to index
        %get3A_1705 = arith.constant 112 : index
        %get3A_1706 = tpu.vector_load %arg9[%get3A_1704, %get3A_1705] {strides = array<i32>} : memref<128x128xf32, #tpu.memory_space<vmem>>, vector<16xf32>,
        %mul3A_1707 = vector.broadcast %squeeze3A_1615 : f32 to vector<16xf32>
        %mul3A_1708 = arith.mulf %get3A_1706, %mul3A_1707 : vector<16xf32>
        %swap3A_1709 = arith.index_cast %add3A_1703 : i32 to index
        %swap3A_1710 = arith.constant 112 : index
        %swap3A_1711 = tpu.vector_load %arg9[%swap3A_1709, %swap3A_1710] {strides = array<i32>} : memref<128x128xf32, #tpu.memory_space<vmem>>, vector<16xf32>,
        tpu.vector_store %arg9[%swap3A_1709, %swap3A_1710], %mul3A_1708 {strides = array<i32>} : memref<128x128xf32, #tpu.memory_space<vmem>>, vector<16xf32>,
      }
      %scan3A_128 = arith.constant 8 : i32
      %dma_start3A_129 = arith.constant 0 : i32
      %dma_start3A_130 = tpu.memref_slice %arg7[%and3A_93, %and3A_95, %dma_start3A_129] : memref<2x24x128xi32, #tpu.memory_space<vmem>> -> memref<1x1x128xi32, #tpu.memory_space<vmem>>
      %dma_start3A_131 = tpu.memref_squeeze %dma_start3A_130 : memref<1x1x128xi32, #tpu.memory_space<vmem>> -> memref<128xi32, #tpu.memory_space<vmem>>
      %dma_start3A_132 = arith.constant 0 : i32
      %dma_start3A_133 = arith.constant 0 : i32
      %dma_start3A_134 = tpu.memref_slice %arg6[%dma_start3A_132, %dma_start3A_133] : memref<10112x128xf32, #tpu.memory_space<vmem_shared>> -> memref<10112x128xf32, #tpu.memory_space<vmem_shared>>
      tpu.enqueue_indirect_dma source(%arg9 : memref<128x128xf32, #tpu.memory_space<vmem>>) target(%dma_start3A_134 : memref<10112x128xf32, #tpu.memory_space<vmem_shared>>) offsets(%dma_start3A_131 : memref<128xi32, #tpu.memory_space<vmem>>) semaphore(%arg13 : memref<!tpu.dma_semaphore, #tpu.memory_space<semaphore_mem>>) {add = true}
    }
    %scan3A_18 = arith.constant 40 : i32
    %dma_wait3A_19 = arith.constant 0 : i32
    %dma_wait3A_20 = arith.constant 0 : i32
    %dma_wait3A_21 = tpu.memref_slice %arg2[%dma_wait3A_19, %dma_wait3A_20] : memref<10000x128xf32, #tpu.memory_space<hbm>> -> memref<128x128xf32, #tpu.memory_space<hbm>>
    %dma_wait3A_22 = arith.constant 0 : i32
    %dma_wait3A_23 = arith.constant 0 : i32
    %dma_wait3A_24 = tpu.memref_slice %arg2[%dma_wait3A_22, %dma_wait3A_23] : memref<10000x128xf32, #tpu.memory_space<hbm>> -> memref<128x128xf32, #tpu.memory_space<hbm>>
    tpu.wait_dma2 semaphore(%arg10 : memref<!tpu.dma_semaphore, #tpu.memory_space<semaphore_mem>>) src(%dma_wait3A_24 : memref<128x128xf32, #tpu.memory_space<hbm>>) dst(%arg8 : memref<128x128xf32, #tpu.memory_space<vmem>>)
    %dma_wait3A_25 = arith.constant 0 : i32
    %dma_wait3A_26 = arith.constant 0 : i32
    %dma_wait3A_27 = tpu.memref_slice %arg6[%dma_wait3A_25, %dma_wait3A_26] : memref<10112x128xf32, #tpu.memory_space<vmem_shared>> -> memref<128x128xf32, #tpu.memory_space<vmem_shared>>
    %dma_wait3A_28 = arith.constant 0 : i32
    %dma_wait3A_29 = arith.constant 0 : i32
    %dma_wait3A_30 = tpu.memref_slice %arg6[%dma_wait3A_28, %dma_wait3A_29] : memref<10112x128xf32, #tpu.memory_space<vmem_shared>> -> memref<128x128xf32, #tpu.memory_space<vmem_shared>>
    tpu.wait_dma2 semaphore(%arg13 : memref<!tpu.dma_semaphore, #tpu.memory_space<semaphore_mem>>) src(%arg9 : memref<128x128xf32, #tpu.memory_space<vmem>>) dst(%dma_wait3A_30 : memref<128x128xf32, #tpu.memory_space<vmem_shared>>)
    %barrier3A_31 = arith.constant 0 : index
    tpu.barrier barrier_id(%barrier3A_31)
    %mul3A_32 = arith.constant 632 : i32
    %mul3A_33 = arith.muli %arg1, %mul3A_32 : i32
    %mul3A_34 = arith.constant 632 : i32
    %mul3A_35 = arith.muli %arg1, %mul3A_34 : i32
    "tpu.region"() ({
      %run_scoped3A_36 = tpu.sem_alloc : memref<!tpu.dma_semaphore, #tpu.memory_space<semaphore_mem>>
      %dma_start3A_37 = arith.constant 0 : i32
      %dma_start3A_38 = tpu.memref_slice %arg5[%arg0, %mul3A_35, %dma_start3A_37] : memref<2x10112x128xf32, #tpu.memory_space<hbm>> -> memref<1x632x128xf32, #tpu.memory_space<hbm>>
      %dma_start3A_39 = tpu.memref_squeeze %dma_start3A_38 : memref<1x632x128xf32, #tpu.memory_space<hbm>> -> memref<632x128xf32, #tpu.memory_space<hbm>>
      %dma_start3A_40 = arith.constant 0 : i32
      %dma_start3A_41 = tpu.memref_slice %arg6[%mul3A_33, %dma_start3A_40] : memref<10112x128xf32, #tpu.memory_space<vmem_shared>> -> memref<632x128xf32, #tpu.memory_space<vmem_shared>>
      tpu.enqueue_dma source(%dma_start3A_41 : memref<632x128xf32, #tpu.memory_space<vmem_shared>>) target(%dma_start3A_39 : memref<632x128xf32, #tpu.memory_space<hbm>>) target_semaphore(%run_scoped3A_36 : memref<!tpu.dma_semaphore, #tpu.memory_space<semaphore_mem>>)
      %dma_wait3A_42 = arith.constant 0 : i32
      %dma_wait3A_43 = tpu.memref_slice %arg5[%arg0, %mul3A_35, %dma_wait3A_42] : memref<2x10112x128xf32, #tpu.memory_space<hbm>> -> memref<1x632x128xf32, #tpu.memory_space<hbm>>
      %dma_wait3A_44 = tpu.memref_squeeze %dma_wait3A_43 : memref<1x632x128xf32, #tpu.memory_space<hbm>> -> memref<632x128xf32, #tpu.memory_space<hbm>>
      %dma_wait3A_45 = arith.constant 0 : i32
      %dma_wait3A_46 = tpu.memref_slice %arg6[%mul3A_33, %dma_wait3A_45] : memref<10112x128xf32, #tpu.memory_space<vmem_shared>> -> memref<632x128xf32, #tpu.memory_space<vmem_shared>>
      tpu.wait_dma2 semaphore(%run_scoped3A_36 : memref<!tpu.dma_semaphore, #tpu.memory_space<semaphore_mem>>) src(%dma_wait3A_46 : memref<632x128xf32, #tpu.memory_space<vmem_shared>>) dst(%dma_wait3A_44 : memref<632x128xf32, #tpu.memory_space<hbm>>)
      tpu.yield
    }) : () -> ()
    return
  }
}

module attributes {stable_mosaic.version = 14 : i64} {
  func.func @_matmul_body(%arg0: i32, %arg1: memref<1000x128xf32, #tpu.memory_space<vmem>>, %arg2: memref<1000x128xf32, #tpu.memory_space<vmem>>, %arg3: memref<128x128xf32, #tpu.memory_space<vmem>>, %arg4: memref<1000x128xf32, #tpu.memory_space<vmem>>) attributes {dimension_semantics = [#tpu.dimension_semantics<arbitrary>], iteration_bounds = array<i64: 10>, scalar_prefetch = 0 : i64, scratch_operands = 0 : i64, tpu.core_type = #tpu.core_type<tc>, window_params = [{transform_indices = @transform_0, window_bounds = array<i64: 1000, 128>}, {transform_indices = @transform_1, window_bounds = array<i64: 1000, 128>}, {pipeline_mode = #tpu.pipeline_mode<synchronous>, transform_indices = @transform_2, window_bounds = array<i64: 128, 128>}, {transform_indices = @transform_3, window_bounds = array<i64: 1000, 128>}]} {
    %get3A = arith.constant 0 : index
    %get3A_0 = arith.constant 0 : index
    %get3A_1 = vector.load %arg1[%get3A, %get3A_0] : memref<1000x128xf32, #tpu.memory_space<vmem>>, vector<1000x128xf32>
    %get3A_2 = arith.constant 0 : index
    %get3A_3 = arith.constant 0 : index
    %get3A_4 = vector.load %arg2[%get3A_2, %get3A_3] : memref<1000x128xf32, #tpu.memory_space<vmem>>, vector<1000x128xf32>
    %mul3A = arith.mulf %get3A_1, %get3A_4 : vector<1000x128xf32>
    %get3A_5 = arith.constant 0 : index
    %get3A_6 = arith.constant 0 : index
    %get3A_7 = vector.load %arg3[%get3A_5, %get3A_6] : memref<128x128xf32, #tpu.memory_space<vmem>>, vector<128x128xf32>
    %dot_general3A = arith.constant dense<0.000000e+00> : vector<1000x128xf32>
    %dot_general3A_8 = tpu.matmul %mul3A, %get3A_7, %dot_general3A {dimension_numbers = #tpu.dot_dimension_numbers<[1], [0], [0], [1], [0, 0, 1, 1], [], []>, transpose_lhs_hint = false} : vector<1000x128xf32>, vector<128x128xf32>, vector<1000x128xf32> -> vector<1000x128xf32>
    %swap3A = arith.constant 0 : index
    %swap3A_9 = arith.constant 0 : index
    %swap3A_10 = vector.load %arg4[%swap3A, %swap3A_9] : memref<1000x128xf32, #tpu.memory_space<vmem>>, vector<1000x128xf32>
    tpu.vector_store %arg4[%swap3A, %swap3A_9], %dot_general3A_8 {strides = array<i32>} : memref<1000x128xf32, #tpu.memory_space<vmem>>, vector<1000x128xf32>,
    return
  }
  func.func @transform_0(%arg0: i32) -> (i32, i32) {
    %c0_i32 = arith.constant 0 : i32
    %c0_i32_0 = arith.constant 0 : i32
    return %arg0, %c0_i32 : i32, i32
  }
  func.func @transform_1(%arg0: i32) -> (i32, i32) {
    %c0_i32 = arith.constant 0 : i32
    %c0_i32_0 = arith.constant 0 : i32
    return %arg0, %c0_i32 : i32, i32
  }
  func.func @transform_2(%arg0: i32) -> (i32, i32) {
    %c0_i32 = arith.constant 0 : i32
    %c0_i32_0 = arith.constant 0 : i32
    %c0_i32_1 = arith.constant 0 : i32
    return %c0_i32, %c0_i32_0 : i32, i32
  }
  func.func @transform_3(%arg0: i32) -> (i32, i32) {
    %c0_i32 = arith.constant 0 : i32
    %c0_i32_0 = arith.constant 0 : i32
    return %arg0, %c0_i32 : i32, i32
  }
}

module attributes {stable_mosaic.version = 14 : i64} {
  func.func @_finalize_body(%arg0: i32, %arg1: memref<1x1000x128xf32, #tpu.memory_space<vmem>>, %arg2: memref<1x1000x128xf32, #tpu.memory_space<vmem>>, %arg3: memref<1x128xf32, #tpu.memory_space<vmem>>, %arg4: memref<1000x128xf32, #tpu.memory_space<vmem>>) attributes {dimension_semantics = [#tpu.dimension_semantics<arbitrary>], iteration_bounds = array<i64: 10>, scalar_prefetch = 0 : i64, scratch_operands = 0 : i64, tpu.core_type = #tpu.core_type<tc>, window_params = [{transform_indices = @transform_0, window_bounds = array<i64: 1, 1000, 128>}, {transform_indices = @transform_1, window_bounds = array<i64: 1, 1000, 128>}, {pipeline_mode = #tpu.pipeline_mode<synchronous>, transform_indices = @transform_2, window_bounds = array<i64: 1, 128>}, {transform_indices = @transform_3, window_bounds = array<i64: 1000, 128>}]} {
    %get3A = arith.constant 0 : index
    %get3A_0 = arith.constant 0 : index
    %get3A_1 = arith.constant 0 : index
    %get3A_2 = vector.load %arg1[%get3A, %get3A_0, %get3A_1] : memref<1x1000x128xf32, #tpu.memory_space<vmem>>, vector<1x1000x128xf32>
    %get3A_3 = arith.constant 0 : index
    %get3A_4 = arith.constant 0 : index
    %get3A_5 = arith.constant 0 : index
    %get3A_6 = vector.load %arg2[%get3A_3, %get3A_4, %get3A_5] : memref<1x1000x128xf32, #tpu.memory_space<vmem>>, vector<1x1000x128xf32>
    %add3A = arith.addf %get3A_2, %get3A_6 : vector<1x1000x128xf32>
    %get3A_7 = arith.constant 0 : index
    %get3A_8 = arith.constant 0 : index
    %get3A_9 = vector.load %arg3[%get3A_7, %get3A_8] : memref<1x128xf32, #tpu.memory_space<vmem>>, vector<1x128xf32>
    %broadcast_in_dim3A = vector.shape_cast %get3A_9 : vector<1x128xf32> to vector<1x1x128xf32>
    %add3A_10 = vector.broadcast %broadcast_in_dim3A : vector<1x1x128xf32> to vector<1x1000x128xf32>
    %add3A_11 = arith.addf %add3A, %add3A_10 : vector<1x1000x128xf32>
    %squeeze3A = vector.shape_cast %add3A_11 : vector<1x1000x128xf32> to vector<1000x128xf32>
    %max3A = arith.constant 0.000000e+00 : f32
    %max3A_12 = vector.broadcast %max3A : f32 to vector<1000x128xf32>
    %max3A_13 = arith.maximumf %squeeze3A, %max3A_12 : vector<1000x128xf32>
    %swap3A = arith.constant 0 : index
    %swap3A_14 = arith.constant 0 : index
    %swap3A_15 = vector.load %arg4[%swap3A, %swap3A_14] : memref<1000x128xf32, #tpu.memory_space<vmem>>, vector<1000x128xf32>
    tpu.vector_store %arg4[%swap3A, %swap3A_14], %max3A_13 {strides = array<i32>} : memref<1000x128xf32, #tpu.memory_space<vmem>>, vector<1000x128xf32>,
    return
  }
  func.func @transform_0(%arg0: i32) -> (i32, i32, i32) {
    %c0_i32 = arith.constant 0 : i32
    %c0_i32_0 = arith.constant 0 : i32
    %c0_i32_1 = arith.constant 0 : i32
    return %c0_i32, %arg0, %c0_i32_0 : i32, i32, i32
  }
  func.func @transform_1(%arg0: i32) -> (i32, i32, i32) {
    %c1_i32 = arith.constant 1 : i32
    %c0_i32 = arith.constant 0 : i32
    %c0_i32_0 = arith.constant 0 : i32
    return %c1_i32, %arg0, %c0_i32 : i32, i32, i32
  }
  func.func @transform_2(%arg0: i32) -> (i32, i32) {
    %c0_i32 = arith.constant 0 : i32
    %c0_i32_0 = arith.constant 0 : i32
    %c0_i32_1 = arith.constant 0 : i32
    return %c0_i32, %c0_i32_0 : i32, i32
  }
  func.func @transform_3(%arg0: i32) -> (i32, i32) {
    %c0_i32 = arith.constant 0 : i32
    %c0_i32_0 = arith.constant 0 : i32
    return %arg0, %c0_i32 : i32, i32
  }
}

</mosaic_0001>

<sc_bundles>
// kernel: kernel.5.cloned.1.call-start
scs
__scs_entry_jumppad:
0x0: {  	(pc) =	sbr.rel $0x88, $3  }
0x1: {  	(tag) =	ssettag $0x0;
	lr =	simm.s32 $0x1  }
0x2: {  	[smem:$0x3F9C] =	sst lr;
	_ =	strace $0xD0000000  }
0x3: {  	_ = 	snop  }
0x4: {  	_ = 	snop  }
0x5: {  	_ = 	snop  }
0x6: {  	_ = 	snop  }
0x7: {  	_ = 	snop  }
__scs_overlays_trampoline_lowered:
0x8: {  	[smem:$0x3FAB] =	sst s0  }
0x9: {  	[smem:$0x3FAC] =	sst s1  }
0xa: {  	[smem:$0x3FAD] =	sst s2  }
0xb: {  	[smem:$0x3FAE] =	sst s3  }
0xc: {  	[smem:$0x3FAF] =	sst s4  }
0xd: {  	[smem:$0x3FB0] =	sst s5  }
0xe: {  	[smem:$0x3FB1] =	sst s6  }
0xf: {  	[smem:$0x3FB2] =	sst s7  }
0x10: {  	[smem:$0x3FB3] =	sst s8  }
0x11: {  	[smem:$0x3FB4] =	sst s9;
	s0 =	simm.s32 @!p0 $0x0  }
0x12: {  	s1 =	sld [smem:$0x3F9A];
	s0 =	simm.s32 @p0 $0x1  }
0x13: {  	[smem:$0x3FB5] =	sst s0;
	s0 =	simm.s32 @!p1 $0x0  }
0x14: {  	s2 =	sld [smem:$0x3F99];
	s0 =	simm.s32 @p1 $0x1  }
0x15: {  	[smem:$0x3FB6] =	sst s0;
	s0 =	simm.s32 @!p2 $0x0  }
0x16: {  	s3 =	sld [smem:$0x3FDB];
	s0 =	simm.s32 @p2 $0x1  }
0x17: {  	s4 =	simm.s32 $0x1BF5;
	[smem:$0x3FB8] =	sst s0  }
0x18: {  	s0 =	sld [smem:$0x3F9B];
	_ =	swait.ge [sflag:s4], $0x0  }
0x19: {  	s7 =	sld [smem:$0x3F9C]  }
0x1a: {  	s8 =	sadd.s32 $0xFFFFE003, lr  }
0x1b: {  	s9 =	sadd.s32 $0xFFFFFEF7, lr;
	s5 =	simm.s32 $0xFFFFFFFF;
	p2 =	slt.u32 s8, $0xFFFFF086  }
0x1c: {  	p1 =	slt.u32 s9, $0xF7A;
	s5 =	simm.s32 @!p2 $0x0  }
0x1d: {  	s5 =	simm.s32 @p1 $0x1;
	p0 =	seq.s32 s7, s2  }
0x1e: {  	s7 =	smul.u32 @!p0 $0xF7A, s2;
	p2 =	seq.s32 @!p0 s5, $0x0  }
0x1f: {  	s9 =	smul.u32 $0xF7A, s1;
	s8 =	simm.s32 @!p0 $0x1BF5;
	p2 =	por !p2, p0  }
0x20: {  	[sflag:s8] =	ssyncset.s32 @!p0 $0xFFFFF086;
	s6 =	sadd.s32 @!p0 s3, s7;
	s7 =	simm.s32 @!p0 $0x108  }
0x21: {  	s3 =	sadd.s32 s3, s9;
	s6 =	sadd.s32 @!p0 $0x88, s6;
	s7 =	simm.s32 @p2 $0x1082  }
0x22: {  	[simem:s7], [sflag:s8] =	dma.local @!p0 [hbm:s6], $0xF7A  }
0x23: {  	s9 =	sor.u32 $0xD0000000, s2;
	s6 =	simm.s32 $0x108;
	_ =	swait.ge @!p0 [sflag:s8], $0x0  }
0x24: {  	s3 =	sadd.s32 $0x88, s3;
	s6 =	simm.s32 @!p1 $0x1082;
	[sflag:s4] =	ssyncset.s32 $0xFFFFF086  }
0x25: {  	[simem:s6], [sflag:s4] =	dma.local [hbm:s3], $0xF7A  }
0x26: {  	[smem:$0x3F9C] =	sst s1;
	(tag) =	ssettag s2;
	_ =	strace s9  }
0x27: {  	s1 =	sld [smem:$0x3FAC]  }
0x28: {  	s2 =	sld [smem:$0x3FAD]  }
0x29: {  	s4 =	sld [smem:$0x3FAF]  }
0x2a: {  	p0 =	seq.s32 s5, $0x0;
	s5 =	sld [smem:$0x3FB0]  }
0x2b: {  	s6 =	sld [smem:$0x3FB1]  }
0x2c: {  	s7 =	sld [smem:$0x3FB2]  }
0x2d: {  	s3 =	simm.s32 $0x108;
	s8 =	sld [smem:$0x3FB3]  }
0x2e: {  	s3 =	simm.s32 @!p0 $0x1082;
	s9 =	sld [smem:$0x3FB4]  }
0x2f: {  	lr =	sadd.s32 s0, s3;
	s0 =	sld [smem:$0x3FAB]  }
0x30: {  	s3 =	sld [smem:$0x3FAE]  }
0x31: {  	[smem:$0x3FB7] =	sst s10  }
0x32: {  	s10 =	sld [smem:$0x3FB5];
	_ =	sdelay $0x3  }
0x33: {  	p0 =	seq.s32 s10, $0x1;
	s10 =	sld [smem:$0x3FB7];
	_ =	sdelay $0x3  }
0x34: {  	[smem:$0x3FB7] =	sst s10  }
0x35: {  	s10 =	sld [smem:$0x3FB6];
	_ =	sdelay $0x3  }
0x36: {  	p1 =	seq.s32 s10, $0x1;
	s10 =	sld [smem:$0x3FB7];
	_ =	sdelay $0x3  }
0x37: {  	[smem:$0x3FB7] =	sst s10  }
0x38: {  	s10 =	sld [smem:$0x3FB8]  }
0x39: {  	_ = 	snop;
	(pc) =	sbr.ind lr, $3  }
0x3a: {  	_ = 	snop  }
0x3b: {  	_ = 	snop  }
0x3c: {  	p2 =	seq.s32 s10, $0x1;
	s10 =	sld [smem:$0x3FB7]  }
0x3d: {  	_ =	shalt  }
0x3e: {  	_ =	shalt  }
0x3f: {  	_ =	shalt  }
0x40: {  	_ =	shalt  }
0x41: {  	_ =	shalt  }
0x42: {  	_ =	shalt  }
0x43: {  	_ =	shalt  }
0x44: {  	_ =	shalt  }
0x45: {  	_ =	shalt  }
0x46: {  	_ =	shalt  }
0x47: {  	_ =	shalt  }
0x48: {  	_ =	shalt  }
0x49: {  	_ =	shalt  }
0x4a: {  	_ =	shalt  }
0x4b: {  	_ =	shalt  }
0x4c: {  	_ =	shalt  }
0x4d: {  	_ =	shalt  }
0x4e: {  	_ =	shalt  }
0x4f: {  	_ =	shalt  }
0x50: {  	_ =	shalt  }
0x51: {  	_ =	shalt  }
0x52: {  	_ =	shalt  }
0x53: {  	_ =	shalt  }
0x54: {  	_ =	shalt  }
0x55: {  	_ =	shalt  }
0x56: {  	_ =	shalt  }
0x57: {  	_ =	shalt  }
0x58: {  	_ =	shalt  }
0x59: {  	_ =	shalt  }
0x5a: {  	_ =	shalt  }
0x5b: {  	_ =	shalt  }
0x5c: {  	_ =	shalt  }
0x5d: {  	_ =	shalt  }
0x5e: {  	_ =	shalt  }
0x5f: {  	_ =	shalt  }
0x60: {  	_ =	shalt  }
0x61: {  	_ =	shalt  }
0x62: {  	_ =	shalt  }
0x63: {  	_ =	shalt  }
0x64: {  	_ =	shalt  }
0x65: {  	_ =	shalt  }
0x66: {  	_ =	shalt  }
0x67: {  	_ =	shalt  }
0x68: {  	_ =	shalt  }
0x69: {  	_ =	shalt  }
0x6a: {  	_ =	shalt  }
0x6b: {  	_ =	shalt  }
0x6c: {  	_ =	shalt  }
0x6d: {  	_ =	shalt  }
0x6e: {  	_ =	shalt  }
0x6f: {  	_ =	shalt  }
0x70: {  	_ =	shalt  }
0x71: {  	_ =	shalt  }
0x72: {  	_ =	shalt  }
0x73: {  	_ =	shalt  }
0x74: {  	_ =	shalt  }
0x75: {  	_ =	shalt  }
0x76: {  	_ =	shalt  }
0x77: {  	_ =	shalt  }
0x78: {  	_ =	shalt  }
0x79: {  	_ =	shalt  }
0x7a: {  	_ =	shalt  }
0x7b: {  	_ =	shalt  }
0x7c: {  	_ =	shalt  }
0x7d: {  	_ =	shalt  }
0x7e: {  	_ =	shalt  }
0x7f: {  	_ =	shalt  }
0x80: {  	_ =	shalt  }
0x81: {  	_ =	shalt  }
0x82: {  	_ =	shalt  }
0x83: {  	_ =	shalt  }
0x84: {  	_ =	shalt  }
0x85: {  	_ =	shalt  }
0x86: {  	_ =	shalt  }
0x87: {  	_ =	shalt  }
.Lfunc_end0:
.L_simem_size_0:
called_computation_lowered:
.L_overlay_start_0:
0x88: {  	s2 =	sld [smem:$0x3FD9]  }
0x89: {  	s3 =	sld [smem:$0x3FFE];
	_ =	sdelay $0x1  }
0x8a: {  	s1 =	srdreg.scid  }
0x8b: {  	s0 =	sand.u32 $0x1, s1  }
0x8c: {  	s17 =	sshll.u32 s0, $0xA;
	s2 =	sadd.s32 s3, s2  }
0x8d: {  	s2 =	sadd.s32 s2, s17  }
0x8e: {  	[smem:$0x3FC3] =	sst s2  }
0x8f: {  	_ = 	snop  }
0x90: {  	s2 =	sld [smem:$0x3FD0];
	(tm) =	ssettm $0x1  }
0x91: {  	s18 =	sld [smem:$0x3FFB];
	_ =	sdelay $0x3  }
0x92: {  	_ =	strace s18  }
0x93: {  	s3 =	sld [smem:$0x3FFC];
	_ =	sdelay $0x3  }
0x94: {  	_ =	strace s3  }
0x95: {  	s3 =	sld [smem:$0x3FFD];
	_ =	sdelay $0x3  }
0x96: {  	_ =	strace s3  }
0x97: {  	_ =	strace $0x8FFFFFFF  }
0x98: {  	s19 =	sld [smem:$0x3FDB];
	_ =	sdelay $0x1  }
0x99: {  	s4 =	simm.s32 $_scs_section_size  }
0x9a: {  	s5 =	simm.s32 $_size__tile_overlayer_lowered;
	s6 =	simm.s32 $_tile_overlayer_lowered  }
0x9b: {  	s22 =	simm.s32 $0x1BFF;
	s21 =	sshll.u32 s6, $0x1;
	s3 =	sadd.s32 s4, s19  }
0x9c: {  	s7 =	simm.s32 $0x0;
	s20 =	sshll.u32 s5, $0x1;
	s5 =	sadd.s32 s21, s3  }
0x9d: {  	[timem:s7], [sflag:s22] =	dma.local [hbm:s5], s20  }
0x9e: {  	_ =	swait.ge [sflag:s22], s20  }
0x9f: {  	s4 =	ssub.s32 $0x0, s20;
	[sflag:s22] =	ssyncset.done $0x0  }
0xa0: {  	[sflag:s22] =	ssyncadd.s32 s4;
	_ =	sdelay $0x1  }
0xa1: {  	s23 =	simm.s32 $0x1B8B  }
0xa2: {  	_ =	swait.ge [sflag:s23], $0x1  }
0xa3: {  	[sflag:s23] =	ssyncset.done $0x0  }
0xa4: {  	s25 =	simm.s32 $0x1B8E;
	s24 =	sld [smem:$0x3FFE];
	[sflag:s23] =	ssyncadd.s32 $0xFFFFFFFF  }
0xa5: {  	s26 =	simm.s32 $execute0_lowered;
	[smem:$0x3FD2] =	sst s25  }
0xa6: {  	s5 =	sshll.u32 s26, $0x1;
	_ =	strace $0x80000046;
	[dreg:$0x1] =	wrdreg $0xFFFFFFFF  }
0xa7: {  	s28 =	simm.s32 $_size_execute0_lowered;
	s3 =	sadd.s32 s3, s5;
	[dreg:$0x0] =	wrdreg $0x0  }
0xa8: {  	s5 =	sshll.u32 s28, $0x1;
	[dreg:$0x2] =	wrdreg s3  }
0xa9: {  	[dreg:$0x3] =	wrdreg s5  }
0xaa: {  	[dreg:$0x4] =	wrdreg $0xC0  }
0xab: {  	_ =	task [dreg:s7], $0x5FFFF  }
0xac: {  	[dreg:$0x1] =	wrdreg $0xFFFFFFFF  }
0xad: {  	[dreg:$0x0] =	wrdreg $0x60  }
0xae: {  	[dreg:$0x2] =	wrdreg s2  }
0xaf: {  	[dreg:$0x3] =	wrdreg s24  }
0xb0: {  	[dreg:$0x4] =	wrdreg $0x0  }
0xb1: {  	[dreg:$0x5] =	wrdreg $0x9  }
0xb2: {  	_ =	task.clear_ibuf [dreg:s7], $0x6FFFF;
	_ =	strace $0x90000046  }
0xb3: {  	s29 =	simm.s32 $0x9;
	_ =	strace $0x80000048  }
0xb4: {  	_ =	swait.ge [sflag:s29], $0x1  }
0xb5: {  	[sflag:s29] =	ssyncadd.s32 $0xFFFFFFFF  }
0xb6: {  	_ =	strace $0x90000048  }
0xb7: {  	_ =	sfence  }
0xb8: {  	s30 =	sld [smem:$0x0];
	_ =	sdelay $0x2  }
0xb9: {  	s31 =	sshll.u32 s1, $0xD;
	s1 =	sshrl.u32 s1, $0x2  }
0xba: {  	s3 =	sand.u32 $0x4000, s31;
	s1 =	sadd.s32 s1, s30  }
0xbb: {  	s0 =	sor.u32 s3, s0;
	s1 =	sshll.u32 s1, $0x11  }
0xbc: {  	s0 =	sor.u32 s1, s0  }
0xbd: {  	s0 =	sadd.s32 $0x8F2B, s0  }
0xbe: {  	[sflag:s0] =	ssyncadd.remote.s32 $0x1  }
0xbf: {  	_ =	sfence.sel $0xFFFF  }
0xc0: {  	[dreg:$0x0] =	wrdreg $0xFFFFFFFF;
	(pc) =	sbr.abs _section_cstart, $3  }
0xc1: {  	[dreg:$0x1] =	wrdreg $0xFFFFFFFF  }
0xc2: {  	_ =	task.clear_ibuf [dreg:s7], $0x2FFFF;
	_ =	strace $0x9FFFFFFF  }
0xc3: {  	(tm) =	ssettm $0x7FFFFFFF  }
tec
execute0_lowered:
.L_overlay_start_1:
0x0: {  	(tag) =	ssettag $0x1  }
0x1: {  	s0 =	rddreg [dreg:$0x0]  }
0x2: {  	s1 =	rddreg [dreg:$0x1];
	s2 =	srdreg.scid  }
0x3: {  	s3 =	rddreg [dreg:$0x2];
	s12 =	stileid.u32;
	s4 =	simm.s32 $0x0  }
0x4: {  	s16 =	simm.s32 $0x6;
	s17 =	simm.s32 $0x80;
	s18 =	simm.s32 $0x14000  }
0x5: {  	s19 =	simm.s32 $0x15400;
	s20 =	simm.s32 $0x5;
	s21 =	simm.s32 $0x19400  }
0x6: {  	s22 =	simm.s32 $0x1;
	s23 =	simm.s32 $0x3;
	s24 =	simm.s32 $0x2  }
0x7: {  	s25 =	simm.s32 $0x4;
	s26 =	simm.s32 $0x0;
	s7 =	smul.u32 $0x13C00, s12  }
0x8: {  	s2 =	sand.u32 $0x1, s2;
	[smem:$0x7FF] =	sst s4;
	s9 =	smul.u32 $0x4F000, s12  }
0x9: {  	s5 =	sadd.s32 $0x1200, s1;
	s6 =	smul.u32 $0x13C000, s2;
	s8 =	sshll.u32 s2, $0x4  }
0xa: {  	_ =	strace $0x80000047;
	s2 =	ssub.s32 $0x2, s2;
	s8 =	sor.u32 s12, s8  }
0xb: {  	s10 =	sshrl.u32 s2, $0x1;
	s9 =	sshrl.u32 s9, $0x2;
	s11 =	smul.u32 $0xA, s8  }
0xc: {  	s7 =	sadd.s32 s7, s6;
	s6 =	sadd.s32 $0x1F200, s1;
	s31 =	smul.u32 $0xF00, s8  }
0xd: {  	s2 =	ssub.s32 s2, s10;
	s14 =	sadd.s32 s9, s3;
	s7 =	sshrl.u32 s7, $0x3  }
0xe: {  	s13 =	smax.u32 s2, $0x1;
	s14 =	sshrl.u32 s14, $0x3;
	s1 =	sadd.s32 s7, s1  }
0xf: {  	s7 =	sshll.u32 s12, $0x6;
	s9 =	sadd.s32 s5, s31;
	s10 =	sor.u32 $0x1, s11  }
0x10: {  	s11 =	sadd.s32 $0x9, s11;
	s8 =	sor.u32 $0x1C05, s7;
	s12 =	sadd.s32 $0x21A00, s1  }
.LBB2_1:
0x11: {  	[spmem:s14], [sflag:s8] =	dma.local [hbm:s6], $0x2780  }
0x12: {  	s1 =	simm.s32 $0x13C00  }
0x13: {  	[tilespmem:s1], [sflag:$0x6] =	stream.linear.gather [hbm4b:s9+s4], $0xC00, $0x38;
	[tilespmem:$0x1D400] =	vst v63  }
0x14: {  	_ =	swait.ge [sflag:s16], $0xC00  }
0x15: {  	[sflag:s16] =	ssyncset.done $0x0  }
0x16: {  	[sflag:s16] =	ssyncadd.s32 $0xFFFFF400  }
0x17: {  	[tilespmem:s19], [sflag:$0x1] =	stream.indirect.gather [hbm4b:s0+s17], $0x80, s18, s17, $0xb8;
	[tilespmem:$0x1D400] =	vst v63  }
0x18: {  	_ =	swait.ge [sflag:s20], $0x2780  }
0x19: {  	[sflag:s20] =	ssyncset.done $0x0  }
0x1a: {  	[sflag:s20] =	ssyncadd.s32 $0xFFFFD880  }
0x1b: {  	s28 =	simm.s32 $0x0;
	[bflag:$0x0] =	sbarrier.arrive $0xFFFF  }
.LBB2_2:
0x1c: {  	s30 =	sshll.u32 s28, $0x1  }
0x1d: {  	s1 =	sshrl.u32 s28, $0x2;
	s2 =	sand.u32 $0x6, s30  }
0x1e: {  	p1 =	seq.s32 s28, $0x0;
	s29 =	sand.u32 $0x1, s1;
	p0 =	sne.s32 s2, $0x0  }
0x1f: {  	s31 =	simm.s32 @!p1 $0x4;
	s1 =	sadd.s32 @!p0 s1, s10;
	s15 =	sxor.u32 @!p0 $0x1, s29  }
0x20: {  	_ =	swait.ge @!p1 [sflag:s31], $0x4000;
	s1 =	smin.u32 @!p0 s1, s11;
	s15 =	smul.u32 @!p0 $0x3000, s15  }
0x21: {  	[sflag:s31] =	ssyncset.done @!p1 $0x0;
	s1 =	smul.u32 @!p0 $0x180, s1  }
0x22: {  	[sflag:s31] =	ssyncadd.s32 @!p1 $0xFFFFC000;
	s15 =	sshrl.u32 @!p0 s15, $0x2  }
0x23: {  	s31 =	simm.s32 @!p0 $0x0;
	s15 =	sadd.s32 @!p0 $0x13C00, s15;
	s1 =	sadd.s32 @!p0 s5, s1  }
0x24: {  	[tilespmem:s15], [sflag:$0x6] =	stream.linear.gather @!p0 [hbm4b:s1+s31], $0xC00, $0x38;
	[tilespmem:$0x1D400] =	vst v63  }
0x25: {  	s1 =	sshll.u32 s28, $0x1D;
	s15 =	smul.u32 $0x3000, s29  }
0x26: {  	s2 =	sshll.u32 s2, $0x7;
	s1 =	sshra.s32 s1, $0x1F  }
0x27: {  	s31 =	simm.s32 @!p0 $0x6;
	s1 =	sand.u32 $0xC00, s1;
	s15 =	sshrl.u32 s15, $0x2  }
0x28: {  	_ =	swait.ge @!p0 [sflag:s31], $0xC00;
	s29 =	sor.u32 s2, s1;
	s1 =	sor.u32 s2, s15  }
0x29: {  	[sflag:s31] =	ssyncset.done @!p0 $0x0;
	s29 =	sadd.s32 $0x13C00, s29;
	s2 =	sadd.s32 $0x14400, s1  }
0x2a: {  	[sflag:s31] =	ssyncadd.s32 @!p0 $0xFFFFF400;
	s15 =	sadd.s32 $0x480, s29;
	v0 =	vmov s2  }
0x2b: {  	[tilespmem:s21], [sflag:$0x2] =	stream.indirect.gather [hbm4b:s0+s17], $0x80, s15, s17, $0xb8;
	[tilespmem:$0x1D400] =	vst v63  }
0x2c: {  	_ =	swait.ge [sflag:s22], $0x4000  }
0x2d: {  	s15 =	simm.s32 $0x0;
	[sflag:s22] =	ssyncset.done $0x0  }
0x2e: {  	s2 =	sand.u32 $0x3FFFFFF0, s15;
	[sflag:s22] =	ssyncadd.s32 $0xFFFFC000  }
0x2f: {  	s15 =	simm.s32 $0x0;
	v1 =	vld.idx.msk [tilespmem:v0+s2+$0x0 ss:$0x1], $0xffff  }
0x30: {  	s31 =	sand.u32 $0x3FFFF800, s15  }
0x31: {  	v3 =	vld [tilespmem:s31+$0x15420]  }
0x32: {  	v4 =	vld [tilespmem:s31+$0x15430]  }
0x33: {  	v10 =	vld [tilespmem:s31+$0x15460]  }
0x34: {  	v11 =	vld [tilespmem:s31+$0x15470];
	v2 =	vbroadcast v1, $0x0  }
0x35: {  	v12 =	vld [tilespmem:s31+$0x15480]  }
0x36: {  	v13 =	vld [tilespmem:s31+$0x15490];
	v3 =	vmul.f32 v3, v2  }
0x37: {  	v14 =	vld [tilespmem:s31+$0x154A0];
	v4 =	vmul.f32 v4, v2  }
0x38: {  	v9 =	vld [tilespmem:s31+$0x154B0];
	v23 =	vbroadcast v1, $0x1;
	v22 =	vmul.f32 v10, v2;
	[tilespmem:s31+$0x15420] =	vst v3  }
0x39: {  	v7 =	vld [tilespmem:s31+$0x154C0];
	v11 =	vmul.f32 v11, v2;
	[tilespmem:s31+$0x15430] =	vst v4  }
0x3a: {  	v8 =	vld [tilespmem:s31+$0x154D0];
	v12 =	vmul.f32 v12, v23;
	[tilespmem:s31+$0x15460] =	vst v22  }
0x3b: {  	v25 =	vld [tilespmem:s31+$0x154F0];
	v13 =	vmul.f32 v13, v23;
	[tilespmem:s31+$0x15470] =	vst v11  }
0x3c: {  	v26 =	vld [tilespmem:s31+$0x15500];
	v14 =	vmul.f32 v14, v23;
	[tilespmem:s31+$0x15480] =	vst v12  }
0x3d: {  	v27 =	vld [tilespmem:s31+$0x15510];
	v9 =	vmul.f32 v9, v23;
	[tilespmem:s31+$0x15490] =	vst v13  }
0x3e: {  	v6 =	vld [tilespmem:s31+$0x15970];
	v7 =	vmul.f32 v7, v23;
	[tilespmem:s31+$0x154A0] =	vst v14  }
0x3f: {  	v24 =	vld [tilespmem:s31+$0x154E0];
	v15 =	vbroadcast v1, $0x2;
	v8 =	vmul.f32 v8, v23;
	[tilespmem:s31+$0x154B0] =	vst v9  }
0x40: {  	v28 =	vld [tilespmem:s31+$0x15520];
	v10 =	vmul.f32 v25, v23;
	[tilespmem:s31+$0x154C0] =	vst v7  }
0x41: {  	v29 =	vld [tilespmem:s31+$0x15530];
	v5 =	vbroadcast v1, $0xA;
	v32 =	vmul.f32 v26, v15;
	[tilespmem:s31+$0x154D0] =	vst v8  }
0x42: {  	v30 =	vld [tilespmem:s31+$0x15540];
	v34 =	vmul.f32 v27, v15;
	[tilespmem:s31+$0x154F0] =	vst v10  }
0x43: {  	v33 =	vld [tilespmem:s31+$0x15560];
	v3 =	vmul.f32 v6, v5;
	[tilespmem:s31+$0x15500] =	vst v32  }
0x44: {  	v35 =	vld [tilespmem:s31+$0x15570];
	v11 =	vmul.f32 v24, v23;
	[tilespmem:s31+$0x15510] =	vst v34  }
0x45: {  	v36 =	vld [tilespmem:s31+$0x15580];
	v9 =	vmul.f32 v28, v15;
	[tilespmem:s31+$0x15970] =	vst v3  }
0x46: {  	v31 =	vld [tilespmem:s31+$0x15550];
	v7 =	vmul.f32 v29, v15;
	[tilespmem:s31+$0x154E0] =	vst v11  }
0x47: {  	v37 =	vld [tilespmem:s31+$0x15590];
	v8 =	vmul.f32 v30, v15;
	[tilespmem:s31+$0x15520] =	vst v9  }
0x48: {  	v38 =	vld [tilespmem:s31+$0x155A0];
	v41 =	vbroadcast v1, $0x3;
	v10 =	vmul.f32 v33, v15;
	[tilespmem:s31+$0x15530] =	vst v7  }
0x49: {  	v39 =	vld [tilespmem:s31+$0x155B0];
	v12 =	vmul.f32 v35, v15;
	[tilespmem:s31+$0x15540] =	vst v8  }
0x4a: {  	v42 =	vld [tilespmem:s31+$0x155D0];
	v13 =	vmul.f32 v36, v41;
	[tilespmem:s31+$0x15560] =	vst v10  }
0x4b: {  	v43 =	vld [tilespmem:s31+$0x155E0];
	v11 =	vmul.f32 v31, v15;
	[tilespmem:s31+$0x15570] =	vst v12  }
0x4c: {  	v44 =	vld [tilespmem:s31+$0x155F0];
	v9 =	vmul.f32 v37, v41;
	[tilespmem:s31+$0x15580] =	vst v13  }
0x4d: {  	v40 =	vld [tilespmem:s31+$0x155C0];
	v7 =	vmul.f32 v38, v41;
	[tilespmem:s31+$0x15550] =	vst v11  }
0x4e: {  	v45 =	vld [tilespmem:s31+$0x15600];
	v8 =	vmul.f32 v39, v41;
	[tilespmem:s31+$0x15590] =	vst v9  }
0x4f: {  	v46 =	vld [tilespmem:s31+$0x15610];
	v10 =	vmul.f32 v42, v41;
	[tilespmem:s31+$0x155A0] =	vst v7  }
0x50: {  	v47 =	vld [tilespmem:s31+$0x15620];
	v12 =	vmul.f32 v43, v41;
	[tilespmem:s31+$0x155B0] =	vst v8  }
0x51: {  	v49 =	vld [tilespmem:s31+$0x15640];
	v50 =	vbroadcast v1, $0x4;
	v13 =	vmul.f32 v44, v41;
	[tilespmem:s31+$0x155D0] =	vst v10  }
0x52: {  	v51 =	vld [tilespmem:s31+$0x15650];
	v11 =	vmul.f32 v40, v41;
	[tilespmem:s31+$0x155E0] =	vst v12  }
0x53: {  	v52 =	vld [tilespmem:s31+$0x15660];
	v9 =	vmul.f32 v45, v50;
	[tilespmem:s31+$0x155F0] =	vst v13  }
0x54: {  	v48 =	vld [tilespmem:s31+$0x15630];
	v7 =	vmul.f32 v46, v50;
	[tilespmem:s31+$0x155C0] =	vst v11  }
0x55: {  	v53 =	vld [tilespmem:s31+$0x15670];
	v8 =	vmul.f32 v47, v50;
	[tilespmem:s31+$0x15600] =	vst v9  }
0x56: {  	v54 =	vld [tilespmem:s31+$0x15680];
	v10 =	vmul.f32 v49, v50;
	[tilespmem:s31+$0x15610] =	vst v7  }
0x57: {  	v55 =	vld [tilespmem:s31+$0x15690];
	v12 =	vmul.f32 v51, v50;
	[tilespmem:s31+$0x15620] =	vst v8  }
0x58: {  	v57 =	vld [tilespmem:s31+$0x156B0];
	v13 =	vmul.f32 v52, v50;
	[tilespmem:s31+$0x15640] =	vst v10  }
0x59: {  	v58 =	vld [tilespmem:s31+$0x156C0];
	v59 =	vbroadcast v1, $0x5;
	v11 =	vmul.f32 v48, v50;
	[tilespmem:s31+$0x15650] =	vst v12  }
0x5a: {  	v60 =	vld [tilespmem:s31+$0x156D0];
	v9 =	vmul.f32 v53, v50;
	[tilespmem:s31+$0x15660] =	vst v13  }
0x5b: {  	v56 =	vld [tilespmem:s31+$0x156A0];
	v7 =	vmul.f32 v54, v59;
	[tilespmem:s31+$0x15630] =	vst v11  }
0x5c: {  	v61 =	vld [tilespmem:s31+$0x156E0];
	v8 =	vmul.f32 v55, v59;
	[tilespmem:s31+$0x15670] =	vst v9  }
0x5d: {  	v62 =	vld [tilespmem:s31+$0x156F0];
	v10 =	vmul.f32 v57, v59;
	[tilespmem:s31+$0x15680] =	vst v7  }
0x5e: {  	v63 =	vld [tilespmem:s31+$0x15700];
	v12 =	vmul.f32 v58, v59;
	[tilespmem:s31+$0x15690] =	vst v8  }
0x5f: {  	v19 =	vld [tilespmem:s31+$0x15720];
	v13 =	vmul.f32 v60, v59;
	[tilespmem:s31+$0x156B0] =	vst v10  }
0x60: {  	v20 =	vld [tilespmem:s31+$0x15730];
	v11 =	vmul.f32 v56, v59;
	[tilespmem:s31+$0x156C0] =	vst v12  }
0x61: {  	v21 =	vld [tilespmem:s31+$0x15740];
	v22 =	vbroadcast v1, $0x6;
	v9 =	vmul.f32 v61, v59;
	[tilespmem:s31+$0x156D0] =	vst v13  }
0x62: {  	v18 =	vld [tilespmem:s31+$0x15710];
	v7 =	vmul.f32 v62, v59;
	[tilespmem:s31+$0x156A0] =	vst v11  }
0x63: {  	v23 =	vld [tilespmem:s31+$0x15750];
	v8 =	vmul.f32 v63, v22;
	[tilespmem:s31+$0x156E0] =	vst v9  }
0x64: {  	v24 =	vld [tilespmem:s31+$0x15760];
	v10 =	vmul.f32 v19, v22;
	[tilespmem:s31+$0x156F0] =	vst v7  }
0x65: {  	v25 =	vld [tilespmem:s31+$0x15770];
	v12 =	vmul.f32 v20, v22;
	[tilespmem:s31+$0x15700] =	vst v8  }
0x66: {  	v27 =	vld [tilespmem:s31+$0x15790];
	v13 =	vmul.f32 v21, v22;
	[tilespmem:s31+$0x15720] =	vst v10  }
0x67: {  	v28 =	vld [tilespmem:s31+$0x157A0];
	v11 =	vmul.f32 v18, v22;
	[tilespmem:s31+$0x15730] =	vst v12  }
0x68: {  	v29 =	vld [tilespmem:s31+$0x157B0];
	v9 =	vmul.f32 v23, v22;
	[tilespmem:s31+$0x15740] =	vst v13  }
0x69: {  	v31 =	vbroadcast v1, $0x7;
	v53 =	vld [tilespmem:s31+$0x15900];
	v7 =	vmul.f32 v24, v22;
	[tilespmem:s31+$0x15710] =	vst v11  }
0x6a: {  	v57 =	vld [tilespmem:s31+$0x15940];
	v8 =	vmul.f32 v25, v22;
	[tilespmem:s31+$0x15750] =	vst v9  }
0x6b: {  	v58 =	vld [tilespmem:s31+$0x15950];
	v10 =	vmul.f32 v27, v31;
	[tilespmem:s31+$0x15760] =	vst v7  }
0x6c: {  	v26 =	vld [tilespmem:s31+$0x15780];
	v12 =	vmul.f32 v28, v31;
	[tilespmem:s31+$0x15770] =	vst v8  }
0x6d: {  	v30 =	vld [tilespmem:s31+$0x157C0];
	v13 =	vmul.f32 v29, v31;
	[tilespmem:s31+$0x15790] =	vst v10  }
0x6e: {  	v32 =	vld [tilespmem:s31+$0x157D0];
	v59 =	vmul.f32 v53, v5;
	[tilespmem:s31+$0x157A0] =	vst v12  }
0x6f: {  	v33 =	vld [tilespmem:s31+$0x157E0];
	v18 =	vmul.f32 v57, v5;
	[tilespmem:s31+$0x157B0] =	vst v13  }
0x70: {  	v35 =	vld [tilespmem:s31+$0x15800];
	v20 =	vmul.f32 v58, v5;
	[tilespmem:s31+$0x15900] =	vst v59  }
0x71: {  	v36 =	vld [tilespmem:s31+$0x15810];
	v11 =	vmul.f32 v26, v31;
	[tilespmem:s31+$0x15940] =	vst v18  }
0x72: {  	v37 =	vld [tilespmem:s31+$0x15820];
	v9 =	vmul.f32 v30, v31;
	[tilespmem:s31+$0x15950] =	vst v20  }
0x73: {  	v4 =	vld [tilespmem:s31+$0x15980];
	v40 =	vbroadcast v1, $0x8;
	v7 =	vmul.f32 v32, v31;
	[tilespmem:s31+$0x15780] =	vst v11  }
0x74: {  	v6 =	vld [tilespmem:s31+$0x15990];
	v8 =	vmul.f32 v33, v31;
	[tilespmem:s31+$0x157C0] =	vst v9  }
0x75: {  	v3 =	vld [tilespmem:s31+$0x15BD0];
	v10 =	vmul.f32 v35, v40;
	[tilespmem:s31+$0x157D0] =	vst v7  }
0x76: {  	v61 =	vld [tilespmem:s31+$0x15400];
	v23 =	vbroadcast v1, $0xB;
	v12 =	vmul.f32 v36, v40;
	[tilespmem:s31+$0x157E0] =	vst v8  }
0x77: {  	v34 =	vld [tilespmem:s31+$0x157F0];
	v13 =	vmul.f32 v37, v40;
	[tilespmem:s31+$0x15800] =	vst v10  }
0x78: {  	v38 =	vld [tilespmem:s31+$0x15830];
	v27 =	vbroadcast v1, $0xF;
	v4 =	vmul.f32 v4, v23;
	[tilespmem:s31+$0x15810] =	vst v12  }
0x79: {  	v39 =	vld [tilespmem:s31+$0x15840];
	v6 =	vmul.f32 v6, v23;
	[tilespmem:s31+$0x15820] =	vst v13  }
0x7a: {  	v41 =	vld [tilespmem:s31+$0x15850];
	v3 =	vmul.f32 v3, v27;
	[tilespmem:s31+$0x15980] =	vst v4  }
0x7b: {  	v43 =	vld [tilespmem:s31+$0x15870];
	v24 =	vmul.f32 v2, v61;
	[tilespmem:s31+$0x15990] =	vst v6  }
0x7c: {  	v44 =	vld [tilespmem:s31+$0x15880];
	v11 =	vmul.f32 v34, v31;
	[tilespmem:s31+$0x15BD0] =	vst v3  }
0x7d: {  	v45 =	vld [tilespmem:s31+$0x15890];
	v9 =	vmul.f32 v38, v40;
	[tilespmem:s31+$0x15400] =	vst v24  }
0x7e: {  	v63 =	vld [tilespmem:s31+$0x15440];
	v7 =	vmul.f32 v39, v40;
	[tilespmem:s31+$0x157F0] =	vst v11  }
0x7f: {  	v49 =	vbroadcast v1, $0x9;
	v29 =	vld [tilespmem:s31+$0x159F0];
	v8 =	vmul.f32 v41, v40;
	[tilespmem:s31+$0x15830] =	vst v9  }
0x80: {  	v42 =	vld [tilespmem:s31+$0x15860];
	v10 =	vmul.f32 v43, v40;
	[tilespmem:s31+$0x15840] =	vst v7  }
0x81: {  	v46 =	vld [tilespmem:s31+$0x158A0];
	v12 =	vmul.f32 v44, v49;
	[tilespmem:s31+$0x15850] =	vst v8  }
0x82: {  	v47 =	vld [tilespmem:s31+$0x158B0];
	v13 =	vmul.f32 v45, v49;
	[tilespmem:s31+$0x15870] =	vst v10  }
0x83: {  	v48 =	vld [tilespmem:s31+$0x158C0];
	v3 =	vmul.f32 v63, v2;
	[tilespmem:s31+$0x15880] =	vst v12  }
0x84: {  	v51 =	vld [tilespmem:s31+$0x158E0];
	v6 =	vmul.f32 v29, v23;
	[tilespmem:s31+$0x15890] =	vst v13  }
0x85: {  	v52 =	vld [tilespmem:s31+$0x158F0];
	v11 =	vmul.f32 v42, v40;
	[tilespmem:s31+$0x15440] =	vst v3  }
0x86: {  	v28 =	vld [tilespmem:s31+$0x159E0];
	v9 =	vmul.f32 v46, v49;
	[tilespmem:s31+$0x159F0] =	vst v6  }
0x87: {  	v26 =	vld [tilespmem:s31+$0x159D0];
	v7 =	vmul.f32 v47, v49;
	[tilespmem:s31+$0x15860] =	vst v11  }
0x88: {  	v30 =	vld [tilespmem:s31+$0x15A00];
	v8 =	vmul.f32 v48, v49;
	[tilespmem:s31+$0x158A0] =	vst v9  }
0x89: {  	v50 =	vld [tilespmem:s31+$0x158D0];
	v10 =	vmul.f32 v51, v49;
	[tilespmem:s31+$0x158B0] =	vst v7  }
0x8a: {  	v54 =	vld [tilespmem:s31+$0x15910];
	v12 =	vmul.f32 v52, v49;
	[tilespmem:s31+$0x158C0] =	vst v8  }
0x8b: {  	v55 =	vld [tilespmem:s31+$0x15920];
	v35 =	vbroadcast v1, $0xC;
	v40 =	vmul.f32 v28, v23;
	[tilespmem:s31+$0x158E0] =	vst v10  }
0x8c: {  	v56 =	vld [tilespmem:s31+$0x15930];
	v32 =	vmul.f32 v26, v23;
	[tilespmem:s31+$0x158F0] =	vst v12  }
0x8d: {  	v60 =	vld [tilespmem:s31+$0x15960];
	v15 =	vmul.f32 v30, v35;
	[tilespmem:s31+$0x159E0] =	vst v40  }
0x8e: {  	v62 =	vld [tilespmem:s31+$0x15410];
	v11 =	vmul.f32 v50, v49;
	[tilespmem:s31+$0x159D0] =	vst v32  }
0x8f: {  	v19 =	vld [tilespmem:s31+$0x15450];
	v9 =	vmul.f32 v54, v5;
	[tilespmem:s31+$0x15A00] =	vst v15  }
0x90: {  	v33 =	vld [tilespmem:s31+$0x15A30];
	v7 =	vmul.f32 v55, v5;
	[tilespmem:s31+$0x158D0] =	vst v11  }
0x91: {  	v61 =	vld [tilespmem:s31+$0x15BF0];
	v8 =	vmul.f32 v56, v5;
	[tilespmem:s31+$0x15910] =	vst v9  }
0x92: {  	v38 =	vld [tilespmem:s31+$0x15A70];
	v5 =	vmul.f32 v60, v5;
	[tilespmem:s31+$0x15920] =	vst v7  }
0x93: {  	v21 =	vld [tilespmem:s31+$0x159A0];
	v12 =	vmul.f32 v62, v2;
	[tilespmem:s31+$0x15930] =	vst v8  }
0x94: {  	v22 =	vld [tilespmem:s31+$0x159B0];
	v2 =	vmul.f32 v19, v2;
	[tilespmem:s31+$0x15960] =	vst v5  }
0x95: {  	v25 =	vld [tilespmem:s31+$0x159C0];
	v62 =	vmul.f32 v33, v35;
	[tilespmem:s31+$0x15410] =	vst v12  }
0x96: {  	v31 =	vld [tilespmem:s31+$0x15A10];
	v63 =	vmul.f32 v61, v27;
	[tilespmem:s31+$0x15450] =	vst v2  }
0x97: {  	v34 =	vld [tilespmem:s31+$0x15A40];
	v15 =	vmul.f32 v38, v35;
	[tilespmem:s31+$0x15A30] =	vst v62  }
0x98: {  	v41 =	vld [tilespmem:s31+$0x15AA0];
	v7 =	vmul.f32 v21, v23;
	[tilespmem:s31+$0x15BF0] =	vst v63  }
0x99: {  	v46 =	vld [tilespmem:s31+$0x15AE0];
	v8 =	vmul.f32 v22, v23;
	[tilespmem:s31+$0x15A70] =	vst v15  }
0x9a: {  	v36 =	vld [tilespmem:s31+$0x15A50];
	v5 =	vmul.f32 v25, v23;
	[tilespmem:s31+$0x159A0] =	vst v7  }
0x9b: {  	v44 =	vbroadcast v1, $0xD;
	v9 =	vmul.f32 v31, v35;
	v2 =	vld [tilespmem:s31+$0x15A90];
	[tilespmem:s31+$0x159B0] =	vst v8  }
0x9c: {  	v37 =	vld [tilespmem:s31+$0x15A60];
	v12 =	vmul.f32 v34, v35;
	[tilespmem:s31+$0x159C0] =	vst v5  }
0x9d: {  	v39 =	vld [tilespmem:s31+$0x15A80];
	v11 =	vmul.f32 v41, v44;
	[tilespmem:s31+$0x15A10] =	vst v9  }
0x9e: {  	v42 =	vld [tilespmem:s31+$0x15AB0];
	v51 =	vmul.f32 v46, v44;
	[tilespmem:s31+$0x15A40] =	vst v12  }
0x9f: {  	v48 =	vld [tilespmem:s31+$0x15B10];
	v8 =	vmul.f32 v36, v35;
	[tilespmem:s31+$0x15AA0] =	vst v11  }
0xa0: {  	v49 =	vld [tilespmem:s31+$0x15B20];
	[tilespmem:s31+$0x15AE0] =	vst v51;
	v2 =	vmul.f32 v2, v44  }
0xa1: {  	v50 =	vld [tilespmem:s31+$0x15B30];
	v5 =	vmul.f32 v37, v35;
	[tilespmem:s31+$0x15A50] =	vst v8  }
0xa2: {  	v1 =	vbroadcast v1, $0xE;
	v9 =	vmul.f32 v39, v44;
	[tilespmem:s31+$0x15A90] =	vst v2;
	v2 =	vld [tilespmem:s31+$0x15B00]  }
0xa3: {  	v60 =	vld [tilespmem:s31+$0x15BE0];
	v12 =	vmul.f32 v42, v44;
	[tilespmem:s31+$0x15A60] =	vst v5  }
0xa4: {  	v45 =	vld [tilespmem:s31+$0x15AD0];
	v11 =	vmul.f32 v48, v1;
	[tilespmem:s31+$0x15A80] =	vst v9  }
0xa5: {  	v47 =	vld [tilespmem:s31+$0x15AF0];
	v10 =	vmul.f32 v49, v1;
	[tilespmem:s31+$0x15AB0] =	vst v12  }
0xa6: {  	v43 =	vld [tilespmem:s31+$0x15AC0];
	v6 =	vmul.f32 v50, v1;
	[tilespmem:s31+$0x15B10] =	vst v11  }
0xa7: {  	v55 =	vld [tilespmem:s31+$0x15B80];
	[tilespmem:s31+$0x15B20] =	vst v10;
	v2 =	vmul.f32 v2, v1  }
0xa8: {  	v57 =	vld [tilespmem:s31+$0x15BA0];
	v4 =	vmul.f32 v60, v27;
	[tilespmem:s31+$0x15B30] =	vst v6  }
0xa9: {  	v5 =	vmul.f32 v45, v44;
	[tilespmem:s31+$0x15B00] =	vst v2;
	v2 =	vld [tilespmem:s31+$0x15B70]  }
0xaa: {  	v52 =	vld [tilespmem:s31+$0x15B40];
	v9 =	vmul.f32 v47, v44;
	[tilespmem:s31+$0x15BE0] =	vst v4  }
0xab: {  	v56 =	vld [tilespmem:s31+$0x15B90];
	v8 =	vmul.f32 v43, v44;
	[tilespmem:s31+$0x15AD0] =	vst v5  }
0xac: {  	v54 =	vld [tilespmem:s31+$0x15B60];
	v11 =	vmul.f32 v55, v27;
	[tilespmem:s31+$0x15AF0] =	vst v9  }
0xad: {  	v58 =	vld [tilespmem:s31+$0x15BB0];
	v6 =	vmul.f32 v57, v27;
	[tilespmem:s31+$0x15AC0] =	vst v8  }
0xae: {  	v53 =	vld [tilespmem:s31+$0x15B50];
	[tilespmem:s31+$0x15B80] =	vst v11;
	v2 =	vmul.f32 v2, v1  }
0xaf: {  	v59 =	vld [tilespmem:s31+$0x15BC0];
	v5 =	vmul.f32 v52, v1;
	[tilespmem:s31+$0x15BA0] =	vst v6  }
0xb0: {  	[tilespmem:s31+$0x15B70] =	vst v2;
	v2 =	vmul.f32 v56, v27  }
0xb1: {  	v3 =	vld [tilespmem:s31+$0x15A20];
	v9 =	vmul.f32 v54, v1;
	[tilespmem:s31+$0x15B40] =	vst v5  }
0xb2: {  	[tilespmem:s31+$0x15B90] =	vst v2;
	v2 =	vmul.f32 v58, v27  }
0xb3: {  	[tilespmem:s31+$0x15B60] =	vst v9;
	v1 =	vmul.f32 v53, v1  }
0xb4: {  	[tilespmem:s31+$0x15BB0] =	vst v2;
	v2 =	vmul.f32 v59, v27  }
0xb5: {  	[tilespmem:s31+$0x15B50] =	vst v1  }
0xb6: {  	s1 =	sadd.s32 $0x13C00, s1;
	s2 =	simm.s32 $0x1;
	[tilespmem:s31+$0x15BC0] =	vst v2;
	v2 =	vmul.f32 v3, v35  }
.LBB2_3:
0xb7: {  	s15 =	sshll.u32 s2, $0x4  }
0xb8: {  	p0 =	sne.s32 s2, $0x7;
	[tilespmem:s31+$0x15A20] =	vst v2;
	s31 =	smov.u32 s2;
	s2 =	sadd.s32 $0x1, s2  }
0xb9: {  	s15 =	sand.u32 $0x3FFFFFF0, s15  }
0xba: {  	v1 =	vld.idx.msk [tilespmem:v0+s15+$0x0 ss:$0x1], $0xffff  }
0xbb: {  	s15 =	sshll.u32 s31, $0xB  }
0xbc: {  	s31 =	sand.u32 $0x3FFFF800, s15  }
0xbd: {  	v8 =	vld [tilespmem:s31+$0x154C0]  }
0xbe: {  	v9 =	vld [tilespmem:s31+$0x154D0]  }
0xbf: {  	v10 =	vld [tilespmem:s31+$0x154B0]  }
0xc0: {  	v2 =	vbroadcast v1, $0x0;
	v7 =	vbroadcast v1, $0x4;
	v3 =	vld [tilespmem:s31+$0x15420]  }
0xc1: {  	v5 =	vld [tilespmem:s31+$0x15430]  }
0xc2: {  	v6 =	vld [tilespmem:s31+$0x15970]  }
0xc3: {  	v11 =	vld [tilespmem:s31+$0x15460]  }
0xc4: {  	v12 =	vld [tilespmem:s31+$0x15470]  }
0xc5: {  	v4 =	vbroadcast v1, $0xA;
	v3 =	vmul.f32 v3, v2;
	v13 =	vld [tilespmem:s31+$0x15480]  }
0xc6: {  	v5 =	vmul.f32 v5, v2;
	v14 =	vld [tilespmem:s31+$0x15490]  }
0xc7: {  	[tilespmem:s31+$0x15420] =	vst v3;
	v15 =	vld [tilespmem:s31+$0x154A0];
	v3 =	vmul.f32 v6, v4  }
0xc8: {  	[tilespmem:s31+$0x15430] =	vst v5;
	v6 =	vmul.f32 v11, v2;
	v11 =	vbroadcast v1, $0x1;
	v5 =	vld [tilespmem:s31+$0x15980]  }
0xc9: {  	v12 =	vmul.f32 v12, v2;
	[tilespmem:s31+$0x15970] =	vst v3;
	v3 =	vld [tilespmem:s31+$0x15BD0]  }
0xca: {  	[tilespmem:s31+$0x15460] =	vst v6;
	v13 =	vmul.f32 v13, v11;
	v6 =	vld [tilespmem:s31+$0x15990]  }
0xcb: {  	[tilespmem:s31+$0x15470] =	vst v12;
	v12 =	vmul.f32 v14, v11;
	v14 =	vld [tilespmem:s31+$0x154E0]  }
0xcc: {  	[tilespmem:s31+$0x15480] =	vst v13;
	v13 =	vmul.f32 v15, v11;
	v15 =	vld [tilespmem:s31+$0x154F0]  }
0xcd: {  	v10 =	vmul.f32 v10, v11;
	[tilespmem:s31+$0x15490] =	vst v12;
	v12 =	vld [tilespmem:s31+$0x15500]  }
0xce: {  	v8 =	vmul.f32 v8, v11;
	[tilespmem:s31+$0x154A0] =	vst v13;
	v13 =	vld [tilespmem:s31+$0x15510]  }
0xcf: {  	v9 =	vmul.f32 v9, v11;
	[tilespmem:s31+$0x154B0] =	vst v10;
	v10 =	vld [tilespmem:s31+$0x15520]  }
0xd0: {  	[tilespmem:s31+$0x154C0] =	vst v8;
	v8 =	vmul.f32 v14, v11;
	v14 =	vbroadcast v1, $0x2;
	v16 =	vld [tilespmem:s31+$0x15530]  }
0xd1: {  	[tilespmem:s31+$0x154D0] =	vst v9;
	v9 =	vmul.f32 v15, v11;
	v11 =	vld [tilespmem:s31+$0x15540]  }
0xd2: {  	[tilespmem:s31+$0x154E0] =	vst v8;
	v8 =	vmul.f32 v12, v14;
	v12 =	vld [tilespmem:s31+$0x15550]  }
0xd3: {  	[tilespmem:s31+$0x154F0] =	vst v9;
	v9 =	vmul.f32 v13, v14;
	v13 =	vld [tilespmem:s31+$0x15560]  }
0xd4: {  	[tilespmem:s31+$0x15500] =	vst v8;
	v8 =	vmul.f32 v10, v14;
	v10 =	vld [tilespmem:s31+$0x15570]  }
0xd5: {  	[tilespmem:s31+$0x15510] =	vst v9;
	v9 =	vmul.f32 v16, v14;
	v15 =	vld [tilespmem:s31+$0x15580]  }
0xd6: {  	[tilespmem:s31+$0x15520] =	vst v8;
	v8 =	vmul.f32 v11, v14;
	v11 =	vld [tilespmem:s31+$0x15590]  }
0xd7: {  	[tilespmem:s31+$0x15530] =	vst v9;
	v9 =	vmul.f32 v12, v14;
	v12 =	vld [tilespmem:s31+$0x155A0]  }
0xd8: {  	[tilespmem:s31+$0x15540] =	vst v8;
	v8 =	vmul.f32 v13, v14;
	v13 =	vbroadcast v1, $0x3;
	v16 =	vld [tilespmem:s31+$0x155B0]  }
0xd9: {  	[tilespmem:s31+$0x15550] =	vst v9;
	v9 =	vmul.f32 v10, v14;
	v10 =	vld [tilespmem:s31+$0x155C0]  }
0xda: {  	[tilespmem:s31+$0x15560] =	vst v8;
	v8 =	vmul.f32 v15, v13;
	v14 =	vld [tilespmem:s31+$0x155D0]  }
0xdb: {  	[tilespmem:s31+$0x15570] =	vst v9;
	v9 =	vmul.f32 v11, v13;
	v11 =	vld [tilespmem:s31+$0x155E0]  }
0xdc: {  	[tilespmem:s31+$0x15580] =	vst v8;
	v8 =	vmul.f32 v12, v13;
	v12 =	vld [tilespmem:s31+$0x155F0]  }
0xdd: {  	[tilespmem:s31+$0x15590] =	vst v9;
	v9 =	vmul.f32 v16, v13;
	v15 =	vld [tilespmem:s31+$0x15600]  }
0xde: {  	[tilespmem:s31+$0x155A0] =	vst v8;
	v8 =	vmul.f32 v10, v13;
	v10 =	vld [tilespmem:s31+$0x15610]  }
0xdf: {  	[tilespmem:s31+$0x155B0] =	vst v9;
	v9 =	vmul.f32 v14, v13;
	v14 =	vld [tilespmem:s31+$0x15620]  }
0xe0: {  	[tilespmem:s31+$0x155C0] =	vst v8;
	v8 =	vmul.f32 v11, v13;
	v11 =	vld [tilespmem:s31+$0x15630]  }
0xe1: {  	[tilespmem:s31+$0x155D0] =	vst v9;
	v9 =	vmul.f32 v12, v13;
	v12 =	vld [tilespmem:s31+$0x15640]  }
0xe2: {  	[tilespmem:s31+$0x155E0] =	vst v8;
	v8 =	vmul.f32 v15, v7;
	v13 =	vld [tilespmem:s31+$0x15650]  }
0xe3: {  	[tilespmem:s31+$0x155F0] =	vst v9;
	v9 =	vmul.f32 v10, v7;
	v10 =	vld [tilespmem:s31+$0x15660]  }
0xe4: {  	[tilespmem:s31+$0x15600] =	vst v8;
	v8 =	vmul.f32 v14, v7;
	v14 =	vld [tilespmem:s31+$0x15670]  }
0xe5: {  	[tilespmem:s31+$0x15610] =	vst v9;
	v9 =	vmul.f32 v11, v7;
	v11 =	vld [tilespmem:s31+$0x15680]  }
0xe6: {  	[tilespmem:s31+$0x15620] =	vst v8;
	v8 =	vmul.f32 v12, v7;
	v12 =	vld [tilespmem:s31+$0x15690]  }
0xe7: {  	[tilespmem:s31+$0x15630] =	vst v9;
	v9 =	vmul.f32 v13, v7;
	v13 =	vld [tilespmem:s31+$0x156A0]  }
0xe8: {  	[tilespmem:s31+$0x15640] =	vst v8;
	v8 =	vmul.f32 v10, v7;
	v10 =	vbroadcast v1, $0x5;
	v15 =	vld [tilespmem:s31+$0x156B0]  }
0xe9: {  	[tilespmem:s31+$0x15650] =	vst v9;
	v7 =	vmul.f32 v14, v7;
	v9 =	vld [tilespmem:s31+$0x156C0]  }
0xea: {  	[tilespmem:s31+$0x15660] =	vst v8;
	v8 =	vmul.f32 v11, v10;
	v11 =	vld [tilespmem:s31+$0x156D0]  }
0xeb: {  	[tilespmem:s31+$0x15670] =	vst v7;
	v7 =	vmul.f32 v12, v10;
	v12 =	vld [tilespmem:s31+$0x156E0]  }
0xec: {  	[tilespmem:s31+$0x15680] =	vst v8;
	v8 =	vmul.f32 v13, v10;
	v13 =	vld [tilespmem:s31+$0x156F0]  }
0xed: {  	[tilespmem:s31+$0x15690] =	vst v7;
	v7 =	vmul.f32 v15, v10;
	v14 =	vld [tilespmem:s31+$0x15700]  }
0xee: {  	[tilespmem:s31+$0x156A0] =	vst v8;
	v8 =	vmul.f32 v9, v10;
	v9 =	vld [tilespmem:s31+$0x15710]  }
0xef: {  	[tilespmem:s31+$0x156B0] =	vst v7;
	v7 =	vmul.f32 v11, v10;
	v11 =	vld [tilespmem:s31+$0x15720]  }
0xf0: {  	[tilespmem:s31+$0x156C0] =	vst v8;
	v8 =	vmul.f32 v12, v10;
	v12 =	vbroadcast v1, $0x6;
	v15 =	vld [tilespmem:s31+$0x15730]  }
0xf1: {  	[tilespmem:s31+$0x156D0] =	vst v7;
	v7 =	vmul.f32 v13, v10;
	v10 =	vld [tilespmem:s31+$0x15740]  }
0xf2: {  	[tilespmem:s31+$0x156E0] =	vst v8;
	v8 =	vmul.f32 v14, v12;
	v13 =	vld [tilespmem:s31+$0x15750]  }
0xf3: {  	[tilespmem:s31+$0x156F0] =	vst v7;
	v7 =	vmul.f32 v9, v12;
	v9 =	vld [tilespmem:s31+$0x15760]  }
0xf4: {  	[tilespmem:s31+$0x15700] =	vst v8;
	v8 =	vmul.f32 v11, v12;
	v11 =	vld [tilespmem:s31+$0x15770]  }
0xf5: {  	[tilespmem:s31+$0x15710] =	vst v7;
	v7 =	vmul.f32 v15, v12;
	v14 =	vld [tilespmem:s31+$0x15780]  }
0xf6: {  	[tilespmem:s31+$0x15720] =	vst v8;
	v8 =	vmul.f32 v10, v12;
	v10 =	vld [tilespmem:s31+$0x15790]  }
0xf7: {  	[tilespmem:s31+$0x15730] =	vst v7;
	v7 =	vmul.f32 v13, v12;
	v13 =	vld [tilespmem:s31+$0x157A0]  }
0xf8: {  	[tilespmem:s31+$0x15740] =	vst v8;
	v8 =	vmul.f32 v9, v12;
	v9 =	vbroadcast v1, $0x7;
	v15 =	vld [tilespmem:s31+$0x157B0]  }
0xf9: {  	[tilespmem:s31+$0x15750] =	vst v7;
	v7 =	vmul.f32 v11, v12;
	v11 =	vld [tilespmem:s31+$0x157C0]  }
0xfa: {  	[tilespmem:s31+$0x15760] =	vst v8;
	v8 =	vmul.f32 v14, v9;
	v12 =	vld [tilespmem:s31+$0x157D0]  }
0xfb: {  	[tilespmem:s31+$0x15770] =	vst v7;
	v7 =	vmul.f32 v10, v9;
	v10 =	vld [tilespmem:s31+$0x157E0]  }
0xfc: {  	[tilespmem:s31+$0x15780] =	vst v8;
	v8 =	vmul.f32 v13, v9;
	v13 =	vld [tilespmem:s31+$0x157F0]  }
0xfd: {  	[tilespmem:s31+$0x15790] =	vst v7;
	v7 =	vmul.f32 v15, v9;
	v14 =	vld [tilespmem:s31+$0x15800]  }
0xfe: {  	[tilespmem:s31+$0x157A0] =	vst v8;
	v8 =	vmul.f32 v11, v9;
	v11 =	vld [tilespmem:s31+$0x15810]  }
0xff: {  	[tilespmem:s31+$0x157B0] =	vst v7;
	v7 =	vmul.f32 v12, v9;
	v12 =	vld [tilespmem:s31+$0x15820]  }
0x100: {  	[tilespmem:s31+$0x157C0] =	vst v8;
	v8 =	vmul.f32 v10, v9;
	v10 =	vbroadcast v1, $0x8;
	v15 =	vld [tilespmem:s31+$0x15830]  }
0x101: {  	[tilespmem:s31+$0x157D0] =	vst v7;
	v7 =	vmul.f32 v13, v9;
	v9 =	vld [tilespmem:s31+$0x15840]  }
0x102: {  	[tilespmem:s31+$0x157E0] =	vst v8;
	v8 =	vmul.f32 v14, v10;
	v13 =	vld [tilespmem:s31+$0x15850]  }
0x103: {  	[tilespmem:s31+$0x157F0] =	vst v7;
	v7 =	vmul.f32 v11, v10;
	v11 =	vld [tilespmem:s31+$0x15860]  }
0x104: {  	[tilespmem:s31+$0x15800] =	vst v8;
	v8 =	vmul.f32 v12, v10;
	v12 =	vld [tilespmem:s31+$0x15870]  }
0x105: {  	[tilespmem:s31+$0x15810] =	vst v7;
	v7 =	vmul.f32 v15, v10;
	v14 =	vld [tilespmem:s31+$0x15880]  }
0x106: {  	[tilespmem:s31+$0x15820] =	vst v8;
	v8 =	vmul.f32 v9, v10;
	v9 =	vld [tilespmem:s31+$0x15890]  }
0x107: {  	[tilespmem:s31+$0x15830] =	vst v7;
	v7 =	vmul.f32 v13, v10;
	v13 =	vld [tilespmem:s31+$0x158A0]  }
0x108: {  	[tilespmem:s31+$0x15840] =	vst v8;
	v8 =	vmul.f32 v11, v10;
	v11 =	vbroadcast v1, $0x9;
	v15 =	vld [tilespmem:s31+$0x158B0]  }
0x109: {  	[tilespmem:s31+$0x15850] =	vst v7;
	v7 =	vmul.f32 v12, v10;
	v10 =	vld [tilespmem:s31+$0x158C0]  }
0x10a: {  	[tilespmem:s31+$0x15860] =	vst v8;
	v8 =	vmul.f32 v14, v11;
	v12 =	vld [tilespmem:s31+$0x158D0]  }
0x10b: {  	[tilespmem:s31+$0x15870] =	vst v7;
	v7 =	vmul.f32 v9, v11;
	v9 =	vld [tilespmem:s31+$0x158E0]  }
0x10c: {  	[tilespmem:s31+$0x15880] =	vst v8;
	v8 =	vmul.f32 v13, v11;
	v13 =	vld [tilespmem:s31+$0x158F0]  }
0x10d: {  	[tilespmem:s31+$0x15890] =	vst v7;
	v7 =	vmul.f32 v15, v11;
	v14 =	vld [tilespmem:s31+$0x15900]  }
0x10e: {  	[tilespmem:s31+$0x158A0] =	vst v8;
	v8 =	vmul.f32 v10, v11;
	v10 =	vld [tilespmem:s31+$0x15910]  }
0x10f: {  	[tilespmem:s31+$0x158B0] =	vst v7;
	v7 =	vmul.f32 v12, v11;
	v12 =	vld [tilespmem:s31+$0x15920]  }
0x110: {  	[tilespmem:s31+$0x158C0] =	vst v8;
	v8 =	vmul.f32 v9, v11;
	v9 =	vld [tilespmem:s31+$0x15930]  }
0x111: {  	[tilespmem:s31+$0x158D0] =	vst v7;
	v7 =	vmul.f32 v13, v11;
	v11 =	vld [tilespmem:s31+$0x15940]  }
0x112: {  	[tilespmem:s31+$0x158E0] =	vst v8;
	v8 =	vmul.f32 v14, v4;
	v13 =	vld [tilespmem:s31+$0x15950]  }
0x113: {  	[tilespmem:s31+$0x158F0] =	vst v7;
	v7 =	vmul.f32 v10, v4;
	v10 =	vld [tilespmem:s31+$0x15960]  }
0x114: {  	v14 =	vld [tilespmem:s31+$0x15400];
	[tilespmem:s31+$0x15900] =	vst v8;
	v8 =	vmul.f32 v12, v4  }
0x115: {  	v12 =	vld [tilespmem:s31+$0x15410];
	[tilespmem:s31+$0x15910] =	vst v7;
	v7 =	vmul.f32 v9, v4  }
0x116: {  	v9 =	vld [tilespmem:s31+$0x15440];
	[tilespmem:s31+$0x15920] =	vst v8;
	v8 =	vmul.f32 v11, v4  }
0x117: {  	v11 =	vld [tilespmem:s31+$0x15450];
	[tilespmem:s31+$0x15930] =	vst v7;
	v7 =	vmul.f32 v13, v4  }
0x118: {  	[tilespmem:s31+$0x15940] =	vst v8;
	v8 =	vmul.f32 v10, v4;
	v10 =	vbroadcast v1, $0xB;
	v13 =	vld [tilespmem:s31+$0x159A0]  }
0x119: {  	v4 =	vbroadcast v1, $0xF;
	v14 =	vmul.f32 v2, v14;
	[tilespmem:s31+$0x15950] =	vst v7;
	v7 =	vld [tilespmem:s31+$0x159B0]  }
0x11a: {  	v12 =	vmul.f32 v12, v2;
	[tilespmem:s31+$0x15960] =	vst v8;
	v5 =	vmul.f32 v5, v10;
	v8 =	vld [tilespmem:s31+$0x159C0]  }
0x11b: {  	v6 =	vmul.f32 v6, v10;
	[tilespmem:s31+$0x15400] =	vst v14;
	v9 =	vmul.f32 v9, v2;
	v14 =	vld [tilespmem:s31+$0x159D0]  }
0x11c: {  	v3 =	vmul.f32 v3, v4;
	v11 =	vmul.f32 v11, v2;
	[tilespmem:s31+$0x15980] =	vst v5;
	v2 =	vld [tilespmem:s31+$0x159E0]  }
0x11d: {  	[tilespmem:s31+$0x15990] =	vst v6;
	v5 =	vmul.f32 v13, v10;
	v6 =	vld [tilespmem:s31+$0x159F0]  }
0x11e: {  	v7 =	vmul.f32 v7, v10;
	v13 =	vld [tilespmem:s31+$0x15A00];
	[tilespmem:s31+$0x15BD0] =	vst v3  }
0x11f: {  	[tilespmem:s31+$0x15410] =	vst v12;
	v3 =	vmul.f32 v8, v10;
	v8 =	vld [tilespmem:s31+$0x15A10]  }
0x120: {  	[tilespmem:s31+$0x15440] =	vst v9;
	v9 =	vmul.f32 v14, v10;
	v12 =	vld [tilespmem:s31+$0x15A20]  }
0x121: {  	v14 =	vbroadcast v1, $0xC;
	[tilespmem:s31+$0x159A0] =	vst v5;
	v5 =	vmul.f32 v2, v10;
	v15 =	vld [tilespmem:s31+$0x15A30]  }
0x122: {  	[tilespmem:s31+$0x159D0] =	vst v9;
	v6 =	vmul.f32 v6, v10;
	v9 =	vld [tilespmem:s31+$0x15A40]  }
0x123: {  	[tilespmem:s31+$0x159B0] =	vst v7;
	v2 =	vmul.f32 v13, v14;
	v7 =	vld [tilespmem:s31+$0x15A50]  }
0x124: {  	[tilespmem:s31+$0x159C0] =	vst v3;
	v3 =	vmul.f32 v8, v14;
	v8 =	vld [tilespmem:s31+$0x15A60]  }
0x125: {  	[tilespmem:s31+$0x15A00] =	vst v2;
	v2 =	vmul.f32 v12, v14;
	v10 =	vld [tilespmem:s31+$0x15A70]  }
0x126: {  	[tilespmem:s31+$0x15A10] =	vst v3;
	v3 =	vld [tilespmem:s31+$0x15A80]  }
0x127: {  	[tilespmem:s31+$0x15450] =	vst v11;
	v9 =	vmul.f32 v9, v14;
	v11 =	vld [tilespmem:s31+$0x15A90]  }
0x128: {  	[tilespmem:s31+$0x159E0] =	vst v5;
	v5 =	vmul.f32 v7, v14;
	v7 =	vld [tilespmem:s31+$0x15AA0]  }
0x129: {  	[tilespmem:s31+$0x15A40] =	vst v9;
	v8 =	vmul.f32 v8, v14;
	v9 =	vbroadcast v1, $0xD;
	v12 =	vld [tilespmem:s31+$0x15AB0]  }
0x12a: {  	[tilespmem:s31+$0x15A50] =	vst v5;
	v5 =	vmul.f32 v10, v14;
	v10 =	vld [tilespmem:s31+$0x15AC0]  }
0x12b: {  	[tilespmem:s31+$0x15A60] =	vst v8;
	v3 =	vmul.f32 v3, v9;
	v8 =	vld [tilespmem:s31+$0x15AD0]  }
0x12c: {  	[tilespmem:s31+$0x15A70] =	vst v5;
	v5 =	vmul.f32 v11, v9;
	v11 =	vld [tilespmem:s31+$0x15AE0]  }
0x12d: {  	[tilespmem:s31+$0x15A80] =	vst v3;
	v3 =	vmul.f32 v7, v9;
	v7 =	vld [tilespmem:s31+$0x15AF0]  }
0x12e: {  	[tilespmem:s31+$0x15A90] =	vst v5;
	v5 =	vmul.f32 v12, v9;
	v12 =	vld [tilespmem:s31+$0x15B00]  }
0x12f: {  	[tilespmem:s31+$0x15AA0] =	vst v3;
	v3 =	vmul.f32 v10, v9;
	v10 =	vld [tilespmem:s31+$0x15B10]  }
0x130: {  	[tilespmem:s31+$0x15AB0] =	vst v5;
	v5 =	vmul.f32 v8, v9;
	v8 =	vld [tilespmem:s31+$0x15B20]  }
0x131: {  	v1 =	vbroadcast v1, $0xE;
	[tilespmem:s31+$0x159F0] =	vst v6;
	v6 =	vmul.f32 v11, v9;
	v11 =	vld [tilespmem:s31+$0x15B30]  }
0x132: {  	[tilespmem:s31+$0x15AD0] =	vst v5;
	v5 =	vmul.f32 v7, v9;
	v7 =	vld [tilespmem:s31+$0x15B40]  }
0x133: {  	[tilespmem:s31+$0x15AE0] =	vst v6;
	v6 =	vmul.f32 v12, v1;
	v9 =	vld [tilespmem:s31+$0x15B50]  }
0x134: {  	[tilespmem:s31+$0x15AF0] =	vst v5;
	v5 =	vmul.f32 v10, v1;
	v10 =	vld [tilespmem:s31+$0x15B60]  }
0x135: {  	[tilespmem:s31+$0x15B00] =	vst v6;
	v6 =	vmul.f32 v8, v1;
	v8 =	vld [tilespmem:s31+$0x15B70]  }
0x136: {  	[tilespmem:s31+$0x15B10] =	vst v5;
	v5 =	vmul.f32 v11, v1;
	v11 =	vld [tilespmem:s31+$0x15B80]  }
0x137: {  	[tilespmem:s31+$0x15B20] =	vst v6;
	v6 =	vmul.f32 v7, v1;
	v7 =	vld [tilespmem:s31+$0x15B90]  }
0x138: {  	[tilespmem:s31+$0x15B30] =	vst v5;
	v5 =	vmul.f32 v9, v1;
	v9 =	vld [tilespmem:s31+$0x15BA0]  }
0x139: {  	[tilespmem:s31+$0x15B40] =	vst v6;
	v6 =	vmul.f32 v10, v1;
	v10 =	vld [tilespmem:s31+$0x15BB0]  }
0x13a: {  	[tilespmem:s31+$0x15AC0] =	vst v3;
	v1 =	vmul.f32 v8, v1;
	v3 =	vld [tilespmem:s31+$0x15BC0]  }
0x13b: {  	[tilespmem:s31+$0x15B60] =	vst v6;
	v6 =	vmul.f32 v11, v4;
	v8 =	vld [tilespmem:s31+$0x15BE0]  }
0x13c: {  	[tilespmem:s31+$0x15B70] =	vst v1;
	v1 =	vmul.f32 v7, v4;
	v7 =	vld [tilespmem:s31+$0x15BF0]  }
0x13d: {  	[tilespmem:s31+$0x15B80] =	vst v6;
	v6 =	vmul.f32 v9, v4  }
0x13e: {  	[tilespmem:s31+$0x15B90] =	vst v1;
	v1 =	vmul.f32 v10, v4  }
0x13f: {  	v9 =	vmul.f32 v15, v14;
	[tilespmem:s31+$0x15BA0] =	vst v6  }
0x140: {  	[tilespmem:s31+$0x15BB0] =	vst v1;
	v1 =	vmul.f32 v3, v4  }
.Ltmp0:
0x141: {  	[tilespmem:s31+$0x15A30] =	vst v9;
	v3 =	vmul.f32 v7, v4;
	(pc) =	sbr.rel @p0 .LBB2_3-.Ltmp0, $4  }
0x142: {  	[tilespmem:s31+$0x15BC0] =	vst v1  }
0x143: {  	v1 =	vmul.f32 v8, v4;
	[tilespmem:s31+$0x15BF0] =	vst v3  }
0x144: {  	[tilespmem:s31+$0x15B50] =	vst v5  }
0x145: {  	[tilespmem:s31+$0x15BE0] =	vst v1  }
0x146: {  	[tilespmem:s31+$0x15A20] =	vst v2;
	s15 =	sadd.s32 $0x2, s30  }
0x147: {  	[spmem:s3] =	stream.indirect.scatter.add.f32 [tilespmem:s19], [sflag:$0x3], $0x80, s1, s17, $0xb8;
	[tilespmem:$0x1D400] =	vst v63  }
0x148: {  	s2 =	sshll.u32 s15, $0x1C  }
0x149: {  	s1 =	sshll.u32 s15, $0x7;
	s2 =	sshra.s32 s2, $0x1F  }
0x14a: {  	_ =	swait.ge [sflag:s23], $0x4000;
	s1 =	sand.u32 $0x300, s1;
	s2 =	sand.u32 $0xC00, s2  }
0x14b: {  	s31 =	sadd.s32 $0x880, s29;
	[sflag:s23] =	ssyncset.done $0x0;
	s1 =	sor.u32 s1, s2  }
0x14c: {  	v0 =	vmov s31;
	[sflag:s23] =	ssyncadd.s32 $0xFFFFC000;
	s1 =	sor.u32 $0x14000, s1  }
0x14d: {  	[tilespmem:s19], [sflag:$0x1] =	stream.indirect.gather [hbm4b:s0+s17], $0x80, s1, s17, $0xb8;
	[tilespmem:$0x1D400] =	vst v63  }
0x14e: {  	_ =	swait.ge [sflag:s24], $0x4000  }
0x14f: {  	s15 =	simm.s32 $0x0;
	[sflag:s24] =	ssyncset.done $0x0  }
0x150: {  	s1 =	sand.u32 $0x3FFFFFF0, s15;
	[sflag:s24] =	ssyncadd.s32 $0xFFFFC000  }
0x151: {  	s31 =	simm.s32 $0x0;
	v1 =	vld.idx.msk [tilespmem:v0+s1+$0x0 ss:$0x1], $0xffff  }
0x152: {  	s30 =	sand.u32 $0x3FFFF800, s31  }
0x153: {  	v3 =	vld [tilespmem:s30+$0x19420]  }
0x154: {  	v4 =	vld [tilespmem:s30+$0x19430]  }
0x155: {  	v10 =	vld [tilespmem:s30+$0x19460]  }
0x156: {  	v11 =	vld [tilespmem:s30+$0x19470];
	v2 =	vbroadcast v1, $0x0  }
0x157: {  	v12 =	vld [tilespmem:s30+$0x19480]  }
0x158: {  	v13 =	vld [tilespmem:s30+$0x19490];
	v3 =	vmul.f32 v3, v2  }
0x159: {  	v14 =	vld [tilespmem:s30+$0x194A0];
	v4 =	vmul.f32 v4, v2  }
0x15a: {  	v9 =	vld [tilespmem:s30+$0x194B0];
	v23 =	vbroadcast v1, $0x1;
	v22 =	vmul.f32 v10, v2;
	[tilespmem:s30+$0x19420] =	vst v3  }
0x15b: {  	v7 =	vld [tilespmem:s30+$0x194C0];
	v11 =	vmul.f32 v11, v2;
	[tilespmem:s30+$0x19430] =	vst v4  }
0x15c: {  	v8 =	vld [tilespmem:s30+$0x194D0];
	v12 =	vmul.f32 v12, v23;
	[tilespmem:s30+$0x19460] =	vst v22  }
0x15d: {  	v25 =	vld [tilespmem:s30+$0x194F0];
	v13 =	vmul.f32 v13, v23;
	[tilespmem:s30+$0x19470] =	vst v11  }
0x15e: {  	v26 =	vld [tilespmem:s30+$0x19500];
	v14 =	vmul.f32 v14, v23;
	[tilespmem:s30+$0x19480] =	vst v12  }
0x15f: {  	v27 =	vld [tilespmem:s30+$0x19510];
	v9 =	vmul.f32 v9, v23;
	[tilespmem:s30+$0x19490] =	vst v13  }
0x160: {  	v6 =	vld [tilespmem:s30+$0x19970];
	v7 =	vmul.f32 v7, v23;
	[tilespmem:s30+$0x194A0] =	vst v14  }
0x161: {  	v24 =	vld [tilespmem:s30+$0x194E0];
	v15 =	vbroadcast v1, $0x2;
	v8 =	vmul.f32 v8, v23;
	[tilespmem:s30+$0x194B0] =	vst v9  }
0x162: {  	v28 =	vld [tilespmem:s30+$0x19520];
	v10 =	vmul.f32 v25, v23;
	[tilespmem:s30+$0x194C0] =	vst v7  }
0x163: {  	v29 =	vld [tilespmem:s30+$0x19530];
	v5 =	vbroadcast v1, $0xA;
	v32 =	vmul.f32 v26, v15;
	[tilespmem:s30+$0x194D0] =	vst v8  }
0x164: {  	v30 =	vld [tilespmem:s30+$0x19540];
	v34 =	vmul.f32 v27, v15;
	[tilespmem:s30+$0x194F0] =	vst v10  }
0x165: {  	v33 =	vld [tilespmem:s30+$0x19560];
	v3 =	vmul.f32 v6, v5;
	[tilespmem:s30+$0x19500] =	vst v32  }
0x166: {  	v35 =	vld [tilespmem:s30+$0x19570];
	v11 =	vmul.f32 v24, v23;
	[tilespmem:s30+$0x19510] =	vst v34  }
0x167: {  	v36 =	vld [tilespmem:s30+$0x19580];
	v9 =	vmul.f32 v28, v15;
	[tilespmem:s30+$0x19970] =	vst v3  }
0x168: {  	v31 =	vld [tilespmem:s30+$0x19550];
	v7 =	vmul.f32 v29, v15;
	[tilespmem:s30+$0x194E0] =	vst v11  }
0x169: {  	v37 =	vld [tilespmem:s30+$0x19590];
	v8 =	vmul.f32 v30, v15;
	[tilespmem:s30+$0x19520] =	vst v9  }
0x16a: {  	v38 =	vld [tilespmem:s30+$0x195A0];
	v41 =	vbroadcast v1, $0x3;
	v10 =	vmul.f32 v33, v15;
	[tilespmem:s30+$0x19530] =	vst v7  }
0x16b: {  	v39 =	vld [tilespmem:s30+$0x195B0];
	v12 =	vmul.f32 v35, v15;
	[tilespmem:s30+$0x19540] =	vst v8  }
0x16c: {  	v42 =	vld [tilespmem:s30+$0x195D0];
	v13 =	vmul.f32 v36, v41;
	[tilespmem:s30+$0x19560] =	vst v10  }
0x16d: {  	v43 =	vld [tilespmem:s30+$0x195E0];
	v11 =	vmul.f32 v31, v15;
	[tilespmem:s30+$0x19570] =	vst v12  }
0x16e: {  	v44 =	vld [tilespmem:s30+$0x195F0];
	v9 =	vmul.f32 v37, v41;
	[tilespmem:s30+$0x19580] =	vst v13  }
0x16f: {  	v40 =	vld [tilespmem:s30+$0x195C0];
	v7 =	vmul.f32 v38, v41;
	[tilespmem:s30+$0x19550] =	vst v11  }
0x170: {  	v45 =	vld [tilespmem:s30+$0x19600];
	v8 =	vmul.f32 v39, v41;
	[tilespmem:s30+$0x19590] =	vst v9  }
0x171: {  	v46 =	vld [tilespmem:s30+$0x19610];
	v10 =	vmul.f32 v42, v41;
	[tilespmem:s30+$0x195A0] =	vst v7  }
0x172: {  	v47 =	vld [tilespmem:s30+$0x19620];
	v12 =	vmul.f32 v43, v41;
	[tilespmem:s30+$0x195B0] =	vst v8  }
0x173: {  	v49 =	vld [tilespmem:s30+$0x19640];
	v50 =	vbroadcast v1, $0x4;
	v13 =	vmul.f32 v44, v41;
	[tilespmem:s30+$0x195D0] =	vst v10  }
0x174: {  	v51 =	vld [tilespmem:s30+$0x19650];
	v11 =	vmul.f32 v40, v41;
	[tilespmem:s30+$0x195E0] =	vst v12  }
0x175: {  	v52 =	vld [tilespmem:s30+$0x19660];
	v9 =	vmul.f32 v45, v50;
	[tilespmem:s30+$0x195F0] =	vst v13  }
0x176: {  	v48 =	vld [tilespmem:s30+$0x19630];
	v7 =	vmul.f32 v46, v50;
	[tilespmem:s30+$0x195C0] =	vst v11  }
0x177: {  	v53 =	vld [tilespmem:s30+$0x19670];
	v8 =	vmul.f32 v47, v50;
	[tilespmem:s30+$0x19600] =	vst v9  }
0x178: {  	v54 =	vld [tilespmem:s30+$0x19680];
	v10 =	vmul.f32 v49, v50;
	[tilespmem:s30+$0x19610] =	vst v7  }
0x179: {  	v55 =	vld [tilespmem:s30+$0x19690];
	v12 =	vmul.f32 v51, v50;
	[tilespmem:s30+$0x19620] =	vst v8  }
0x17a: {  	v57 =	vld [tilespmem:s30+$0x196B0];
	v13 =	vmul.f32 v52, v50;
	[tilespmem:s30+$0x19640] =	vst v10  }
0x17b: {  	v58 =	vld [tilespmem:s30+$0x196C0];
	v59 =	vbroadcast v1, $0x5;
	v11 =	vmul.f32 v48, v50;
	[tilespmem:s30+$0x19650] =	vst v12  }
0x17c: {  	v60 =	vld [tilespmem:s30+$0x196D0];
	v9 =	vmul.f32 v53, v50;
	[tilespmem:s30+$0x19660] =	vst v13  }
0x17d: {  	v56 =	vld [tilespmem:s30+$0x196A0];
	v7 =	vmul.f32 v54, v59;
	[tilespmem:s30+$0x19630] =	vst v11  }
0x17e: {  	v61 =	vld [tilespmem:s30+$0x196E0];
	v8 =	vmul.f32 v55, v59;
	[tilespmem:s30+$0x19670] =	vst v9  }
0x17f: {  	v62 =	vld [tilespmem:s30+$0x196F0];
	v10 =	vmul.f32 v57, v59;
	[tilespmem:s30+$0x19680] =	vst v7  }
0x180: {  	v63 =	vld [tilespmem:s30+$0x19700];
	v12 =	vmul.f32 v58, v59;
	[tilespmem:s30+$0x19690] =	vst v8  }
0x181: {  	v19 =	vld [tilespmem:s30+$0x19720];
	v13 =	vmul.f32 v60, v59;
	[tilespmem:s30+$0x196B0] =	vst v10  }
0x182: {  	v20 =	vld [tilespmem:s30+$0x19730];
	v11 =	vmul.f32 v56, v59;
	[tilespmem:s30+$0x196C0] =	vst v12  }
0x183: {  	v21 =	vld [tilespmem:s30+$0x19740];
	v22 =	vbroadcast v1, $0x6;
	v9 =	vmul.f32 v61, v59;
	[tilespmem:s30+$0x196D0] =	vst v13  }
0x184: {  	v18 =	vld [tilespmem:s30+$0x19710];
	v7 =	vmul.f32 v62, v59;
	[tilespmem:s30+$0x196A0] =	vst v11  }
0x185: {  	v23 =	vld [tilespmem:s30+$0x19750];
	v8 =	vmul.f32 v63, v22;
	[tilespmem:s30+$0x196E0] =	vst v9  }
0x186: {  	v24 =	vld [tilespmem:s30+$0x19760];
	v10 =	vmul.f32 v19, v22;
	[tilespmem:s30+$0x196F0] =	vst v7  }
0x187: {  	v25 =	vld [tilespmem:s30+$0x19770];
	v12 =	vmul.f32 v20, v22;
	[tilespmem:s30+$0x19700] =	vst v8  }
0x188: {  	v27 =	vld [tilespmem:s30+$0x19790];
	v13 =	vmul.f32 v21, v22;
	[tilespmem:s30+$0x19720] =	vst v10  }
0x189: {  	v28 =	vld [tilespmem:s30+$0x197A0];
	v11 =	vmul.f32 v18, v22;
	[tilespmem:s30+$0x19730] =	vst v12  }
0x18a: {  	v29 =	vld [tilespmem:s30+$0x197B0];
	v9 =	vmul.f32 v23, v22;
	[tilespmem:s30+$0x19740] =	vst v13  }
0x18b: {  	v31 =	vbroadcast v1, $0x7;
	v53 =	vld [tilespmem:s30+$0x19900];
	v7 =	vmul.f32 v24, v22;
	[tilespmem:s30+$0x19710] =	vst v11  }
0x18c: {  	v57 =	vld [tilespmem:s30+$0x19940];
	v8 =	vmul.f32 v25, v22;
	[tilespmem:s30+$0x19750] =	vst v9  }
0x18d: {  	v58 =	vld [tilespmem:s30+$0x19950];
	v10 =	vmul.f32 v27, v31;
	[tilespmem:s30+$0x19760] =	vst v7  }
0x18e: {  	v26 =	vld [tilespmem:s30+$0x19780];
	v12 =	vmul.f32 v28, v31;
	[tilespmem:s30+$0x19770] =	vst v8  }
0x18f: {  	v30 =	vld [tilespmem:s30+$0x197C0];
	v13 =	vmul.f32 v29, v31;
	[tilespmem:s30+$0x19790] =	vst v10  }
0x190: {  	v32 =	vld [tilespmem:s30+$0x197D0];
	v59 =	vmul.f32 v53, v5;
	[tilespmem:s30+$0x197A0] =	vst v12  }
0x191: {  	v33 =	vld [tilespmem:s30+$0x197E0];
	v18 =	vmul.f32 v57, v5;
	[tilespmem:s30+$0x197B0] =	vst v13  }
0x192: {  	v35 =	vld [tilespmem:s30+$0x19800];
	v20 =	vmul.f32 v58, v5;
	[tilespmem:s30+$0x19900] =	vst v59  }
0x193: {  	v36 =	vld [tilespmem:s30+$0x19810];
	v11 =	vmul.f32 v26, v31;
	[tilespmem:s30+$0x19940] =	vst v18  }
0x194: {  	v37 =	vld [tilespmem:s30+$0x19820];
	v9 =	vmul.f32 v30, v31;
	[tilespmem:s30+$0x19950] =	vst v20  }
0x195: {  	v4 =	vld [tilespmem:s30+$0x19980];
	v40 =	vbroadcast v1, $0x8;
	v7 =	vmul.f32 v32, v31;
	[tilespmem:s30+$0x19780] =	vst v11  }
0x196: {  	v6 =	vld [tilespmem:s30+$0x19990];
	v8 =	vmul.f32 v33, v31;
	[tilespmem:s30+$0x197C0] =	vst v9  }
0x197: {  	v3 =	vld [tilespmem:s30+$0x19BD0];
	v10 =	vmul.f32 v35, v40;
	[tilespmem:s30+$0x197D0] =	vst v7  }
0x198: {  	v61 =	vld [tilespmem:s30+$0x19400];
	v23 =	vbroadcast v1, $0xB;
	v12 =	vmul.f32 v36, v40;
	[tilespmem:s30+$0x197E0] =	vst v8  }
0x199: {  	v34 =	vld [tilespmem:s30+$0x197F0];
	v13 =	vmul.f32 v37, v40;
	[tilespmem:s30+$0x19800] =	vst v10  }
0x19a: {  	v38 =	vld [tilespmem:s30+$0x19830];
	v27 =	vbroadcast v1, $0xF;
	v4 =	vmul.f32 v4, v23;
	[tilespmem:s30+$0x19810] =	vst v12  }
0x19b: {  	v39 =	vld [tilespmem:s30+$0x19840];
	v6 =	vmul.f32 v6, v23;
	[tilespmem:s30+$0x19820] =	vst v13  }
0x19c: {  	v41 =	vld [tilespmem:s30+$0x19850];
	v3 =	vmul.f32 v3, v27;
	[tilespmem:s30+$0x19980] =	vst v4  }
0x19d: {  	v43 =	vld [tilespmem:s30+$0x19870];
	v24 =	vmul.f32 v2, v61;
	[tilespmem:s30+$0x19990] =	vst v6  }
0x19e: {  	v44 =	vld [tilespmem:s30+$0x19880];
	v11 =	vmul.f32 v34, v31;
	[tilespmem:s30+$0x19BD0] =	vst v3  }
0x19f: {  	v45 =	vld [tilespmem:s30+$0x19890];
	v9 =	vmul.f32 v38, v40;
	[tilespmem:s30+$0x19400] =	vst v24  }
0x1a0: {  	v63 =	vld [tilespmem:s30+$0x19440];
	v7 =	vmul.f32 v39, v40;
	[tilespmem:s30+$0x197F0] =	vst v11  }
0x1a1: {  	v49 =	vbroadcast v1, $0x9;
	v29 =	vld [tilespmem:s30+$0x199F0];
	v8 =	vmul.f32 v41, v40;
	[tilespmem:s30+$0x19830] =	vst v9  }
0x1a2: {  	v42 =	vld [tilespmem:s30+$0x19860];
	v10 =	vmul.f32 v43, v40;
	[tilespmem:s30+$0x19840] =	vst v7  }
0x1a3: {  	v46 =	vld [tilespmem:s30+$0x198A0];
	v12 =	vmul.f32 v44, v49;
	[tilespmem:s30+$0x19850] =	vst v8  }
0x1a4: {  	v47 =	vld [tilespmem:s30+$0x198B0];
	v13 =	vmul.f32 v45, v49;
	[tilespmem:s30+$0x19870] =	vst v10  }
0x1a5: {  	v48 =	vld [tilespmem:s30+$0x198C0];
	v3 =	vmul.f32 v63, v2;
	[tilespmem:s30+$0x19880] =	vst v12  }
0x1a6: {  	v51 =	vld [tilespmem:s30+$0x198E0];
	v6 =	vmul.f32 v29, v23;
	[tilespmem:s30+$0x19890] =	vst v13  }
0x1a7: {  	v52 =	vld [tilespmem:s30+$0x198F0];
	v11 =	vmul.f32 v42, v40;
	[tilespmem:s30+$0x19440] =	vst v3  }
0x1a8: {  	v28 =	vld [tilespmem:s30+$0x199E0];
	v9 =	vmul.f32 v46, v49;
	[tilespmem:s30+$0x199F0] =	vst v6  }
0x1a9: {  	v26 =	vld [tilespmem:s30+$0x199D0];
	v7 =	vmul.f32 v47, v49;
	[tilespmem:s30+$0x19860] =	vst v11  }
0x1aa: {  	v30 =	vld [tilespmem:s30+$0x19A00];
	v8 =	vmul.f32 v48, v49;
	[tilespmem:s30+$0x198A0] =	vst v9  }
0x1ab: {  	v50 =	vld [tilespmem:s30+$0x198D0];
	v10 =	vmul.f32 v51, v49;
	[tilespmem:s30+$0x198B0] =	vst v7  }
0x1ac: {  	v54 =	vld [tilespmem:s30+$0x19910];
	v12 =	vmul.f32 v52, v49;
	[tilespmem:s30+$0x198C0] =	vst v8  }
0x1ad: {  	v55 =	vld [tilespmem:s30+$0x19920];
	v35 =	vbroadcast v1, $0xC;
	v40 =	vmul.f32 v28, v23;
	[tilespmem:s30+$0x198E0] =	vst v10  }
0x1ae: {  	v56 =	vld [tilespmem:s30+$0x19930];
	v32 =	vmul.f32 v26, v23;
	[tilespmem:s30+$0x198F0] =	vst v12  }
0x1af: {  	v60 =	vld [tilespmem:s30+$0x19960];
	v15 =	vmul.f32 v30, v35;
	[tilespmem:s30+$0x199E0] =	vst v40  }
0x1b0: {  	v62 =	vld [tilespmem:s30+$0x19410];
	v11 =	vmul.f32 v50, v49;
	[tilespmem:s30+$0x199D0] =	vst v32  }
0x1b1: {  	v19 =	vld [tilespmem:s30+$0x19450];
	v9 =	vmul.f32 v54, v5;
	[tilespmem:s30+$0x19A00] =	vst v15  }
0x1b2: {  	v33 =	vld [tilespmem:s30+$0x19A30];
	v7 =	vmul.f32 v55, v5;
	[tilespmem:s30+$0x198D0] =	vst v11  }
0x1b3: {  	v61 =	vld [tilespmem:s30+$0x19BF0];
	v8 =	vmul.f32 v56, v5;
	[tilespmem:s30+$0x19910] =	vst v9  }
0x1b4: {  	v38 =	vld [tilespmem:s30+$0x19A70];
	v5 =	vmul.f32 v60, v5;
	[tilespmem:s30+$0x19920] =	vst v7  }
0x1b5: {  	v21 =	vld [tilespmem:s30+$0x199A0];
	v12 =	vmul.f32 v62, v2;
	[tilespmem:s30+$0x19930] =	vst v8  }
0x1b6: {  	v22 =	vld [tilespmem:s30+$0x199B0];
	v2 =	vmul.f32 v19, v2;
	[tilespmem:s30+$0x19960] =	vst v5  }
0x1b7: {  	v25 =	vld [tilespmem:s30+$0x199C0];
	v62 =	vmul.f32 v33, v35;
	[tilespmem:s30+$0x19410] =	vst v12  }
0x1b8: {  	v31 =	vld [tilespmem:s30+$0x19A10];
	v63 =	vmul.f32 v61, v27;
	[tilespmem:s30+$0x19450] =	vst v2  }
0x1b9: {  	v34 =	vld [tilespmem:s30+$0x19A40];
	v15 =	vmul.f32 v38, v35;
	[tilespmem:s30+$0x19A30] =	vst v62  }
0x1ba: {  	v41 =	vld [tilespmem:s30+$0x19AA0];
	v7 =	vmul.f32 v21, v23;
	[tilespmem:s30+$0x19BF0] =	vst v63  }
0x1bb: {  	v46 =	vld [tilespmem:s30+$0x19AE0];
	v8 =	vmul.f32 v22, v23;
	[tilespmem:s30+$0x19A70] =	vst v15  }
0x1bc: {  	v36 =	vld [tilespmem:s30+$0x19A50];
	v5 =	vmul.f32 v25, v23;
	[tilespmem:s30+$0x199A0] =	vst v7  }
0x1bd: {  	v44 =	vbroadcast v1, $0xD;
	v9 =	vmul.f32 v31, v35;
	v2 =	vld [tilespmem:s30+$0x19A90];
	[tilespmem:s30+$0x199B0] =	vst v8  }
0x1be: {  	v37 =	vld [tilespmem:s30+$0x19A60];
	v12 =	vmul.f32 v34, v35;
	[tilespmem:s30+$0x199C0] =	vst v5  }
0x1bf: {  	v39 =	vld [tilespmem:s30+$0x19A80];
	v11 =	vmul.f32 v41, v44;
	[tilespmem:s30+$0x19A10] =	vst v9  }
0x1c0: {  	v42 =	vld [tilespmem:s30+$0x19AB0];
	v51 =	vmul.f32 v46, v44;
	[tilespmem:s30+$0x19A40] =	vst v12  }
0x1c1: {  	v48 =	vld [tilespmem:s30+$0x19B10];
	v8 =	vmul.f32 v36, v35;
	[tilespmem:s30+$0x19AA0] =	vst v11  }
0x1c2: {  	v49 =	vld [tilespmem:s30+$0x19B20];
	[tilespmem:s30+$0x19AE0] =	vst v51;
	v2 =	vmul.f32 v2, v44  }
0x1c3: {  	v50 =	vld [tilespmem:s30+$0x19B30];
	v5 =	vmul.f32 v37, v35;
	[tilespmem:s30+$0x19A50] =	vst v8  }
0x1c4: {  	v1 =	vbroadcast v1, $0xE;
	v9 =	vmul.f32 v39, v44;
	[tilespmem:s30+$0x19A90] =	vst v2;
	v2 =	vld [tilespmem:s30+$0x19B00]  }
0x1c5: {  	v60 =	vld [tilespmem:s30+$0x19BE0];
	v12 =	vmul.f32 v42, v44;
	[tilespmem:s30+$0x19A60] =	vst v5  }
0x1c6: {  	v45 =	vld [tilespmem:s30+$0x19AD0];
	v11 =	vmul.f32 v48, v1;
	[tilespmem:s30+$0x19A80] =	vst v9  }
0x1c7: {  	v47 =	vld [tilespmem:s30+$0x19AF0];
	v10 =	vmul.f32 v49, v1;
	[tilespmem:s30+$0x19AB0] =	vst v12  }
0x1c8: {  	v43 =	vld [tilespmem:s30+$0x19AC0];
	v6 =	vmul.f32 v50, v1;
	[tilespmem:s30+$0x19B10] =	vst v11  }
0x1c9: {  	v55 =	vld [tilespmem:s30+$0x19B80];
	[tilespmem:s30+$0x19B20] =	vst v10;
	v2 =	vmul.f32 v2, v1  }
0x1ca: {  	v57 =	vld [tilespmem:s30+$0x19BA0];
	v4 =	vmul.f32 v60, v27;
	[tilespmem:s30+$0x19B30] =	vst v6  }
0x1cb: {  	v5 =	vmul.f32 v45, v44;
	[tilespmem:s30+$0x19B00] =	vst v2;
	v2 =	vld [tilespmem:s30+$0x19B70]  }
0x1cc: {  	v52 =	vld [tilespmem:s30+$0x19B40];
	v9 =	vmul.f32 v47, v44;
	[tilespmem:s30+$0x19BE0] =	vst v4  }
0x1cd: {  	v56 =	vld [tilespmem:s30+$0x19B90];
	v8 =	vmul.f32 v43, v44;
	[tilespmem:s30+$0x19AD0] =	vst v5  }
0x1ce: {  	v54 =	vld [tilespmem:s30+$0x19B60];
	v11 =	vmul.f32 v55, v27;
	[tilespmem:s30+$0x19AF0] =	vst v9  }
0x1cf: {  	v58 =	vld [tilespmem:s30+$0x19BB0];
	v6 =	vmul.f32 v57, v27;
	[tilespmem:s30+$0x19AC0] =	vst v8  }
0x1d0: {  	v53 =	vld [tilespmem:s30+$0x19B50];
	[tilespmem:s30+$0x19B80] =	vst v11;
	v2 =	vmul.f32 v2, v1  }
0x1d1: {  	v59 =	vld [tilespmem:s30+$0x19BC0];
	v5 =	vmul.f32 v52, v1;
	[tilespmem:s30+$0x19BA0] =	vst v6  }
0x1d2: {  	[tilespmem:s30+$0x19B70] =	vst v2;
	v2 =	vmul.f32 v56, v27  }
0x1d3: {  	v3 =	vld [tilespmem:s30+$0x19A20];
	v9 =	vmul.f32 v54, v1;
	[tilespmem:s30+$0x19B40] =	vst v5  }
0x1d4: {  	[tilespmem:s30+$0x19B90] =	vst v2;
	v2 =	vmul.f32 v58, v27  }
0x1d5: {  	[tilespmem:s30+$0x19B60] =	vst v9;
	v1 =	vmul.f32 v53, v1  }
0x1d6: {  	[tilespmem:s30+$0x19BB0] =	vst v2;
	v2 =	vmul.f32 v59, v27  }
0x1d7: {  	[tilespmem:s30+$0x19B50] =	vst v1  }
0x1d8: {  	s1 =	simm.s32 $0x1;
	[tilespmem:s30+$0x19BC0] =	vst v2;
	v2 =	vmul.f32 v3, v35  }
.LBB2_5:
0x1d9: {  	s2 =	sshll.u32 s1, $0x4  }
0x1da: {  	p0 =	sne.s32 s1, $0x7;
	[tilespmem:s30+$0x19A20] =	vst v2;
	s15 =	smov.u32 s1;
	s1 =	sadd.s32 $0x1, s1  }
0x1db: {  	s2 =	sand.u32 $0x3FFFFFF0, s2  }
0x1dc: {  	v1 =	vld.idx.msk [tilespmem:v0+s2+$0x0 ss:$0x1], $0xffff  }
0x1dd: {  	s2 =	sshll.u32 s15, $0xB  }
0x1de: {  	s30 =	sand.u32 $0x3FFFF800, s2  }
0x1df: {  	v8 =	vld [tilespmem:s30+$0x194C0]  }
0x1e0: {  	v9 =	vld [tilespmem:s30+$0x194D0]  }
0x1e1: {  	v10 =	vld [tilespmem:s30+$0x194B0]  }
0x1e2: {  	v2 =	vbroadcast v1, $0x0;
	v7 =	vbroadcast v1, $0x4;
	v3 =	vld [tilespmem:s30+$0x19420]  }
0x1e3: {  	v5 =	vld [tilespmem:s30+$0x19430]  }
0x1e4: {  	v6 =	vld [tilespmem:s30+$0x19970]  }
0x1e5: {  	v11 =	vld [tilespmem:s30+$0x19460]  }
0x1e6: {  	v12 =	vld [tilespmem:s30+$0x19470]  }
0x1e7: {  	v4 =	vbroadcast v1, $0xA;
	v3 =	vmul.f32 v3, v2;
	v13 =	vld [tilespmem:s30+$0x19480]  }
0x1e8: {  	v5 =	vmul.f32 v5, v2;
	v14 =	vld [tilespmem:s30+$0x19490]  }
0x1e9: {  	[tilespmem:s30+$0x19420] =	vst v3;
	v15 =	vld [tilespmem:s30+$0x194A0];
	v3 =	vmul.f32 v6, v4  }
0x1ea: {  	[tilespmem:s30+$0x19430] =	vst v5;
	v6 =	vmul.f32 v11, v2;
	v11 =	vbroadcast v1, $0x1;
	v5 =	vld [tilespmem:s30+$0x19980]  }
0x1eb: {  	v12 =	vmul.f32 v12, v2;
	[tilespmem:s30+$0x19970] =	vst v3;
	v3 =	vld [tilespmem:s30+$0x19BD0]  }
0x1ec: {  	[tilespmem:s30+$0x19460] =	vst v6;
	v13 =	vmul.f32 v13, v11;
	v6 =	vld [tilespmem:s30+$0x19990]  }
0x1ed: {  	[tilespmem:s30+$0x19470] =	vst v12;
	v12 =	vmul.f32 v14, v11;
	v14 =	vld [tilespmem:s30+$0x194E0]  }
0x1ee: {  	[tilespmem:s30+$0x19480] =	vst v13;
	v13 =	vmul.f32 v15, v11;
	v15 =	vld [tilespmem:s30+$0x194F0]  }
0x1ef: {  	v10 =	vmul.f32 v10, v11;
	[tilespmem:s30+$0x19490] =	vst v12;
	v12 =	vld [tilespmem:s30+$0x19500]  }
0x1f0: {  	v8 =	vmul.f32 v8, v11;
	[tilespmem:s30+$0x194A0] =	vst v13;
	v13 =	vld [tilespmem:s30+$0x19510]  }
0x1f1: {  	v9 =	vmul.f32 v9, v11;
	[tilespmem:s30+$0x194B0] =	vst v10;
	v10 =	vld [tilespmem:s30+$0x19520]  }
0x1f2: {  	[tilespmem:s30+$0x194C0] =	vst v8;
	v8 =	vmul.f32 v14, v11;
	v14 =	vbroadcast v1, $0x2;
	v16 =	vld [tilespmem:s30+$0x19530]  }
0x1f3: {  	[tilespmem:s30+$0x194D0] =	vst v9;
	v9 =	vmul.f32 v15, v11;
	v11 =	vld [tilespmem:s30+$0x19540]  }
0x1f4: {  	[tilespmem:s30+$0x194E0] =	vst v8;
	v8 =	vmul.f32 v12, v14;
	v12 =	vld [tilespmem:s30+$0x19550]  }
0x1f5: {  	[tilespmem:s30+$0x194F0] =	vst v9;
	v9 =	vmul.f32 v13, v14;
	v13 =	vld [tilespmem:s30+$0x19560]  }
0x1f6: {  	[tilespmem:s30+$0x19500] =	vst v8;
	v8 =	vmul.f32 v10, v14;
	v10 =	vld [tilespmem:s30+$0x19570]  }
0x1f7: {  	[tilespmem:s30+$0x19510] =	vst v9;
	v9 =	vmul.f32 v16, v14;
	v15 =	vld [tilespmem:s30+$0x19580]  }
0x1f8: {  	[tilespmem:s30+$0x19520] =	vst v8;
	v8 =	vmul.f32 v11, v14;
	v11 =	vld [tilespmem:s30+$0x19590]  }
0x1f9: {  	[tilespmem:s30+$0x19530] =	vst v9;
	v9 =	vmul.f32 v12, v14;
	v12 =	vld [tilespmem:s30+$0x195A0]  }
0x1fa: {  	[tilespmem:s30+$0x19540] =	vst v8;
	v8 =	vmul.f32 v13, v14;
	v13 =	vbroadcast v1, $0x3;
	v16 =	vld [tilespmem:s30+$0x195B0]  }
0x1fb: {  	[tilespmem:s30+$0x19550] =	vst v9;
	v9 =	vmul.f32 v10, v14;
	v10 =	vld [tilespmem:s30+$0x195C0]  }
0x1fc: {  	[tilespmem:s30+$0x19560] =	vst v8;
	v8 =	vmul.f32 v15, v13;
	v14 =	vld [tilespmem:s30+$0x195D0]  }
0x1fd: {  	[tilespmem:s30+$0x19570] =	vst v9;
	v9 =	vmul.f32 v11, v13;
	v11 =	vld [tilespmem:s30+$0x195E0]  }
0x1fe: {  	[tilespmem:s30+$0x19580] =	vst v8;
	v8 =	vmul.f32 v12, v13;
	v12 =	vld [tilespmem:s30+$0x195F0]  }
0x1ff: {  	[tilespmem:s30+$0x19590] =	vst v9;
	v9 =	vmul.f32 v16, v13;
	v15 =	vld [tilespmem:s30+$0x19600]  }
0x200: {  	[tilespmem:s30+$0x195A0] =	vst v8;
	v8 =	vmul.f32 v10, v13;
	v10 =	vld [tilespmem:s30+$0x19610]  }
0x201: {  	[tilespmem:s30+$0x195B0] =	vst v9;
	v9 =	vmul.f32 v14, v13;
	v14 =	vld [tilespmem:s30+$0x19620]  }
0x202: {  	[tilespmem:s30+$0x195C0] =	vst v8;
	v8 =	vmul.f32 v11, v13;
	v11 =	vld [tilespmem:s30+$0x19630]  }
0x203: {  	[tilespmem:s30+$0x195D0] =	vst v9;
	v9 =	vmul.f32 v12, v13;
	v12 =	vld [tilespmem:s30+$0x19640]  }
0x204: {  	[tilespmem:s30+$0x195E0] =	vst v8;
	v8 =	vmul.f32 v15, v7;
	v13 =	vld [tilespmem:s30+$0x19650]  }
0x205: {  	[tilespmem:s30+$0x195F0] =	vst v9;
	v9 =	vmul.f32 v10, v7;
	v10 =	vld [tilespmem:s30+$0x19660]  }
0x206: {  	[tilespmem:s30+$0x19600] =	vst v8;
	v8 =	vmul.f32 v14, v7;
	v14 =	vld [tilespmem:s30+$0x19670]  }
0x207: {  	[tilespmem:s30+$0x19610] =	vst v9;
	v9 =	vmul.f32 v11, v7;
	v11 =	vld [tilespmem:s30+$0x19680]  }
0x208: {  	[tilespmem:s30+$0x19620] =	vst v8;
	v8 =	vmul.f32 v12, v7;
	v12 =	vld [tilespmem:s30+$0x19690]  }
0x209: {  	[tilespmem:s30+$0x19630] =	vst v9;
	v9 =	vmul.f32 v13, v7;
	v13 =	vld [tilespmem:s30+$0x196A0]  }
0x20a: {  	[tilespmem:s30+$0x19640] =	vst v8;
	v8 =	vmul.f32 v10, v7;
	v10 =	vbroadcast v1, $0x5;
	v15 =	vld [tilespmem:s30+$0x196B0]  }
0x20b: {  	[tilespmem:s30+$0x19650] =	vst v9;
	v7 =	vmul.f32 v14, v7;
	v9 =	vld [tilespmem:s30+$0x196C0]  }
0x20c: {  	[tilespmem:s30+$0x19660] =	vst v8;
	v8 =	vmul.f32 v11, v10;
	v11 =	vld [tilespmem:s30+$0x196D0]  }
0x20d: {  	[tilespmem:s30+$0x19670] =	vst v7;
	v7 =	vmul.f32 v12, v10;
	v12 =	vld [tilespmem:s30+$0x196E0]  }
0x20e: {  	[tilespmem:s30+$0x19680] =	vst v8;
	v8 =	vmul.f32 v13, v10;
	v13 =	vld [tilespmem:s30+$0x196F0]  }
0x20f: {  	[tilespmem:s30+$0x19690] =	vst v7;
	v7 =	vmul.f32 v15, v10;
	v14 =	vld [tilespmem:s30+$0x19700]  }
0x210: {  	[tilespmem:s30+$0x196A0] =	vst v8;
	v8 =	vmul.f32 v9, v10;
	v9 =	vld [tilespmem:s30+$0x19710]  }
0x211: {  	[tilespmem:s30+$0x196B0] =	vst v7;
	v7 =	vmul.f32 v11, v10;
	v11 =	vld [tilespmem:s30+$0x19720]  }
0x212: {  	[tilespmem:s30+$0x196C0] =	vst v8;
	v8 =	vmul.f32 v12, v10;
	v12 =	vbroadcast v1, $0x6;
	v15 =	vld [tilespmem:s30+$0x19730]  }
0x213: {  	[tilespmem:s30+$0x196D0] =	vst v7;
	v7 =	vmul.f32 v13, v10;
	v10 =	vld [tilespmem:s30+$0x19740]  }
0x214: {  	[tilespmem:s30+$0x196E0] =	vst v8;
	v8 =	vmul.f32 v14, v12;
	v13 =	vld [tilespmem:s30+$0x19750]  }
0x215: {  	[tilespmem:s30+$0x196F0] =	vst v7;
	v7 =	vmul.f32 v9, v12;
	v9 =	vld [tilespmem:s30+$0x19760]  }
0x216: {  	[tilespmem:s30+$0x19700] =	vst v8;
	v8 =	vmul.f32 v11, v12;
	v11 =	vld [tilespmem:s30+$0x19770]  }
0x217: {  	[tilespmem:s30+$0x19710] =	vst v7;
	v7 =	vmul.f32 v15, v12;
	v14 =	vld [tilespmem:s30+$0x19780]  }
0x218: {  	[tilespmem:s30+$0x19720] =	vst v8;
	v8 =	vmul.f32 v10, v12;
	v10 =	vld [tilespmem:s30+$0x19790]  }
0x219: {  	[tilespmem:s30+$0x19730] =	vst v7;
	v7 =	vmul.f32 v13, v12;
	v13 =	vld [tilespmem:s30+$0x197A0]  }
0x21a: {  	[tilespmem:s30+$0x19740] =	vst v8;
	v8 =	vmul.f32 v9, v12;
	v9 =	vbroadcast v1, $0x7;
	v15 =	vld [tilespmem:s30+$0x197B0]  }
0x21b: {  	[tilespmem:s30+$0x19750] =	vst v7;
	v7 =	vmul.f32 v11, v12;
	v11 =	vld [tilespmem:s30+$0x197C0]  }
0x21c: {  	[tilespmem:s30+$0x19760] =	vst v8;
	v8 =	vmul.f32 v14, v9;
	v12 =	vld [tilespmem:s30+$0x197D0]  }
0x21d: {  	[tilespmem:s30+$0x19770] =	vst v7;
	v7 =	vmul.f32 v10, v9;
	v10 =	vld [tilespmem:s30+$0x197E0]  }
0x21e: {  	[tilespmem:s30+$0x19780] =	vst v8;
	v8 =	vmul.f32 v13, v9;
	v13 =	vld [tilespmem:s30+$0x197F0]  }
0x21f: {  	[tilespmem:s30+$0x19790] =	vst v7;
	v7 =	vmul.f32 v15, v9;
	v14 =	vld [tilespmem:s30+$0x19800]  }
0x220: {  	[tilespmem:s30+$0x197A0] =	vst v8;
	v8 =	vmul.f32 v11, v9;
	v11 =	vld [tilespmem:s30+$0x19810]  }
0x221: {  	[tilespmem:s30+$0x197B0] =	vst v7;
	v7 =	vmul.f32 v12, v9;
	v12 =	vld [tilespmem:s30+$0x19820]  }
0x222: {  	[tilespmem:s30+$0x197C0] =	vst v8;
	v8 =	vmul.f32 v10, v9;
	v10 =	vbroadcast v1, $0x8;
	v15 =	vld [tilespmem:s30+$0x19830]  }
0x223: {  	[tilespmem:s30+$0x197D0] =	vst v7;
	v7 =	vmul.f32 v13, v9;
	v9 =	vld [tilespmem:s30+$0x19840]  }
0x224: {  	[tilespmem:s30+$0x197E0] =	vst v8;
	v8 =	vmul.f32 v14, v10;
	v13 =	vld [tilespmem:s30+$0x19850]  }
0x225: {  	[tilespmem:s30+$0x197F0] =	vst v7;
	v7 =	vmul.f32 v11, v10;
	v11 =	vld [tilespmem:s30+$0x19860]  }
0x226: {  	[tilespmem:s30+$0x19800] =	vst v8;
	v8 =	vmul.f32 v12, v10;
	v12 =	vld [tilespmem:s30+$0x19870]  }
0x227: {  	[tilespmem:s30+$0x19810] =	vst v7;
	v7 =	vmul.f32 v15, v10;
	v14 =	vld [tilespmem:s30+$0x19880]  }
0x228: {  	[tilespmem:s30+$0x19820] =	vst v8;
	v8 =	vmul.f32 v9, v10;
	v9 =	vld [tilespmem:s30+$0x19890]  }
0x229: {  	[tilespmem:s30+$0x19830] =	vst v7;
	v7 =	vmul.f32 v13, v10;
	v13 =	vld [tilespmem:s30+$0x198A0]  }
0x22a: {  	[tilespmem:s30+$0x19840] =	vst v8;
	v8 =	vmul.f32 v11, v10;
	v11 =	vbroadcast v1, $0x9;
	v15 =	vld [tilespmem:s30+$0x198B0]  }
0x22b: {  	[tilespmem:s30+$0x19850] =	vst v7;
	v7 =	vmul.f32 v12, v10;
	v10 =	vld [tilespmem:s30+$0x198C0]  }
0x22c: {  	[tilespmem:s30+$0x19860] =	vst v8;
	v8 =	vmul.f32 v14, v11;
	v12 =	vld [tilespmem:s30+$0x198D0]  }
0x22d: {  	[tilespmem:s30+$0x19870] =	vst v7;
	v7 =	vmul.f32 v9, v11;
	v9 =	vld [tilespmem:s30+$0x198E0]  }
0x22e: {  	[tilespmem:s30+$0x19880] =	vst v8;
	v8 =	vmul.f32 v13, v11;
	v13 =	vld [tilespmem:s30+$0x198F0]  }
0x22f: {  	[tilespmem:s30+$0x19890] =	vst v7;
	v7 =	vmul.f32 v15, v11;
	v14 =	vld [tilespmem:s30+$0x19900]  }
0x230: {  	[tilespmem:s30+$0x198A0] =	vst v8;
	v8 =	vmul.f32 v10, v11;
	v10 =	vld [tilespmem:s30+$0x19910]  }
0x231: {  	[tilespmem:s30+$0x198B0] =	vst v7;
	v7 =	vmul.f32 v12, v11;
	v12 =	vld [tilespmem:s30+$0x19920]  }
0x232: {  	[tilespmem:s30+$0x198C0] =	vst v8;
	v8 =	vmul.f32 v9, v11;
	v9 =	vld [tilespmem:s30+$0x19930]  }
0x233: {  	[tilespmem:s30+$0x198D0] =	vst v7;
	v7 =	vmul.f32 v13, v11;
	v11 =	vld [tilespmem:s30+$0x19940]  }
0x234: {  	[tilespmem:s30+$0x198E0] =	vst v8;
	v8 =	vmul.f32 v14, v4;
	v13 =	vld [tilespmem:s30+$0x19950]  }
0x235: {  	[tilespmem:s30+$0x198F0] =	vst v7;
	v7 =	vmul.f32 v10, v4;
	v10 =	vld [tilespmem:s30+$0x19960]  }
0x236: {  	v14 =	vld [tilespmem:s30+$0x19400];
	[tilespmem:s30+$0x19900] =	vst v8;
	v8 =	vmul.f32 v12, v4  }
0x237: {  	v12 =	vld [tilespmem:s30+$0x19410];
	[tilespmem:s30+$0x19910] =	vst v7;
	v7 =	vmul.f32 v9, v4  }
0x238: {  	v9 =	vld [tilespmem:s30+$0x19440];
	[tilespmem:s30+$0x19920] =	vst v8;
	v8 =	vmul.f32 v11, v4  }
0x239: {  	v11 =	vld [tilespmem:s30+$0x19450];
	[tilespmem:s30+$0x19930] =	vst v7;
	v7 =	vmul.f32 v13, v4  }
0x23a: {  	[tilespmem:s30+$0x19940] =	vst v8;
	v8 =	vmul.f32 v10, v4;
	v10 =	vbroadcast v1, $0xB;
	v13 =	vld [tilespmem:s30+$0x199A0]  }
0x23b: {  	v4 =	vbroadcast v1, $0xF;
	v14 =	vmul.f32 v2, v14;
	[tilespmem:s30+$0x19950] =	vst v7;
	v7 =	vld [tilespmem:s30+$0x199B0]  }
0x23c: {  	v12 =	vmul.f32 v12, v2;
	[tilespmem:s30+$0x19960] =	vst v8;
	v5 =	vmul.f32 v5, v10;
	v8 =	vld [tilespmem:s30+$0x199C0]  }
0x23d: {  	v6 =	vmul.f32 v6, v10;
	[tilespmem:s30+$0x19400] =	vst v14;
	v9 =	vmul.f32 v9, v2;
	v14 =	vld [tilespmem:s30+$0x199D0]  }
0x23e: {  	v3 =	vmul.f32 v3, v4;
	v11 =	vmul.f32 v11, v2;
	[tilespmem:s30+$0x19980] =	vst v5;
	v2 =	vld [tilespmem:s30+$0x199E0]  }
0x23f: {  	[tilespmem:s30+$0x19990] =	vst v6;
	v5 =	vmul.f32 v13, v10;
	v6 =	vld [tilespmem:s30+$0x199F0]  }
0x240: {  	v7 =	vmul.f32 v7, v10;
	v13 =	vld [tilespmem:s30+$0x19A00];
	[tilespmem:s30+$0x19BD0] =	vst v3  }
0x241: {  	[tilespmem:s30+$0x19410] =	vst v12;
	v3 =	vmul.f32 v8, v10;
	v8 =	vld [tilespmem:s30+$0x19A10]  }
0x242: {  	[tilespmem:s30+$0x19440] =	vst v9;
	v9 =	vmul.f32 v14, v10;
	v12 =	vld [tilespmem:s30+$0x19A20]  }
0x243: {  	v14 =	vbroadcast v1, $0xC;
	[tilespmem:s30+$0x199A0] =	vst v5;
	v5 =	vmul.f32 v2, v10;
	v15 =	vld [tilespmem:s30+$0x19A30]  }
0x244: {  	[tilespmem:s30+$0x199D0] =	vst v9;
	v6 =	vmul.f32 v6, v10;
	v9 =	vld [tilespmem:s30+$0x19A40]  }
0x245: {  	[tilespmem:s30+$0x199B0] =	vst v7;
	v2 =	vmul.f32 v13, v14;
	v7 =	vld [tilespmem:s30+$0x19A50]  }
0x246: {  	[tilespmem:s30+$0x199C0] =	vst v3;
	v3 =	vmul.f32 v8, v14;
	v8 =	vld [tilespmem:s30+$0x19A60]  }
0x247: {  	[tilespmem:s30+$0x19A00] =	vst v2;
	v2 =	vmul.f32 v12, v14;
	v10 =	vld [tilespmem:s30+$0x19A70]  }
0x248: {  	[tilespmem:s30+$0x19A10] =	vst v3;
	v3 =	vld [tilespmem:s30+$0x19A80]  }
0x249: {  	[tilespmem:s30+$0x19450] =	vst v11;
	v9 =	vmul.f32 v9, v14;
	v11 =	vld [tilespmem:s30+$0x19A90]  }
0x24a: {  	[tilespmem:s30+$0x199E0] =	vst v5;
	v5 =	vmul.f32 v7, v14;
	v7 =	vld [tilespmem:s30+$0x19AA0]  }
0x24b: {  	[tilespmem:s30+$0x19A40] =	vst v9;
	v8 =	vmul.f32 v8, v14;
	v9 =	vbroadcast v1, $0xD;
	v12 =	vld [tilespmem:s30+$0x19AB0]  }
0x24c: {  	[tilespmem:s30+$0x19A50] =	vst v5;
	v5 =	vmul.f32 v10, v14;
	v10 =	vld [tilespmem:s30+$0x19AC0]  }
0x24d: {  	[tilespmem:s30+$0x19A60] =	vst v8;
	v3 =	vmul.f32 v3, v9;
	v8 =	vld [tilespmem:s30+$0x19AD0]  }
0x24e: {  	[tilespmem:s30+$0x19A70] =	vst v5;
	v5 =	vmul.f32 v11, v9;
	v11 =	vld [tilespmem:s30+$0x19AE0]  }
0x24f: {  	[tilespmem:s30+$0x19A80] =	vst v3;
	v3 =	vmul.f32 v7, v9;
	v7 =	vld [tilespmem:s30+$0x19AF0]  }
0x250: {  	[tilespmem:s30+$0x19A90] =	vst v5;
	v5 =	vmul.f32 v12, v9;
	v12 =	vld [tilespmem:s30+$0x19B00]  }
0x251: {  	[tilespmem:s30+$0x19AA0] =	vst v3;
	v3 =	vmul.f32 v10, v9;
	v10 =	vld [tilespmem:s30+$0x19B10]  }
0x252: {  	[tilespmem:s30+$0x19AB0] =	vst v5;
	v5 =	vmul.f32 v8, v9;
	v8 =	vld [tilespmem:s30+$0x19B20]  }
0x253: {  	v1 =	vbroadcast v1, $0xE;
	[tilespmem:s30+$0x199F0] =	vst v6;
	v6 =	vmul.f32 v11, v9;
	v11 =	vld [tilespmem:s30+$0x19B30]  }
0x254: {  	[tilespmem:s30+$0x19AD0] =	vst v5;
	v5 =	vmul.f32 v7, v9;
	v7 =	vld [tilespmem:s30+$0x19B40]  }
0x255: {  	[tilespmem:s30+$0x19AE0] =	vst v6;
	v6 =	vmul.f32 v12, v1;
	v9 =	vld [tilespmem:s30+$0x19B50]  }
0x256: {  	[tilespmem:s30+$0x19AF0] =	vst v5;
	v5 =	vmul.f32 v10, v1;
	v10 =	vld [tilespmem:s30+$0x19B60]  }
0x257: {  	[tilespmem:s30+$0x19B00] =	vst v6;
	v6 =	vmul.f32 v8, v1;
	v8 =	vld [tilespmem:s30+$0x19B70]  }
0x258: {  	[tilespmem:s30+$0x19B10] =	vst v5;
	v5 =	vmul.f32 v11, v1;
	v11 =	vld [tilespmem:s30+$0x19B80]  }
0x259: {  	[tilespmem:s30+$0x19B20] =	vst v6;
	v6 =	vmul.f32 v7, v1;
	v7 =	vld [tilespmem:s30+$0x19B90]  }
0x25a: {  	[tilespmem:s30+$0x19B30] =	vst v5;
	v5 =	vmul.f32 v9, v1;
	v9 =	vld [tilespmem:s30+$0x19BA0]  }
0x25b: {  	[tilespmem:s30+$0x19B40] =	vst v6;
	v6 =	vmul.f32 v10, v1;
	v10 =	vld [tilespmem:s30+$0x19BB0]  }
0x25c: {  	[tilespmem:s30+$0x19AC0] =	vst v3;
	v1 =	vmul.f32 v8, v1;
	v3 =	vld [tilespmem:s30+$0x19BC0]  }
0x25d: {  	[tilespmem:s30+$0x19B60] =	vst v6;
	v6 =	vmul.f32 v11, v4;
	v8 =	vld [tilespmem:s30+$0x19BE0]  }
0x25e: {  	[tilespmem:s30+$0x19B70] =	vst v1;
	v1 =	vmul.f32 v7, v4;
	v7 =	vld [tilespmem:s30+$0x19BF0]  }
0x25f: {  	[tilespmem:s30+$0x19B80] =	vst v6;
	v6 =	vmul.f32 v9, v4  }
0x260: {  	[tilespmem:s30+$0x19B90] =	vst v1;
	v1 =	vmul.f32 v10, v4  }
0x261: {  	v9 =	vmul.f32 v15, v14;
	[tilespmem:s30+$0x19BA0] =	vst v6  }
0x262: {  	[tilespmem:s30+$0x19BB0] =	vst v1;
	v1 =	vmul.f32 v3, v4  }
.Ltmp1:
0x263: {  	[tilespmem:s30+$0x19A30] =	vst v9;
	v3 =	vmul.f32 v7, v4;
	(pc) =	sbr.rel @p0 .LBB2_5-.Ltmp1, $4  }
0x264: {  	[tilespmem:s30+$0x19BC0] =	vst v1  }
0x265: {  	v1 =	vmul.f32 v8, v4;
	[tilespmem:s30+$0x19BF0] =	vst v3  }
0x266: {  	[tilespmem:s30+$0x19B50] =	vst v5  }
0x267: {  	[tilespmem:s30+$0x19BE0] =	vst v1  }
0x268: {  	s28 =	sadd.s32 $0x1, s28  }
0x269: {  	p0 =	sne.s32 s28, $0x28  }
.Ltmp2:
0x26a: {  	_ = 	snop;
	(pc) =	sbr.rel @p0 .LBB2_2-.Ltmp2, $3  }
0x26b: {  	_ =	sdelay $0x1  }
0x26c: {  	[tilespmem:s30+$0x19A20] =	vst v2;
	s1 =	sadd.s32 $0x80, s29  }
0x26d: {  	[spmem:s3] =	stream.indirect.scatter.add.f32 [tilespmem:s21], [sflag:$0x4], $0x80, s1, s17, $0xb8;
	[tilespmem:$0x1D400] =	vst v63  }
0x26e: {  	_ =	swait.ge [sflag:s22], $0x4000  }
0x26f: {  	[sflag:s22] =	ssyncset.done $0x0  }
0x270: {  	[sflag:s22] =	ssyncadd.s32 $0xFFFFC000  }
0x271: {  	_ =	swait.ge [sflag:s25], $0x4000  }
0x272: {  	s26 =	sadd.s32 $0x1, s26;
	[sflag:s25] =	ssyncset.done $0x0  }
0x273: {  	p0 =	sne.s32 s26, s13;
	[sflag:s25] =	ssyncadd.s32 $0xFFFFC000  }
.Ltmp3:
0x274: {  	s1 =	sor.u32 $0x1C06, s7;
	[bflag:$0x0] =	sbarrier.arrive $0xFFFF;
	(pc) =	sbr.rel @p0 .LBB2_1-.Ltmp3, $4  }
0x275: {  	[hbm:s12], [sflag:s1] =	dma.local [spmem:s14], $0x2780  }
0x276: {  	_ =	swait.ge [sflag:s16], $0x2780  }
0x277: {  	[sflag:s16] =	ssyncset.done $0x0  }
0x278: {  	[sflag:s16] =	ssyncadd.s32 $0xFFFFD880  }
0x279: {  	_ =	sfence.sel $0x180000  }
0x27a: {  	[bflag:$0x0] =	sbarrier.arrive $0xFFFF  }
0x27b: {  	_ =	strace $0x90000047  }
0x27c: {  	s0 =	stileid.u32;
	[bflag:$0x2] =	sbarrier.arrive $0xFFFF  }
0x27d: {  	p0 =	sne.s32 s0, $0x0;
	s0 =	rddreg [dreg:$0x3]  }
0x27e: {  	s0 =	sadd.s32 @!p0 $0x100000, s0  }
0x27f: {  	[sflag:s0] =	ssyncadd.tile.s32 @!p0 $0x1;
	_ =	shalt  }
.Lfunc_end2:
_tile_overlayer_lowered:
.L_overlay_start_2:
0x280: {  	(tag) =	ssettag $0x2  }
0x281: {  	s0 =	rddreg [dreg:$0x0];
	s2 =	stileid.u32  }
0x282: {  	s1 =	rddreg [dreg:$0x1];
	p0 =	sne.s32 s2, $0x0  }
0x283: {  	s3 =	rddreg [dreg:$0x2];
	[bflag:$0x3] =	sbarrier.arrive $0xFFFF;
	s2 =	simm.s32 @!p0 $0x1C06  }
0x284: {  	[timem:s3], [sflag:s2] =	dma.local @!p0 [hbm:s0], s1  }
0x285: {  	s0 =	simm.s32 @!p0 $0x6  }
0x286: {  	_ =	swait.ge @!p0 [sflag:s0], s1  }
0x287: {  	s1 =	ssub.s32 @!p0 $0x0, s1;
	[sflag:s0] =	ssyncset.done @!p0 $0x0  }
0x288: {  	[sflag:s0] =	ssyncadd.s32 @!p0 s1  }
0x289: {  	[bflag:$0x3] =	sbarrier.arrive $0xFFFF  }
0x28a: {  	_ =	shalt  }

</sc_bundles>
